<compile_context>
chip_gen: v7x
topology: tpu7x:2x2x1
jax: 0.10.2.dev20260603
libtpu: 0.0.44.dev20260713+nightly
codegen_flags: <defaults>
</compile_context>

<pallas_src>
import functools

import jax
import jax.numpy as jnp
from jax import lax
from jax.experimental import pallas as pl
from jax.experimental.pallas import tpu as pltpu
from jax.experimental.pallas import tpu_sc as plsc

_B = 32
_P = 32
_HW = _P * _P
_SIM_TH = 0.1
_DIST_SQ = 9
_NC = 2
_L = 16


def _tc_body(tf_ref, sf_ref, score_ref, mxs_ref, argt_ref, args_ref):
    tf = tf_ref[0]
    sf = sf_ref[0]

    tn = jnp.sqrt(jnp.sum(tf * tf, axis=0, keepdims=True))
    sn = jnp.sqrt(jnp.sum(sf * sf, axis=0, keepdims=True))
    tfn = tf / jnp.maximum(tn, 1e-12)
    sfn = sf / jnp.maximum(sn, 1e-12)

    dn = (((0,), (0,)), ((), ()))
    sim_ts = jax.lax.dot_general(tfn, sfn, dn,
                                 preferred_element_type=jnp.float32)
    sim_st = jax.lax.dot_general(sfn, tfn, dn,
                                 preferred_element_type=jnp.float32)

    mxr_s = jnp.max(sim_ts, axis=0, keepdims=True)
    agr_s = jnp.argmax(sim_ts, axis=0).astype(jnp.int32)[None]
    mxr_t = jnp.max(sim_st, axis=0, keepdims=True)
    agr_t = jnp.argmax(sim_st, axis=0).astype(jnp.int32)[None]
    ok_s = mxr_s >= _SIM_TH
    ok_t = mxr_t >= _SIM_TH
    score_ref[0] = jnp.where(ok_t, mxr_t, 0.0)
    mxs_ref[0] = jnp.where(ok_s, mxr_s, 0.0)
    argt_ref[0] = jnp.where(ok_t, agr_t, 0)
    args_ref[0] = jnp.where(ok_s, agr_s, 0)


@functools.lru_cache(maxsize=1)
def _make_sc_stage():
    mesh = plsc.VectorSubcoreMesh(core_axis_name="c", subcore_axis_name="s")
    return functools.partial(
        pl.kernel,
        out_type=jax.ShapeDtypeStruct((_B, 4 * _HW), jnp.int32),
        mesh=mesh,
        compiler_params=pltpu.CompilerParams(needs_layout_passes=False),
        scratch_types=[
            pltpu.VMEM((_HW,), jnp.int32),
            pltpu.VMEM((_HW,), jnp.int32),
            pltpu.VMEM((_HW,), jnp.float32),
            pltpu.VMEM((_HW,), jnp.float32),
            pltpu.VMEM((4 * _HW,), jnp.int32),
        ],
    )(_sc_body)


def _sc_body(argt_h, args_h, mxs_h, mxt_h, out_h,
             at_v, as_v, ms_v, mt_v, ob_v):
    b = lax.axis_index("s") * _NC + lax.axis_index("c")
    pltpu.sync_copy(argt_h.at[b], at_v)
    pltpu.sync_copy(args_h.at[b], as_v)
    pltpu.sync_copy(mxs_h.at[b], ms_v)
    pltpu.sync_copy(mxt_h.at[b], mt_v)
    lane = lax.broadcasted_iota(jnp.int32, (_L,), 0)
    for c in range(_HW // _L):
        sl = pl.ds(c * _L, _L)
        arg_t = at_v[sl]
        arg_s = as_v[sl]
        mx_t = mt_v[sl]
        idx_ss = plsc.load_gather(as_v, [arg_t])
        sim_ss = plsc.load_gather(ms_v, [arg_t])
        t_idx = lane + (c * _L)
        dw = (idx_ss & (_P - 1)) - (t_idx & (_P - 1))
        dh = (idx_ss >> 5) - (t_idx >> 5)
        cyc = jnp.logical_and(dw * dw + dh * dh <= _DIST_SQ,
                              sim_ss >= _SIM_TH)
        nz = jnp.logical_and(arg_s != 0, arg_t != 0)
        mb = jnp.logical_and(jnp.logical_and(mx_t != 0.0, cyc), nz)
        neg1 = jnp.full((_L,), -1, jnp.int32)
        ob_v[sl] = jnp.where(mb, t_idx & (_P - 1), neg1)
        ob_v[pl.ds(_HW + c * _L, _L)] = jnp.where(mb, t_idx >> 5, neg1)
        ob_v[pl.ds(2 * _HW + c * _L, _L)] = jnp.where(mb, arg_t & (_P - 1),
                                                      neg1)
        ob_v[pl.ds(3 * _HW + c * _L, _L)] = jnp.where(mb, arg_t >> 5, neg1)
    pltpu.sync_copy(ob_v, out_h.at[b])


@jax.jit
def kernel(src_feat, tar_feat, src_mask, tar_mask):
    B, C, h, w = src_feat.shape
    hw = h * w
    tf = tar_feat.reshape(B, C, hw)
    sf = src_feat.reshape(B, C, hw)

    score, mx_s, arg_t, arg_s = pl.pallas_call(
        _tc_body,
        grid=(B,),
        in_specs=[
            pl.BlockSpec((1, C, hw), lambda b: (b, 0, 0)),
            pl.BlockSpec((1, C, hw), lambda b: (b, 0, 0)),
        ],
        out_specs=[
            pl.BlockSpec((1, 1, hw), lambda b: (b, 0, 0)),
            pl.BlockSpec((1, 1, hw), lambda b: (b, 0, 0)),
            pl.BlockSpec((1, 1, hw), lambda b: (b, 0, 0)),
            pl.BlockSpec((1, 1, hw), lambda b: (b, 0, 0)),
        ],
        out_shape=[
            jax.ShapeDtypeStruct((B, 1, hw), jnp.float32),
            jax.ShapeDtypeStruct((B, 1, hw), jnp.float32),
            jax.ShapeDtypeStruct((B, 1, hw), jnp.int32),
            jax.ShapeDtypeStruct((B, 1, hw), jnp.int32),
        ],
    )(tf, sf)

    pts = _make_sc_stage()(arg_t.reshape(B, hw), arg_s.reshape(B, hw),
                           mx_s.reshape(B, hw),
                           score.reshape(B, hw)).reshape(B, 4, hw)
    src_pts = jnp.stack([pts[:, 0], pts[:, 1]], axis=-1)
    tar_pts = jnp.stack([pts[:, 2], pts[:, 3]], axis=-1)
    return src_pts, tar_pts, score.reshape(B, hw)

# --- scband reference (transcript-rebuilt; emitter-appended) ---
"""Pipeline reference for scband-local-similarity-13348758356369 (READ-ONLY COPY).

The authoritative reference and input builder live on the scoring server;
editing this copy changes nothing except your own understanding.
"""

import jax, jax.numpy as jnp
import numpy as np

NUM_PATCHES = 32
SIM_THRESHOLD = 0.1
PATCH_THRESHOLD = 3.0


def nearest_interp(mask, out_h, out_w):
    # matches torch F.interpolate(mode='nearest'): idx = floor(out_idx * in/out)
    B, H, W = mask.shape
    ih = (jnp.arange(out_h) * (H / out_h)).astype(jnp.int32)
    iw = (jnp.arange(out_w) * (W / out_w)).astype(jnp.int32)
    return mask[:, ih][:, :, iw]


def l2norm(x, axis):
    n = jnp.linalg.norm(x, axis=axis, keepdims=True)
    return x / jnp.clip(n, 1e-12, None)


def convert_index2location(index):
    h = index // NUM_PATCHES
    w = index % NUM_PATCHES
    return jnp.stack([w, h], axis=-1).astype(jnp.float32)


def setup_inputs(seed: int = 0) -> dict:
    key = jax.random.key(seed)
    k1, k2 = jax.random.split(key)
    src_feat = jax.random.normal(k1, (32, 96, 32, 32), dtype=jnp.float32)
    tar_feat = jax.random.normal(k2, (32, 96, 32, 32), dtype=jnp.float32)
    src_mask = jnp.ones((32, 512, 512), dtype=jnp.float32)
    tar_mask = jnp.ones((32, 512, 512), dtype=jnp.float32)
    return {"src_feat": src_feat, "tar_feat": tar_feat, "src_mask": src_mask, "tar_mask": tar_mask}


def reference(src_feat, tar_feat, src_mask, tar_mask):
    B, C, h, w = src_feat.shape
    P = NUM_PATCHES
    HW = P * P
    tar_mask_f = nearest_interp(tar_mask, P, P).reshape(B, HW)
    src_mask_f = nearest_interp(src_mask, P, P).reshape(B, HW)
    tf = l2norm(tar_feat, 1).reshape(B, C, h * w)
    sf = l2norm(src_feat, 1).reshape(B, C, h * w)
    sim = jnp.einsum('bct,bcs->bts', tf, sf)
    sim = sim * src_mask_f[:, None, :]
    sim = sim * tar_mask_f[:, :, None]
    sim = jnp.where(sim < SIM_THRESHOLD, 0.0, sim)
    score_tar2src = jnp.max(sim, axis=2)
    idx_tar2src = jnp.argmax(sim, axis=2)
    score_src2tar = jnp.max(sim, axis=1)
    idx_src2tar = jnp.argmax(sim, axis=1)
    mask_sim0 = score_tar2src != 0
    # find_consistency_patches (2D path -> unsqueeze to (B,1,Q))
    s_s2t = score_src2tar[:, None, :]
    i_s2t = idx_src2tar[:, None, :]
    i_t2s = idx_tar2src[:, None, :]
    idx_src2src = jnp.take_along_axis(i_s2t, i_t2s, axis=2)
    idx_gt = jnp.broadcast_to(jnp.arange(HW)[None, None, :], idx_src2src.shape)
    dist = jnp.linalg.norm(convert_index2location(idx_src2src) - convert_index2location(idx_gt), axis=3)
    mask_dist = dist <= PATCH_THRESHOLD
    sim_src2src = jnp.take_along_axis(s_s2t, i_t2s, axis=2)
    mask_simc = sim_src2src >= SIM_THRESHOLD
    mask_cycle = jnp.logical_and(mask_dist, mask_simc)[:, 0, :]
    mask_tar2src = jnp.take_along_axis(src_mask_f, idx_tar2src, axis=1)
    mask_non_zero = tar_mask_f * mask_tar2src * (idx_src2tar != 0).astype(jnp.float32) * (idx_tar2src != 0).astype(jnp.float32)
    t_mask = mask_sim0.astype(jnp.float32) * mask_cycle.astype(jnp.float32) * mask_non_zero
    t_mask = t_mask.reshape(B, h, w)
    pred_src_pts = convert_index2location(idx_tar2src).astype(jnp.int32).reshape(B, h, w, 2)
    # format_prediction
    mb = t_mask != 0
    hh, ww = jnp.meshgrid(jnp.arange(h), jnp.arange(w), indexing='ij')
    coords = jnp.stack([ww, hh], axis=-1)  # (w, h) ordering as in src_pts_[:, [3, 2]]
    src_pts = jnp.where(mb[..., None], coords[None], -1).reshape(B, h * w, 2)
    tar_pts = jnp.where(mb[..., None], pred_src_pts, -1).reshape(B, h * w, 2)
    # val() names: pred_tar_pts, pred_src_pts = format_prediction(...)
    return src_pts, tar_pts, score_tar2src

if __name__ == "__main__":
    import jax
    _d = setup_inputs()
    print(jax.jit(kernel)(*tuple(_d.values())))

</pallas_src>

<mosaic_0001>
#map = affine_map<(d0, d1) -> (0, 0)>
module attributes {stable_mosaic.version = 14 : i64} {
  func.func @_sc_body(%arg0: i32, %arg1: i32, %arg2: memref<32x1024xi32, #tpu.memory_space<hbm>>, %arg3: memref<32x1024xi32, #tpu.memory_space<hbm>>, %arg4: memref<32x1024xf32, #tpu.memory_space<hbm>>, %arg5: memref<32x1024xf32, #tpu.memory_space<hbm>>, %arg6: memref<32x4096xi32, #tpu.memory_space<hbm>>, %arg7: memref<1024xi32, #tpu.memory_space<vmem>>, %arg8: memref<1024xi32, #tpu.memory_space<vmem>>, %arg9: memref<1024xf32, #tpu.memory_space<vmem>>, %arg10: memref<1024xf32, #tpu.memory_space<vmem>>, %arg11: memref<4096xi32, #tpu.memory_space<vmem>>) attributes {dimension_semantics = [#tpu.dimension_semantics<core_parallel>, #tpu.dimension_semantics<subcore_parallel>], iteration_bounds = array<i64: 2, 16>, scalar_prefetch = 0 : i64, scratch_operands = 5 : i64, tpu.core_type = #tpu.core_type<sc_vector_subcore>, window_params = [{transform_indices = #map}, {transform_indices = #map}, {transform_indices = #map}, {transform_indices = #map}, {transform_indices = #map}]} {
    %mul3A = arith.constant 2 : i32
    %mul3A_0 = arith.muli %arg1, %mul3A : i32
    %add3A = arith.addi %mul3A_0, %arg0 : i32
    "tpu.region"() ({
      %run_scoped3A = tpu.sem_alloc : memref<!tpu.dma_semaphore, #tpu.memory_space<semaphore_mem>>
      %dma_start3A = arith.constant 0 : i32
      %dma_start3A_4662 = tpu.memref_slice %arg2[%add3A, %dma_start3A] : memref<32x1024xi32, #tpu.memory_space<hbm>> -> memref<1x1024xi32, #tpu.memory_space<hbm>>
      %dma_start3A_4663 = tpu.memref_squeeze %dma_start3A_4662 : memref<1x1024xi32, #tpu.memory_space<hbm>> -> memref<1024xi32, #tpu.memory_space<hbm>>
      %dma_start3A_4664 = arith.constant 0 : i32
      %dma_start3A_4665 = tpu.memref_slice %arg2[%add3A, %dma_start3A_4664] : memref<32x1024xi32, #tpu.memory_space<hbm>> -> memref<1x1024xi32, #tpu.memory_space<hbm>>
      %dma_start3A_4666 = tpu.memref_squeeze %dma_start3A_4665 : memref<1x1024xi32, #tpu.memory_space<hbm>> -> memref<1024xi32, #tpu.memory_space<hbm>>
      tpu.enqueue_dma source(%dma_start3A_4666 : memref<1024xi32, #tpu.memory_space<hbm>>) target(%arg7 : memref<1024xi32, #tpu.memory_space<vmem>>) target_semaphore(%run_scoped3A : memref<!tpu.dma_semaphore, #tpu.memory_space<semaphore_mem>>)
      %dma_wait3A = arith.constant 0 : i32
      %dma_wait3A_4667 = tpu.memref_slice %arg2[%add3A, %dma_wait3A] : memref<32x1024xi32, #tpu.memory_space<hbm>> -> memref<1x1024xi32, #tpu.memory_space<hbm>>
      %dma_wait3A_4668 = tpu.memref_squeeze %dma_wait3A_4667 : memref<1x1024xi32, #tpu.memory_space<hbm>> -> memref<1024xi32, #tpu.memory_space<hbm>>
      %dma_wait3A_4669 = arith.constant 0 : i32
      %dma_wait3A_4670 = tpu.memref_slice %arg2[%add3A, %dma_wait3A_4669] : memref<32x1024xi32, #tpu.memory_space<hbm>> -> memref<1x1024xi32, #tpu.memory_space<hbm>>
      %dma_wait3A_4671 = tpu.memref_squeeze %dma_wait3A_4670 : memref<1x1024xi32, #tpu.memory_space<hbm>> -> memref<1024xi32, #tpu.memory_space<hbm>>
      tpu.wait_dma2 semaphore(%run_scoped3A : memref<!tpu.dma_semaphore, #tpu.memory_space<semaphore_mem>>) src(%dma_wait3A_4671 : memref<1024xi32, #tpu.memory_space<hbm>>) dst(%arg7 : memref<1024xi32, #tpu.memory_space<vmem>>)
      tpu.yield
    }) : () -> ()
    "tpu.region"() ({
      %run_scoped3A = tpu.sem_alloc : memref<!tpu.dma_semaphore, #tpu.memory_space<semaphore_mem>>
      %dma_start3A = arith.constant 0 : i32
      %dma_start3A_4662 = tpu.memref_slice %arg3[%add3A, %dma_start3A] : memref<32x1024xi32, #tpu.memory_space<hbm>> -> memref<1x1024xi32, #tpu.memory_space<hbm>>
      %dma_start3A_4663 = tpu.memref_squeeze %dma_start3A_4662 : memref<1x1024xi32, #tpu.memory_space<hbm>> -> memref<1024xi32, #tpu.memory_space<hbm>>
      %dma_start3A_4664 = arith.constant 0 : i32
      %dma_start3A_4665 = tpu.memref_slice %arg3[%add3A, %dma_start3A_4664] : memref<32x1024xi32, #tpu.memory_space<hbm>> -> memref<1x1024xi32, #tpu.memory_space<hbm>>
      %dma_start3A_4666 = tpu.memref_squeeze %dma_start3A_4665 : memref<1x1024xi32, #tpu.memory_space<hbm>> -> memref<1024xi32, #tpu.memory_space<hbm>>
      tpu.enqueue_dma source(%dma_start3A_4666 : memref<1024xi32, #tpu.memory_space<hbm>>) target(%arg8 : memref<1024xi32, #tpu.memory_space<vmem>>) target_semaphore(%run_scoped3A : memref<!tpu.dma_semaphore, #tpu.memory_space<semaphore_mem>>)
      %dma_wait3A = arith.constant 0 : i32
      %dma_wait3A_4667 = tpu.memref_slice %arg3[%add3A, %dma_wait3A] : memref<32x1024xi32, #tpu.memory_space<hbm>> -> memref<1x1024xi32, #tpu.memory_space<hbm>>
      %dma_wait3A_4668 = tpu.memref_squeeze %dma_wait3A_4667 : memref<1x1024xi32, #tpu.memory_space<hbm>> -> memref<1024xi32, #tpu.memory_space<hbm>>
      %dma_wait3A_4669 = arith.constant 0 : i32
      %dma_wait3A_4670 = tpu.memref_slice %arg3[%add3A, %dma_wait3A_4669] : memref<32x1024xi32, #tpu.memory_space<hbm>> -> memref<1x1024xi32, #tpu.memory_space<hbm>>
      %dma_wait3A_4671 = tpu.memref_squeeze %dma_wait3A_4670 : memref<1x1024xi32, #tpu.memory_space<hbm>> -> memref<1024xi32, #tpu.memory_space<hbm>>
      tpu.wait_dma2 semaphore(%run_scoped3A : memref<!tpu.dma_semaphore, #tpu.memory_space<semaphore_mem>>) src(%dma_wait3A_4671 : memref<1024xi32, #tpu.memory_space<hbm>>) dst(%arg8 : memref<1024xi32, #tpu.memory_space<vmem>>)
      tpu.yield
    }) : () -> ()
    "tpu.region"() ({
      %run_scoped3A = tpu.sem_alloc : memref<!tpu.dma_semaphore, #tpu.memory_space<semaphore_mem>>
      %dma_start3A = arith.constant 0 : i32
      %dma_start3A_4662 = tpu.memref_slice %arg4[%add3A, %dma_start3A] : memref<32x1024xf32, #tpu.memory_space<hbm>> -> memref<1x1024xf32, #tpu.memory_space<hbm>>
      %dma_start3A_4663 = tpu.memref_squeeze %dma_start3A_4662 : memref<1x1024xf32, #tpu.memory_space<hbm>> -> memref<1024xf32, #tpu.memory_space<hbm>>
      %dma_start3A_4664 = arith.constant 0 : i32
      %dma_start3A_4665 = tpu.memref_slice %arg4[%add3A, %dma_start3A_4664] : memref<32x1024xf32, #tpu.memory_space<hbm>> -> memref<1x1024xf32, #tpu.memory_space<hbm>>
      %dma_start3A_4666 = tpu.memref_squeeze %dma_start3A_4665 : memref<1x1024xf32, #tpu.memory_space<hbm>> -> memref<1024xf32, #tpu.memory_space<hbm>>
      tpu.enqueue_dma source(%dma_start3A_4666 : memref<1024xf32, #tpu.memory_space<hbm>>) target(%arg9 : memref<1024xf32, #tpu.memory_space<vmem>>) target_semaphore(%run_scoped3A : memref<!tpu.dma_semaphore, #tpu.memory_space<semaphore_mem>>)
      %dma_wait3A = arith.constant 0 : i32
      %dma_wait3A_4667 = tpu.memref_slice %arg4[%add3A, %dma_wait3A] : memref<32x1024xf32, #tpu.memory_space<hbm>> -> memref<1x1024xf32, #tpu.memory_space<hbm>>
      %dma_wait3A_4668 = tpu.memref_squeeze %dma_wait3A_4667 : memref<1x1024xf32, #tpu.memory_space<hbm>> -> memref<1024xf32, #tpu.memory_space<hbm>>
      %dma_wait3A_4669 = arith.constant 0 : i32
      %dma_wait3A_4670 = tpu.memref_slice %arg4[%add3A, %dma_wait3A_4669] : memref<32x1024xf32, #tpu.memory_space<hbm>> -> memref<1x1024xf32, #tpu.memory_space<hbm>>
      %dma_wait3A_4671 = tpu.memref_squeeze %dma_wait3A_4670 : memref<1x1024xf32, #tpu.memory_space<hbm>> -> memref<1024xf32, #tpu.memory_space<hbm>>
      tpu.wait_dma2 semaphore(%run_scoped3A : memref<!tpu.dma_semaphore, #tpu.memory_space<semaphore_mem>>) src(%dma_wait3A_4671 : memref<1024xf32, #tpu.memory_space<hbm>>) dst(%arg9 : memref<1024xf32, #tpu.memory_space<vmem>>)
      tpu.yield
    }) : () -> ()
    "tpu.region"() ({
      %run_scoped3A = tpu.sem_alloc : memref<!tpu.dma_semaphore, #tpu.memory_space<semaphore_mem>>
      %dma_start3A = arith.constant 0 : i32
      %dma_start3A_4662 = tpu.memref_slice %arg5[%add3A, %dma_start3A] : memref<32x1024xf32, #tpu.memory_space<hbm>> -> memref<1x1024xf32, #tpu.memory_space<hbm>>
      %dma_start3A_4663 = tpu.memref_squeeze %dma_start3A_4662 : memref<1x1024xf32, #tpu.memory_space<hbm>> -> memref<1024xf32, #tpu.memory_space<hbm>>
      %dma_start3A_4664 = arith.constant 0 : i32
      %dma_start3A_4665 = tpu.memref_slice %arg5[%add3A, %dma_start3A_4664] : memref<32x1024xf32, #tpu.memory_space<hbm>> -> memref<1x1024xf32, #tpu.memory_space<hbm>>
      %dma_start3A_4666 = tpu.memref_squeeze %dma_start3A_4665 : memref<1x1024xf32, #tpu.memory_space<hbm>> -> memref<1024xf32, #tpu.memory_space<hbm>>
      tpu.enqueue_dma source(%dma_start3A_4666 : memref<1024xf32, #tpu.memory_space<hbm>>) target(%arg10 : memref<1024xf32, #tpu.memory_space<vmem>>) target_semaphore(%run_scoped3A : memref<!tpu.dma_semaphore, #tpu.memory_space<semaphore_mem>>)
      %dma_wait3A = arith.constant 0 : i32
      %dma_wait3A_4667 = tpu.memref_slice %arg5[%add3A, %dma_wait3A] : memref<32x1024xf32, #tpu.memory_space<hbm>> -> memref<1x1024xf32, #tpu.memory_space<hbm>>
      %dma_wait3A_4668 = tpu.memref_squeeze %dma_wait3A_4667 : memref<1x1024xf32, #tpu.memory_space<hbm>> -> memref<1024xf32, #tpu.memory_space<hbm>>
      %dma_wait3A_4669 = arith.constant 0 : i32
      %dma_wait3A_4670 = tpu.memref_slice %arg5[%add3A, %dma_wait3A_4669] : memref<32x1024xf32, #tpu.memory_space<hbm>> -> memref<1x1024xf32, #tpu.memory_space<hbm>>
      %dma_wait3A_4671 = tpu.memref_squeeze %dma_wait3A_4670 : memref<1x1024xf32, #tpu.memory_space<hbm>> -> memref<1024xf32, #tpu.memory_space<hbm>>
      tpu.wait_dma2 semaphore(%run_scoped3A : memref<!tpu.dma_semaphore, #tpu.memory_space<semaphore_mem>>) src(%dma_wait3A_4671 : memref<1024xf32, #tpu.memory_space<hbm>>) dst(%arg10 : memref<1024xf32, #tpu.memory_space<vmem>>)
      tpu.yield
    }) : () -> ()
    %iota3A = tpu.iota {dimensions = array<i32: 0>} : vector<16xi32>
    %get3A = arith.constant 0 : index
    %get3A_1 = tpu.vector_load %arg7[%get3A] {strides = array<i32>} : memref<1024xi32, #tpu.memory_space<vmem>>, vector<16xi32>,
    %get3A_2 = arith.constant 0 : index
    %get3A_3 = tpu.vector_load %arg8[%get3A_2] {strides = array<i32>} : memref<1024xi32, #tpu.memory_space<vmem>>, vector<16xi32>,
    %get3A_4 = arith.constant 0 : index
    %get3A_5 = tpu.vector_load %arg10[%get3A_4] {strides = array<i32>} : memref<1024xf32, #tpu.memory_space<vmem>>, vector<16xf32>,
    %gather3A = tpu.vector_load_idx %arg8[%get3A_1] : memref<1024xi32, #tpu.memory_space<vmem>>[vector<16xi32>], vector<16xi32>,
    %gather3A_6 = tpu.vector_load_idx %arg9[%get3A_1] : memref<1024xf32, #tpu.memory_space<vmem>>[vector<16xi32>], vector<16xf32>,
    %add3A_7 = arith.constant 0 : i32
    %add3A_8 = vector.broadcast %add3A_7 : i32 to vector<16xi32>
    %add3A_9 = arith.addi %iota3A, %add3A_8 : vector<16xi32>
    %and3A = arith.constant 31 : i32
    %and3A_10 = vector.broadcast %and3A : i32 to vector<16xi32>
    %and3A_11 = arith.andi %gather3A, %and3A_10 : vector<16xi32>
    %and3A_12 = arith.constant 31 : i32
    %and3A_13 = vector.broadcast %and3A_12 : i32 to vector<16xi32>
    %and3A_14 = arith.andi %add3A_9, %and3A_13 : vector<16xi32>
    %sub3A = arith.subi %and3A_11, %and3A_14 : vector<16xi32>
    %shift_right_arithmetic3A = arith.constant 5 : i32
    %shift_right_arithmetic3A_15 = vector.broadcast %shift_right_arithmetic3A : i32 to vector<16xi32>
    %shift_right_arithmetic3A_16 = arith.shrsi %gather3A, %shift_right_arithmetic3A_15 : vector<16xi32>
    %shift_right_arithmetic3A_17 = arith.constant 5 : i32
    %shift_right_arithmetic3A_18 = vector.broadcast %shift_right_arithmetic3A_17 : i32 to vector<16xi32>
    %shift_right_arithmetic3A_19 = arith.shrsi %add3A_9, %shift_right_arithmetic3A_18 : vector<16xi32>
    %sub3A_20 = arith.subi %shift_right_arithmetic3A_16, %shift_right_arithmetic3A_19 : vector<16xi32>
    %mul3A_21 = arith.muli %sub3A, %sub3A : vector<16xi32>
    %mul3A_22 = arith.muli %sub3A_20, %sub3A_20 : vector<16xi32>
    %add3A_23 = arith.addi %mul3A_21, %mul3A_22 : vector<16xi32>
    %le3A = arith.constant 9 : i32
    %le3A_24 = vector.broadcast %le3A : i32 to vector<16xi32>
    %le3A_25 = arith.cmpi sle, %add3A_23, %le3A_24 : vector<16xi32>
    %ge3A = arith.constant 1.000000e-01 : f32
    %ge3A_26 = vector.broadcast %ge3A : f32 to vector<16xf32>
    %ge3A_27 = arith.cmpf oge, %gather3A_6, %ge3A_26 : vector<16xf32>
    %and3A_28 = arith.andi %le3A_25, %ge3A_27 : vector<16xi1>
    %ne3A = arith.constant 0 : i32
    %ne3A_29 = vector.broadcast %ne3A : i32 to vector<16xi32>
    %ne3A_30 = arith.cmpi ne, %get3A_3, %ne3A_29 : vector<16xi32>
    %ne3A_31 = arith.constant 0 : i32
    %ne3A_32 = vector.broadcast %ne3A_31 : i32 to vector<16xi32>
    %ne3A_33 = arith.cmpi ne, %get3A_1, %ne3A_32 : vector<16xi32>
    %and3A_34 = arith.andi %ne3A_30, %ne3A_33 : vector<16xi1>
    %ne3A_35 = arith.constant 0.000000e+00 : f32
    %ne3A_36 = vector.broadcast %ne3A_35 : f32 to vector<16xf32>
    %ne3A_37 = arith.cmpf one, %get3A_5, %ne3A_36 : vector<16xf32>
    %and3A_38 = arith.andi %ne3A_37, %and3A_28 : vector<16xi1>
    %and3A_39 = arith.andi %and3A_38, %and3A_34 : vector<16xi1>
    %broadcast_in_dim3A = arith.constant -1 : i32
    %broadcast_in_dim3A_40 = vector.broadcast %broadcast_in_dim3A : i32 to vector<16xi32>
    %and3A_41 = arith.constant 31 : i32
    %and3A_42 = vector.broadcast %and3A_41 : i32 to vector<16xi32>
    %and3A_43 = arith.andi %add3A_9, %and3A_42 : vector<16xi32>
    %select_n3A = arith.select %and3A_39, %and3A_43, %broadcast_in_dim3A_40 : vector<16xi1>, vector<16xi32>
    %swap3A = arith.constant 0 : index
    %swap3A_44 = tpu.vector_load %arg11[%swap3A] {strides = array<i32>} : memref<4096xi32, #tpu.memory_space<vmem>>, vector<16xi32>,
    tpu.vector_store %arg11[%swap3A], %select_n3A {strides = array<i32>} : memref<4096xi32, #tpu.memory_space<vmem>>, vector<16xi32>,
    %shift_right_arithmetic3A_45 = arith.constant 5 : i32
    %shift_right_arithmetic3A_46 = vector.broadcast %shift_right_arithmetic3A_45 : i32 to vector<16xi32>
    %shift_right_arithmetic3A_47 = arith.shrsi %add3A_9, %shift_right_arithmetic3A_46 : vector<16xi32>
    %select_n3A_48 = arith.select %and3A_39, %shift_right_arithmetic3A_47, %broadcast_in_dim3A_40 : vector<16xi1>, vector<16xi32>
    %swap3A_49 = arith.constant 1024 : index
    %swap3A_50 = tpu.vector_load %arg11[%swap3A_49] {strides = array<i32>} : memref<4096xi32, #tpu.memory_space<vmem>>, vector<16xi32>,
    tpu.vector_store %arg11[%swap3A_49], %select_n3A_48 {strides = array<i32>} : memref<4096xi32, #tpu.memory_space<vmem>>, vector<16xi32>,
    %and3A_51 = arith.constant 31 : i32
    %and3A_52 = vector.broadcast %and3A_51 : i32 to vector<16xi32>
    %and3A_53 = arith.andi %get3A_1, %and3A_52 : vector<16xi32>
    %select_n3A_54 = arith.select %and3A_39, %and3A_53, %broadcast_in_dim3A_40 : vector<16xi1>, vector<16xi32>
    %swap3A_55 = arith.constant 2048 : index
    %swap3A_56 = tpu.vector_load %arg11[%swap3A_55] {strides = array<i32>} : memref<4096xi32, #tpu.memory_space<vmem>>, vector<16xi32>,
    tpu.vector_store %arg11[%swap3A_55], %select_n3A_54 {strides = array<i32>} : memref<4096xi32, #tpu.memory_space<vmem>>, vector<16xi32>,
    %shift_right_arithmetic3A_57 = arith.constant 5 : i32
    %shift_right_arithmetic3A_58 = vector.broadcast %shift_right_arithmetic3A_57 : i32 to vector<16xi32>
    %shift_right_arithmetic3A_59 = arith.shrsi %get3A_1, %shift_right_arithmetic3A_58 : vector<16xi32>
    %select_n3A_60 = arith.select %and3A_39, %shift_right_arithmetic3A_59, %broadcast_in_dim3A_40 : vector<16xi1>, vector<16xi32>
    %swap3A_61 = arith.constant 3072 : index
    %swap3A_62 = tpu.vector_load %arg11[%swap3A_61] {strides = array<i32>} : memref<4096xi32, #tpu.memory_space<vmem>>, vector<16xi32>,
    tpu.vector_store %arg11[%swap3A_61], %select_n3A_60 {strides = array<i32>} : memref<4096xi32, #tpu.memory_space<vmem>>, vector<16xi32>,
    %get3A_63 = arith.constant 16 : index
    %get3A_64 = tpu.vector_load %arg7[%get3A_63] {strides = array<i32>} : memref<1024xi32, #tpu.memory_space<vmem>>, vector<16xi32>,
    %get3A_65 = arith.constant 16 : index
    %get3A_66 = tpu.vector_load %arg8[%get3A_65] {strides = array<i32>} : memref<1024xi32, #tpu.memory_space<vmem>>, vector<16xi32>,
    %get3A_67 = arith.constant 16 : index
    %get3A_68 = tpu.vector_load %arg10[%get3A_67] {strides = array<i32>} : memref<1024xf32, #tpu.memory_space<vmem>>, vector<16xf32>,
    %gather3A_69 = tpu.vector_load_idx %arg8[%get3A_64] : memref<1024xi32, #tpu.memory_space<vmem>>[vector<16xi32>], vector<16xi32>,
    %gather3A_70 = tpu.vector_load_idx %arg9[%get3A_64] : memref<1024xf32, #tpu.memory_space<vmem>>[vector<16xi32>], vector<16xf32>,
    %add3A_71 = arith.constant 16 : i32
    %add3A_72 = vector.broadcast %add3A_71 : i32 to vector<16xi32>
    %add3A_73 = arith.addi %iota3A, %add3A_72 : vector<16xi32>
    %and3A_74 = arith.constant 31 : i32
    %and3A_75 = vector.broadcast %and3A_74 : i32 to vector<16xi32>
    %and3A_76 = arith.andi %gather3A_69, %and3A_75 : vector<16xi32>
    %and3A_77 = arith.constant 31 : i32
    %and3A_78 = vector.broadcast %and3A_77 : i32 to vector<16xi32>
    %and3A_79 = arith.andi %add3A_73, %and3A_78 : vector<16xi32>
    %sub3A_80 = arith.subi %and3A_76, %and3A_79 : vector<16xi32>
    %shift_right_arithmetic3A_81 = arith.constant 5 : i32
    %shift_right_arithmetic3A_82 = vector.broadcast %shift_right_arithmetic3A_81 : i32 to vector<16xi32>
    %shift_right_arithmetic3A_83 = arith.shrsi %gather3A_69, %shift_right_arithmetic3A_82 : vector<16xi32>
    %shift_right_arithmetic3A_84 = arith.constant 5 : i32
    %shift_right_arithmetic3A_85 = vector.broadcast %shift_right_arithmetic3A_84 : i32 to vector<16xi32>
    %shift_right_arithmetic3A_86 = arith.shrsi %add3A_73, %shift_right_arithmetic3A_85 : vector<16xi32>
    %sub3A_87 = arith.subi %shift_right_arithmetic3A_83, %shift_right_arithmetic3A_86 : vector<16xi32>
    %mul3A_88 = arith.muli %sub3A_80, %sub3A_80 : vector<16xi32>
    %mul3A_89 = arith.muli %sub3A_87, %sub3A_87 : vector<16xi32>
    %add3A_90 = arith.addi %mul3A_88, %mul3A_89 : vector<16xi32>
    %le3A_91 = arith.constant 9 : i32
    %le3A_92 = vector.broadcast %le3A_91 : i32 to vector<16xi32>
    %le3A_93 = arith.cmpi sle, %add3A_90, %le3A_92 : vector<16xi32>
    %ge3A_94 = arith.constant 1.000000e-01 : f32
    %ge3A_95 = vector.broadcast %ge3A_94 : f32 to vector<16xf32>
    %ge3A_96 = arith.cmpf oge, %gather3A_70, %ge3A_95 : vector<16xf32>
    %and3A_97 = arith.andi %le3A_93, %ge3A_96 : vector<16xi1>
    %ne3A_98 = arith.constant 0 : i32
    %ne3A_99 = vector.broadcast %ne3A_98 : i32 to vector<16xi32>
    %ne3A_100 = arith.cmpi ne, %get3A_66, %ne3A_99 : vector<16xi32>
    %ne3A_101 = arith.constant 0 : i32
    %ne3A_102 = vector.broadcast %ne3A_101 : i32 to vector<16xi32>
    %ne3A_103 = arith.cmpi ne, %get3A_64, %ne3A_102 : vector<16xi32>
    %and3A_104 = arith.andi %ne3A_100, %ne3A_103 : vector<16xi1>
    %ne3A_105 = arith.constant 0.000000e+00 : f32
    %ne3A_106 = vector.broadcast %ne3A_105 : f32 to vector<16xf32>
    %ne3A_107 = arith.cmpf one, %get3A_68, %ne3A_106 : vector<16xf32>
    %and3A_108 = arith.andi %ne3A_107, %and3A_97 : vector<16xi1>
    %and3A_109 = arith.andi %and3A_108, %and3A_104 : vector<16xi1>
    %broadcast_in_dim3A_110 = arith.constant -1 : i32
    %broadcast_in_dim3A_111 = vector.broadcast %broadcast_in_dim3A_110 : i32 to vector<16xi32>
    %and3A_112 = arith.constant 31 : i32
    %and3A_113 = vector.broadcast %and3A_112 : i32 to vector<16xi32>
    %and3A_114 = arith.andi %add3A_73, %and3A_113 : vector<16xi32>
    %select_n3A_115 = arith.select %and3A_109, %and3A_114, %broadcast_in_dim3A_111 : vector<16xi1>, vector<16xi32>
    %swap3A_116 = arith.constant 16 : index
    %swap3A_117 = tpu.vector_load %arg11[%swap3A_116] {strides = array<i32>} : memref<4096xi32, #tpu.memory_space<vmem>>, vector<16xi32>,
    tpu.vector_store %arg11[%swap3A_116], %select_n3A_115 {strides = array<i32>} : memref<4096xi32, #tpu.memory_space<vmem>>, vector<16xi32>,
    %shift_right_arithmetic3A_118 = arith.constant 5 : i32
    %shift_right_arithmetic3A_119 = vector.broadcast %shift_right_arithmetic3A_118 : i32 to vector<16xi32>
    %shift_right_arithmetic3A_120 = arith.shrsi %add3A_73, %shift_right_arithmetic3A_119 : vector<16xi32>
    %select_n3A_121 = arith.select %and3A_109, %shift_right_arithmetic3A_120, %broadcast_in_dim3A_111 : vector<16xi1>, vector<16xi32>
    %swap3A_122 = arith.constant 1040 : index
    %swap3A_123 = tpu.vector_load %arg11[%swap3A_122] {strides = array<i32>} : memref<4096xi32, #tpu.memory_space<vmem>>, vector<16xi32>,
    tpu.vector_store %arg11[%swap3A_122], %select_n3A_121 {strides = array<i32>} : memref<4096xi32, #tpu.memory_space<vmem>>, vector<16xi32>,
    %and3A_124 = arith.constant 31 : i32
    %and3A_125 = vector.broadcast %and3A_124 : i32 to vector<16xi32>
    %and3A_126 = arith.andi %get3A_64, %and3A_125 : vector<16xi32>
    %select_n3A_127 = arith.select %and3A_109, %and3A_126, %broadcast_in_dim3A_111 : vector<16xi1>, vector<16xi32>
    %swap3A_128 = arith.constant 2064 : index
    %swap3A_129 = tpu.vector_load %arg11[%swap3A_128] {strides = array<i32>} : memref<4096xi32, #tpu.memory_space<vmem>>, vector<16xi32>,
    tpu.vector_store %arg11[%swap3A_128], %select_n3A_127 {strides = array<i32>} : memref<4096xi32, #tpu.memory_space<vmem>>, vector<16xi32>,
    %shift_right_arithmetic3A_130 = arith.constant 5 : i32
    %shift_right_arithmetic3A_131 = vector.broadcast %shift_right_arithmetic3A_130 : i32 to vector<16xi32>
    %shift_right_arithmetic3A_132 = arith.shrsi %get3A_64, %shift_right_arithmetic3A_131 : vector<16xi32>
    %select_n3A_133 = arith.select %and3A_109, %shift_right_arithmetic3A_132, %broadcast_in_dim3A_111 : vector<16xi1>, vector<16xi32>
    %swap3A_134 = arith.constant 3088 : index
    %swap3A_135 = tpu.vector_load %arg11[%swap3A_134] {strides = array<i32>} : memref<4096xi32, #tpu.memory_space<vmem>>, vector<16xi32>,
    tpu.vector_store %arg11[%swap3A_134], %select_n3A_133 {strides = array<i32>} : memref<4096xi32, #tpu.memory_space<vmem>>, vector<16xi32>,
    %get3A_136 = arith.constant 32 : index
    %get3A_137 = tpu.vector_load %arg7[%get3A_136] {strides = array<i32>} : memref<1024xi32, #tpu.memory_space<vmem>>, vector<16xi32>,
    %get3A_138 = arith.constant 32 : index
    %get3A_139 = tpu.vector_load %arg8[%get3A_138] {strides = array<i32>} : memref<1024xi32, #tpu.memory_space<vmem>>, vector<16xi32>,
    %get3A_140 = arith.constant 32 : index
    %get3A_141 = tpu.vector_load %arg10[%get3A_140] {strides = array<i32>} : memref<1024xf32, #tpu.memory_space<vmem>>, vector<16xf32>,
    %gather3A_142 = tpu.vector_load_idx %arg8[%get3A_137] : memref<1024xi32, #tpu.memory_space<vmem>>[vector<16xi32>], vector<16xi32>,
    %gather3A_143 = tpu.vector_load_idx %arg9[%get3A_137] : memref<1024xf32, #tpu.memory_space<vmem>>[vector<16xi32>], vector<16xf32>,
    %add3A_144 = arith.constant 32 : i32
    %add3A_145 = vector.broadcast %add3A_144 : i32 to vector<16xi32>
    %add3A_146 = arith.addi %iota3A, %add3A_145 : vector<16xi32>
    %and3A_147 = arith.constant 31 : i32
    %and3A_148 = vector.broadcast %and3A_147 : i32 to vector<16xi32>
    %and3A_149 = arith.andi %gather3A_142, %and3A_148 : vector<16xi32>
    %and3A_150 = arith.constant 31 : i32
    %and3A_151 = vector.broadcast %and3A_150 : i32 to vector<16xi32>
    %and3A_152 = arith.andi %add3A_146, %and3A_151 : vector<16xi32>
    %sub3A_153 = arith.subi %and3A_149, %and3A_152 : vector<16xi32>
    %shift_right_arithmetic3A_154 = arith.constant 5 : i32
    %shift_right_arithmetic3A_155 = vector.broadcast %shift_right_arithmetic3A_154 : i32 to vector<16xi32>
    %shift_right_arithmetic3A_156 = arith.shrsi %gather3A_142, %shift_right_arithmetic3A_155 : vector<16xi32>
    %shift_right_arithmetic3A_157 = arith.constant 5 : i32
    %shift_right_arithmetic3A_158 = vector.broadcast %shift_right_arithmetic3A_157 : i32 to vector<16xi32>
    %shift_right_arithmetic3A_159 = arith.shrsi %add3A_146, %shift_right_arithmetic3A_158 : vector<16xi32>
    %sub3A_160 = arith.subi %shift_right_arithmetic3A_156, %shift_right_arithmetic3A_159 : vector<16xi32>
    %mul3A_161 = arith.muli %sub3A_153, %sub3A_153 : vector<16xi32>
    %mul3A_162 = arith.muli %sub3A_160, %sub3A_160 : vector<16xi32>
    %add3A_163 = arith.addi %mul3A_161, %mul3A_162 : vector<16xi32>
    %le3A_164 = arith.constant 9 : i32
    %le3A_165 = vector.broadcast %le3A_164 : i32 to vector<16xi32>
    %le3A_166 = arith.cmpi sle, %add3A_163, %le3A_165 : vector<16xi32>
    %ge3A_167 = arith.constant 1.000000e-01 : f32
    %ge3A_168 = vector.broadcast %ge3A_167 : f32 to vector<16xf32>
    %ge3A_169 = arith.cmpf oge, %gather3A_143, %ge3A_168 : vector<16xf32>
    %and3A_170 = arith.andi %le3A_166, %ge3A_169 : vector<16xi1>
    %ne3A_171 = arith.constant 0 : i32
    %ne3A_172 = vector.broadcast %ne3A_171 : i32 to vector<16xi32>
    %ne3A_173 = arith.cmpi ne, %get3A_139, %ne3A_172 : vector<16xi32>
    %ne3A_174 = arith.constant 0 : i32
    %ne3A_175 = vector.broadcast %ne3A_174 : i32 to vector<16xi32>
    %ne3A_176 = arith.cmpi ne, %get3A_137, %ne3A_175 : vector<16xi32>
    %and3A_177 = arith.andi %ne3A_173, %ne3A_176 : vector<16xi1>
    %ne3A_178 = arith.constant 0.000000e+00 : f32
    %ne3A_179 = vector.broadcast %ne3A_178 : f32 to vector<16xf32>
    %ne3A_180 = arith.cmpf one, %get3A_141, %ne3A_179 : vector<16xf32>
    %and3A_181 = arith.andi %ne3A_180, %and3A_170 : vector<16xi1>
    %and3A_182 = arith.andi %and3A_181, %and3A_177 : vector<16xi1>
    %broadcast_in_dim3A_183 = arith.constant -1 : i32
    %broadcast_in_dim3A_184 = vector.broadcast %broadcast_in_dim3A_183 : i32 to vector<16xi32>
    %and3A_185 = arith.constant 31 : i32
    %and3A_186 = vector.broadcast %and3A_185 : i32 to vector<16xi32>
    %and3A_187 = arith.andi %add3A_146, %and3A_186 : vector<16xi32>
    %select_n3A_188 = arith.select %and3A_182, %and3A_187, %broadcast_in_dim3A_184 : vector<16xi1>, vector<16xi32>
    %swap3A_189 = arith.constant 32 : index
    %swap3A_190 = tpu.vector_load %arg11[%swap3A_189] {strides = array<i32>} : memref<4096xi32, #tpu.memory_space<vmem>>, vector<16xi32>,
    tpu.vector_store %arg11[%swap3A_189], %select_n3A_188 {strides = array<i32>} : memref<4096xi32, #tpu.memory_space<vmem>>, vector<16xi32>,
    %shift_right_arithmetic3A_191 = arith.constant 5 : i32
    %shift_right_arithmetic3A_192 = vector.broadcast %shift_right_arithmetic3A_191 : i32 to vector<16xi32>
    %shift_right_arithmetic3A_193 = arith.shrsi %add3A_146, %shift_right_arithmetic3A_192 : vector<16xi32>
    %select_n3A_194 = arith.select %and3A_182, %shift_right_arithmetic3A_193, %broadcast_in_dim3A_184 : vector<16xi1>, vector<16xi32>
    %swap3A_195 = arith.constant 1056 : index
    %swap3A_196 = tpu.vector_load %arg11[%swap3A_195] {strides = array<i32>} : memref<4096xi32, #tpu.memory_space<vmem>>, vector<16xi32>,
    tpu.vector_store %arg11[%swap3A_195], %select_n3A_194 {strides = array<i32>} : memref<4096xi32, #tpu.memory_space<vmem>>, vector<16xi32>,
    %and3A_197 = arith.constant 31 : i32
    %and3A_198 = vector.broadcast %and3A_197 : i32 to vector<16xi32>
    %and3A_199 = arith.andi %get3A_137, %and3A_198 : vector<16xi32>
    %select_n3A_200 = arith.select %and3A_182, %and3A_199, %broadcast_in_dim3A_184 : vector<16xi1>, vector<16xi32>
    %swap3A_201 = arith.constant 2080 : index
    %swap3A_202 = tpu.vector_load %arg11[%swap3A_201] {strides = array<i32>} : memref<4096xi32, #tpu.memory_space<vmem>>, vector<16xi32>,
    tpu.vector_store %arg11[%swap3A_201], %select_n3A_200 {strides = array<i32>} : memref<4096xi32, #tpu.memory_space<vmem>>, vector<16xi32>,
    %shift_right_arithmetic3A_203 = arith.constant 5 : i32
    %shift_right_arithmetic3A_204 = vector.broadcast %shift_right_arithmetic3A_203 : i32 to vector<16xi32>
    %shift_right_arithmetic3A_205 = arith.shrsi %get3A_137, %shift_right_arithmetic3A_204 : vector<16xi32>
    %select_n3A_206 = arith.select %and3A_182, %shift_right_arithmetic3A_205, %broadcast_in_dim3A_184 : vector<16xi1>, vector<16xi32>
    %swap3A_207 = arith.constant 3104 : index
    %swap3A_208 = tpu.vector_load %arg11[%swap3A_207] {strides = array<i32>} : memref<4096xi32, #tpu.memory_space<vmem>>, vector<16xi32>,
    tpu.vector_store %arg11[%swap3A_207], %select_n3A_206 {strides = array<i32>} : memref<4096xi32, #tpu.memory_space<vmem>>, vector<16xi32>,
    %get3A_209 = arith.constant 48 : index
    %get3A_210 = tpu.vector_load %arg7[%get3A_209] {strides = array<i32>} : memref<1024xi32, #tpu.memory_space<vmem>>, vector<16xi32>,
    %get3A_211 = arith.constant 48 : index
    %get3A_212 = tpu.vector_load %arg8[%get3A_211] {strides = array<i32>} : memref<1024xi32, #tpu.memory_space<vmem>>, vector<16xi32>,
    %get3A_213 = arith.constant 48 : index
    %get3A_214 = tpu.vector_load %arg10[%get3A_213] {strides = array<i32>} : memref<1024xf32, #tpu.memory_space<vmem>>, vector<16xf32>,
    %gather3A_215 = tpu.vector_load_idx %arg8[%get3A_210] : memref<1024xi32, #tpu.memory_space<vmem>>[vector<16xi32>], vector<16xi32>,
    %gather3A_216 = tpu.vector_load_idx %arg9[%get3A_210] : memref<1024xf32, #tpu.memory_space<vmem>>[vector<16xi32>], vector<16xf32>,
    %add3A_217 = arith.constant 48 : i32
    %add3A_218 = vector.broadcast %add3A_217 : i32 to vector<16xi32>
    %add3A_219 = arith.addi %iota3A, %add3A_218 : vector<16xi32>
    %and3A_220 = arith.constant 31 : i32
    %and3A_221 = vector.broadcast %and3A_220 : i32 to vector<16xi32>
    %and3A_222 = arith.andi %gather3A_215, %and3A_221 : vector<16xi32>
    %and3A_223 = arith.constant 31 : i32
    %and3A_224 = vector.broadcast %and3A_223 : i32 to vector<16xi32>
    %and3A_225 = arith.andi %add3A_219, %and3A_224 : vector<16xi32>
    %sub3A_226 = arith.subi %and3A_222, %and3A_225 : vector<16xi32>
    %shift_right_arithmetic3A_227 = arith.constant 5 : i32
    %shift_right_arithmetic3A_228 = vector.broadcast %shift_right_arithmetic3A_227 : i32 to vector<16xi32>
    %shift_right_arithmetic3A_229 = arith.shrsi %gather3A_215, %shift_right_arithmetic3A_228 : vector<16xi32>
    %shift_right_arithmetic3A_230 = arith.constant 5 : i32
    %shift_right_arithmetic3A_231 = vector.broadcast %shift_right_arithmetic3A_230 : i32 to vector<16xi32>
    %shift_right_arithmetic3A_232 = arith.shrsi %add3A_219, %shift_right_arithmetic3A_231 : vector<16xi32>
    %sub3A_233 = arith.subi %shift_right_arithmetic3A_229, %shift_right_arithmetic3A_232 : vector<16xi32>
    %mul3A_234 = arith.muli %sub3A_226, %sub3A_226 : vector<16xi32>
    %mul3A_235 = arith.muli %sub3A_233, %sub3A_233 : vector<16xi32>
    %add3A_236 = arith.addi %mul3A_234, %mul3A_235 : vector<16xi32>
    %le3A_237 = arith.constant 9 : i32
    %le3A_238 = vector.broadcast %le3A_237 : i32 to vector<16xi32>
    %le3A_239 = arith.cmpi sle, %add3A_236, %le3A_238 : vector<16xi32>
    %ge3A_240 = arith.constant 1.000000e-01 : f32
    %ge3A_241 = vector.broadcast %ge3A_240 : f32 to vector<16xf32>
    %ge3A_242 = arith.cmpf oge, %gather3A_216, %ge3A_241 : vector<16xf32>
    %and3A_243 = arith.andi %le3A_239, %ge3A_242 : vector<16xi1>
    %ne3A_244 = arith.constant 0 : i32
    %ne3A_245 = vector.broadcast %ne3A_244 : i32 to vector<16xi32>
    %ne3A_246 = arith.cmpi ne, %get3A_212, %ne3A_245 : vector<16xi32>
    %ne3A_247 = arith.constant 0 : i32
    %ne3A_248 = vector.broadcast %ne3A_247 : i32 to vector<16xi32>
    %ne3A_249 = arith.cmpi ne, %get3A_210, %ne3A_248 : vector<16xi32>
    %and3A_250 = arith.andi %ne3A_246, %ne3A_249 : vector<16xi1>
    %ne3A_251 = arith.constant 0.000000e+00 : f32
    %ne3A_252 = vector.broadcast %ne3A_251 : f32 to vector<16xf32>
    %ne3A_253 = arith.cmpf one, %get3A_214, %ne3A_252 : vector<16xf32>
    %and3A_254 = arith.andi %ne3A_253, %and3A_243 : vector<16xi1>
    %and3A_255 = arith.andi %and3A_254, %and3A_250 : vector<16xi1>
    %broadcast_in_dim3A_256 = arith.constant -1 : i32
    %broadcast_in_dim3A_257 = vector.broadcast %broadcast_in_dim3A_256 : i32 to vector<16xi32>
    %and3A_258 = arith.constant 31 : i32
    %and3A_259 = vector.broadcast %and3A_258 : i32 to vector<16xi32>
    %and3A_260 = arith.andi %add3A_219, %and3A_259 : vector<16xi32>
    %select_n3A_261 = arith.select %and3A_255, %and3A_260, %broadcast_in_dim3A_257 : vector<16xi1>, vector<16xi32>
    %swap3A_262 = arith.constant 48 : index
    %swap3A_263 = tpu.vector_load %arg11[%swap3A_262] {strides = array<i32>} : memref<4096xi32, #tpu.memory_space<vmem>>, vector<16xi32>,
    tpu.vector_store %arg11[%swap3A_262], %select_n3A_261 {strides = array<i32>} : memref<4096xi32, #tpu.memory_space<vmem>>, vector<16xi32>,
    %shift_right_arithmetic3A_264 = arith.constant 5 : i32
    %shift_right_arithmetic3A_265 = vector.broadcast %shift_right_arithmetic3A_264 : i32 to vector<16xi32>
    %shift_right_arithmetic3A_266 = arith.shrsi %add3A_219, %shift_right_arithmetic3A_265 : vector<16xi32>
    %select_n3A_267 = arith.select %and3A_255, %shift_right_arithmetic3A_266, %broadcast_in_dim3A_257 : vector<16xi1>, vector<16xi32>
    %swap3A_268 = arith.constant 1072 : index
    %swap3A_269 = tpu.vector_load %arg11[%swap3A_268] {strides = array<i32>} : memref<4096xi32, #tpu.memory_space<vmem>>, vector<16xi32>,
    tpu.vector_store %arg11[%swap3A_268], %select_n3A_267 {strides = array<i32>} : memref<4096xi32, #tpu.memory_space<vmem>>, vector<16xi32>,
    %and3A_270 = arith.constant 31 : i32
    %and3A_271 = vector.broadcast %and3A_270 : i32 to vector<16xi32>
    %and3A_272 = arith.andi %get3A_210, %and3A_271 : vector<16xi32>
    %select_n3A_273 = arith.select %and3A_255, %and3A_272, %broadcast_in_dim3A_257 : vector<16xi1>, vector<16xi32>
    %swap3A_274 = arith.constant 2096 : index
    %swap3A_275 = tpu.vector_load %arg11[%swap3A_274] {strides = array<i32>} : memref<4096xi32, #tpu.memory_space<vmem>>, vector<16xi32>,
    tpu.vector_store %arg11[%swap3A_274], %select_n3A_273 {strides = array<i32>} : memref<4096xi32, #tpu.memory_space<vmem>>, vector<16xi32>,
    %shift_right_arithmetic3A_276 = arith.constant 5 : i32
    %shift_right_arithmetic3A_277 = vector.broadcast %shift_right_arithmetic3A_276 : i32 to vector<16xi32>
    %shift_right_arithmetic3A_278 = arith.shrsi %get3A_210, %shift_right_arithmetic3A_277 : vector<16xi32>
    %select_n3A_279 = arith.select %and3A_255, %shift_right_arithmetic3A_278, %broadcast_in_dim3A_257 : vector<16xi1>, vector<16xi32>
    %swap3A_280 = arith.constant 3120 : index
    %swap3A_281 = tpu.vector_load %arg11[%swap3A_280] {strides = array<i32>} : memref<4096xi32, #tpu.memory_space<vmem>>, vector<16xi32>,
    tpu.vector_store %arg11[%swap3A_280], %select_n3A_279 {strides = array<i32>} : memref<4096xi32, #tpu.memory_space<vmem>>, vector<16xi32>,
    %get3A_282 = arith.constant 64 : index
    %get3A_283 = tpu.vector_load %arg7[%get3A_282] {strides = array<i32>} : memref<1024xi32, #tpu.memory_space<vmem>>, vector<16xi32>,
    %get3A_284 = arith.constant 64 : index
    %get3A_285 = tpu.vector_load %arg8[%get3A_284] {strides = array<i32>} : memref<1024xi32, #tpu.memory_space<vmem>>, vector<16xi32>,
    %get3A_286 = arith.constant 64 : index
    %get3A_287 = tpu.vector_load %arg10[%get3A_286] {strides = array<i32>} : memref<1024xf32, #tpu.memory_space<vmem>>, vector<16xf32>,
    %gather3A_288 = tpu.vector_load_idx %arg8[%get3A_283] : memref<1024xi32, #tpu.memory_space<vmem>>[vector<16xi32>], vector<16xi32>,
    %gather3A_289 = tpu.vector_load_idx %arg9[%get3A_283] : memref<1024xf32, #tpu.memory_space<vmem>>[vector<16xi32>], vector<16xf32>,
    %add3A_290 = arith.constant 64 : i32
    %add3A_291 = vector.broadcast %add3A_290 : i32 to vector<16xi32>
    %add3A_292 = arith.addi %iota3A, %add3A_291 : vector<16xi32>
    %and3A_293 = arith.constant 31 : i32
    %and3A_294 = vector.broadcast %and3A_293 : i32 to vector<16xi32>
    %and3A_295 = arith.andi %gather3A_288, %and3A_294 : vector<16xi32>
    %and3A_296 = arith.constant 31 : i32
    %and3A_297 = vector.broadcast %and3A_296 : i32 to vector<16xi32>
    %and3A_298 = arith.andi %add3A_292, %and3A_297 : vector<16xi32>
    %sub3A_299 = arith.subi %and3A_295, %and3A_298 : vector<16xi32>
    %shift_right_arithmetic3A_300 = arith.constant 5 : i32
    %shift_right_arithmetic3A_301 = vector.broadcast %shift_right_arithmetic3A_300 : i32 to vector<16xi32>
    %shift_right_arithmetic3A_302 = arith.shrsi %gather3A_288, %shift_right_arithmetic3A_301 : vector<16xi32>
    %shift_right_arithmetic3A_303 = arith.constant 5 : i32
    %shift_right_arithmetic3A_304 = vector.broadcast %shift_right_arithmetic3A_303 : i32 to vector<16xi32>
    %shift_right_arithmetic3A_305 = arith.shrsi %add3A_292, %shift_right_arithmetic3A_304 : vector<16xi32>
    %sub3A_306 = arith.subi %shift_right_arithmetic3A_302, %shift_right_arithmetic3A_305 : vector<16xi32>
    %mul3A_307 = arith.muli %sub3A_299, %sub3A_299 : vector<16xi32>
    %mul3A_308 = arith.muli %sub3A_306, %sub3A_306 : vector<16xi32>
    %add3A_309 = arith.addi %mul3A_307, %mul3A_308 : vector<16xi32>
    %le3A_310 = arith.constant 9 : i32
    %le3A_311 = vector.broadcast %le3A_310 : i32 to vector<16xi32>
    %le3A_312 = arith.cmpi sle, %add3A_309, %le3A_311 : vector<16xi32>
    %ge3A_313 = arith.constant 1.000000e-01 : f32
    %ge3A_314 = vector.broadcast %ge3A_313 : f32 to vector<16xf32>
    %ge3A_315 = arith.cmpf oge, %gather3A_289, %ge3A_314 : vector<16xf32>
    %and3A_316 = arith.andi %le3A_312, %ge3A_315 : vector<16xi1>
    %ne3A_317 = arith.constant 0 : i32
    %ne3A_318 = vector.broadcast %ne3A_317 : i32 to vector<16xi32>
    %ne3A_319 = arith.cmpi ne, %get3A_285, %ne3A_318 : vector<16xi32>
    %ne3A_320 = arith.constant 0 : i32
    %ne3A_321 = vector.broadcast %ne3A_320 : i32 to vector<16xi32>
    %ne3A_322 = arith.cmpi ne, %get3A_283, %ne3A_321 : vector<16xi32>
    %and3A_323 = arith.andi %ne3A_319, %ne3A_322 : vector<16xi1>
    %ne3A_324 = arith.constant 0.000000e+00 : f32
    %ne3A_325 = vector.broadcast %ne3A_324 : f32 to vector<16xf32>
    %ne3A_326 = arith.cmpf one, %get3A_287, %ne3A_325 : vector<16xf32>
    %and3A_327 = arith.andi %ne3A_326, %and3A_316 : vector<16xi1>
    %and3A_328 = arith.andi %and3A_327, %and3A_323 : vector<16xi1>
    %broadcast_in_dim3A_329 = arith.constant -1 : i32
    %broadcast_in_dim3A_330 = vector.broadcast %broadcast_in_dim3A_329 : i32 to vector<16xi32>
    %and3A_331 = arith.constant 31 : i32
    %and3A_332 = vector.broadcast %and3A_331 : i32 to vector<16xi32>
    %and3A_333 = arith.andi %add3A_292, %and3A_332 : vector<16xi32>
    %select_n3A_334 = arith.select %and3A_328, %and3A_333, %broadcast_in_dim3A_330 : vector<16xi1>, vector<16xi32>
    %swap3A_335 = arith.constant 64 : index
    %swap3A_336 = tpu.vector_load %arg11[%swap3A_335] {strides = array<i32>} : memref<4096xi32, #tpu.memory_space<vmem>>, vector<16xi32>,
    tpu.vector_store %arg11[%swap3A_335], %select_n3A_334 {strides = array<i32>} : memref<4096xi32, #tpu.memory_space<vmem>>, vector<16xi32>,
    %shift_right_arithmetic3A_337 = arith.constant 5 : i32
    %shift_right_arithmetic3A_338 = vector.broadcast %shift_right_arithmetic3A_337 : i32 to vector<16xi32>
    %shift_right_arithmetic3A_339 = arith.shrsi %add3A_292, %shift_right_arithmetic3A_338 : vector<16xi32>
    %select_n3A_340 = arith.select %and3A_328, %shift_right_arithmetic3A_339, %broadcast_in_dim3A_330 : vector<16xi1>, vector<16xi32>
    %swap3A_341 = arith.constant 1088 : index
    %swap3A_342 = tpu.vector_load %arg11[%swap3A_341] {strides = array<i32>} : memref<4096xi32, #tpu.memory_space<vmem>>, vector<16xi32>,
    tpu.vector_store %arg11[%swap3A_341], %select_n3A_340 {strides = array<i32>} : memref<4096xi32, #tpu.memory_space<vmem>>, vector<16xi32>,
    %and3A_343 = arith.constant 31 : i32
    %and3A_344 = vector.broadcast %and3A_343 : i32 to vector<16xi32>
    %and3A_345 = arith.andi %get3A_283, %and3A_344 : vector<16xi32>
    %select_n3A_346 = arith.select %and3A_328, %and3A_345, %broadcast_in_dim3A_330 : vector<16xi1>, vector<16xi32>
    %swap3A_347 = arith.constant 2112 : index
    %swap3A_348 = tpu.vector_load %arg11[%swap3A_347] {strides = array<i32>} : memref<4096xi32, #tpu.memory_space<vmem>>, vector<16xi32>,
    tpu.vector_store %arg11[%swap3A_347], %select_n3A_346 {strides = array<i32>} : memref<4096xi32, #tpu.memory_space<vmem>>, vector<16xi32>,
    %shift_right_arithmetic3A_349 = arith.constant 5 : i32
    %shift_right_arithmetic3A_350 = vector.broadcast %shift_right_arithmetic3A_349 : i32 to vector<16xi32>
    %shift_right_arithmetic3A_351 = arith.shrsi %get3A_283, %shift_right_arithmetic3A_350 : vector<16xi32>
    %select_n3A_352 = arith.select %and3A_328, %shift_right_arithmetic3A_351, %broadcast_in_dim3A_330 : vector<16xi1>, vector<16xi32>
    %swap3A_353 = arith.constant 3136 : index
    %swap3A_354 = tpu.vector_load %arg11[%swap3A_353] {strides = array<i32>} : memref<4096xi32, #tpu.memory_space<vmem>>, vector<16xi32>,
    tpu.vector_store %arg11[%swap3A_353], %select_n3A_352 {strides = array<i32>} : memref<4096xi32, #tpu.memory_space<vmem>>, vector<16xi32>,
    %get3A_355 = arith.constant 80 : index
    %get3A_356 = tpu.vector_load %arg7[%get3A_355] {strides = array<i32>} : memref<1024xi32, #tpu.memory_space<vmem>>, vector<16xi32>,
    %get3A_357 = arith.constant 80 : index
    %get3A_358 = tpu.vector_load %arg8[%get3A_357] {strides = array<i32>} : memref<1024xi32, #tpu.memory_space<vmem>>, vector<16xi32>,
    %get3A_359 = arith.constant 80 : index
    %get3A_360 = tpu.vector_load %arg10[%get3A_359] {strides = array<i32>} : memref<1024xf32, #tpu.memory_space<vmem>>, vector<16xf32>,
    %gather3A_361 = tpu.vector_load_idx %arg8[%get3A_356] : memref<1024xi32, #tpu.memory_space<vmem>>[vector<16xi32>], vector<16xi32>,
    %gather3A_362 = tpu.vector_load_idx %arg9[%get3A_356] : memref<1024xf32, #tpu.memory_space<vmem>>[vector<16xi32>], vector<16xf32>,
    %add3A_363 = arith.constant 80 : i32
    %add3A_364 = vector.broadcast %add3A_363 : i32 to vector<16xi32>
    %add3A_365 = arith.addi %iota3A, %add3A_364 : vector<16xi32>
    %and3A_366 = arith.constant 31 : i32
    %and3A_367 = vector.broadcast %and3A_366 : i32 to vector<16xi32>
    %and3A_368 = arith.andi %gather3A_361, %and3A_367 : vector<16xi32>
    %and3A_369 = arith.constant 31 : i32
    %and3A_370 = vector.broadcast %and3A_369 : i32 to vector<16xi32>
    %and3A_371 = arith.andi %add3A_365, %and3A_370 : vector<16xi32>
    %sub3A_372 = arith.subi %and3A_368, %and3A_371 : vector<16xi32>
    %shift_right_arithmetic3A_373 = arith.constant 5 : i32
    %shift_right_arithmetic3A_374 = vector.broadcast %shift_right_arithmetic3A_373 : i32 to vector<16xi32>
    %shift_right_arithmetic3A_375 = arith.shrsi %gather3A_361, %shift_right_arithmetic3A_374 : vector<16xi32>
    %shift_right_arithmetic3A_376 = arith.constant 5 : i32
    %shift_right_arithmetic3A_377 = vector.broadcast %shift_right_arithmetic3A_376 : i32 to vector<16xi32>
    %shift_right_arithmetic3A_378 = arith.shrsi %add3A_365, %shift_right_arithmetic3A_377 : vector<16xi32>
    %sub3A_379 = arith.subi %shift_right_arithmetic3A_375, %shift_right_arithmetic3A_378 : vector<16xi32>
    %mul3A_380 = arith.muli %sub3A_372, %sub3A_372 : vector<16xi32>
    %mul3A_381 = arith.muli %sub3A_379, %sub3A_379 : vector<16xi32>
    %add3A_382 = arith.addi %mul3A_380, %mul3A_381 : vector<16xi32>
    %le3A_383 = arith.constant 9 : i32
    %le3A_384 = vector.broadcast %le3A_383 : i32 to vector<16xi32>
    %le3A_385 = arith.cmpi sle, %add3A_382, %le3A_384 : vector<16xi32>
    %ge3A_386 = arith.constant 1.000000e-01 : f32
    %ge3A_387 = vector.broadcast %ge3A_386 : f32 to vector<16xf32>
    %ge3A_388 = arith.cmpf oge, %gather3A_362, %ge3A_387 : vector<16xf32>
    %and3A_389 = arith.andi %le3A_385, %ge3A_388 : vector<16xi1>
    %ne3A_390 = arith.constant 0 : i32
    %ne3A_391 = vector.broadcast %ne3A_390 : i32 to vector<16xi32>
    %ne3A_392 = arith.cmpi ne, %get3A_358, %ne3A_391 : vector<16xi32>
    %ne3A_393 = arith.constant 0 : i32
    %ne3A_394 = vector.broadcast %ne3A_393 : i32 to vector<16xi32>
    %ne3A_395 = arith.cmpi ne, %get3A_356, %ne3A_394 : vector<16xi32>
    %and3A_396 = arith.andi %ne3A_392, %ne3A_395 : vector<16xi1>
    %ne3A_397 = arith.constant 0.000000e+00 : f32
    %ne3A_398 = vector.broadcast %ne3A_397 : f32 to vector<16xf32>
    %ne3A_399 = arith.cmpf one, %get3A_360, %ne3A_398 : vector<16xf32>
    %and3A_400 = arith.andi %ne3A_399, %and3A_389 : vector<16xi1>
    %and3A_401 = arith.andi %and3A_400, %and3A_396 : vector<16xi1>
    %broadcast_in_dim3A_402 = arith.constant -1 : i32
    %broadcast_in_dim3A_403 = vector.broadcast %broadcast_in_dim3A_402 : i32 to vector<16xi32>
    %and3A_404 = arith.constant 31 : i32
    %and3A_405 = vector.broadcast %and3A_404 : i32 to vector<16xi32>
    %and3A_406 = arith.andi %add3A_365, %and3A_405 : vector<16xi32>
    %select_n3A_407 = arith.select %and3A_401, %and3A_406, %broadcast_in_dim3A_403 : vector<16xi1>, vector<16xi32>
    %swap3A_408 = arith.constant 80 : index
    %swap3A_409 = tpu.vector_load %arg11[%swap3A_408] {strides = array<i32>} : memref<4096xi32, #tpu.memory_space<vmem>>, vector<16xi32>,
    tpu.vector_store %arg11[%swap3A_408], %select_n3A_407 {strides = array<i32>} : memref<4096xi32, #tpu.memory_space<vmem>>, vector<16xi32>,
    %shift_right_arithmetic3A_410 = arith.constant 5 : i32
    %shift_right_arithmetic3A_411 = vector.broadcast %shift_right_arithmetic3A_410 : i32 to vector<16xi32>
    %shift_right_arithmetic3A_412 = arith.shrsi %add3A_365, %shift_right_arithmetic3A_411 : vector<16xi32>
    %select_n3A_413 = arith.select %and3A_401, %shift_right_arithmetic3A_412, %broadcast_in_dim3A_403 : vector<16xi1>, vector<16xi32>
    %swap3A_414 = arith.constant 1104 : index
    %swap3A_415 = tpu.vector_load %arg11[%swap3A_414] {strides = array<i32>} : memref<4096xi32, #tpu.memory_space<vmem>>, vector<16xi32>,
    tpu.vector_store %arg11[%swap3A_414], %select_n3A_413 {strides = array<i32>} : memref<4096xi32, #tpu.memory_space<vmem>>, vector<16xi32>,
    %and3A_416 = arith.constant 31 : i32
    %and3A_417 = vector.broadcast %and3A_416 : i32 to vector<16xi32>
    %and3A_418 = arith.andi %get3A_356, %and3A_417 : vector<16xi32>
    %select_n3A_419 = arith.select %and3A_401, %and3A_418, %broadcast_in_dim3A_403 : vector<16xi1>, vector<16xi32>
    %swap3A_420 = arith.constant 2128 : index
    %swap3A_421 = tpu.vector_load %arg11[%swap3A_420] {strides = array<i32>} : memref<4096xi32, #tpu.memory_space<vmem>>, vector<16xi32>,
    tpu.vector_store %arg11[%swap3A_420], %select_n3A_419 {strides = array<i32>} : memref<4096xi32, #tpu.memory_space<vmem>>, vector<16xi32>,
    %shift_right_arithmetic3A_422 = arith.constant 5 : i32
    %shift_right_arithmetic3A_423 = vector.broadcast %shift_right_arithmetic3A_422 : i32 to vector<16xi32>
    %shift_right_arithmetic3A_424 = arith.shrsi %get3A_356, %shift_right_arithmetic3A_423 : vector<16xi32>
    %select_n3A_425 = arith.select %and3A_401, %shift_right_arithmetic3A_424, %broadcast_in_dim3A_403 : vector<16xi1>, vector<16xi32>
    %swap3A_426 = arith.constant 3152 : index
    %swap3A_427 = tpu.vector_load %arg11[%swap3A_426] {strides = array<i32>} : memref<4096xi32, #tpu.memory_space<vmem>>, vector<16xi32>,
    tpu.vector_store %arg11[%swap3A_426], %select_n3A_425 {strides = array<i32>} : memref<4096xi32, #tpu.memory_space<vmem>>, vector<16xi32>,
    %get3A_428 = arith.constant 96 : index
    %get3A_429 = tpu.vector_load %arg7[%get3A_428] {strides = array<i32>} : memref<1024xi32, #tpu.memory_space<vmem>>, vector<16xi32>,
    %get3A_430 = arith.constant 96 : index
    %get3A_431 = tpu.vector_load %arg8[%get3A_430] {strides = array<i32>} : memref<1024xi32, #tpu.memory_space<vmem>>, vector<16xi32>,
    %get3A_432 = arith.constant 96 : index
    %get3A_433 = tpu.vector_load %arg10[%get3A_432] {strides = array<i32>} : memref<1024xf32, #tpu.memory_space<vmem>>, vector<16xf32>,
    %gather3A_434 = tpu.vector_load_idx %arg8[%get3A_429] : memref<1024xi32, #tpu.memory_space<vmem>>[vector<16xi32>], vector<16xi32>,
    %gather3A_435 = tpu.vector_load_idx %arg9[%get3A_429] : memref<1024xf32, #tpu.memory_space<vmem>>[vector<16xi32>], vector<16xf32>,
    %add3A_436 = arith.constant 96 : i32
    %add3A_437 = vector.broadcast %add3A_436 : i32 to vector<16xi32>
    %add3A_438 = arith.addi %iota3A, %add3A_437 : vector<16xi32>
    %and3A_439 = arith.constant 31 : i32
    %and3A_440 = vector.broadcast %and3A_439 : i32 to vector<16xi32>
    %and3A_441 = arith.andi %gather3A_434, %and3A_440 : vector<16xi32>
    %and3A_442 = arith.constant 31 : i32
    %and3A_443 = vector.broadcast %and3A_442 : i32 to vector<16xi32>
    %and3A_444 = arith.andi %add3A_438, %and3A_443 : vector<16xi32>
    %sub3A_445 = arith.subi %and3A_441, %and3A_444 : vector<16xi32>
    %shift_right_arithmetic3A_446 = arith.constant 5 : i32
    %shift_right_arithmetic3A_447 = vector.broadcast %shift_right_arithmetic3A_446 : i32 to vector<16xi32>
    %shift_right_arithmetic3A_448 = arith.shrsi %gather3A_434, %shift_right_arithmetic3A_447 : vector<16xi32>
    %shift_right_arithmetic3A_449 = arith.constant 5 : i32
    %shift_right_arithmetic3A_450 = vector.broadcast %shift_right_arithmetic3A_449 : i32 to vector<16xi32>
    %shift_right_arithmetic3A_451 = arith.shrsi %add3A_438, %shift_right_arithmetic3A_450 : vector<16xi32>
    %sub3A_452 = arith.subi %shift_right_arithmetic3A_448, %shift_right_arithmetic3A_451 : vector<16xi32>
    %mul3A_453 = arith.muli %sub3A_445, %sub3A_445 : vector<16xi32>
    %mul3A_454 = arith.muli %sub3A_452, %sub3A_452 : vector<16xi32>
    %add3A_455 = arith.addi %mul3A_453, %mul3A_454 : vector<16xi32>
    %le3A_456 = arith.constant 9 : i32
    %le3A_457 = vector.broadcast %le3A_456 : i32 to vector<16xi32>
    %le3A_458 = arith.cmpi sle, %add3A_455, %le3A_457 : vector<16xi32>
    %ge3A_459 = arith.constant 1.000000e-01 : f32
    %ge3A_460 = vector.broadcast %ge3A_459 : f32 to vector<16xf32>
    %ge3A_461 = arith.cmpf oge, %gather3A_435, %ge3A_460 : vector<16xf32>
    %and3A_462 = arith.andi %le3A_458, %ge3A_461 : vector<16xi1>
    %ne3A_463 = arith.constant 0 : i32
    %ne3A_464 = vector.broadcast %ne3A_463 : i32 to vector<16xi32>
    %ne3A_465 = arith.cmpi ne, %get3A_431, %ne3A_464 : vector<16xi32>
    %ne3A_466 = arith.constant 0 : i32
    %ne3A_467 = vector.broadcast %ne3A_466 : i32 to vector<16xi32>
    %ne3A_468 = arith.cmpi ne, %get3A_429, %ne3A_467 : vector<16xi32>
    %and3A_469 = arith.andi %ne3A_465, %ne3A_468 : vector<16xi1>
    %ne3A_470 = arith.constant 0.000000e+00 : f32
    %ne3A_471 = vector.broadcast %ne3A_470 : f32 to vector<16xf32>
    %ne3A_472 = arith.cmpf one, %get3A_433, %ne3A_471 : vector<16xf32>
    %and3A_473 = arith.andi %ne3A_472, %and3A_462 : vector<16xi1>
    %and3A_474 = arith.andi %and3A_473, %and3A_469 : vector<16xi1>
    %broadcast_in_dim3A_475 = arith.constant -1 : i32
    %broadcast_in_dim3A_476 = vector.broadcast %broadcast_in_dim3A_475 : i32 to vector<16xi32>
    %and3A_477 = arith.constant 31 : i32
    %and3A_478 = vector.broadcast %and3A_477 : i32 to vector<16xi32>
    %and3A_479 = arith.andi %add3A_438, %and3A_478 : vector<16xi32>
    %select_n3A_480 = arith.select %and3A_474, %and3A_479, %broadcast_in_dim3A_476 : vector<16xi1>, vector<16xi32>
    %swap3A_481 = arith.constant 96 : index
    %swap3A_482 = tpu.vector_load %arg11[%swap3A_481] {strides = array<i32>} : memref<4096xi32, #tpu.memory_space<vmem>>, vector<16xi32>,
    tpu.vector_store %arg11[%swap3A_481], %select_n3A_480 {strides = array<i32>} : memref<4096xi32, #tpu.memory_space<vmem>>, vector<16xi32>,
    %shift_right_arithmetic3A_483 = arith.constant 5 : i32
    %shift_right_arithmetic3A_484 = vector.broadcast %shift_right_arithmetic3A_483 : i32 to vector<16xi32>
    %shift_right_arithmetic3A_485 = arith.shrsi %add3A_438, %shift_right_arithmetic3A_484 : vector<16xi32>
    %select_n3A_486 = arith.select %and3A_474, %shift_right_arithmetic3A_485, %broadcast_in_dim3A_476 : vector<16xi1>, vector<16xi32>
    %swap3A_487 = arith.constant 1120 : index
    %swap3A_488 = tpu.vector_load %arg11[%swap3A_487] {strides = array<i32>} : memref<4096xi32, #tpu.memory_space<vmem>>, vector<16xi32>,
    tpu.vector_store %arg11[%swap3A_487], %select_n3A_486 {strides = array<i32>} : memref<4096xi32, #tpu.memory_space<vmem>>, vector<16xi32>,
    %and3A_489 = arith.constant 31 : i32
    %and3A_490 = vector.broadcast %and3A_489 : i32 to vector<16xi32>
    %and3A_491 = arith.andi %get3A_429, %and3A_490 : vector<16xi32>
    %select_n3A_492 = arith.select %and3A_474, %and3A_491, %broadcast_in_dim3A_476 : vector<16xi1>, vector<16xi32>
    %swap3A_493 = arith.constant 2144 : index
    %swap3A_494 = tpu.vector_load %arg11[%swap3A_493] {strides = array<i32>} : memref<4096xi32, #tpu.memory_space<vmem>>, vector<16xi32>,
    tpu.vector_store %arg11[%swap3A_493], %select_n3A_492 {strides = array<i32>} : memref<4096xi32, #tpu.memory_space<vmem>>, vector<16xi32>,
    %shift_right_arithmetic3A_495 = arith.constant 5 : i32
    %shift_right_arithmetic3A_496 = vector.broadcast %shift_right_arithmetic3A_495 : i32 to vector<16xi32>
    %shift_right_arithmetic3A_497 = arith.shrsi %get3A_429, %shift_right_arithmetic3A_496 : vector<16xi32>
    %select_n3A_498 = arith.select %and3A_474, %shift_right_arithmetic3A_497, %broadcast_in_dim3A_476 : vector<16xi1>, vector<16xi32>
    %swap3A_499 = arith.constant 3168 : index
    %swap3A_500 = tpu.vector_load %arg11[%swap3A_499] {strides = array<i32>} : memref<4096xi32, #tpu.memory_space<vmem>>, vector<16xi32>,
    tpu.vector_store %arg11[%swap3A_499], %select_n3A_498 {strides = array<i32>} : memref<4096xi32, #tpu.memory_space<vmem>>, vector<16xi32>,
    %get3A_501 = arith.constant 112 : index
    %get3A_502 = tpu.vector_load %arg7[%get3A_501] {strides = array<i32>} : memref<1024xi32, #tpu.memory_space<vmem>>, vector<16xi32>,
    %get3A_503 = arith.constant 112 : index
    %get3A_504 = tpu.vector_load %arg8[%get3A_503] {strides = array<i32>} : memref<1024xi32, #tpu.memory_space<vmem>>, vector<16xi32>,
    %get3A_505 = arith.constant 112 : index
    %get3A_506 = tpu.vector_load %arg10[%get3A_505] {strides = array<i32>} : memref<1024xf32, #tpu.memory_space<vmem>>, vector<16xf32>,
    %gather3A_507 = tpu.vector_load_idx %arg8[%get3A_502] : memref<1024xi32, #tpu.memory_space<vmem>>[vector<16xi32>], vector<16xi32>,
    %gather3A_508 = tpu.vector_load_idx %arg9[%get3A_502] : memref<1024xf32, #tpu.memory_space<vmem>>[vector<16xi32>], vector<16xf32>,
    %add3A_509 = arith.constant 112 : i32
    %add3A_510 = vector.broadcast %add3A_509 : i32 to vector<16xi32>
    %add3A_511 = arith.addi %iota3A, %add3A_510 : vector<16xi32>
    %and3A_512 = arith.constant 31 : i32
    %and3A_513 = vector.broadcast %and3A_512 : i32 to vector<16xi32>
    %and3A_514 = arith.andi %gather3A_507, %and3A_513 : vector<16xi32>
    %and3A_515 = arith.constant 31 : i32
    %and3A_516 = vector.broadcast %and3A_515 : i32 to vector<16xi32>
    %and3A_517 = arith.andi %add3A_511, %and3A_516 : vector<16xi32>
    %sub3A_518 = arith.subi %and3A_514, %and3A_517 : vector<16xi32>
    %shift_right_arithmetic3A_519 = arith.constant 5 : i32
    %shift_right_arithmetic3A_520 = vector.broadcast %shift_right_arithmetic3A_519 : i32 to vector<16xi32>
    %shift_right_arithmetic3A_521 = arith.shrsi %gather3A_507, %shift_right_arithmetic3A_520 : vector<16xi32>
    %shift_right_arithmetic3A_522 = arith.constant 5 : i32
    %shift_right_arithmetic3A_523 = vector.broadcast %shift_right_arithmetic3A_522 : i32 to vector<16xi32>
    %shift_right_arithmetic3A_524 = arith.shrsi %add3A_511, %shift_right_arithmetic3A_523 : vector<16xi32>
    %sub3A_525 = arith.subi %shift_right_arithmetic3A_521, %shift_right_arithmetic3A_524 : vector<16xi32>
    %mul3A_526 = arith.muli %sub3A_518, %sub3A_518 : vector<16xi32>
    %mul3A_527 = arith.muli %sub3A_525, %sub3A_525 : vector<16xi32>
    %add3A_528 = arith.addi %mul3A_526, %mul3A_527 : vector<16xi32>
    %le3A_529 = arith.constant 9 : i32
    %le3A_530 = vector.broadcast %le3A_529 : i32 to vector<16xi32>
    %le3A_531 = arith.cmpi sle, %add3A_528, %le3A_530 : vector<16xi32>
    %ge3A_532 = arith.constant 1.000000e-01 : f32
    %ge3A_533 = vector.broadcast %ge3A_532 : f32 to vector<16xf32>
    %ge3A_534 = arith.cmpf oge, %gather3A_508, %ge3A_533 : vector<16xf32>
    %and3A_535 = arith.andi %le3A_531, %ge3A_534 : vector<16xi1>
    %ne3A_536 = arith.constant 0 : i32
    %ne3A_537 = vector.broadcast %ne3A_536 : i32 to vector<16xi32>
    %ne3A_538 = arith.cmpi ne, %get3A_504, %ne3A_537 : vector<16xi32>
    %ne3A_539 = arith.constant 0 : i32
    %ne3A_540 = vector.broadcast %ne3A_539 : i32 to vector<16xi32>
    %ne3A_541 = arith.cmpi ne, %get3A_502, %ne3A_540 : vector<16xi32>
    %and3A_542 = arith.andi %ne3A_538, %ne3A_541 : vector<16xi1>
    %ne3A_543 = arith.constant 0.000000e+00 : f32
    %ne3A_544 = vector.broadcast %ne3A_543 : f32 to vector<16xf32>
    %ne3A_545 = arith.cmpf one, %get3A_506, %ne3A_544 : vector<16xf32>
    %and3A_546 = arith.andi %ne3A_545, %and3A_535 : vector<16xi1>
    %and3A_547 = arith.andi %and3A_546, %and3A_542 : vector<16xi1>
    %broadcast_in_dim3A_548 = arith.constant -1 : i32
    %broadcast_in_dim3A_549 = vector.broadcast %broadcast_in_dim3A_548 : i32 to vector<16xi32>
    %and3A_550 = arith.constant 31 : i32
    %and3A_551 = vector.broadcast %and3A_550 : i32 to vector<16xi32>
    %and3A_552 = arith.andi %add3A_511, %and3A_551 : vector<16xi32>
    %select_n3A_553 = arith.select %and3A_547, %and3A_552, %broadcast_in_dim3A_549 : vector<16xi1>, vector<16xi32>
    %swap3A_554 = arith.constant 112 : index
    %swap3A_555 = tpu.vector_load %arg11[%swap3A_554] {strides = array<i32>} : memref<4096xi32, #tpu.memory_space<vmem>>, vector<16xi32>,
    tpu.vector_store %arg11[%swap3A_554], %select_n3A_553 {strides = array<i32>} : memref<4096xi32, #tpu.memory_space<vmem>>, vector<16xi32>,
    %shift_right_arithmetic3A_556 = arith.constant 5 : i32
    %shift_right_arithmetic3A_557 = vector.broadcast %shift_right_arithmetic3A_556 : i32 to vector<16xi32>
    %shift_right_arithmetic3A_558 = arith.shrsi %add3A_511, %shift_right_arithmetic3A_557 : vector<16xi32>
    %select_n3A_559 = arith.select %and3A_547, %shift_right_arithmetic3A_558, %broadcast_in_dim3A_549 : vector<16xi1>, vector<16xi32>
    %swap3A_560 = arith.constant 1136 : index
    %swap3A_561 = tpu.vector_load %arg11[%swap3A_560] {strides = array<i32>} : memref<4096xi32, #tpu.memory_space<vmem>>, vector<16xi32>,
    tpu.vector_store %arg11[%swap3A_560], %select_n3A_559 {strides = array<i32>} : memref<4096xi32, #tpu.memory_space<vmem>>, vector<16xi32>,
    %and3A_562 = arith.constant 31 : i32
    %and3A_563 = vector.broadcast %and3A_562 : i32 to vector<16xi32>
    %and3A_564 = arith.andi %get3A_502, %and3A_563 : vector<16xi32>
    %select_n3A_565 = arith.select %and3A_547, %and3A_564, %broadcast_in_dim3A_549 : vector<16xi1>, vector<16xi32>
    %swap3A_566 = arith.constant 2160 : index
    %swap3A_567 = tpu.vector_load %arg11[%swap3A_566] {strides = array<i32>} : memref<4096xi32, #tpu.memory_space<vmem>>, vector<16xi32>,
    tpu.vector_store %arg11[%swap3A_566], %select_n3A_565 {strides = array<i32>} : memref<4096xi32, #tpu.memory_space<vmem>>, vector<16xi32>,
    %shift_right_arithmetic3A_568 = arith.constant 5 : i32
    %shift_right_arithmetic3A_569 = vector.broadcast %shift_right_arithmetic3A_568 : i32 to vector<16xi32>
    %shift_right_arithmetic3A_570 = arith.shrsi %get3A_502, %shift_right_arithmetic3A_569 : vector<16xi32>
    %select_n3A_571 = arith.select %and3A_547, %shift_right_arithmetic3A_570, %broadcast_in_dim3A_549 : vector<16xi1>, vector<16xi32>
    %swap3A_572 = arith.constant 3184 : index
    %swap3A_573 = tpu.vector_load %arg11[%swap3A_572] {strides = array<i32>} : memref<4096xi32, #tpu.memory_space<vmem>>, vector<16xi32>,
    tpu.vector_store %arg11[%swap3A_572], %select_n3A_571 {strides = array<i32>} : memref<4096xi32, #tpu.memory_space<vmem>>, vector<16xi32>,
    %get3A_574 = arith.constant 128 : index
    %get3A_575 = tpu.vector_load %arg7[%get3A_574] {strides = array<i32>} : memref<1024xi32, #tpu.memory_space<vmem>>, vector<16xi32>,
    %get3A_576 = arith.constant 128 : index
    %get3A_577 = tpu.vector_load %arg8[%get3A_576] {strides = array<i32>} : memref<1024xi32, #tpu.memory_space<vmem>>, vector<16xi32>,
    %get3A_578 = arith.constant 128 : index
    %get3A_579 = tpu.vector_load %arg10[%get3A_578] {strides = array<i32>} : memref<1024xf32, #tpu.memory_space<vmem>>, vector<16xf32>,
    %gather3A_580 = tpu.vector_load_idx %arg8[%get3A_575] : memref<1024xi32, #tpu.memory_space<vmem>>[vector<16xi32>], vector<16xi32>,
    %gather3A_581 = tpu.vector_load_idx %arg9[%get3A_575] : memref<1024xf32, #tpu.memory_space<vmem>>[vector<16xi32>], vector<16xf32>,
    %add3A_582 = arith.constant 128 : i32
    %add3A_583 = vector.broadcast %add3A_582 : i32 to vector<16xi32>
    %add3A_584 = arith.addi %iota3A, %add3A_583 : vector<16xi32>
    %and3A_585 = arith.constant 31 : i32
    %and3A_586 = vector.broadcast %and3A_585 : i32 to vector<16xi32>
    %and3A_587 = arith.andi %gather3A_580, %and3A_586 : vector<16xi32>
    %and3A_588 = arith.constant 31 : i32
    %and3A_589 = vector.broadcast %and3A_588 : i32 to vector<16xi32>
    %and3A_590 = arith.andi %add3A_584, %and3A_589 : vector<16xi32>
    %sub3A_591 = arith.subi %and3A_587, %and3A_590 : vector<16xi32>
    %shift_right_arithmetic3A_592 = arith.constant 5 : i32
    %shift_right_arithmetic3A_593 = vector.broadcast %shift_right_arithmetic3A_592 : i32 to vector<16xi32>
    %shift_right_arithmetic3A_594 = arith.shrsi %gather3A_580, %shift_right_arithmetic3A_593 : vector<16xi32>
    %shift_right_arithmetic3A_595 = arith.constant 5 : i32
    %shift_right_arithmetic3A_596 = vector.broadcast %shift_right_arithmetic3A_595 : i32 to vector<16xi32>
    %shift_right_arithmetic3A_597 = arith.shrsi %add3A_584, %shift_right_arithmetic3A_596 : vector<16xi32>
    %sub3A_598 = arith.subi %shift_right_arithmetic3A_594, %shift_right_arithmetic3A_597 : vector<16xi32>
    %mul3A_599 = arith.muli %sub3A_591, %sub3A_591 : vector<16xi32>
    %mul3A_600 = arith.muli %sub3A_598, %sub3A_598 : vector<16xi32>
    %add3A_601 = arith.addi %mul3A_599, %mul3A_600 : vector<16xi32>
    %le3A_602 = arith.constant 9 : i32
    %le3A_603 = vector.broadcast %le3A_602 : i32 to vector<16xi32>
    %le3A_604 = arith.cmpi sle, %add3A_601, %le3A_603 : vector<16xi32>
    %ge3A_605 = arith.constant 1.000000e-01 : f32
    %ge3A_606 = vector.broadcast %ge3A_605 : f32 to vector<16xf32>
    %ge3A_607 = arith.cmpf oge, %gather3A_581, %ge3A_606 : vector<16xf32>
    %and3A_608 = arith.andi %le3A_604, %ge3A_607 : vector<16xi1>
    %ne3A_609 = arith.constant 0 : i32
    %ne3A_610 = vector.broadcast %ne3A_609 : i32 to vector<16xi32>
    %ne3A_611 = arith.cmpi ne, %get3A_577, %ne3A_610 : vector<16xi32>
    %ne3A_612 = arith.constant 0 : i32
    %ne3A_613 = vector.broadcast %ne3A_612 : i32 to vector<16xi32>
    %ne3A_614 = arith.cmpi ne, %get3A_575, %ne3A_613 : vector<16xi32>
    %and3A_615 = arith.andi %ne3A_611, %ne3A_614 : vector<16xi1>
    %ne3A_616 = arith.constant 0.000000e+00 : f32
    %ne3A_617 = vector.broadcast %ne3A_616 : f32 to vector<16xf32>
    %ne3A_618 = arith.cmpf one, %get3A_579, %ne3A_617 : vector<16xf32>
    %and3A_619 = arith.andi %ne3A_618, %and3A_608 : vector<16xi1>
    %and3A_620 = arith.andi %and3A_619, %and3A_615 : vector<16xi1>
    %broadcast_in_dim3A_621 = arith.constant -1 : i32
    %broadcast_in_dim3A_622 = vector.broadcast %broadcast_in_dim3A_621 : i32 to vector<16xi32>
    %and3A_623 = arith.constant 31 : i32
    %and3A_624 = vector.broadcast %and3A_623 : i32 to vector<16xi32>
    %and3A_625 = arith.andi %add3A_584, %and3A_624 : vector<16xi32>
    %select_n3A_626 = arith.select %and3A_620, %and3A_625, %broadcast_in_dim3A_622 : vector<16xi1>, vector<16xi32>
    %swap3A_627 = arith.constant 128 : index
    %swap3A_628 = tpu.vector_load %arg11[%swap3A_627] {strides = array<i32>} : memref<4096xi32, #tpu.memory_space<vmem>>, vector<16xi32>,
    tpu.vector_store %arg11[%swap3A_627], %select_n3A_626 {strides = array<i32>} : memref<4096xi32, #tpu.memory_space<vmem>>, vector<16xi32>,
    %shift_right_arithmetic3A_629 = arith.constant 5 : i32
    %shift_right_arithmetic3A_630 = vector.broadcast %shift_right_arithmetic3A_629 : i32 to vector<16xi32>
    %shift_right_arithmetic3A_631 = arith.shrsi %add3A_584, %shift_right_arithmetic3A_630 : vector<16xi32>
    %select_n3A_632 = arith.select %and3A_620, %shift_right_arithmetic3A_631, %broadcast_in_dim3A_622 : vector<16xi1>, vector<16xi32>
    %swap3A_633 = arith.constant 1152 : index
    %swap3A_634 = tpu.vector_load %arg11[%swap3A_633] {strides = array<i32>} : memref<4096xi32, #tpu.memory_space<vmem>>, vector<16xi32>,
    tpu.vector_store %arg11[%swap3A_633], %select_n3A_632 {strides = array<i32>} : memref<4096xi32, #tpu.memory_space<vmem>>, vector<16xi32>,
    %and3A_635 = arith.constant 31 : i32
    %and3A_636 = vector.broadcast %and3A_635 : i32 to vector<16xi32>
    %and3A_637 = arith.andi %get3A_575, %and3A_636 : vector<16xi32>
    %select_n3A_638 = arith.select %and3A_620, %and3A_637, %broadcast_in_dim3A_622 : vector<16xi1>, vector<16xi32>
    %swap3A_639 = arith.constant 2176 : index
    %swap3A_640 = tpu.vector_load %arg11[%swap3A_639] {strides = array<i32>} : memref<4096xi32, #tpu.memory_space<vmem>>, vector<16xi32>,
    tpu.vector_store %arg11[%swap3A_639], %select_n3A_638 {strides = array<i32>} : memref<4096xi32, #tpu.memory_space<vmem>>, vector<16xi32>,
    %shift_right_arithmetic3A_641 = arith.constant 5 : i32
    %shift_right_arithmetic3A_642 = vector.broadcast %shift_right_arithmetic3A_641 : i32 to vector<16xi32>
    %shift_right_arithmetic3A_643 = arith.shrsi %get3A_575, %shift_right_arithmetic3A_642 : vector<16xi32>
    %select_n3A_644 = arith.select %and3A_620, %shift_right_arithmetic3A_643, %broadcast_in_dim3A_622 : vector<16xi1>, vector<16xi32>
    %swap3A_645 = arith.constant 3200 : index
    %swap3A_646 = tpu.vector_load %arg11[%swap3A_645] {strides = array<i32>} : memref<4096xi32, #tpu.memory_space<vmem>>, vector<16xi32>,
    tpu.vector_store %arg11[%swap3A_645], %select_n3A_644 {strides = array<i32>} : memref<4096xi32, #tpu.memory_space<vmem>>, vector<16xi32>,
    %get3A_647 = arith.constant 144 : index
    %get3A_648 = tpu.vector_load %arg7[%get3A_647] {strides = array<i32>} : memref<1024xi32, #tpu.memory_space<vmem>>, vector<16xi32>,
    %get3A_649 = arith.constant 144 : index
    %get3A_650 = tpu.vector_load %arg8[%get3A_649] {strides = array<i32>} : memref<1024xi32, #tpu.memory_space<vmem>>, vector<16xi32>,
    %get3A_651 = arith.constant 144 : index
    %get3A_652 = tpu.vector_load %arg10[%get3A_651] {strides = array<i32>} : memref<1024xf32, #tpu.memory_space<vmem>>, vector<16xf32>,
    %gather3A_653 = tpu.vector_load_idx %arg8[%get3A_648] : memref<1024xi32, #tpu.memory_space<vmem>>[vector<16xi32>], vector<16xi32>,
    %gather3A_654 = tpu.vector_load_idx %arg9[%get3A_648] : memref<1024xf32, #tpu.memory_space<vmem>>[vector<16xi32>], vector<16xf32>,
    %add3A_655 = arith.constant 144 : i32
    %add3A_656 = vector.broadcast %add3A_655 : i32 to vector<16xi32>
    %add3A_657 = arith.addi %iota3A, %add3A_656 : vector<16xi32>
    %and3A_658 = arith.constant 31 : i32
    %and3A_659 = vector.broadcast %and3A_658 : i32 to vector<16xi32>
    %and3A_660 = arith.andi %gather3A_653, %and3A_659 : vector<16xi32>
    %and3A_661 = arith.constant 31 : i32
    %and3A_662 = vector.broadcast %and3A_661 : i32 to vector<16xi32>
    %and3A_663 = arith.andi %add3A_657, %and3A_662 : vector<16xi32>
    %sub3A_664 = arith.subi %and3A_660, %and3A_663 : vector<16xi32>
    %shift_right_arithmetic3A_665 = arith.constant 5 : i32
    %shift_right_arithmetic3A_666 = vector.broadcast %shift_right_arithmetic3A_665 : i32 to vector<16xi32>
    %shift_right_arithmetic3A_667 = arith.shrsi %gather3A_653, %shift_right_arithmetic3A_666 : vector<16xi32>
    %shift_right_arithmetic3A_668 = arith.constant 5 : i32
    %shift_right_arithmetic3A_669 = vector.broadcast %shift_right_arithmetic3A_668 : i32 to vector<16xi32>
    %shift_right_arithmetic3A_670 = arith.shrsi %add3A_657, %shift_right_arithmetic3A_669 : vector<16xi32>
    %sub3A_671 = arith.subi %shift_right_arithmetic3A_667, %shift_right_arithmetic3A_670 : vector<16xi32>
    %mul3A_672 = arith.muli %sub3A_664, %sub3A_664 : vector<16xi32>
    %mul3A_673 = arith.muli %sub3A_671, %sub3A_671 : vector<16xi32>
    %add3A_674 = arith.addi %mul3A_672, %mul3A_673 : vector<16xi32>
    %le3A_675 = arith.constant 9 : i32
    %le3A_676 = vector.broadcast %le3A_675 : i32 to vector<16xi32>
    %le3A_677 = arith.cmpi sle, %add3A_674, %le3A_676 : vector<16xi32>
    %ge3A_678 = arith.constant 1.000000e-01 : f32
    %ge3A_679 = vector.broadcast %ge3A_678 : f32 to vector<16xf32>
    %ge3A_680 = arith.cmpf oge, %gather3A_654, %ge3A_679 : vector<16xf32>
    %and3A_681 = arith.andi %le3A_677, %ge3A_680 : vector<16xi1>
    %ne3A_682 = arith.constant 0 : i32
    %ne3A_683 = vector.broadcast %ne3A_682 : i32 to vector<16xi32>
    %ne3A_684 = arith.cmpi ne, %get3A_650, %ne3A_683 : vector<16xi32>
    %ne3A_685 = arith.constant 0 : i32
    %ne3A_686 = vector.broadcast %ne3A_685 : i32 to vector<16xi32>
    %ne3A_687 = arith.cmpi ne, %get3A_648, %ne3A_686 : vector<16xi32>
    %and3A_688 = arith.andi %ne3A_684, %ne3A_687 : vector<16xi1>
    %ne3A_689 = arith.constant 0.000000e+00 : f32
    %ne3A_690 = vector.broadcast %ne3A_689 : f32 to vector<16xf32>
    %ne3A_691 = arith.cmpf one, %get3A_652, %ne3A_690 : vector<16xf32>
    %and3A_692 = arith.andi %ne3A_691, %and3A_681 : vector<16xi1>
    %and3A_693 = arith.andi %and3A_692, %and3A_688 : vector<16xi1>
    %broadcast_in_dim3A_694 = arith.constant -1 : i32
    %broadcast_in_dim3A_695 = vector.broadcast %broadcast_in_dim3A_694 : i32 to vector<16xi32>
    %and3A_696 = arith.constant 31 : i32
    %and3A_697 = vector.broadcast %and3A_696 : i32 to vector<16xi32>
    %and3A_698 = arith.andi %add3A_657, %and3A_697 : vector<16xi32>
    %select_n3A_699 = arith.select %and3A_693, %and3A_698, %broadcast_in_dim3A_695 : vector<16xi1>, vector<16xi32>
    %swap3A_700 = arith.constant 144 : index
    %swap3A_701 = tpu.vector_load %arg11[%swap3A_700] {strides = array<i32>} : memref<4096xi32, #tpu.memory_space<vmem>>, vector<16xi32>,
    tpu.vector_store %arg11[%swap3A_700], %select_n3A_699 {strides = array<i32>} : memref<4096xi32, #tpu.memory_space<vmem>>, vector<16xi32>,
    %shift_right_arithmetic3A_702 = arith.constant 5 : i32
    %shift_right_arithmetic3A_703 = vector.broadcast %shift_right_arithmetic3A_702 : i32 to vector<16xi32>
    %shift_right_arithmetic3A_704 = arith.shrsi %add3A_657, %shift_right_arithmetic3A_703 : vector<16xi32>
    %select_n3A_705 = arith.select %and3A_693, %shift_right_arithmetic3A_704, %broadcast_in_dim3A_695 : vector<16xi1>, vector<16xi32>
    %swap3A_706 = arith.constant 1168 : index
    %swap3A_707 = tpu.vector_load %arg11[%swap3A_706] {strides = array<i32>} : memref<4096xi32, #tpu.memory_space<vmem>>, vector<16xi32>,
    tpu.vector_store %arg11[%swap3A_706], %select_n3A_705 {strides = array<i32>} : memref<4096xi32, #tpu.memory_space<vmem>>, vector<16xi32>,
    %and3A_708 = arith.constant 31 : i32
    %and3A_709 = vector.broadcast %and3A_708 : i32 to vector<16xi32>
    %and3A_710 = arith.andi %get3A_648, %and3A_709 : vector<16xi32>
    %select_n3A_711 = arith.select %and3A_693, %and3A_710, %broadcast_in_dim3A_695 : vector<16xi1>, vector<16xi32>
    %swap3A_712 = arith.constant 2192 : index
    %swap3A_713 = tpu.vector_load %arg11[%swap3A_712] {strides = array<i32>} : memref<4096xi32, #tpu.memory_space<vmem>>, vector<16xi32>,
    tpu.vector_store %arg11[%swap3A_712], %select_n3A_711 {strides = array<i32>} : memref<4096xi32, #tpu.memory_space<vmem>>, vector<16xi32>,
    %shift_right_arithmetic3A_714 = arith.constant 5 : i32
    %shift_right_arithmetic3A_715 = vector.broadcast %shift_right_arithmetic3A_714 : i32 to vector<16xi32>
    %shift_right_arithmetic3A_716 = arith.shrsi %get3A_648, %shift_right_arithmetic3A_715 : vector<16xi32>
    %select_n3A_717 = arith.select %and3A_693, %shift_right_arithmetic3A_716, %broadcast_in_dim3A_695 : vector<16xi1>, vector<16xi32>
    %swap3A_718 = arith.constant 3216 : index
    %swap3A_719 = tpu.vector_load %arg11[%swap3A_718] {strides = array<i32>} : memref<4096xi32, #tpu.memory_space<vmem>>, vector<16xi32>,
    tpu.vector_store %arg11[%swap3A_718], %select_n3A_717 {strides = array<i32>} : memref<4096xi32, #tpu.memory_space<vmem>>, vector<16xi32>,
    %get3A_720 = arith.constant 160 : index
    %get3A_721 = tpu.vector_load %arg7[%get3A_720] {strides = array<i32>} : memref<1024xi32, #tpu.memory_space<vmem>>, vector<16xi32>,
    %get3A_722 = arith.constant 160 : index
    %get3A_723 = tpu.vector_load %arg8[%get3A_722] {strides = array<i32>} : memref<1024xi32, #tpu.memory_space<vmem>>, vector<16xi32>,
    %get3A_724 = arith.constant 160 : index
    %get3A_725 = tpu.vector_load %arg10[%get3A_724] {strides = array<i32>} : memref<1024xf32, #tpu.memory_space<vmem>>, vector<16xf32>,
    %gather3A_726 = tpu.vector_load_idx %arg8[%get3A_721] : memref<1024xi32, #tpu.memory_space<vmem>>[vector<16xi32>], vector<16xi32>,
    %gather3A_727 = tpu.vector_load_idx %arg9[%get3A_721] : memref<1024xf32, #tpu.memory_space<vmem>>[vector<16xi32>], vector<16xf32>,
    %add3A_728 = arith.constant 160 : i32
    %add3A_729 = vector.broadcast %add3A_728 : i32 to vector<16xi32>
    %add3A_730 = arith.addi %iota3A, %add3A_729 : vector<16xi32>
    %and3A_731 = arith.constant 31 : i32
    %and3A_732 = vector.broadcast %and3A_731 : i32 to vector<16xi32>
    %and3A_733 = arith.andi %gather3A_726, %and3A_732 : vector<16xi32>
    %and3A_734 = arith.constant 31 : i32
    %and3A_735 = vector.broadcast %and3A_734 : i32 to vector<16xi32>
    %and3A_736 = arith.andi %add3A_730, %and3A_735 : vector<16xi32>
    %sub3A_737 = arith.subi %and3A_733, %and3A_736 : vector<16xi32>
    %shift_right_arithmetic3A_738 = arith.constant 5 : i32
    %shift_right_arithmetic3A_739 = vector.broadcast %shift_right_arithmetic3A_738 : i32 to vector<16xi32>
    %shift_right_arithmetic3A_740 = arith.shrsi %gather3A_726, %shift_right_arithmetic3A_739 : vector<16xi32>
    %shift_right_arithmetic3A_741 = arith.constant 5 : i32
    %shift_right_arithmetic3A_742 = vector.broadcast %shift_right_arithmetic3A_741 : i32 to vector<16xi32>
    %shift_right_arithmetic3A_743 = arith.shrsi %add3A_730, %shift_right_arithmetic3A_742 : vector<16xi32>
    %sub3A_744 = arith.subi %shift_right_arithmetic3A_740, %shift_right_arithmetic3A_743 : vector<16xi32>
    %mul3A_745 = arith.muli %sub3A_737, %sub3A_737 : vector<16xi32>
    %mul3A_746 = arith.muli %sub3A_744, %sub3A_744 : vector<16xi32>
    %add3A_747 = arith.addi %mul3A_745, %mul3A_746 : vector<16xi32>
    %le3A_748 = arith.constant 9 : i32
    %le3A_749 = vector.broadcast %le3A_748 : i32 to vector<16xi32>
    %le3A_750 = arith.cmpi sle, %add3A_747, %le3A_749 : vector<16xi32>
    %ge3A_751 = arith.constant 1.000000e-01 : f32
    %ge3A_752 = vector.broadcast %ge3A_751 : f32 to vector<16xf32>
    %ge3A_753 = arith.cmpf oge, %gather3A_727, %ge3A_752 : vector<16xf32>
    %and3A_754 = arith.andi %le3A_750, %ge3A_753 : vector<16xi1>
    %ne3A_755 = arith.constant 0 : i32
    %ne3A_756 = vector.broadcast %ne3A_755 : i32 to vector<16xi32>
    %ne3A_757 = arith.cmpi ne, %get3A_723, %ne3A_756 : vector<16xi32>
    %ne3A_758 = arith.constant 0 : i32
    %ne3A_759 = vector.broadcast %ne3A_758 : i32 to vector<16xi32>
    %ne3A_760 = arith.cmpi ne, %get3A_721, %ne3A_759 : vector<16xi32>
    %and3A_761 = arith.andi %ne3A_757, %ne3A_760 : vector<16xi1>
    %ne3A_762 = arith.constant 0.000000e+00 : f32
    %ne3A_763 = vector.broadcast %ne3A_762 : f32 to vector<16xf32>
    %ne3A_764 = arith.cmpf one, %get3A_725, %ne3A_763 : vector<16xf32>
    %and3A_765 = arith.andi %ne3A_764, %and3A_754 : vector<16xi1>
    %and3A_766 = arith.andi %and3A_765, %and3A_761 : vector<16xi1>
    %broadcast_in_dim3A_767 = arith.constant -1 : i32
    %broadcast_in_dim3A_768 = vector.broadcast %broadcast_in_dim3A_767 : i32 to vector<16xi32>
    %and3A_769 = arith.constant 31 : i32
    %and3A_770 = vector.broadcast %and3A_769 : i32 to vector<16xi32>
    %and3A_771 = arith.andi %add3A_730, %and3A_770 : vector<16xi32>
    %select_n3A_772 = arith.select %and3A_766, %and3A_771, %broadcast_in_dim3A_768 : vector<16xi1>, vector<16xi32>
    %swap3A_773 = arith.constant 160 : index
    %swap3A_774 = tpu.vector_load %arg11[%swap3A_773] {strides = array<i32>} : memref<4096xi32, #tpu.memory_space<vmem>>, vector<16xi32>,
    tpu.vector_store %arg11[%swap3A_773], %select_n3A_772 {strides = array<i32>} : memref<4096xi32, #tpu.memory_space<vmem>>, vector<16xi32>,
    %shift_right_arithmetic3A_775 = arith.constant 5 : i32
    %shift_right_arithmetic3A_776 = vector.broadcast %shift_right_arithmetic3A_775 : i32 to vector<16xi32>
    %shift_right_arithmetic3A_777 = arith.shrsi %add3A_730, %shift_right_arithmetic3A_776 : vector<16xi32>
    %select_n3A_778 = arith.select %and3A_766, %shift_right_arithmetic3A_777, %broadcast_in_dim3A_768 : vector<16xi1>, vector<16xi32>
    %swap3A_779 = arith.constant 1184 : index
    %swap3A_780 = tpu.vector_load %arg11[%swap3A_779] {strides = array<i32>} : memref<4096xi32, #tpu.memory_space<vmem>>, vector<16xi32>,
    tpu.vector_store %arg11[%swap3A_779], %select_n3A_778 {strides = array<i32>} : memref<4096xi32, #tpu.memory_space<vmem>>, vector<16xi32>,
    %and3A_781 = arith.constant 31 : i32
    %and3A_782 = vector.broadcast %and3A_781 : i32 to vector<16xi32>
    %and3A_783 = arith.andi %get3A_721, %and3A_782 : vector<16xi32>
    %select_n3A_784 = arith.select %and3A_766, %and3A_783, %broadcast_in_dim3A_768 : vector<16xi1>, vector<16xi32>
    %swap3A_785 = arith.constant 2208 : index
    %swap3A_786 = tpu.vector_load %arg11[%swap3A_785] {strides = array<i32>} : memref<4096xi32, #tpu.memory_space<vmem>>, vector<16xi32>,
    tpu.vector_store %arg11[%swap3A_785], %select_n3A_784 {strides = array<i32>} : memref<4096xi32, #tpu.memory_space<vmem>>, vector<16xi32>,
    %shift_right_arithmetic3A_787 = arith.constant 5 : i32
    %shift_right_arithmetic3A_788 = vector.broadcast %shift_right_arithmetic3A_787 : i32 to vector<16xi32>
    %shift_right_arithmetic3A_789 = arith.shrsi %get3A_721, %shift_right_arithmetic3A_788 : vector<16xi32>
    %select_n3A_790 = arith.select %and3A_766, %shift_right_arithmetic3A_789, %broadcast_in_dim3A_768 : vector<16xi1>, vector<16xi32>
    %swap3A_791 = arith.constant 3232 : index
    %swap3A_792 = tpu.vector_load %arg11[%swap3A_791] {strides = array<i32>} : memref<4096xi32, #tpu.memory_space<vmem>>, vector<16xi32>,
    tpu.vector_store %arg11[%swap3A_791], %select_n3A_790 {strides = array<i32>} : memref<4096xi32, #tpu.memory_space<vmem>>, vector<16xi32>,
    %get3A_793 = arith.constant 176 : index
    %get3A_794 = tpu.vector_load %arg7[%get3A_793] {strides = array<i32>} : memref<1024xi32, #tpu.memory_space<vmem>>, vector<16xi32>,
    %get3A_795 = arith.constant 176 : index
    %get3A_796 = tpu.vector_load %arg8[%get3A_795] {strides = array<i32>} : memref<1024xi32, #tpu.memory_space<vmem>>, vector<16xi32>,
    %get3A_797 = arith.constant 176 : index
    %get3A_798 = tpu.vector_load %arg10[%get3A_797] {strides = array<i32>} : memref<1024xf32, #tpu.memory_space<vmem>>, vector<16xf32>,
    %gather3A_799 = tpu.vector_load_idx %arg8[%get3A_794] : memref<1024xi32, #tpu.memory_space<vmem>>[vector<16xi32>], vector<16xi32>,
    %gather3A_800 = tpu.vector_load_idx %arg9[%get3A_794] : memref<1024xf32, #tpu.memory_space<vmem>>[vector<16xi32>], vector<16xf32>,
    %add3A_801 = arith.constant 176 : i32
    %add3A_802 = vector.broadcast %add3A_801 : i32 to vector<16xi32>
    %add3A_803 = arith.addi %iota3A, %add3A_802 : vector<16xi32>
    %and3A_804 = arith.constant 31 : i32
    %and3A_805 = vector.broadcast %and3A_804 : i32 to vector<16xi32>
    %and3A_806 = arith.andi %gather3A_799, %and3A_805 : vector<16xi32>
    %and3A_807 = arith.constant 31 : i32
    %and3A_808 = vector.broadcast %and3A_807 : i32 to vector<16xi32>
    %and3A_809 = arith.andi %add3A_803, %and3A_808 : vector<16xi32>
    %sub3A_810 = arith.subi %and3A_806, %and3A_809 : vector<16xi32>
    %shift_right_arithmetic3A_811 = arith.constant 5 : i32
    %shift_right_arithmetic3A_812 = vector.broadcast %shift_right_arithmetic3A_811 : i32 to vector<16xi32>
    %shift_right_arithmetic3A_813 = arith.shrsi %gather3A_799, %shift_right_arithmetic3A_812 : vector<16xi32>
    %shift_right_arithmetic3A_814 = arith.constant 5 : i32
    %shift_right_arithmetic3A_815 = vector.broadcast %shift_right_arithmetic3A_814 : i32 to vector<16xi32>
    %shift_right_arithmetic3A_816 = arith.shrsi %add3A_803, %shift_right_arithmetic3A_815 : vector<16xi32>
    %sub3A_817 = arith.subi %shift_right_arithmetic3A_813, %shift_right_arithmetic3A_816 : vector<16xi32>
    %mul3A_818 = arith.muli %sub3A_810, %sub3A_810 : vector<16xi32>
    %mul3A_819 = arith.muli %sub3A_817, %sub3A_817 : vector<16xi32>
    %add3A_820 = arith.addi %mul3A_818, %mul3A_819 : vector<16xi32>
    %le3A_821 = arith.constant 9 : i32
    %le3A_822 = vector.broadcast %le3A_821 : i32 to vector<16xi32>
    %le3A_823 = arith.cmpi sle, %add3A_820, %le3A_822 : vector<16xi32>
    %ge3A_824 = arith.constant 1.000000e-01 : f32
    %ge3A_825 = vector.broadcast %ge3A_824 : f32 to vector<16xf32>
    %ge3A_826 = arith.cmpf oge, %gather3A_800, %ge3A_825 : vector<16xf32>
    %and3A_827 = arith.andi %le3A_823, %ge3A_826 : vector<16xi1>
    %ne3A_828 = arith.constant 0 : i32
    %ne3A_829 = vector.broadcast %ne3A_828 : i32 to vector<16xi32>
    %ne3A_830 = arith.cmpi ne, %get3A_796, %ne3A_829 : vector<16xi32>
    %ne3A_831 = arith.constant 0 : i32
    %ne3A_832 = vector.broadcast %ne3A_831 : i32 to vector<16xi32>
    %ne3A_833 = arith.cmpi ne, %get3A_794, %ne3A_832 : vector<16xi32>
    %and3A_834 = arith.andi %ne3A_830, %ne3A_833 : vector<16xi1>
    %ne3A_835 = arith.constant 0.000000e+00 : f32
    %ne3A_836 = vector.broadcast %ne3A_835 : f32 to vector<16xf32>
    %ne3A_837 = arith.cmpf one, %get3A_798, %ne3A_836 : vector<16xf32>
    %and3A_838 = arith.andi %ne3A_837, %and3A_827 : vector<16xi1>
    %and3A_839 = arith.andi %and3A_838, %and3A_834 : vector<16xi1>
    %broadcast_in_dim3A_840 = arith.constant -1 : i32
    %broadcast_in_dim3A_841 = vector.broadcast %broadcast_in_dim3A_840 : i32 to vector<16xi32>
    %and3A_842 = arith.constant 31 : i32
    %and3A_843 = vector.broadcast %and3A_842 : i32 to vector<16xi32>
    %and3A_844 = arith.andi %add3A_803, %and3A_843 : vector<16xi32>
    %select_n3A_845 = arith.select %and3A_839, %and3A_844, %broadcast_in_dim3A_841 : vector<16xi1>, vector<16xi32>
    %swap3A_846 = arith.constant 176 : index
    %swap3A_847 = tpu.vector_load %arg11[%swap3A_846] {strides = array<i32>} : memref<4096xi32, #tpu.memory_space<vmem>>, vector<16xi32>,
    tpu.vector_store %arg11[%swap3A_846], %select_n3A_845 {strides = array<i32>} : memref<4096xi32, #tpu.memory_space<vmem>>, vector<16xi32>,
    %shift_right_arithmetic3A_848 = arith.constant 5 : i32
    %shift_right_arithmetic3A_849 = vector.broadcast %shift_right_arithmetic3A_848 : i32 to vector<16xi32>
    %shift_right_arithmetic3A_850 = arith.shrsi %add3A_803, %shift_right_arithmetic3A_849 : vector<16xi32>
    %select_n3A_851 = arith.select %and3A_839, %shift_right_arithmetic3A_850, %broadcast_in_dim3A_841 : vector<16xi1>, vector<16xi32>
    %swap3A_852 = arith.constant 1200 : index
    %swap3A_853 = tpu.vector_load %arg11[%swap3A_852] {strides = array<i32>} : memref<4096xi32, #tpu.memory_space<vmem>>, vector<16xi32>,
    tpu.vector_store %arg11[%swap3A_852], %select_n3A_851 {strides = array<i32>} : memref<4096xi32, #tpu.memory_space<vmem>>, vector<16xi32>,
    %and3A_854 = arith.constant 31 : i32
    %and3A_855 = vector.broadcast %and3A_854 : i32 to vector<16xi32>
    %and3A_856 = arith.andi %get3A_794, %and3A_855 : vector<16xi32>
    %select_n3A_857 = arith.select %and3A_839, %and3A_856, %broadcast_in_dim3A_841 : vector<16xi1>, vector<16xi32>
    %swap3A_858 = arith.constant 2224 : index
    %swap3A_859 = tpu.vector_load %arg11[%swap3A_858] {strides = array<i32>} : memref<4096xi32, #tpu.memory_space<vmem>>, vector<16xi32>,
    tpu.vector_store %arg11[%swap3A_858], %select_n3A_857 {strides = array<i32>} : memref<4096xi32, #tpu.memory_space<vmem>>, vector<16xi32>,
    %shift_right_arithmetic3A_860 = arith.constant 5 : i32
    %shift_right_arithmetic3A_861 = vector.broadcast %shift_right_arithmetic3A_860 : i32 to vector<16xi32>
    %shift_right_arithmetic3A_862 = arith.shrsi %get3A_794, %shift_right_arithmetic3A_861 : vector<16xi32>
    %select_n3A_863 = arith.select %and3A_839, %shift_right_arithmetic3A_862, %broadcast_in_dim3A_841 : vector<16xi1>, vector<16xi32>
    %swap3A_864 = arith.constant 3248 : index
    %swap3A_865 = tpu.vector_load %arg11[%swap3A_864] {strides = array<i32>} : memref<4096xi32, #tpu.memory_space<vmem>>, vector<16xi32>,
    tpu.vector_store %arg11[%swap3A_864], %select_n3A_863 {strides = array<i32>} : memref<4096xi32, #tpu.memory_space<vmem>>, vector<16xi32>,
    %get3A_866 = arith.constant 192 : index
    %get3A_867 = tpu.vector_load %arg7[%get3A_866] {strides = array<i32>} : memref<1024xi32, #tpu.memory_space<vmem>>, vector<16xi32>,
    %get3A_868 = arith.constant 192 : index
    %get3A_869 = tpu.vector_load %arg8[%get3A_868] {strides = array<i32>} : memref<1024xi32, #tpu.memory_space<vmem>>, vector<16xi32>,
    %get3A_870 = arith.constant 192 : index
    %get3A_871 = tpu.vector_load %arg10[%get3A_870] {strides = array<i32>} : memref<1024xf32, #tpu.memory_space<vmem>>, vector<16xf32>,
    %gather3A_872 = tpu.vector_load_idx %arg8[%get3A_867] : memref<1024xi32, #tpu.memory_space<vmem>>[vector<16xi32>], vector<16xi32>,
    %gather3A_873 = tpu.vector_load_idx %arg9[%get3A_867] : memref<1024xf32, #tpu.memory_space<vmem>>[vector<16xi32>], vector<16xf32>,
    %add3A_874 = arith.constant 192 : i32
    %add3A_875 = vector.broadcast %add3A_874 : i32 to vector<16xi32>
    %add3A_876 = arith.addi %iota3A, %add3A_875 : vector<16xi32>
    %and3A_877 = arith.constant 31 : i32
    %and3A_878 = vector.broadcast %and3A_877 : i32 to vector<16xi32>
    %and3A_879 = arith.andi %gather3A_872, %and3A_878 : vector<16xi32>
    %and3A_880 = arith.constant 31 : i32
    %and3A_881 = vector.broadcast %and3A_880 : i32 to vector<16xi32>
    %and3A_882 = arith.andi %add3A_876, %and3A_881 : vector<16xi32>
    %sub3A_883 = arith.subi %and3A_879, %and3A_882 : vector<16xi32>
    %shift_right_arithmetic3A_884 = arith.constant 5 : i32
    %shift_right_arithmetic3A_885 = vector.broadcast %shift_right_arithmetic3A_884 : i32 to vector<16xi32>
    %shift_right_arithmetic3A_886 = arith.shrsi %gather3A_872, %shift_right_arithmetic3A_885 : vector<16xi32>
    %shift_right_arithmetic3A_887 = arith.constant 5 : i32
    %shift_right_arithmetic3A_888 = vector.broadcast %shift_right_arithmetic3A_887 : i32 to vector<16xi32>
    %shift_right_arithmetic3A_889 = arith.shrsi %add3A_876, %shift_right_arithmetic3A_888 : vector<16xi32>
    %sub3A_890 = arith.subi %shift_right_arithmetic3A_886, %shift_right_arithmetic3A_889 : vector<16xi32>
    %mul3A_891 = arith.muli %sub3A_883, %sub3A_883 : vector<16xi32>
    %mul3A_892 = arith.muli %sub3A_890, %sub3A_890 : vector<16xi32>
    %add3A_893 = arith.addi %mul3A_891, %mul3A_892 : vector<16xi32>
    %le3A_894 = arith.constant 9 : i32
    %le3A_895 = vector.broadcast %le3A_894 : i32 to vector<16xi32>
    %le3A_896 = arith.cmpi sle, %add3A_893, %le3A_895 : vector<16xi32>
    %ge3A_897 = arith.constant 1.000000e-01 : f32
    %ge3A_898 = vector.broadcast %ge3A_897 : f32 to vector<16xf32>
    %ge3A_899 = arith.cmpf oge, %gather3A_873, %ge3A_898 : vector<16xf32>
    %and3A_900 = arith.andi %le3A_896, %ge3A_899 : vector<16xi1>
    %ne3A_901 = arith.constant 0 : i32
    %ne3A_902 = vector.broadcast %ne3A_901 : i32 to vector<16xi32>
    %ne3A_903 = arith.cmpi ne, %get3A_869, %ne3A_902 : vector<16xi32>
    %ne3A_904 = arith.constant 0 : i32
    %ne3A_905 = vector.broadcast %ne3A_904 : i32 to vector<16xi32>
    %ne3A_906 = arith.cmpi ne, %get3A_867, %ne3A_905 : vector<16xi32>
    %and3A_907 = arith.andi %ne3A_903, %ne3A_906 : vector<16xi1>
    %ne3A_908 = arith.constant 0.000000e+00 : f32
    %ne3A_909 = vector.broadcast %ne3A_908 : f32 to vector<16xf32>
    %ne3A_910 = arith.cmpf one, %get3A_871, %ne3A_909 : vector<16xf32>
    %and3A_911 = arith.andi %ne3A_910, %and3A_900 : vector<16xi1>
    %and3A_912 = arith.andi %and3A_911, %and3A_907 : vector<16xi1>
    %broadcast_in_dim3A_913 = arith.constant -1 : i32
    %broadcast_in_dim3A_914 = vector.broadcast %broadcast_in_dim3A_913 : i32 to vector<16xi32>
    %and3A_915 = arith.constant 31 : i32
    %and3A_916 = vector.broadcast %and3A_915 : i32 to vector<16xi32>
    %and3A_917 = arith.andi %add3A_876, %and3A_916 : vector<16xi32>
    %select_n3A_918 = arith.select %and3A_912, %and3A_917, %broadcast_in_dim3A_914 : vector<16xi1>, vector<16xi32>
    %swap3A_919 = arith.constant 192 : index
    %swap3A_920 = tpu.vector_load %arg11[%swap3A_919] {strides = array<i32>} : memref<4096xi32, #tpu.memory_space<vmem>>, vector<16xi32>,
    tpu.vector_store %arg11[%swap3A_919], %select_n3A_918 {strides = array<i32>} : memref<4096xi32, #tpu.memory_space<vmem>>, vector<16xi32>,
    %shift_right_arithmetic3A_921 = arith.constant 5 : i32
    %shift_right_arithmetic3A_922 = vector.broadcast %shift_right_arithmetic3A_921 : i32 to vector<16xi32>
    %shift_right_arithmetic3A_923 = arith.shrsi %add3A_876, %shift_right_arithmetic3A_922 : vector<16xi32>
    %select_n3A_924 = arith.select %and3A_912, %shift_right_arithmetic3A_923, %broadcast_in_dim3A_914 : vector<16xi1>, vector<16xi32>
    %swap3A_925 = arith.constant 1216 : index
    %swap3A_926 = tpu.vector_load %arg11[%swap3A_925] {strides = array<i32>} : memref<4096xi32, #tpu.memory_space<vmem>>, vector<16xi32>,
    tpu.vector_store %arg11[%swap3A_925], %select_n3A_924 {strides = array<i32>} : memref<4096xi32, #tpu.memory_space<vmem>>, vector<16xi32>,
    %and3A_927 = arith.constant 31 : i32
    %and3A_928 = vector.broadcast %and3A_927 : i32 to vector<16xi32>
    %and3A_929 = arith.andi %get3A_867, %and3A_928 : vector<16xi32>
    %select_n3A_930 = arith.select %and3A_912, %and3A_929, %broadcast_in_dim3A_914 : vector<16xi1>, vector<16xi32>
    %swap3A_931 = arith.constant 2240 : index
    %swap3A_932 = tpu.vector_load %arg11[%swap3A_931] {strides = array<i32>} : memref<4096xi32, #tpu.memory_space<vmem>>, vector<16xi32>,
    tpu.vector_store %arg11[%swap3A_931], %select_n3A_930 {strides = array<i32>} : memref<4096xi32, #tpu.memory_space<vmem>>, vector<16xi32>,
    %shift_right_arithmetic3A_933 = arith.constant 5 : i32
    %shift_right_arithmetic3A_934 = vector.broadcast %shift_right_arithmetic3A_933 : i32 to vector<16xi32>
    %shift_right_arithmetic3A_935 = arith.shrsi %get3A_867, %shift_right_arithmetic3A_934 : vector<16xi32>
    %select_n3A_936 = arith.select %and3A_912, %shift_right_arithmetic3A_935, %broadcast_in_dim3A_914 : vector<16xi1>, vector<16xi32>
    %swap3A_937 = arith.constant 3264 : index
    %swap3A_938 = tpu.vector_load %arg11[%swap3A_937] {strides = array<i32>} : memref<4096xi32, #tpu.memory_space<vmem>>, vector<16xi32>,
    tpu.vector_store %arg11[%swap3A_937], %select_n3A_936 {strides = array<i32>} : memref<4096xi32, #tpu.memory_space<vmem>>, vector<16xi32>,
    %get3A_939 = arith.constant 208 : index
    %get3A_940 = tpu.vector_load %arg7[%get3A_939] {strides = array<i32>} : memref<1024xi32, #tpu.memory_space<vmem>>, vector<16xi32>,
    %get3A_941 = arith.constant 208 : index
    %get3A_942 = tpu.vector_load %arg8[%get3A_941] {strides = array<i32>} : memref<1024xi32, #tpu.memory_space<vmem>>, vector<16xi32>,
    %get3A_943 = arith.constant 208 : index
    %get3A_944 = tpu.vector_load %arg10[%get3A_943] {strides = array<i32>} : memref<1024xf32, #tpu.memory_space<vmem>>, vector<16xf32>,
    %gather3A_945 = tpu.vector_load_idx %arg8[%get3A_940] : memref<1024xi32, #tpu.memory_space<vmem>>[vector<16xi32>], vector<16xi32>,
    %gather3A_946 = tpu.vector_load_idx %arg9[%get3A_940] : memref<1024xf32, #tpu.memory_space<vmem>>[vector<16xi32>], vector<16xf32>,
    %add3A_947 = arith.constant 208 : i32
    %add3A_948 = vector.broadcast %add3A_947 : i32 to vector<16xi32>
    %add3A_949 = arith.addi %iota3A, %add3A_948 : vector<16xi32>
    %and3A_950 = arith.constant 31 : i32
    %and3A_951 = vector.broadcast %and3A_950 : i32 to vector<16xi32>
    %and3A_952 = arith.andi %gather3A_945, %and3A_951 : vector<16xi32>
    %and3A_953 = arith.constant 31 : i32
    %and3A_954 = vector.broadcast %and3A_953 : i32 to vector<16xi32>
    %and3A_955 = arith.andi %add3A_949, %and3A_954 : vector<16xi32>
    %sub3A_956 = arith.subi %and3A_952, %and3A_955 : vector<16xi32>
    %shift_right_arithmetic3A_957 = arith.constant 5 : i32
    %shift_right_arithmetic3A_958 = vector.broadcast %shift_right_arithmetic3A_957 : i32 to vector<16xi32>
    %shift_right_arithmetic3A_959 = arith.shrsi %gather3A_945, %shift_right_arithmetic3A_958 : vector<16xi32>
    %shift_right_arithmetic3A_960 = arith.constant 5 : i32
    %shift_right_arithmetic3A_961 = vector.broadcast %shift_right_arithmetic3A_960 : i32 to vector<16xi32>
    %shift_right_arithmetic3A_962 = arith.shrsi %add3A_949, %shift_right_arithmetic3A_961 : vector<16xi32>
    %sub3A_963 = arith.subi %shift_right_arithmetic3A_959, %shift_right_arithmetic3A_962 : vector<16xi32>
    %mul3A_964 = arith.muli %sub3A_956, %sub3A_956 : vector<16xi32>
    %mul3A_965 = arith.muli %sub3A_963, %sub3A_963 : vector<16xi32>
    %add3A_966 = arith.addi %mul3A_964, %mul3A_965 : vector<16xi32>
    %le3A_967 = arith.constant 9 : i32
    %le3A_968 = vector.broadcast %le3A_967 : i32 to vector<16xi32>
    %le3A_969 = arith.cmpi sle, %add3A_966, %le3A_968 : vector<16xi32>
    %ge3A_970 = arith.constant 1.000000e-01 : f32
    %ge3A_971 = vector.broadcast %ge3A_970 : f32 to vector<16xf32>
    %ge3A_972 = arith.cmpf oge, %gather3A_946, %ge3A_971 : vector<16xf32>
    %and3A_973 = arith.andi %le3A_969, %ge3A_972 : vector<16xi1>
    %ne3A_974 = arith.constant 0 : i32
    %ne3A_975 = vector.broadcast %ne3A_974 : i32 to vector<16xi32>
    %ne3A_976 = arith.cmpi ne, %get3A_942, %ne3A_975 : vector<16xi32>
    %ne3A_977 = arith.constant 0 : i32
    %ne3A_978 = vector.broadcast %ne3A_977 : i32 to vector<16xi32>
    %ne3A_979 = arith.cmpi ne, %get3A_940, %ne3A_978 : vector<16xi32>
    %and3A_980 = arith.andi %ne3A_976, %ne3A_979 : vector<16xi1>
    %ne3A_981 = arith.constant 0.000000e+00 : f32
    %ne3A_982 = vector.broadcast %ne3A_981 : f32 to vector<16xf32>
    %ne3A_983 = arith.cmpf one, %get3A_944, %ne3A_982 : vector<16xf32>
    %and3A_984 = arith.andi %ne3A_983, %and3A_973 : vector<16xi1>
    %and3A_985 = arith.andi %and3A_984, %and3A_980 : vector<16xi1>
    %broadcast_in_dim3A_986 = arith.constant -1 : i32
    %broadcast_in_dim3A_987 = vector.broadcast %broadcast_in_dim3A_986 : i32 to vector<16xi32>
    %and3A_988 = arith.constant 31 : i32
    %and3A_989 = vector.broadcast %and3A_988 : i32 to vector<16xi32>
    %and3A_990 = arith.andi %add3A_949, %and3A_989 : vector<16xi32>
    %select_n3A_991 = arith.select %and3A_985, %and3A_990, %broadcast_in_dim3A_987 : vector<16xi1>, vector<16xi32>
    %swap3A_992 = arith.constant 208 : index
    %swap3A_993 = tpu.vector_load %arg11[%swap3A_992] {strides = array<i32>} : memref<4096xi32, #tpu.memory_space<vmem>>, vector<16xi32>,
    tpu.vector_store %arg11[%swap3A_992], %select_n3A_991 {strides = array<i32>} : memref<4096xi32, #tpu.memory_space<vmem>>, vector<16xi32>,
    %shift_right_arithmetic3A_994 = arith.constant 5 : i32
    %shift_right_arithmetic3A_995 = vector.broadcast %shift_right_arithmetic3A_994 : i32 to vector<16xi32>
    %shift_right_arithmetic3A_996 = arith.shrsi %add3A_949, %shift_right_arithmetic3A_995 : vector<16xi32>
    %select_n3A_997 = arith.select %and3A_985, %shift_right_arithmetic3A_996, %broadcast_in_dim3A_987 : vector<16xi1>, vector<16xi32>
    %swap3A_998 = arith.constant 1232 : index
    %swap3A_999 = tpu.vector_load %arg11[%swap3A_998] {strides = array<i32>} : memref<4096xi32, #tpu.memory_space<vmem>>, vector<16xi32>,
    tpu.vector_store %arg11[%swap3A_998], %select_n3A_997 {strides = array<i32>} : memref<4096xi32, #tpu.memory_space<vmem>>, vector<16xi32>,
    %and3A_1000 = arith.constant 31 : i32
    %and3A_1001 = vector.broadcast %and3A_1000 : i32 to vector<16xi32>
    %and3A_1002 = arith.andi %get3A_940, %and3A_1001 : vector<16xi32>
    %select_n3A_1003 = arith.select %and3A_985, %and3A_1002, %broadcast_in_dim3A_987 : vector<16xi1>, vector<16xi32>
    %swap3A_1004 = arith.constant 2256 : index
    %swap3A_1005 = tpu.vector_load %arg11[%swap3A_1004] {strides = array<i32>} : memref<4096xi32, #tpu.memory_space<vmem>>, vector<16xi32>,
    tpu.vector_store %arg11[%swap3A_1004], %select_n3A_1003 {strides = array<i32>} : memref<4096xi32, #tpu.memory_space<vmem>>, vector<16xi32>,
    %shift_right_arithmetic3A_1006 = arith.constant 5 : i32
    %shift_right_arithmetic3A_1007 = vector.broadcast %shift_right_arithmetic3A_1006 : i32 to vector<16xi32>
    %shift_right_arithmetic3A_1008 = arith.shrsi %get3A_940, %shift_right_arithmetic3A_1007 : vector<16xi32>
    %select_n3A_1009 = arith.select %and3A_985, %shift_right_arithmetic3A_1008, %broadcast_in_dim3A_987 : vector<16xi1>, vector<16xi32>
    %swap3A_1010 = arith.constant 3280 : index
    %swap3A_1011 = tpu.vector_load %arg11[%swap3A_1010] {strides = array<i32>} : memref<4096xi32, #tpu.memory_space<vmem>>, vector<16xi32>,
    tpu.vector_store %arg11[%swap3A_1010], %select_n3A_1009 {strides = array<i32>} : memref<4096xi32, #tpu.memory_space<vmem>>, vector<16xi32>,
    %get3A_1012 = arith.constant 224 : index
    %get3A_1013 = tpu.vector_load %arg7[%get3A_1012] {strides = array<i32>} : memref<1024xi32, #tpu.memory_space<vmem>>, vector<16xi32>,
    %get3A_1014 = arith.constant 224 : index
    %get3A_1015 = tpu.vector_load %arg8[%get3A_1014] {strides = array<i32>} : memref<1024xi32, #tpu.memory_space<vmem>>, vector<16xi32>,
    %get3A_1016 = arith.constant 224 : index
    %get3A_1017 = tpu.vector_load %arg10[%get3A_1016] {strides = array<i32>} : memref<1024xf32, #tpu.memory_space<vmem>>, vector<16xf32>,
    %gather3A_1018 = tpu.vector_load_idx %arg8[%get3A_1013] : memref<1024xi32, #tpu.memory_space<vmem>>[vector<16xi32>], vector<16xi32>,
    %gather3A_1019 = tpu.vector_load_idx %arg9[%get3A_1013] : memref<1024xf32, #tpu.memory_space<vmem>>[vector<16xi32>], vector<16xf32>,
    %add3A_1020 = arith.constant 224 : i32
    %add3A_1021 = vector.broadcast %add3A_1020 : i32 to vector<16xi32>
    %add3A_1022 = arith.addi %iota3A, %add3A_1021 : vector<16xi32>
    %and3A_1023 = arith.constant 31 : i32
    %and3A_1024 = vector.broadcast %and3A_1023 : i32 to vector<16xi32>
    %and3A_1025 = arith.andi %gather3A_1018, %and3A_1024 : vector<16xi32>
    %and3A_1026 = arith.constant 31 : i32
    %and3A_1027 = vector.broadcast %and3A_1026 : i32 to vector<16xi32>
    %and3A_1028 = arith.andi %add3A_1022, %and3A_1027 : vector<16xi32>
    %sub3A_1029 = arith.subi %and3A_1025, %and3A_1028 : vector<16xi32>
    %shift_right_arithmetic3A_1030 = arith.constant 5 : i32
    %shift_right_arithmetic3A_1031 = vector.broadcast %shift_right_arithmetic3A_1030 : i32 to vector<16xi32>
    %shift_right_arithmetic3A_1032 = arith.shrsi %gather3A_1018, %shift_right_arithmetic3A_1031 : vector<16xi32>
    %shift_right_arithmetic3A_1033 = arith.constant 5 : i32
    %shift_right_arithmetic3A_1034 = vector.broadcast %shift_right_arithmetic3A_1033 : i32 to vector<16xi32>
    %shift_right_arithmetic3A_1035 = arith.shrsi %add3A_1022, %shift_right_arithmetic3A_1034 : vector<16xi32>
    %sub3A_1036 = arith.subi %shift_right_arithmetic3A_1032, %shift_right_arithmetic3A_1035 : vector<16xi32>
    %mul3A_1037 = arith.muli %sub3A_1029, %sub3A_1029 : vector<16xi32>
    %mul3A_1038 = arith.muli %sub3A_1036, %sub3A_1036 : vector<16xi32>
    %add3A_1039 = arith.addi %mul3A_1037, %mul3A_1038 : vector<16xi32>
    %le3A_1040 = arith.constant 9 : i32
    %le3A_1041 = vector.broadcast %le3A_1040 : i32 to vector<16xi32>
    %le3A_1042 = arith.cmpi sle, %add3A_1039, %le3A_1041 : vector<16xi32>
    %ge3A_1043 = arith.constant 1.000000e-01 : f32
    %ge3A_1044 = vector.broadcast %ge3A_1043 : f32 to vector<16xf32>
    %ge3A_1045 = arith.cmpf oge, %gather3A_1019, %ge3A_1044 : vector<16xf32>
    %and3A_1046 = arith.andi %le3A_1042, %ge3A_1045 : vector<16xi1>
    %ne3A_1047 = arith.constant 0 : i32
    %ne3A_1048 = vector.broadcast %ne3A_1047 : i32 to vector<16xi32>
    %ne3A_1049 = arith.cmpi ne, %get3A_1015, %ne3A_1048 : vector<16xi32>
    %ne3A_1050 = arith.constant 0 : i32
    %ne3A_1051 = vector.broadcast %ne3A_1050 : i32 to vector<16xi32>
    %ne3A_1052 = arith.cmpi ne, %get3A_1013, %ne3A_1051 : vector<16xi32>
    %and3A_1053 = arith.andi %ne3A_1049, %ne3A_1052 : vector<16xi1>
    %ne3A_1054 = arith.constant 0.000000e+00 : f32
    %ne3A_1055 = vector.broadcast %ne3A_1054 : f32 to vector<16xf32>
    %ne3A_1056 = arith.cmpf one, %get3A_1017, %ne3A_1055 : vector<16xf32>
    %and3A_1057 = arith.andi %ne3A_1056, %and3A_1046 : vector<16xi1>
    %and3A_1058 = arith.andi %and3A_1057, %and3A_1053 : vector<16xi1>
    %broadcast_in_dim3A_1059 = arith.constant -1 : i32
    %broadcast_in_dim3A_1060 = vector.broadcast %broadcast_in_dim3A_1059 : i32 to vector<16xi32>
    %and3A_1061 = arith.constant 31 : i32
    %and3A_1062 = vector.broadcast %and3A_1061 : i32 to vector<16xi32>
    %and3A_1063 = arith.andi %add3A_1022, %and3A_1062 : vector<16xi32>
    %select_n3A_1064 = arith.select %and3A_1058, %and3A_1063, %broadcast_in_dim3A_1060 : vector<16xi1>, vector<16xi32>
    %swap3A_1065 = arith.constant 224 : index
    %swap3A_1066 = tpu.vector_load %arg11[%swap3A_1065] {strides = array<i32>} : memref<4096xi32, #tpu.memory_space<vmem>>, vector<16xi32>,
    tpu.vector_store %arg11[%swap3A_1065], %select_n3A_1064 {strides = array<i32>} : memref<4096xi32, #tpu.memory_space<vmem>>, vector<16xi32>,
    %shift_right_arithmetic3A_1067 = arith.constant 5 : i32
    %shift_right_arithmetic3A_1068 = vector.broadcast %shift_right_arithmetic3A_1067 : i32 to vector<16xi32>
    %shift_right_arithmetic3A_1069 = arith.shrsi %add3A_1022, %shift_right_arithmetic3A_1068 : vector<16xi32>
    %select_n3A_1070 = arith.select %and3A_1058, %shift_right_arithmetic3A_1069, %broadcast_in_dim3A_1060 : vector<16xi1>, vector<16xi32>
    %swap3A_1071 = arith.constant 1248 : index
    %swap3A_1072 = tpu.vector_load %arg11[%swap3A_1071] {strides = array<i32>} : memref<4096xi32, #tpu.memory_space<vmem>>, vector<16xi32>,
    tpu.vector_store %arg11[%swap3A_1071], %select_n3A_1070 {strides = array<i32>} : memref<4096xi32, #tpu.memory_space<vmem>>, vector<16xi32>,
    %and3A_1073 = arith.constant 31 : i32
    %and3A_1074 = vector.broadcast %and3A_1073 : i32 to vector<16xi32>
    %and3A_1075 = arith.andi %get3A_1013, %and3A_1074 : vector<16xi32>
    %select_n3A_1076 = arith.select %and3A_1058, %and3A_1075, %broadcast_in_dim3A_1060 : vector<16xi1>, vector<16xi32>
    %swap3A_1077 = arith.constant 2272 : index
    %swap3A_1078 = tpu.vector_load %arg11[%swap3A_1077] {strides = array<i32>} : memref<4096xi32, #tpu.memory_space<vmem>>, vector<16xi32>,
    tpu.vector_store %arg11[%swap3A_1077], %select_n3A_1076 {strides = array<i32>} : memref<4096xi32, #tpu.memory_space<vmem>>, vector<16xi32>,
    %shift_right_arithmetic3A_1079 = arith.constant 5 : i32
    %shift_right_arithmetic3A_1080 = vector.broadcast %shift_right_arithmetic3A_1079 : i32 to vector<16xi32>
    %shift_right_arithmetic3A_1081 = arith.shrsi %get3A_1013, %shift_right_arithmetic3A_1080 : vector<16xi32>
    %select_n3A_1082 = arith.select %and3A_1058, %shift_right_arithmetic3A_1081, %broadcast_in_dim3A_1060 : vector<16xi1>, vector<16xi32>
    %swap3A_1083 = arith.constant 3296 : index
    %swap3A_1084 = tpu.vector_load %arg11[%swap3A_1083] {strides = array<i32>} : memref<4096xi32, #tpu.memory_space<vmem>>, vector<16xi32>,
    tpu.vector_store %arg11[%swap3A_1083], %select_n3A_1082 {strides = array<i32>} : memref<4096xi32, #tpu.memory_space<vmem>>, vector<16xi32>,
    %get3A_1085 = arith.constant 240 : index
    %get3A_1086 = tpu.vector_load %arg7[%get3A_1085] {strides = array<i32>} : memref<1024xi32, #tpu.memory_space<vmem>>, vector<16xi32>,
    %get3A_1087 = arith.constant 240 : index
    %get3A_1088 = tpu.vector_load %arg8[%get3A_1087] {strides = array<i32>} : memref<1024xi32, #tpu.memory_space<vmem>>, vector<16xi32>,
    %get3A_1089 = arith.constant 240 : index
    %get3A_1090 = tpu.vector_load %arg10[%get3A_1089] {strides = array<i32>} : memref<1024xf32, #tpu.memory_space<vmem>>, vector<16xf32>,
    %gather3A_1091 = tpu.vector_load_idx %arg8[%get3A_1086] : memref<1024xi32, #tpu.memory_space<vmem>>[vector<16xi32>], vector<16xi32>,
    %gather3A_1092 = tpu.vector_load_idx %arg9[%get3A_1086] : memref<1024xf32, #tpu.memory_space<vmem>>[vector<16xi32>], vector<16xf32>,
    %add3A_1093 = arith.constant 240 : i32
    %add3A_1094 = vector.broadcast %add3A_1093 : i32 to vector<16xi32>
    %add3A_1095 = arith.addi %iota3A, %add3A_1094 : vector<16xi32>
    %and3A_1096 = arith.constant 31 : i32
    %and3A_1097 = vector.broadcast %and3A_1096 : i32 to vector<16xi32>
    %and3A_1098 = arith.andi %gather3A_1091, %and3A_1097 : vector<16xi32>
    %and3A_1099 = arith.constant 31 : i32
    %and3A_1100 = vector.broadcast %and3A_1099 : i32 to vector<16xi32>
    %and3A_1101 = arith.andi %add3A_1095, %and3A_1100 : vector<16xi32>
    %sub3A_1102 = arith.subi %and3A_1098, %and3A_1101 : vector<16xi32>
    %shift_right_arithmetic3A_1103 = arith.constant 5 : i32
    %shift_right_arithmetic3A_1104 = vector.broadcast %shift_right_arithmetic3A_1103 : i32 to vector<16xi32>
    %shift_right_arithmetic3A_1105 = arith.shrsi %gather3A_1091, %shift_right_arithmetic3A_1104 : vector<16xi32>
    %shift_right_arithmetic3A_1106 = arith.constant 5 : i32
    %shift_right_arithmetic3A_1107 = vector.broadcast %shift_right_arithmetic3A_1106 : i32 to vector<16xi32>
    %shift_right_arithmetic3A_1108 = arith.shrsi %add3A_1095, %shift_right_arithmetic3A_1107 : vector<16xi32>
    %sub3A_1109 = arith.subi %shift_right_arithmetic3A_1105, %shift_right_arithmetic3A_1108 : vector<16xi32>
    %mul3A_1110 = arith.muli %sub3A_1102, %sub3A_1102 : vector<16xi32>
    %mul3A_1111 = arith.muli %sub3A_1109, %sub3A_1109 : vector<16xi32>
    %add3A_1112 = arith.addi %mul3A_1110, %mul3A_1111 : vector<16xi32>
    %le3A_1113 = arith.constant 9 : i32
    %le3A_1114 = vector.broadcast %le3A_1113 : i32 to vector<16xi32>
    %le3A_1115 = arith.cmpi sle, %add3A_1112, %le3A_1114 : vector<16xi32>
    %ge3A_1116 = arith.constant 1.000000e-01 : f32
    %ge3A_1117 = vector.broadcast %ge3A_1116 : f32 to vector<16xf32>
    %ge3A_1118 = arith.cmpf oge, %gather3A_1092, %ge3A_1117 : vector<16xf32>
    %and3A_1119 = arith.andi %le3A_1115, %ge3A_1118 : vector<16xi1>
    %ne3A_1120 = arith.constant 0 : i32
    %ne3A_1121 = vector.broadcast %ne3A_1120 : i32 to vector<16xi32>
    %ne3A_1122 = arith.cmpi ne, %get3A_1088, %ne3A_1121 : vector<16xi32>
    %ne3A_1123 = arith.constant 0 : i32
    %ne3A_1124 = vector.broadcast %ne3A_1123 : i32 to vector<16xi32>
    %ne3A_1125 = arith.cmpi ne, %get3A_1086, %ne3A_1124 : vector<16xi32>
    %and3A_1126 = arith.andi %ne3A_1122, %ne3A_1125 : vector<16xi1>
    %ne3A_1127 = arith.constant 0.000000e+00 : f32
    %ne3A_1128 = vector.broadcast %ne3A_1127 : f32 to vector<16xf32>
    %ne3A_1129 = arith.cmpf one, %get3A_1090, %ne3A_1128 : vector<16xf32>
    %and3A_1130 = arith.andi %ne3A_1129, %and3A_1119 : vector<16xi1>
    %and3A_1131 = arith.andi %and3A_1130, %and3A_1126 : vector<16xi1>
    %broadcast_in_dim3A_1132 = arith.constant -1 : i32
    %broadcast_in_dim3A_1133 = vector.broadcast %broadcast_in_dim3A_1132 : i32 to vector<16xi32>
    %and3A_1134 = arith.constant 31 : i32
    %and3A_1135 = vector.broadcast %and3A_1134 : i32 to vector<16xi32>
    %and3A_1136 = arith.andi %add3A_1095, %and3A_1135 : vector<16xi32>
    %select_n3A_1137 = arith.select %and3A_1131, %and3A_1136, %broadcast_in_dim3A_1133 : vector<16xi1>, vector<16xi32>
    %swap3A_1138 = arith.constant 240 : index
    %swap3A_1139 = tpu.vector_load %arg11[%swap3A_1138] {strides = array<i32>} : memref<4096xi32, #tpu.memory_space<vmem>>, vector<16xi32>,
    tpu.vector_store %arg11[%swap3A_1138], %select_n3A_1137 {strides = array<i32>} : memref<4096xi32, #tpu.memory_space<vmem>>, vector<16xi32>,
    %shift_right_arithmetic3A_1140 = arith.constant 5 : i32
    %shift_right_arithmetic3A_1141 = vector.broadcast %shift_right_arithmetic3A_1140 : i32 to vector<16xi32>
    %shift_right_arithmetic3A_1142 = arith.shrsi %add3A_1095, %shift_right_arithmetic3A_1141 : vector<16xi32>
    %select_n3A_1143 = arith.select %and3A_1131, %shift_right_arithmetic3A_1142, %broadcast_in_dim3A_1133 : vector<16xi1>, vector<16xi32>
    %swap3A_1144 = arith.constant 1264 : index
    %swap3A_1145 = tpu.vector_load %arg11[%swap3A_1144] {strides = array<i32>} : memref<4096xi32, #tpu.memory_space<vmem>>, vector<16xi32>,
    tpu.vector_store %arg11[%swap3A_1144], %select_n3A_1143 {strides = array<i32>} : memref<4096xi32, #tpu.memory_space<vmem>>, vector<16xi32>,
    %and3A_1146 = arith.constant 31 : i32
    %and3A_1147 = vector.broadcast %and3A_1146 : i32 to vector<16xi32>
    %and3A_1148 = arith.andi %get3A_1086, %and3A_1147 : vector<16xi32>
    %select_n3A_1149 = arith.select %and3A_1131, %and3A_1148, %broadcast_in_dim3A_1133 : vector<16xi1>, vector<16xi32>
    %swap3A_1150 = arith.constant 2288 : index
    %swap3A_1151 = tpu.vector_load %arg11[%swap3A_1150] {strides = array<i32>} : memref<4096xi32, #tpu.memory_space<vmem>>, vector<16xi32>,
    tpu.vector_store %arg11[%swap3A_1150], %select_n3A_1149 {strides = array<i32>} : memref<4096xi32, #tpu.memory_space<vmem>>, vector<16xi32>,
    %shift_right_arithmetic3A_1152 = arith.constant 5 : i32
    %shift_right_arithmetic3A_1153 = vector.broadcast %shift_right_arithmetic3A_1152 : i32 to vector<16xi32>
    %shift_right_arithmetic3A_1154 = arith.shrsi %get3A_1086, %shift_right_arithmetic3A_1153 : vector<16xi32>
    %select_n3A_1155 = arith.select %and3A_1131, %shift_right_arithmetic3A_1154, %broadcast_in_dim3A_1133 : vector<16xi1>, vector<16xi32>
    %swap3A_1156 = arith.constant 3312 : index
    %swap3A_1157 = tpu.vector_load %arg11[%swap3A_1156] {strides = array<i32>} : memref<4096xi32, #tpu.memory_space<vmem>>, vector<16xi32>,
    tpu.vector_store %arg11[%swap3A_1156], %select_n3A_1155 {strides = array<i32>} : memref<4096xi32, #tpu.memory_space<vmem>>, vector<16xi32>,
    %get3A_1158 = arith.constant 256 : index
    %get3A_1159 = tpu.vector_load %arg7[%get3A_1158] {strides = array<i32>} : memref<1024xi32, #tpu.memory_space<vmem>>, vector<16xi32>,
    %get3A_1160 = arith.constant 256 : index
    %get3A_1161 = tpu.vector_load %arg8[%get3A_1160] {strides = array<i32>} : memref<1024xi32, #tpu.memory_space<vmem>>, vector<16xi32>,
    %get3A_1162 = arith.constant 256 : index
    %get3A_1163 = tpu.vector_load %arg10[%get3A_1162] {strides = array<i32>} : memref<1024xf32, #tpu.memory_space<vmem>>, vector<16xf32>,
    %gather3A_1164 = tpu.vector_load_idx %arg8[%get3A_1159] : memref<1024xi32, #tpu.memory_space<vmem>>[vector<16xi32>], vector<16xi32>,
    %gather3A_1165 = tpu.vector_load_idx %arg9[%get3A_1159] : memref<1024xf32, #tpu.memory_space<vmem>>[vector<16xi32>], vector<16xf32>,
    %add3A_1166 = arith.constant 256 : i32
    %add3A_1167 = vector.broadcast %add3A_1166 : i32 to vector<16xi32>
    %add3A_1168 = arith.addi %iota3A, %add3A_1167 : vector<16xi32>
    %and3A_1169 = arith.constant 31 : i32
    %and3A_1170 = vector.broadcast %and3A_1169 : i32 to vector<16xi32>
    %and3A_1171 = arith.andi %gather3A_1164, %and3A_1170 : vector<16xi32>
    %and3A_1172 = arith.constant 31 : i32
    %and3A_1173 = vector.broadcast %and3A_1172 : i32 to vector<16xi32>
    %and3A_1174 = arith.andi %add3A_1168, %and3A_1173 : vector<16xi32>
    %sub3A_1175 = arith.subi %and3A_1171, %and3A_1174 : vector<16xi32>
    %shift_right_arithmetic3A_1176 = arith.constant 5 : i32
    %shift_right_arithmetic3A_1177 = vector.broadcast %shift_right_arithmetic3A_1176 : i32 to vector<16xi32>
    %shift_right_arithmetic3A_1178 = arith.shrsi %gather3A_1164, %shift_right_arithmetic3A_1177 : vector<16xi32>
    %shift_right_arithmetic3A_1179 = arith.constant 5 : i32
    %shift_right_arithmetic3A_1180 = vector.broadcast %shift_right_arithmetic3A_1179 : i32 to vector<16xi32>
    %shift_right_arithmetic3A_1181 = arith.shrsi %add3A_1168, %shift_right_arithmetic3A_1180 : vector<16xi32>
    %sub3A_1182 = arith.subi %shift_right_arithmetic3A_1178, %shift_right_arithmetic3A_1181 : vector<16xi32>
    %mul3A_1183 = arith.muli %sub3A_1175, %sub3A_1175 : vector<16xi32>
    %mul3A_1184 = arith.muli %sub3A_1182, %sub3A_1182 : vector<16xi32>
    %add3A_1185 = arith.addi %mul3A_1183, %mul3A_1184 : vector<16xi32>
    %le3A_1186 = arith.constant 9 : i32
    %le3A_1187 = vector.broadcast %le3A_1186 : i32 to vector<16xi32>
    %le3A_1188 = arith.cmpi sle, %add3A_1185, %le3A_1187 : vector<16xi32>
    %ge3A_1189 = arith.constant 1.000000e-01 : f32
    %ge3A_1190 = vector.broadcast %ge3A_1189 : f32 to vector<16xf32>
    %ge3A_1191 = arith.cmpf oge, %gather3A_1165, %ge3A_1190 : vector<16xf32>
    %and3A_1192 = arith.andi %le3A_1188, %ge3A_1191 : vector<16xi1>
    %ne3A_1193 = arith.constant 0 : i32
    %ne3A_1194 = vector.broadcast %ne3A_1193 : i32 to vector<16xi32>
    %ne3A_1195 = arith.cmpi ne, %get3A_1161, %ne3A_1194 : vector<16xi32>
    %ne3A_1196 = arith.constant 0 : i32
    %ne3A_1197 = vector.broadcast %ne3A_1196 : i32 to vector<16xi32>
    %ne3A_1198 = arith.cmpi ne, %get3A_1159, %ne3A_1197 : vector<16xi32>
    %and3A_1199 = arith.andi %ne3A_1195, %ne3A_1198 : vector<16xi1>
    %ne3A_1200 = arith.constant 0.000000e+00 : f32
    %ne3A_1201 = vector.broadcast %ne3A_1200 : f32 to vector<16xf32>
    %ne3A_1202 = arith.cmpf one, %get3A_1163, %ne3A_1201 : vector<16xf32>
    %and3A_1203 = arith.andi %ne3A_1202, %and3A_1192 : vector<16xi1>
    %and3A_1204 = arith.andi %and3A_1203, %and3A_1199 : vector<16xi1>
    %broadcast_in_dim3A_1205 = arith.constant -1 : i32
    %broadcast_in_dim3A_1206 = vector.broadcast %broadcast_in_dim3A_1205 : i32 to vector<16xi32>
    %and3A_1207 = arith.constant 31 : i32
    %and3A_1208 = vector.broadcast %and3A_1207 : i32 to vector<16xi32>
    %and3A_1209 = arith.andi %add3A_1168, %and3A_1208 : vector<16xi32>
    %select_n3A_1210 = arith.select %and3A_1204, %and3A_1209, %broadcast_in_dim3A_1206 : vector<16xi1>, vector<16xi32>
    %swap3A_1211 = arith.constant 256 : index
    %swap3A_1212 = tpu.vector_load %arg11[%swap3A_1211] {strides = array<i32>} : memref<4096xi32, #tpu.memory_space<vmem>>, vector<16xi32>,
    tpu.vector_store %arg11[%swap3A_1211], %select_n3A_1210 {strides = array<i32>} : memref<4096xi32, #tpu.memory_space<vmem>>, vector<16xi32>,
    %shift_right_arithmetic3A_1213 = arith.constant 5 : i32
    %shift_right_arithmetic3A_1214 = vector.broadcast %shift_right_arithmetic3A_1213 : i32 to vector<16xi32>
    %shift_right_arithmetic3A_1215 = arith.shrsi %add3A_1168, %shift_right_arithmetic3A_1214 : vector<16xi32>
    %select_n3A_1216 = arith.select %and3A_1204, %shift_right_arithmetic3A_1215, %broadcast_in_dim3A_1206 : vector<16xi1>, vector<16xi32>
    %swap3A_1217 = arith.constant 1280 : index
    %swap3A_1218 = tpu.vector_load %arg11[%swap3A_1217] {strides = array<i32>} : memref<4096xi32, #tpu.memory_space<vmem>>, vector<16xi32>,
    tpu.vector_store %arg11[%swap3A_1217], %select_n3A_1216 {strides = array<i32>} : memref<4096xi32, #tpu.memory_space<vmem>>, vector<16xi32>,
    %and3A_1219 = arith.constant 31 : i32
    %and3A_1220 = vector.broadcast %and3A_1219 : i32 to vector<16xi32>
    %and3A_1221 = arith.andi %get3A_1159, %and3A_1220 : vector<16xi32>
    %select_n3A_1222 = arith.select %and3A_1204, %and3A_1221, %broadcast_in_dim3A_1206 : vector<16xi1>, vector<16xi32>
    %swap3A_1223 = arith.constant 2304 : index
    %swap3A_1224 = tpu.vector_load %arg11[%swap3A_1223] {strides = array<i32>} : memref<4096xi32, #tpu.memory_space<vmem>>, vector<16xi32>,
    tpu.vector_store %arg11[%swap3A_1223], %select_n3A_1222 {strides = array<i32>} : memref<4096xi32, #tpu.memory_space<vmem>>, vector<16xi32>,
    %shift_right_arithmetic3A_1225 = arith.constant 5 : i32
    %shift_right_arithmetic3A_1226 = vector.broadcast %shift_right_arithmetic3A_1225 : i32 to vector<16xi32>
    %shift_right_arithmetic3A_1227 = arith.shrsi %get3A_1159, %shift_right_arithmetic3A_1226 : vector<16xi32>
    %select_n3A_1228 = arith.select %and3A_1204, %shift_right_arithmetic3A_1227, %broadcast_in_dim3A_1206 : vector<16xi1>, vector<16xi32>
    %swap3A_1229 = arith.constant 3328 : index
    %swap3A_1230 = tpu.vector_load %arg11[%swap3A_1229] {strides = array<i32>} : memref<4096xi32, #tpu.memory_space<vmem>>, vector<16xi32>,
    tpu.vector_store %arg11[%swap3A_1229], %select_n3A_1228 {strides = array<i32>} : memref<4096xi32, #tpu.memory_space<vmem>>, vector<16xi32>,
    %get3A_1231 = arith.constant 272 : index
    %get3A_1232 = tpu.vector_load %arg7[%get3A_1231] {strides = array<i32>} : memref<1024xi32, #tpu.memory_space<vmem>>, vector<16xi32>,
    %get3A_1233 = arith.constant 272 : index
    %get3A_1234 = tpu.vector_load %arg8[%get3A_1233] {strides = array<i32>} : memref<1024xi32, #tpu.memory_space<vmem>>, vector<16xi32>,
    %get3A_1235 = arith.constant 272 : index
    %get3A_1236 = tpu.vector_load %arg10[%get3A_1235] {strides = array<i32>} : memref<1024xf32, #tpu.memory_space<vmem>>, vector<16xf32>,
    %gather3A_1237 = tpu.vector_load_idx %arg8[%get3A_1232] : memref<1024xi32, #tpu.memory_space<vmem>>[vector<16xi32>], vector<16xi32>,
    %gather3A_1238 = tpu.vector_load_idx %arg9[%get3A_1232] : memref<1024xf32, #tpu.memory_space<vmem>>[vector<16xi32>], vector<16xf32>,
    %add3A_1239 = arith.constant 272 : i32
    %add3A_1240 = vector.broadcast %add3A_1239 : i32 to vector<16xi32>
    %add3A_1241 = arith.addi %iota3A, %add3A_1240 : vector<16xi32>
    %and3A_1242 = arith.constant 31 : i32
    %and3A_1243 = vector.broadcast %and3A_1242 : i32 to vector<16xi32>
    %and3A_1244 = arith.andi %gather3A_1237, %and3A_1243 : vector<16xi32>
    %and3A_1245 = arith.constant 31 : i32
    %and3A_1246 = vector.broadcast %and3A_1245 : i32 to vector<16xi32>
    %and3A_1247 = arith.andi %add3A_1241, %and3A_1246 : vector<16xi32>
    %sub3A_1248 = arith.subi %and3A_1244, %and3A_1247 : vector<16xi32>
    %shift_right_arithmetic3A_1249 = arith.constant 5 : i32
    %shift_right_arithmetic3A_1250 = vector.broadcast %shift_right_arithmetic3A_1249 : i32 to vector<16xi32>
    %shift_right_arithmetic3A_1251 = arith.shrsi %gather3A_1237, %shift_right_arithmetic3A_1250 : vector<16xi32>
    %shift_right_arithmetic3A_1252 = arith.constant 5 : i32
    %shift_right_arithmetic3A_1253 = vector.broadcast %shift_right_arithmetic3A_1252 : i32 to vector<16xi32>
    %shift_right_arithmetic3A_1254 = arith.shrsi %add3A_1241, %shift_right_arithmetic3A_1253 : vector<16xi32>
    %sub3A_1255 = arith.subi %shift_right_arithmetic3A_1251, %shift_right_arithmetic3A_1254 : vector<16xi32>
    %mul3A_1256 = arith.muli %sub3A_1248, %sub3A_1248 : vector<16xi32>
    %mul3A_1257 = arith.muli %sub3A_1255, %sub3A_1255 : vector<16xi32>
    %add3A_1258 = arith.addi %mul3A_1256, %mul3A_1257 : vector<16xi32>
    %le3A_1259 = arith.constant 9 : i32
    %le3A_1260 = vector.broadcast %le3A_1259 : i32 to vector<16xi32>
    %le3A_1261 = arith.cmpi sle, %add3A_1258, %le3A_1260 : vector<16xi32>
    %ge3A_1262 = arith.constant 1.000000e-01 : f32
    %ge3A_1263 = vector.broadcast %ge3A_1262 : f32 to vector<16xf32>
    %ge3A_1264 = arith.cmpf oge, %gather3A_1238, %ge3A_1263 : vector<16xf32>
    %and3A_1265 = arith.andi %le3A_1261, %ge3A_1264 : vector<16xi1>
    %ne3A_1266 = arith.constant 0 : i32
    %ne3A_1267 = vector.broadcast %ne3A_1266 : i32 to vector<16xi32>
    %ne3A_1268 = arith.cmpi ne, %get3A_1234, %ne3A_1267 : vector<16xi32>
    %ne3A_1269 = arith.constant 0 : i32
    %ne3A_1270 = vector.broadcast %ne3A_1269 : i32 to vector<16xi32>
    %ne3A_1271 = arith.cmpi ne, %get3A_1232, %ne3A_1270 : vector<16xi32>
    %and3A_1272 = arith.andi %ne3A_1268, %ne3A_1271 : vector<16xi1>
    %ne3A_1273 = arith.constant 0.000000e+00 : f32
    %ne3A_1274 = vector.broadcast %ne3A_1273 : f32 to vector<16xf32>
    %ne3A_1275 = arith.cmpf one, %get3A_1236, %ne3A_1274 : vector<16xf32>
    %and3A_1276 = arith.andi %ne3A_1275, %and3A_1265 : vector<16xi1>
    %and3A_1277 = arith.andi %and3A_1276, %and3A_1272 : vector<16xi1>
    %broadcast_in_dim3A_1278 = arith.constant -1 : i32
    %broadcast_in_dim3A_1279 = vector.broadcast %broadcast_in_dim3A_1278 : i32 to vector<16xi32>
    %and3A_1280 = arith.constant 31 : i32
    %and3A_1281 = vector.broadcast %and3A_1280 : i32 to vector<16xi32>
    %and3A_1282 = arith.andi %add3A_1241, %and3A_1281 : vector<16xi32>
    %select_n3A_1283 = arith.select %and3A_1277, %and3A_1282, %broadcast_in_dim3A_1279 : vector<16xi1>, vector<16xi32>
    %swap3A_1284 = arith.constant 272 : index
    %swap3A_1285 = tpu.vector_load %arg11[%swap3A_1284] {strides = array<i32>} : memref<4096xi32, #tpu.memory_space<vmem>>, vector<16xi32>,
    tpu.vector_store %arg11[%swap3A_1284], %select_n3A_1283 {strides = array<i32>} : memref<4096xi32, #tpu.memory_space<vmem>>, vector<16xi32>,
    %shift_right_arithmetic3A_1286 = arith.constant 5 : i32
    %shift_right_arithmetic3A_1287 = vector.broadcast %shift_right_arithmetic3A_1286 : i32 to vector<16xi32>
    %shift_right_arithmetic3A_1288 = arith.shrsi %add3A_1241, %shift_right_arithmetic3A_1287 : vector<16xi32>
    %select_n3A_1289 = arith.select %and3A_1277, %shift_right_arithmetic3A_1288, %broadcast_in_dim3A_1279 : vector<16xi1>, vector<16xi32>
    %swap3A_1290 = arith.constant 1296 : index
    %swap3A_1291 = tpu.vector_load %arg11[%swap3A_1290] {strides = array<i32>} : memref<4096xi32, #tpu.memory_space<vmem>>, vector<16xi32>,
    tpu.vector_store %arg11[%swap3A_1290], %select_n3A_1289 {strides = array<i32>} : memref<4096xi32, #tpu.memory_space<vmem>>, vector<16xi32>,
    %and3A_1292 = arith.constant 31 : i32
    %and3A_1293 = vector.broadcast %and3A_1292 : i32 to vector<16xi32>
    %and3A_1294 = arith.andi %get3A_1232, %and3A_1293 : vector<16xi32>
    %select_n3A_1295 = arith.select %and3A_1277, %and3A_1294, %broadcast_in_dim3A_1279 : vector<16xi1>, vector<16xi32>
    %swap3A_1296 = arith.constant 2320 : index
    %swap3A_1297 = tpu.vector_load %arg11[%swap3A_1296] {strides = array<i32>} : memref<4096xi32, #tpu.memory_space<vmem>>, vector<16xi32>,
    tpu.vector_store %arg11[%swap3A_1296], %select_n3A_1295 {strides = array<i32>} : memref<4096xi32, #tpu.memory_space<vmem>>, vector<16xi32>,
    %shift_right_arithmetic3A_1298 = arith.constant 5 : i32
    %shift_right_arithmetic3A_1299 = vector.broadcast %shift_right_arithmetic3A_1298 : i32 to vector<16xi32>
    %shift_right_arithmetic3A_1300 = arith.shrsi %get3A_1232, %shift_right_arithmetic3A_1299 : vector<16xi32>
    %select_n3A_1301 = arith.select %and3A_1277, %shift_right_arithmetic3A_1300, %broadcast_in_dim3A_1279 : vector<16xi1>, vector<16xi32>
    %swap3A_1302 = arith.constant 3344 : index
    %swap3A_1303 = tpu.vector_load %arg11[%swap3A_1302] {strides = array<i32>} : memref<4096xi32, #tpu.memory_space<vmem>>, vector<16xi32>,
    tpu.vector_store %arg11[%swap3A_1302], %select_n3A_1301 {strides = array<i32>} : memref<4096xi32, #tpu.memory_space<vmem>>, vector<16xi32>,
    %get3A_1304 = arith.constant 288 : index
    %get3A_1305 = tpu.vector_load %arg7[%get3A_1304] {strides = array<i32>} : memref<1024xi32, #tpu.memory_space<vmem>>, vector<16xi32>,
    %get3A_1306 = arith.constant 288 : index
    %get3A_1307 = tpu.vector_load %arg8[%get3A_1306] {strides = array<i32>} : memref<1024xi32, #tpu.memory_space<vmem>>, vector<16xi32>,
    %get3A_1308 = arith.constant 288 : index
    %get3A_1309 = tpu.vector_load %arg10[%get3A_1308] {strides = array<i32>} : memref<1024xf32, #tpu.memory_space<vmem>>, vector<16xf32>,
    %gather3A_1310 = tpu.vector_load_idx %arg8[%get3A_1305] : memref<1024xi32, #tpu.memory_space<vmem>>[vector<16xi32>], vector<16xi32>,
    %gather3A_1311 = tpu.vector_load_idx %arg9[%get3A_1305] : memref<1024xf32, #tpu.memory_space<vmem>>[vector<16xi32>], vector<16xf32>,
    %add3A_1312 = arith.constant 288 : i32
    %add3A_1313 = vector.broadcast %add3A_1312 : i32 to vector<16xi32>
    %add3A_1314 = arith.addi %iota3A, %add3A_1313 : vector<16xi32>
    %and3A_1315 = arith.constant 31 : i32
    %and3A_1316 = vector.broadcast %and3A_1315 : i32 to vector<16xi32>
    %and3A_1317 = arith.andi %gather3A_1310, %and3A_1316 : vector<16xi32>
    %and3A_1318 = arith.constant 31 : i32
    %and3A_1319 = vector.broadcast %and3A_1318 : i32 to vector<16xi32>
    %and3A_1320 = arith.andi %add3A_1314, %and3A_1319 : vector<16xi32>
    %sub3A_1321 = arith.subi %and3A_1317, %and3A_1320 : vector<16xi32>
    %shift_right_arithmetic3A_1322 = arith.constant 5 : i32
    %shift_right_arithmetic3A_1323 = vector.broadcast %shift_right_arithmetic3A_1322 : i32 to vector<16xi32>
    %shift_right_arithmetic3A_1324 = arith.shrsi %gather3A_1310, %shift_right_arithmetic3A_1323 : vector<16xi32>
    %shift_right_arithmetic3A_1325 = arith.constant 5 : i32
    %shift_right_arithmetic3A_1326 = vector.broadcast %shift_right_arithmetic3A_1325 : i32 to vector<16xi32>
    %shift_right_arithmetic3A_1327 = arith.shrsi %add3A_1314, %shift_right_arithmetic3A_1326 : vector<16xi32>
    %sub3A_1328 = arith.subi %shift_right_arithmetic3A_1324, %shift_right_arithmetic3A_1327 : vector<16xi32>
    %mul3A_1329 = arith.muli %sub3A_1321, %sub3A_1321 : vector<16xi32>
    %mul3A_1330 = arith.muli %sub3A_1328, %sub3A_1328 : vector<16xi32>
    %add3A_1331 = arith.addi %mul3A_1329, %mul3A_1330 : vector<16xi32>
    %le3A_1332 = arith.constant 9 : i32
    %le3A_1333 = vector.broadcast %le3A_1332 : i32 to vector<16xi32>
    %le3A_1334 = arith.cmpi sle, %add3A_1331, %le3A_1333 : vector<16xi32>
    %ge3A_1335 = arith.constant 1.000000e-01 : f32
    %ge3A_1336 = vector.broadcast %ge3A_1335 : f32 to vector<16xf32>
    %ge3A_1337 = arith.cmpf oge, %gather3A_1311, %ge3A_1336 : vector<16xf32>
    %and3A_1338 = arith.andi %le3A_1334, %ge3A_1337 : vector<16xi1>
    %ne3A_1339 = arith.constant 0 : i32
    %ne3A_1340 = vector.broadcast %ne3A_1339 : i32 to vector<16xi32>
    %ne3A_1341 = arith.cmpi ne, %get3A_1307, %ne3A_1340 : vector<16xi32>
    %ne3A_1342 = arith.constant 0 : i32
    %ne3A_1343 = vector.broadcast %ne3A_1342 : i32 to vector<16xi32>
    %ne3A_1344 = arith.cmpi ne, %get3A_1305, %ne3A_1343 : vector<16xi32>
    %and3A_1345 = arith.andi %ne3A_1341, %ne3A_1344 : vector<16xi1>
    %ne3A_1346 = arith.constant 0.000000e+00 : f32
    %ne3A_1347 = vector.broadcast %ne3A_1346 : f32 to vector<16xf32>
    %ne3A_1348 = arith.cmpf one, %get3A_1309, %ne3A_1347 : vector<16xf32>
    %and3A_1349 = arith.andi %ne3A_1348, %and3A_1338 : vector<16xi1>
    %and3A_1350 = arith.andi %and3A_1349, %and3A_1345 : vector<16xi1>
    %broadcast_in_dim3A_1351 = arith.constant -1 : i32
    %broadcast_in_dim3A_1352 = vector.broadcast %broadcast_in_dim3A_1351 : i32 to vector<16xi32>
    %and3A_1353 = arith.constant 31 : i32
    %and3A_1354 = vector.broadcast %and3A_1353 : i32 to vector<16xi32>
    %and3A_1355 = arith.andi %add3A_1314, %and3A_1354 : vector<16xi32>
    %select_n3A_1356 = arith.select %and3A_1350, %and3A_1355, %broadcast_in_dim3A_1352 : vector<16xi1>, vector<16xi32>
    %swap3A_1357 = arith.constant 288 : index
    %swap3A_1358 = tpu.vector_load %arg11[%swap3A_1357] {strides = array<i32>} : memref<4096xi32, #tpu.memory_space<vmem>>, vector<16xi32>,
    tpu.vector_store %arg11[%swap3A_1357], %select_n3A_1356 {strides = array<i32>} : memref<4096xi32, #tpu.memory_space<vmem>>, vector<16xi32>,
    %shift_right_arithmetic3A_1359 = arith.constant 5 : i32
    %shift_right_arithmetic3A_1360 = vector.broadcast %shift_right_arithmetic3A_1359 : i32 to vector<16xi32>
    %shift_right_arithmetic3A_1361 = arith.shrsi %add3A_1314, %shift_right_arithmetic3A_1360 : vector<16xi32>
    %select_n3A_1362 = arith.select %and3A_1350, %shift_right_arithmetic3A_1361, %broadcast_in_dim3A_1352 : vector<16xi1>, vector<16xi32>
    %swap3A_1363 = arith.constant 1312 : index
    %swap3A_1364 = tpu.vector_load %arg11[%swap3A_1363] {strides = array<i32>} : memref<4096xi32, #tpu.memory_space<vmem>>, vector<16xi32>,
    tpu.vector_store %arg11[%swap3A_1363], %select_n3A_1362 {strides = array<i32>} : memref<4096xi32, #tpu.memory_space<vmem>>, vector<16xi32>,
    %and3A_1365 = arith.constant 31 : i32
    %and3A_1366 = vector.broadcast %and3A_1365 : i32 to vector<16xi32>
    %and3A_1367 = arith.andi %get3A_1305, %and3A_1366 : vector<16xi32>
    %select_n3A_1368 = arith.select %and3A_1350, %and3A_1367, %broadcast_in_dim3A_1352 : vector<16xi1>, vector<16xi32>
    %swap3A_1369 = arith.constant 2336 : index
    %swap3A_1370 = tpu.vector_load %arg11[%swap3A_1369] {strides = array<i32>} : memref<4096xi32, #tpu.memory_space<vmem>>, vector<16xi32>,
    tpu.vector_store %arg11[%swap3A_1369], %select_n3A_1368 {strides = array<i32>} : memref<4096xi32, #tpu.memory_space<vmem>>, vector<16xi32>,
    %shift_right_arithmetic3A_1371 = arith.constant 5 : i32
    %shift_right_arithmetic3A_1372 = vector.broadcast %shift_right_arithmetic3A_1371 : i32 to vector<16xi32>
    %shift_right_arithmetic3A_1373 = arith.shrsi %get3A_1305, %shift_right_arithmetic3A_1372 : vector<16xi32>
    %select_n3A_1374 = arith.select %and3A_1350, %shift_right_arithmetic3A_1373, %broadcast_in_dim3A_1352 : vector<16xi1>, vector<16xi32>
    %swap3A_1375 = arith.constant 3360 : index
    %swap3A_1376 = tpu.vector_load %arg11[%swap3A_1375] {strides = array<i32>} : memref<4096xi32, #tpu.memory_space<vmem>>, vector<16xi32>,
    tpu.vector_store %arg11[%swap3A_1375], %select_n3A_1374 {strides = array<i32>} : memref<4096xi32, #tpu.memory_space<vmem>>, vector<16xi32>,
    %get3A_1377 = arith.constant 304 : index
    %get3A_1378 = tpu.vector_load %arg7[%get3A_1377] {strides = array<i32>} : memref<1024xi32, #tpu.memory_space<vmem>>, vector<16xi32>,
    %get3A_1379 = arith.constant 304 : index
    %get3A_1380 = tpu.vector_load %arg8[%get3A_1379] {strides = array<i32>} : memref<1024xi32, #tpu.memory_space<vmem>>, vector<16xi32>,
    %get3A_1381 = arith.constant 304 : index
    %get3A_1382 = tpu.vector_load %arg10[%get3A_1381] {strides = array<i32>} : memref<1024xf32, #tpu.memory_space<vmem>>, vector<16xf32>,
    %gather3A_1383 = tpu.vector_load_idx %arg8[%get3A_1378] : memref<1024xi32, #tpu.memory_space<vmem>>[vector<16xi32>], vector<16xi32>,
    %gather3A_1384 = tpu.vector_load_idx %arg9[%get3A_1378] : memref<1024xf32, #tpu.memory_space<vmem>>[vector<16xi32>], vector<16xf32>,
    %add3A_1385 = arith.constant 304 : i32
    %add3A_1386 = vector.broadcast %add3A_1385 : i32 to vector<16xi32>
    %add3A_1387 = arith.addi %iota3A, %add3A_1386 : vector<16xi32>
    %and3A_1388 = arith.constant 31 : i32
    %and3A_1389 = vector.broadcast %and3A_1388 : i32 to vector<16xi32>
    %and3A_1390 = arith.andi %gather3A_1383, %and3A_1389 : vector<16xi32>
    %and3A_1391 = arith.constant 31 : i32
    %and3A_1392 = vector.broadcast %and3A_1391 : i32 to vector<16xi32>
    %and3A_1393 = arith.andi %add3A_1387, %and3A_1392 : vector<16xi32>
    %sub3A_1394 = arith.subi %and3A_1390, %and3A_1393 : vector<16xi32>
    %shift_right_arithmetic3A_1395 = arith.constant 5 : i32
    %shift_right_arithmetic3A_1396 = vector.broadcast %shift_right_arithmetic3A_1395 : i32 to vector<16xi32>
    %shift_right_arithmetic3A_1397 = arith.shrsi %gather3A_1383, %shift_right_arithmetic3A_1396 : vector<16xi32>
    %shift_right_arithmetic3A_1398 = arith.constant 5 : i32
    %shift_right_arithmetic3A_1399 = vector.broadcast %shift_right_arithmetic3A_1398 : i32 to vector<16xi32>
    %shift_right_arithmetic3A_1400 = arith.shrsi %add3A_1387, %shift_right_arithmetic3A_1399 : vector<16xi32>
    %sub3A_1401 = arith.subi %shift_right_arithmetic3A_1397, %shift_right_arithmetic3A_1400 : vector<16xi32>
    %mul3A_1402 = arith.muli %sub3A_1394, %sub3A_1394 : vector<16xi32>
    %mul3A_1403 = arith.muli %sub3A_1401, %sub3A_1401 : vector<16xi32>
    %add3A_1404 = arith.addi %mul3A_1402, %mul3A_1403 : vector<16xi32>
    %le3A_1405 = arith.constant 9 : i32
    %le3A_1406 = vector.broadcast %le3A_1405 : i32 to vector<16xi32>
    %le3A_1407 = arith.cmpi sle, %add3A_1404, %le3A_1406 : vector<16xi32>
    %ge3A_1408 = arith.constant 1.000000e-01 : f32
    %ge3A_1409 = vector.broadcast %ge3A_1408 : f32 to vector<16xf32>
    %ge3A_1410 = arith.cmpf oge, %gather3A_1384, %ge3A_1409 : vector<16xf32>
    %and3A_1411 = arith.andi %le3A_1407, %ge3A_1410 : vector<16xi1>
    %ne3A_1412 = arith.constant 0 : i32
    %ne3A_1413 = vector.broadcast %ne3A_1412 : i32 to vector<16xi32>
    %ne3A_1414 = arith.cmpi ne, %get3A_1380, %ne3A_1413 : vector<16xi32>
    %ne3A_1415 = arith.constant 0 : i32
    %ne3A_1416 = vector.broadcast %ne3A_1415 : i32 to vector<16xi32>
    %ne3A_1417 = arith.cmpi ne, %get3A_1378, %ne3A_1416 : vector<16xi32>
    %and3A_1418 = arith.andi %ne3A_1414, %ne3A_1417 : vector<16xi1>
    %ne3A_1419 = arith.constant 0.000000e+00 : f32
    %ne3A_1420 = vector.broadcast %ne3A_1419 : f32 to vector<16xf32>
    %ne3A_1421 = arith.cmpf one, %get3A_1382, %ne3A_1420 : vector<16xf32>
    %and3A_1422 = arith.andi %ne3A_1421, %and3A_1411 : vector<16xi1>
    %and3A_1423 = arith.andi %and3A_1422, %and3A_1418 : vector<16xi1>
    %broadcast_in_dim3A_1424 = arith.constant -1 : i32
    %broadcast_in_dim3A_1425 = vector.broadcast %broadcast_in_dim3A_1424 : i32 to vector<16xi32>
    %and3A_1426 = arith.constant 31 : i32
    %and3A_1427 = vector.broadcast %and3A_1426 : i32 to vector<16xi32>
    %and3A_1428 = arith.andi %add3A_1387, %and3A_1427 : vector<16xi32>
    %select_n3A_1429 = arith.select %and3A_1423, %and3A_1428, %broadcast_in_dim3A_1425 : vector<16xi1>, vector<16xi32>
    %swap3A_1430 = arith.constant 304 : index
    %swap3A_1431 = tpu.vector_load %arg11[%swap3A_1430] {strides = array<i32>} : memref<4096xi32, #tpu.memory_space<vmem>>, vector<16xi32>,
    tpu.vector_store %arg11[%swap3A_1430], %select_n3A_1429 {strides = array<i32>} : memref<4096xi32, #tpu.memory_space<vmem>>, vector<16xi32>,
    %shift_right_arithmetic3A_1432 = arith.constant 5 : i32
    %shift_right_arithmetic3A_1433 = vector.broadcast %shift_right_arithmetic3A_1432 : i32 to vector<16xi32>
    %shift_right_arithmetic3A_1434 = arith.shrsi %add3A_1387, %shift_right_arithmetic3A_1433 : vector<16xi32>
    %select_n3A_1435 = arith.select %and3A_1423, %shift_right_arithmetic3A_1434, %broadcast_in_dim3A_1425 : vector<16xi1>, vector<16xi32>
    %swap3A_1436 = arith.constant 1328 : index
    %swap3A_1437 = tpu.vector_load %arg11[%swap3A_1436] {strides = array<i32>} : memref<4096xi32, #tpu.memory_space<vmem>>, vector<16xi32>,
    tpu.vector_store %arg11[%swap3A_1436], %select_n3A_1435 {strides = array<i32>} : memref<4096xi32, #tpu.memory_space<vmem>>, vector<16xi32>,
    %and3A_1438 = arith.constant 31 : i32
    %and3A_1439 = vector.broadcast %and3A_1438 : i32 to vector<16xi32>
    %and3A_1440 = arith.andi %get3A_1378, %and3A_1439 : vector<16xi32>
    %select_n3A_1441 = arith.select %and3A_1423, %and3A_1440, %broadcast_in_dim3A_1425 : vector<16xi1>, vector<16xi32>
    %swap3A_1442 = arith.constant 2352 : index
    %swap3A_1443 = tpu.vector_load %arg11[%swap3A_1442] {strides = array<i32>} : memref<4096xi32, #tpu.memory_space<vmem>>, vector<16xi32>,
    tpu.vector_store %arg11[%swap3A_1442], %select_n3A_1441 {strides = array<i32>} : memref<4096xi32, #tpu.memory_space<vmem>>, vector<16xi32>,
    %shift_right_arithmetic3A_1444 = arith.constant 5 : i32
    %shift_right_arithmetic3A_1445 = vector.broadcast %shift_right_arithmetic3A_1444 : i32 to vector<16xi32>
    %shift_right_arithmetic3A_1446 = arith.shrsi %get3A_1378, %shift_right_arithmetic3A_1445 : vector<16xi32>
    %select_n3A_1447 = arith.select %and3A_1423, %shift_right_arithmetic3A_1446, %broadcast_in_dim3A_1425 : vector<16xi1>, vector<16xi32>
    %swap3A_1448 = arith.constant 3376 : index
    %swap3A_1449 = tpu.vector_load %arg11[%swap3A_1448] {strides = array<i32>} : memref<4096xi32, #tpu.memory_space<vmem>>, vector<16xi32>,
    tpu.vector_store %arg11[%swap3A_1448], %select_n3A_1447 {strides = array<i32>} : memref<4096xi32, #tpu.memory_space<vmem>>, vector<16xi32>,
    %get3A_1450 = arith.constant 320 : index
    %get3A_1451 = tpu.vector_load %arg7[%get3A_1450] {strides = array<i32>} : memref<1024xi32, #tpu.memory_space<vmem>>, vector<16xi32>,
    %get3A_1452 = arith.constant 320 : index
    %get3A_1453 = tpu.vector_load %arg8[%get3A_1452] {strides = array<i32>} : memref<1024xi32, #tpu.memory_space<vmem>>, vector<16xi32>,
    %get3A_1454 = arith.constant 320 : index
    %get3A_1455 = tpu.vector_load %arg10[%get3A_1454] {strides = array<i32>} : memref<1024xf32, #tpu.memory_space<vmem>>, vector<16xf32>,
    %gather3A_1456 = tpu.vector_load_idx %arg8[%get3A_1451] : memref<1024xi32, #tpu.memory_space<vmem>>[vector<16xi32>], vector<16xi32>,
    %gather3A_1457 = tpu.vector_load_idx %arg9[%get3A_1451] : memref<1024xf32, #tpu.memory_space<vmem>>[vector<16xi32>], vector<16xf32>,
    %add3A_1458 = arith.constant 320 : i32
    %add3A_1459 = vector.broadcast %add3A_1458 : i32 to vector<16xi32>
    %add3A_1460 = arith.addi %iota3A, %add3A_1459 : vector<16xi32>
    %and3A_1461 = arith.constant 31 : i32
    %and3A_1462 = vector.broadcast %and3A_1461 : i32 to vector<16xi32>
    %and3A_1463 = arith.andi %gather3A_1456, %and3A_1462 : vector<16xi32>
    %and3A_1464 = arith.constant 31 : i32
    %and3A_1465 = vector.broadcast %and3A_1464 : i32 to vector<16xi32>
    %and3A_1466 = arith.andi %add3A_1460, %and3A_1465 : vector<16xi32>
    %sub3A_1467 = arith.subi %and3A_1463, %and3A_1466 : vector<16xi32>
    %shift_right_arithmetic3A_1468 = arith.constant 5 : i32
    %shift_right_arithmetic3A_1469 = vector.broadcast %shift_right_arithmetic3A_1468 : i32 to vector<16xi32>
    %shift_right_arithmetic3A_1470 = arith.shrsi %gather3A_1456, %shift_right_arithmetic3A_1469 : vector<16xi32>
    %shift_right_arithmetic3A_1471 = arith.constant 5 : i32
    %shift_right_arithmetic3A_1472 = vector.broadcast %shift_right_arithmetic3A_1471 : i32 to vector<16xi32>
    %shift_right_arithmetic3A_1473 = arith.shrsi %add3A_1460, %shift_right_arithmetic3A_1472 : vector<16xi32>
    %sub3A_1474 = arith.subi %shift_right_arithmetic3A_1470, %shift_right_arithmetic3A_1473 : vector<16xi32>
    %mul3A_1475 = arith.muli %sub3A_1467, %sub3A_1467 : vector<16xi32>
    %mul3A_1476 = arith.muli %sub3A_1474, %sub3A_1474 : vector<16xi32>
    %add3A_1477 = arith.addi %mul3A_1475, %mul3A_1476 : vector<16xi32>
    %le3A_1478 = arith.constant 9 : i32
    %le3A_1479 = vector.broadcast %le3A_1478 : i32 to vector<16xi32>
    %le3A_1480 = arith.cmpi sle, %add3A_1477, %le3A_1479 : vector<16xi32>
    %ge3A_1481 = arith.constant 1.000000e-01 : f32
    %ge3A_1482 = vector.broadcast %ge3A_1481 : f32 to vector<16xf32>
    %ge3A_1483 = arith.cmpf oge, %gather3A_1457, %ge3A_1482 : vector<16xf32>
    %and3A_1484 = arith.andi %le3A_1480, %ge3A_1483 : vector<16xi1>
    %ne3A_1485 = arith.constant 0 : i32
    %ne3A_1486 = vector.broadcast %ne3A_1485 : i32 to vector<16xi32>
    %ne3A_1487 = arith.cmpi ne, %get3A_1453, %ne3A_1486 : vector<16xi32>
    %ne3A_1488 = arith.constant 0 : i32
    %ne3A_1489 = vector.broadcast %ne3A_1488 : i32 to vector<16xi32>
    %ne3A_1490 = arith.cmpi ne, %get3A_1451, %ne3A_1489 : vector<16xi32>
    %and3A_1491 = arith.andi %ne3A_1487, %ne3A_1490 : vector<16xi1>
    %ne3A_1492 = arith.constant 0.000000e+00 : f32
    %ne3A_1493 = vector.broadcast %ne3A_1492 : f32 to vector<16xf32>
    %ne3A_1494 = arith.cmpf one, %get3A_1455, %ne3A_1493 : vector<16xf32>
    %and3A_1495 = arith.andi %ne3A_1494, %and3A_1484 : vector<16xi1>
    %and3A_1496 = arith.andi %and3A_1495, %and3A_1491 : vector<16xi1>
    %broadcast_in_dim3A_1497 = arith.constant -1 : i32
    %broadcast_in_dim3A_1498 = vector.broadcast %broadcast_in_dim3A_1497 : i32 to vector<16xi32>
    %and3A_1499 = arith.constant 31 : i32
    %and3A_1500 = vector.broadcast %and3A_1499 : i32 to vector<16xi32>
    %and3A_1501 = arith.andi %add3A_1460, %and3A_1500 : vector<16xi32>
    %select_n3A_1502 = arith.select %and3A_1496, %and3A_1501, %broadcast_in_dim3A_1498 : vector<16xi1>, vector<16xi32>
    %swap3A_1503 = arith.constant 320 : index
    %swap3A_1504 = tpu.vector_load %arg11[%swap3A_1503] {strides = array<i32>} : memref<4096xi32, #tpu.memory_space<vmem>>, vector<16xi32>,
    tpu.vector_store %arg11[%swap3A_1503], %select_n3A_1502 {strides = array<i32>} : memref<4096xi32, #tpu.memory_space<vmem>>, vector<16xi32>,
    %shift_right_arithmetic3A_1505 = arith.constant 5 : i32
    %shift_right_arithmetic3A_1506 = vector.broadcast %shift_right_arithmetic3A_1505 : i32 to vector<16xi32>
    %shift_right_arithmetic3A_1507 = arith.shrsi %add3A_1460, %shift_right_arithmetic3A_1506 : vector<16xi32>
    %select_n3A_1508 = arith.select %and3A_1496, %shift_right_arithmetic3A_1507, %broadcast_in_dim3A_1498 : vector<16xi1>, vector<16xi32>
    %swap3A_1509 = arith.constant 1344 : index
    %swap3A_1510 = tpu.vector_load %arg11[%swap3A_1509] {strides = array<i32>} : memref<4096xi32, #tpu.memory_space<vmem>>, vector<16xi32>,
    tpu.vector_store %arg11[%swap3A_1509], %select_n3A_1508 {strides = array<i32>} : memref<4096xi32, #tpu.memory_space<vmem>>, vector<16xi32>,
    %and3A_1511 = arith.constant 31 : i32
    %and3A_1512 = vector.broadcast %and3A_1511 : i32 to vector<16xi32>
    %and3A_1513 = arith.andi %get3A_1451, %and3A_1512 : vector<16xi32>
    %select_n3A_1514 = arith.select %and3A_1496, %and3A_1513, %broadcast_in_dim3A_1498 : vector<16xi1>, vector<16xi32>
    %swap3A_1515 = arith.constant 2368 : index
    %swap3A_1516 = tpu.vector_load %arg11[%swap3A_1515] {strides = array<i32>} : memref<4096xi32, #tpu.memory_space<vmem>>, vector<16xi32>,
    tpu.vector_store %arg11[%swap3A_1515], %select_n3A_1514 {strides = array<i32>} : memref<4096xi32, #tpu.memory_space<vmem>>, vector<16xi32>,
    %shift_right_arithmetic3A_1517 = arith.constant 5 : i32
    %shift_right_arithmetic3A_1518 = vector.broadcast %shift_right_arithmetic3A_1517 : i32 to vector<16xi32>
    %shift_right_arithmetic3A_1519 = arith.shrsi %get3A_1451, %shift_right_arithmetic3A_1518 : vector<16xi32>
    %select_n3A_1520 = arith.select %and3A_1496, %shift_right_arithmetic3A_1519, %broadcast_in_dim3A_1498 : vector<16xi1>, vector<16xi32>
    %swap3A_1521 = arith.constant 3392 : index
    %swap3A_1522 = tpu.vector_load %arg11[%swap3A_1521] {strides = array<i32>} : memref<4096xi32, #tpu.memory_space<vmem>>, vector<16xi32>,
    tpu.vector_store %arg11[%swap3A_1521], %select_n3A_1520 {strides = array<i32>} : memref<4096xi32, #tpu.memory_space<vmem>>, vector<16xi32>,
    %get3A_1523 = arith.constant 336 : index
    %get3A_1524 = tpu.vector_load %arg7[%get3A_1523] {strides = array<i32>} : memref<1024xi32, #tpu.memory_space<vmem>>, vector<16xi32>,
    %get3A_1525 = arith.constant 336 : index
    %get3A_1526 = tpu.vector_load %arg8[%get3A_1525] {strides = array<i32>} : memref<1024xi32, #tpu.memory_space<vmem>>, vector<16xi32>,
    %get3A_1527 = arith.constant 336 : index
    %get3A_1528 = tpu.vector_load %arg10[%get3A_1527] {strides = array<i32>} : memref<1024xf32, #tpu.memory_space<vmem>>, vector<16xf32>,
    %gather3A_1529 = tpu.vector_load_idx %arg8[%get3A_1524] : memref<1024xi32, #tpu.memory_space<vmem>>[vector<16xi32>], vector<16xi32>,
    %gather3A_1530 = tpu.vector_load_idx %arg9[%get3A_1524] : memref<1024xf32, #tpu.memory_space<vmem>>[vector<16xi32>], vector<16xf32>,
    %add3A_1531 = arith.constant 336 : i32
    %add3A_1532 = vector.broadcast %add3A_1531 : i32 to vector<16xi32>
    %add3A_1533 = arith.addi %iota3A, %add3A_1532 : vector<16xi32>
    %and3A_1534 = arith.constant 31 : i32
    %and3A_1535 = vector.broadcast %and3A_1534 : i32 to vector<16xi32>
    %and3A_1536 = arith.andi %gather3A_1529, %and3A_1535 : vector<16xi32>
    %and3A_1537 = arith.constant 31 : i32
    %and3A_1538 = vector.broadcast %and3A_1537 : i32 to vector<16xi32>
    %and3A_1539 = arith.andi %add3A_1533, %and3A_1538 : vector<16xi32>
    %sub3A_1540 = arith.subi %and3A_1536, %and3A_1539 : vector<16xi32>
    %shift_right_arithmetic3A_1541 = arith.constant 5 : i32
    %shift_right_arithmetic3A_1542 = vector.broadcast %shift_right_arithmetic3A_1541 : i32 to vector<16xi32>
    %shift_right_arithmetic3A_1543 = arith.shrsi %gather3A_1529, %shift_right_arithmetic3A_1542 : vector<16xi32>
    %shift_right_arithmetic3A_1544 = arith.constant 5 : i32
    %shift_right_arithmetic3A_1545 = vector.broadcast %shift_right_arithmetic3A_1544 : i32 to vector<16xi32>
    %shift_right_arithmetic3A_1546 = arith.shrsi %add3A_1533, %shift_right_arithmetic3A_1545 : vector<16xi32>
    %sub3A_1547 = arith.subi %shift_right_arithmetic3A_1543, %shift_right_arithmetic3A_1546 : vector<16xi32>
    %mul3A_1548 = arith.muli %sub3A_1540, %sub3A_1540 : vector<16xi32>
    %mul3A_1549 = arith.muli %sub3A_1547, %sub3A_1547 : vector<16xi32>
    %add3A_1550 = arith.addi %mul3A_1548, %mul3A_1549 : vector<16xi32>
    %le3A_1551 = arith.constant 9 : i32
    %le3A_1552 = vector.broadcast %le3A_1551 : i32 to vector<16xi32>
    %le3A_1553 = arith.cmpi sle, %add3A_1550, %le3A_1552 : vector<16xi32>
    %ge3A_1554 = arith.constant 1.000000e-01 : f32
    %ge3A_1555 = vector.broadcast %ge3A_1554 : f32 to vector<16xf32>
    %ge3A_1556 = arith.cmpf oge, %gather3A_1530, %ge3A_1555 : vector<16xf32>
    %and3A_1557 = arith.andi %le3A_1553, %ge3A_1556 : vector<16xi1>
    %ne3A_1558 = arith.constant 0 : i32
    %ne3A_1559 = vector.broadcast %ne3A_1558 : i32 to vector<16xi32>
    %ne3A_1560 = arith.cmpi ne, %get3A_1526, %ne3A_1559 : vector<16xi32>
    %ne3A_1561 = arith.constant 0 : i32
    %ne3A_1562 = vector.broadcast %ne3A_1561 : i32 to vector<16xi32>
    %ne3A_1563 = arith.cmpi ne, %get3A_1524, %ne3A_1562 : vector<16xi32>
    %and3A_1564 = arith.andi %ne3A_1560, %ne3A_1563 : vector<16xi1>
    %ne3A_1565 = arith.constant 0.000000e+00 : f32
    %ne3A_1566 = vector.broadcast %ne3A_1565 : f32 to vector<16xf32>
    %ne3A_1567 = arith.cmpf one, %get3A_1528, %ne3A_1566 : vector<16xf32>
    %and3A_1568 = arith.andi %ne3A_1567, %and3A_1557 : vector<16xi1>
    %and3A_1569 = arith.andi %and3A_1568, %and3A_1564 : vector<16xi1>
    %broadcast_in_dim3A_1570 = arith.constant -1 : i32
    %broadcast_in_dim3A_1571 = vector.broadcast %broadcast_in_dim3A_1570 : i32 to vector<16xi32>
    %and3A_1572 = arith.constant 31 : i32
    %and3A_1573 = vector.broadcast %and3A_1572 : i32 to vector<16xi32>
    %and3A_1574 = arith.andi %add3A_1533, %and3A_1573 : vector<16xi32>
    %select_n3A_1575 = arith.select %and3A_1569, %and3A_1574, %broadcast_in_dim3A_1571 : vector<16xi1>, vector<16xi32>
    %swap3A_1576 = arith.constant 336 : index
    %swap3A_1577 = tpu.vector_load %arg11[%swap3A_1576] {strides = array<i32>} : memref<4096xi32, #tpu.memory_space<vmem>>, vector<16xi32>,
    tpu.vector_store %arg11[%swap3A_1576], %select_n3A_1575 {strides = array<i32>} : memref<4096xi32, #tpu.memory_space<vmem>>, vector<16xi32>,
    %shift_right_arithmetic3A_1578 = arith.constant 5 : i32
    %shift_right_arithmetic3A_1579 = vector.broadcast %shift_right_arithmetic3A_1578 : i32 to vector<16xi32>
    %shift_right_arithmetic3A_1580 = arith.shrsi %add3A_1533, %shift_right_arithmetic3A_1579 : vector<16xi32>
    %select_n3A_1581 = arith.select %and3A_1569, %shift_right_arithmetic3A_1580, %broadcast_in_dim3A_1571 : vector<16xi1>, vector<16xi32>
    %swap3A_1582 = arith.constant 1360 : index
    %swap3A_1583 = tpu.vector_load %arg11[%swap3A_1582] {strides = array<i32>} : memref<4096xi32, #tpu.memory_space<vmem>>, vector<16xi32>,
    tpu.vector_store %arg11[%swap3A_1582], %select_n3A_1581 {strides = array<i32>} : memref<4096xi32, #tpu.memory_space<vmem>>, vector<16xi32>,
    %and3A_1584 = arith.constant 31 : i32
    %and3A_1585 = vector.broadcast %and3A_1584 : i32 to vector<16xi32>
    %and3A_1586 = arith.andi %get3A_1524, %and3A_1585 : vector<16xi32>
    %select_n3A_1587 = arith.select %and3A_1569, %and3A_1586, %broadcast_in_dim3A_1571 : vector<16xi1>, vector<16xi32>
    %swap3A_1588 = arith.constant 2384 : index
    %swap3A_1589 = tpu.vector_load %arg11[%swap3A_1588] {strides = array<i32>} : memref<4096xi32, #tpu.memory_space<vmem>>, vector<16xi32>,
    tpu.vector_store %arg11[%swap3A_1588], %select_n3A_1587 {strides = array<i32>} : memref<4096xi32, #tpu.memory_space<vmem>>, vector<16xi32>,
    %shift_right_arithmetic3A_1590 = arith.constant 5 : i32
    %shift_right_arithmetic3A_1591 = vector.broadcast %shift_right_arithmetic3A_1590 : i32 to vector<16xi32>
    %shift_right_arithmetic3A_1592 = arith.shrsi %get3A_1524, %shift_right_arithmetic3A_1591 : vector<16xi32>
    %select_n3A_1593 = arith.select %and3A_1569, %shift_right_arithmetic3A_1592, %broadcast_in_dim3A_1571 : vector<16xi1>, vector<16xi32>
    %swap3A_1594 = arith.constant 3408 : index
    %swap3A_1595 = tpu.vector_load %arg11[%swap3A_1594] {strides = array<i32>} : memref<4096xi32, #tpu.memory_space<vmem>>, vector<16xi32>,
    tpu.vector_store %arg11[%swap3A_1594], %select_n3A_1593 {strides = array<i32>} : memref<4096xi32, #tpu.memory_space<vmem>>, vector<16xi32>,
    %get3A_1596 = arith.constant 352 : index
    %get3A_1597 = tpu.vector_load %arg7[%get3A_1596] {strides = array<i32>} : memref<1024xi32, #tpu.memory_space<vmem>>, vector<16xi32>,
    %get3A_1598 = arith.constant 352 : index
    %get3A_1599 = tpu.vector_load %arg8[%get3A_1598] {strides = array<i32>} : memref<1024xi32, #tpu.memory_space<vmem>>, vector<16xi32>,
    %get3A_1600 = arith.constant 352 : index
    %get3A_1601 = tpu.vector_load %arg10[%get3A_1600] {strides = array<i32>} : memref<1024xf32, #tpu.memory_space<vmem>>, vector<16xf32>,
    %gather3A_1602 = tpu.vector_load_idx %arg8[%get3A_1597] : memref<1024xi32, #tpu.memory_space<vmem>>[vector<16xi32>], vector<16xi32>,
    %gather3A_1603 = tpu.vector_load_idx %arg9[%get3A_1597] : memref<1024xf32, #tpu.memory_space<vmem>>[vector<16xi32>], vector<16xf32>,
    %add3A_1604 = arith.constant 352 : i32
    %add3A_1605 = vector.broadcast %add3A_1604 : i32 to vector<16xi32>
    %add3A_1606 = arith.addi %iota3A, %add3A_1605 : vector<16xi32>
    %and3A_1607 = arith.constant 31 : i32
    %and3A_1608 = vector.broadcast %and3A_1607 : i32 to vector<16xi32>
    %and3A_1609 = arith.andi %gather3A_1602, %and3A_1608 : vector<16xi32>
    %and3A_1610 = arith.constant 31 : i32
    %and3A_1611 = vector.broadcast %and3A_1610 : i32 to vector<16xi32>
    %and3A_1612 = arith.andi %add3A_1606, %and3A_1611 : vector<16xi32>
    %sub3A_1613 = arith.subi %and3A_1609, %and3A_1612 : vector<16xi32>
    %shift_right_arithmetic3A_1614 = arith.constant 5 : i32
    %shift_right_arithmetic3A_1615 = vector.broadcast %shift_right_arithmetic3A_1614 : i32 to vector<16xi32>
    %shift_right_arithmetic3A_1616 = arith.shrsi %gather3A_1602, %shift_right_arithmetic3A_1615 : vector<16xi32>
    %shift_right_arithmetic3A_1617 = arith.constant 5 : i32
    %shift_right_arithmetic3A_1618 = vector.broadcast %shift_right_arithmetic3A_1617 : i32 to vector<16xi32>
    %shift_right_arithmetic3A_1619 = arith.shrsi %add3A_1606, %shift_right_arithmetic3A_1618 : vector<16xi32>
    %sub3A_1620 = arith.subi %shift_right_arithmetic3A_1616, %shift_right_arithmetic3A_1619 : vector<16xi32>
    %mul3A_1621 = arith.muli %sub3A_1613, %sub3A_1613 : vector<16xi32>
    %mul3A_1622 = arith.muli %sub3A_1620, %sub3A_1620 : vector<16xi32>
    %add3A_1623 = arith.addi %mul3A_1621, %mul3A_1622 : vector<16xi32>
    %le3A_1624 = arith.constant 9 : i32
    %le3A_1625 = vector.broadcast %le3A_1624 : i32 to vector<16xi32>
    %le3A_1626 = arith.cmpi sle, %add3A_1623, %le3A_1625 : vector<16xi32>
    %ge3A_1627 = arith.constant 1.000000e-01 : f32
    %ge3A_1628 = vector.broadcast %ge3A_1627 : f32 to vector<16xf32>
    %ge3A_1629 = arith.cmpf oge, %gather3A_1603, %ge3A_1628 : vector<16xf32>
    %and3A_1630 = arith.andi %le3A_1626, %ge3A_1629 : vector<16xi1>
    %ne3A_1631 = arith.constant 0 : i32
    %ne3A_1632 = vector.broadcast %ne3A_1631 : i32 to vector<16xi32>
    %ne3A_1633 = arith.cmpi ne, %get3A_1599, %ne3A_1632 : vector<16xi32>
    %ne3A_1634 = arith.constant 0 : i32
    %ne3A_1635 = vector.broadcast %ne3A_1634 : i32 to vector<16xi32>
    %ne3A_1636 = arith.cmpi ne, %get3A_1597, %ne3A_1635 : vector<16xi32>
    %and3A_1637 = arith.andi %ne3A_1633, %ne3A_1636 : vector<16xi1>
    %ne3A_1638 = arith.constant 0.000000e+00 : f32
    %ne3A_1639 = vector.broadcast %ne3A_1638 : f32 to vector<16xf32>
    %ne3A_1640 = arith.cmpf one, %get3A_1601, %ne3A_1639 : vector<16xf32>
    %and3A_1641 = arith.andi %ne3A_1640, %and3A_1630 : vector<16xi1>
    %and3A_1642 = arith.andi %and3A_1641, %and3A_1637 : vector<16xi1>
    %broadcast_in_dim3A_1643 = arith.constant -1 : i32
    %broadcast_in_dim3A_1644 = vector.broadcast %broadcast_in_dim3A_1643 : i32 to vector<16xi32>
    %and3A_1645 = arith.constant 31 : i32
    %and3A_1646 = vector.broadcast %and3A_1645 : i32 to vector<16xi32>
    %and3A_1647 = arith.andi %add3A_1606, %and3A_1646 : vector<16xi32>
    %select_n3A_1648 = arith.select %and3A_1642, %and3A_1647, %broadcast_in_dim3A_1644 : vector<16xi1>, vector<16xi32>
    %swap3A_1649 = arith.constant 352 : index
    %swap3A_1650 = tpu.vector_load %arg11[%swap3A_1649] {strides = array<i32>} : memref<4096xi32, #tpu.memory_space<vmem>>, vector<16xi32>,
    tpu.vector_store %arg11[%swap3A_1649], %select_n3A_1648 {strides = array<i32>} : memref<4096xi32, #tpu.memory_space<vmem>>, vector<16xi32>,
    %shift_right_arithmetic3A_1651 = arith.constant 5 : i32
    %shift_right_arithmetic3A_1652 = vector.broadcast %shift_right_arithmetic3A_1651 : i32 to vector<16xi32>
    %shift_right_arithmetic3A_1653 = arith.shrsi %add3A_1606, %shift_right_arithmetic3A_1652 : vector<16xi32>
    %select_n3A_1654 = arith.select %and3A_1642, %shift_right_arithmetic3A_1653, %broadcast_in_dim3A_1644 : vector<16xi1>, vector<16xi32>
    %swap3A_1655 = arith.constant 1376 : index
    %swap3A_1656 = tpu.vector_load %arg11[%swap3A_1655] {strides = array<i32>} : memref<4096xi32, #tpu.memory_space<vmem>>, vector<16xi32>,
    tpu.vector_store %arg11[%swap3A_1655], %select_n3A_1654 {strides = array<i32>} : memref<4096xi32, #tpu.memory_space<vmem>>, vector<16xi32>,
    %and3A_1657 = arith.constant 31 : i32
    %and3A_1658 = vector.broadcast %and3A_1657 : i32 to vector<16xi32>
    %and3A_1659 = arith.andi %get3A_1597, %and3A_1658 : vector<16xi32>
    %select_n3A_1660 = arith.select %and3A_1642, %and3A_1659, %broadcast_in_dim3A_1644 : vector<16xi1>, vector<16xi32>
    %swap3A_1661 = arith.constant 2400 : index
    %swap3A_1662 = tpu.vector_load %arg11[%swap3A_1661] {strides = array<i32>} : memref<4096xi32, #tpu.memory_space<vmem>>, vector<16xi32>,
    tpu.vector_store %arg11[%swap3A_1661], %select_n3A_1660 {strides = array<i32>} : memref<4096xi32, #tpu.memory_space<vmem>>, vector<16xi32>,
    %shift_right_arithmetic3A_1663 = arith.constant 5 : i32
    %shift_right_arithmetic3A_1664 = vector.broadcast %shift_right_arithmetic3A_1663 : i32 to vector<16xi32>
    %shift_right_arithmetic3A_1665 = arith.shrsi %get3A_1597, %shift_right_arithmetic3A_1664 : vector<16xi32>
    %select_n3A_1666 = arith.select %and3A_1642, %shift_right_arithmetic3A_1665, %broadcast_in_dim3A_1644 : vector<16xi1>, vector<16xi32>
    %swap3A_1667 = arith.constant 3424 : index
    %swap3A_1668 = tpu.vector_load %arg11[%swap3A_1667] {strides = array<i32>} : memref<4096xi32, #tpu.memory_space<vmem>>, vector<16xi32>,
    tpu.vector_store %arg11[%swap3A_1667], %select_n3A_1666 {strides = array<i32>} : memref<4096xi32, #tpu.memory_space<vmem>>, vector<16xi32>,
    %get3A_1669 = arith.constant 368 : index
    %get3A_1670 = tpu.vector_load %arg7[%get3A_1669] {strides = array<i32>} : memref<1024xi32, #tpu.memory_space<vmem>>, vector<16xi32>,
    %get3A_1671 = arith.constant 368 : index
    %get3A_1672 = tpu.vector_load %arg8[%get3A_1671] {strides = array<i32>} : memref<1024xi32, #tpu.memory_space<vmem>>, vector<16xi32>,
    %get3A_1673 = arith.constant 368 : index
    %get3A_1674 = tpu.vector_load %arg10[%get3A_1673] {strides = array<i32>} : memref<1024xf32, #tpu.memory_space<vmem>>, vector<16xf32>,
    %gather3A_1675 = tpu.vector_load_idx %arg8[%get3A_1670] : memref<1024xi32, #tpu.memory_space<vmem>>[vector<16xi32>], vector<16xi32>,
    %gather3A_1676 = tpu.vector_load_idx %arg9[%get3A_1670] : memref<1024xf32, #tpu.memory_space<vmem>>[vector<16xi32>], vector<16xf32>,
    %add3A_1677 = arith.constant 368 : i32
    %add3A_1678 = vector.broadcast %add3A_1677 : i32 to vector<16xi32>
    %add3A_1679 = arith.addi %iota3A, %add3A_1678 : vector<16xi32>
    %and3A_1680 = arith.constant 31 : i32
    %and3A_1681 = vector.broadcast %and3A_1680 : i32 to vector<16xi32>
    %and3A_1682 = arith.andi %gather3A_1675, %and3A_1681 : vector<16xi32>
    %and3A_1683 = arith.constant 31 : i32
    %and3A_1684 = vector.broadcast %and3A_1683 : i32 to vector<16xi32>
    %and3A_1685 = arith.andi %add3A_1679, %and3A_1684 : vector<16xi32>
    %sub3A_1686 = arith.subi %and3A_1682, %and3A_1685 : vector<16xi32>
    %shift_right_arithmetic3A_1687 = arith.constant 5 : i32
    %shift_right_arithmetic3A_1688 = vector.broadcast %shift_right_arithmetic3A_1687 : i32 to vector<16xi32>
    %shift_right_arithmetic3A_1689 = arith.shrsi %gather3A_1675, %shift_right_arithmetic3A_1688 : vector<16xi32>
    %shift_right_arithmetic3A_1690 = arith.constant 5 : i32
    %shift_right_arithmetic3A_1691 = vector.broadcast %shift_right_arithmetic3A_1690 : i32 to vector<16xi32>
    %shift_right_arithmetic3A_1692 = arith.shrsi %add3A_1679, %shift_right_arithmetic3A_1691 : vector<16xi32>
    %sub3A_1693 = arith.subi %shift_right_arithmetic3A_1689, %shift_right_arithmetic3A_1692 : vector<16xi32>
    %mul3A_1694 = arith.muli %sub3A_1686, %sub3A_1686 : vector<16xi32>
    %mul3A_1695 = arith.muli %sub3A_1693, %sub3A_1693 : vector<16xi32>
    %add3A_1696 = arith.addi %mul3A_1694, %mul3A_1695 : vector<16xi32>
    %le3A_1697 = arith.constant 9 : i32
    %le3A_1698 = vector.broadcast %le3A_1697 : i32 to vector<16xi32>
    %le3A_1699 = arith.cmpi sle, %add3A_1696, %le3A_1698 : vector<16xi32>
    %ge3A_1700 = arith.constant 1.000000e-01 : f32
    %ge3A_1701 = vector.broadcast %ge3A_1700 : f32 to vector<16xf32>
    %ge3A_1702 = arith.cmpf oge, %gather3A_1676, %ge3A_1701 : vector<16xf32>
    %and3A_1703 = arith.andi %le3A_1699, %ge3A_1702 : vector<16xi1>
    %ne3A_1704 = arith.constant 0 : i32
    %ne3A_1705 = vector.broadcast %ne3A_1704 : i32 to vector<16xi32>
    %ne3A_1706 = arith.cmpi ne, %get3A_1672, %ne3A_1705 : vector<16xi32>
    %ne3A_1707 = arith.constant 0 : i32
    %ne3A_1708 = vector.broadcast %ne3A_1707 : i32 to vector<16xi32>
    %ne3A_1709 = arith.cmpi ne, %get3A_1670, %ne3A_1708 : vector<16xi32>
    %and3A_1710 = arith.andi %ne3A_1706, %ne3A_1709 : vector<16xi1>
    %ne3A_1711 = arith.constant 0.000000e+00 : f32
    %ne3A_1712 = vector.broadcast %ne3A_1711 : f32 to vector<16xf32>
    %ne3A_1713 = arith.cmpf one, %get3A_1674, %ne3A_1712 : vector<16xf32>
    %and3A_1714 = arith.andi %ne3A_1713, %and3A_1703 : vector<16xi1>
    %and3A_1715 = arith.andi %and3A_1714, %and3A_1710 : vector<16xi1>
    %broadcast_in_dim3A_1716 = arith.constant -1 : i32
    %broadcast_in_dim3A_1717 = vector.broadcast %broadcast_in_dim3A_1716 : i32 to vector<16xi32>
    %and3A_1718 = arith.constant 31 : i32
    %and3A_1719 = vector.broadcast %and3A_1718 : i32 to vector<16xi32>
    %and3A_1720 = arith.andi %add3A_1679, %and3A_1719 : vector<16xi32>
    %select_n3A_1721 = arith.select %and3A_1715, %and3A_1720, %broadcast_in_dim3A_1717 : vector<16xi1>, vector<16xi32>
    %swap3A_1722 = arith.constant 368 : index
    %swap3A_1723 = tpu.vector_load %arg11[%swap3A_1722] {strides = array<i32>} : memref<4096xi32, #tpu.memory_space<vmem>>, vector<16xi32>,
    tpu.vector_store %arg11[%swap3A_1722], %select_n3A_1721 {strides = array<i32>} : memref<4096xi32, #tpu.memory_space<vmem>>, vector<16xi32>,
    %shift_right_arithmetic3A_1724 = arith.constant 5 : i32
    %shift_right_arithmetic3A_1725 = vector.broadcast %shift_right_arithmetic3A_1724 : i32 to vector<16xi32>
    %shift_right_arithmetic3A_1726 = arith.shrsi %add3A_1679, %shift_right_arithmetic3A_1725 : vector<16xi32>
    %select_n3A_1727 = arith.select %and3A_1715, %shift_right_arithmetic3A_1726, %broadcast_in_dim3A_1717 : vector<16xi1>, vector<16xi32>
    %swap3A_1728 = arith.constant 1392 : index
    %swap3A_1729 = tpu.vector_load %arg11[%swap3A_1728] {strides = array<i32>} : memref<4096xi32, #tpu.memory_space<vmem>>, vector<16xi32>,
    tpu.vector_store %arg11[%swap3A_1728], %select_n3A_1727 {strides = array<i32>} : memref<4096xi32, #tpu.memory_space<vmem>>, vector<16xi32>,
    %and3A_1730 = arith.constant 31 : i32
    %and3A_1731 = vector.broadcast %and3A_1730 : i32 to vector<16xi32>
    %and3A_1732 = arith.andi %get3A_1670, %and3A_1731 : vector<16xi32>
    %select_n3A_1733 = arith.select %and3A_1715, %and3A_1732, %broadcast_in_dim3A_1717 : vector<16xi1>, vector<16xi32>
    %swap3A_1734 = arith.constant 2416 : index
    %swap3A_1735 = tpu.vector_load %arg11[%swap3A_1734] {strides = array<i32>} : memref<4096xi32, #tpu.memory_space<vmem>>, vector<16xi32>,
    tpu.vector_store %arg11[%swap3A_1734], %select_n3A_1733 {strides = array<i32>} : memref<4096xi32, #tpu.memory_space<vmem>>, vector<16xi32>,
    %shift_right_arithmetic3A_1736 = arith.constant 5 : i32
    %shift_right_arithmetic3A_1737 = vector.broadcast %shift_right_arithmetic3A_1736 : i32 to vector<16xi32>
    %shift_right_arithmetic3A_1738 = arith.shrsi %get3A_1670, %shift_right_arithmetic3A_1737 : vector<16xi32>
    %select_n3A_1739 = arith.select %and3A_1715, %shift_right_arithmetic3A_1738, %broadcast_in_dim3A_1717 : vector<16xi1>, vector<16xi32>
    %swap3A_1740 = arith.constant 3440 : index
    %swap3A_1741 = tpu.vector_load %arg11[%swap3A_1740] {strides = array<i32>} : memref<4096xi32, #tpu.memory_space<vmem>>, vector<16xi32>,
    tpu.vector_store %arg11[%swap3A_1740], %select_n3A_1739 {strides = array<i32>} : memref<4096xi32, #tpu.memory_space<vmem>>, vector<16xi32>,
    %get3A_1742 = arith.constant 384 : index
    %get3A_1743 = tpu.vector_load %arg7[%get3A_1742] {strides = array<i32>} : memref<1024xi32, #tpu.memory_space<vmem>>, vector<16xi32>,
    %get3A_1744 = arith.constant 384 : index
    %get3A_1745 = tpu.vector_load %arg8[%get3A_1744] {strides = array<i32>} : memref<1024xi32, #tpu.memory_space<vmem>>, vector<16xi32>,
    %get3A_1746 = arith.constant 384 : index
    %get3A_1747 = tpu.vector_load %arg10[%get3A_1746] {strides = array<i32>} : memref<1024xf32, #tpu.memory_space<vmem>>, vector<16xf32>,
    %gather3A_1748 = tpu.vector_load_idx %arg8[%get3A_1743] : memref<1024xi32, #tpu.memory_space<vmem>>[vector<16xi32>], vector<16xi32>,
    %gather3A_1749 = tpu.vector_load_idx %arg9[%get3A_1743] : memref<1024xf32, #tpu.memory_space<vmem>>[vector<16xi32>], vector<16xf32>,
    %add3A_1750 = arith.constant 384 : i32
    %add3A_1751 = vector.broadcast %add3A_1750 : i32 to vector<16xi32>
    %add3A_1752 = arith.addi %iota3A, %add3A_1751 : vector<16xi32>
    %and3A_1753 = arith.constant 31 : i32
    %and3A_1754 = vector.broadcast %and3A_1753 : i32 to vector<16xi32>
    %and3A_1755 = arith.andi %gather3A_1748, %and3A_1754 : vector<16xi32>
    %and3A_1756 = arith.constant 31 : i32
    %and3A_1757 = vector.broadcast %and3A_1756 : i32 to vector<16xi32>
    %and3A_1758 = arith.andi %add3A_1752, %and3A_1757 : vector<16xi32>
    %sub3A_1759 = arith.subi %and3A_1755, %and3A_1758 : vector<16xi32>
    %shift_right_arithmetic3A_1760 = arith.constant 5 : i32
    %shift_right_arithmetic3A_1761 = vector.broadcast %shift_right_arithmetic3A_1760 : i32 to vector<16xi32>
    %shift_right_arithmetic3A_1762 = arith.shrsi %gather3A_1748, %shift_right_arithmetic3A_1761 : vector<16xi32>
    %shift_right_arithmetic3A_1763 = arith.constant 5 : i32
    %shift_right_arithmetic3A_1764 = vector.broadcast %shift_right_arithmetic3A_1763 : i32 to vector<16xi32>
    %shift_right_arithmetic3A_1765 = arith.shrsi %add3A_1752, %shift_right_arithmetic3A_1764 : vector<16xi32>
    %sub3A_1766 = arith.subi %shift_right_arithmetic3A_1762, %shift_right_arithmetic3A_1765 : vector<16xi32>
    %mul3A_1767 = arith.muli %sub3A_1759, %sub3A_1759 : vector<16xi32>
    %mul3A_1768 = arith.muli %sub3A_1766, %sub3A_1766 : vector<16xi32>
    %add3A_1769 = arith.addi %mul3A_1767, %mul3A_1768 : vector<16xi32>
    %le3A_1770 = arith.constant 9 : i32
    %le3A_1771 = vector.broadcast %le3A_1770 : i32 to vector<16xi32>
    %le3A_1772 = arith.cmpi sle, %add3A_1769, %le3A_1771 : vector<16xi32>
    %ge3A_1773 = arith.constant 1.000000e-01 : f32
    %ge3A_1774 = vector.broadcast %ge3A_1773 : f32 to vector<16xf32>
    %ge3A_1775 = arith.cmpf oge, %gather3A_1749, %ge3A_1774 : vector<16xf32>
    %and3A_1776 = arith.andi %le3A_1772, %ge3A_1775 : vector<16xi1>
    %ne3A_1777 = arith.constant 0 : i32
    %ne3A_1778 = vector.broadcast %ne3A_1777 : i32 to vector<16xi32>
    %ne3A_1779 = arith.cmpi ne, %get3A_1745, %ne3A_1778 : vector<16xi32>
    %ne3A_1780 = arith.constant 0 : i32
    %ne3A_1781 = vector.broadcast %ne3A_1780 : i32 to vector<16xi32>
    %ne3A_1782 = arith.cmpi ne, %get3A_1743, %ne3A_1781 : vector<16xi32>
    %and3A_1783 = arith.andi %ne3A_1779, %ne3A_1782 : vector<16xi1>
    %ne3A_1784 = arith.constant 0.000000e+00 : f32
    %ne3A_1785 = vector.broadcast %ne3A_1784 : f32 to vector<16xf32>
    %ne3A_1786 = arith.cmpf one, %get3A_1747, %ne3A_1785 : vector<16xf32>
    %and3A_1787 = arith.andi %ne3A_1786, %and3A_1776 : vector<16xi1>
    %and3A_1788 = arith.andi %and3A_1787, %and3A_1783 : vector<16xi1>
    %broadcast_in_dim3A_1789 = arith.constant -1 : i32
    %broadcast_in_dim3A_1790 = vector.broadcast %broadcast_in_dim3A_1789 : i32 to vector<16xi32>
    %and3A_1791 = arith.constant 31 : i32
    %and3A_1792 = vector.broadcast %and3A_1791 : i32 to vector<16xi32>
    %and3A_1793 = arith.andi %add3A_1752, %and3A_1792 : vector<16xi32>
    %select_n3A_1794 = arith.select %and3A_1788, %and3A_1793, %broadcast_in_dim3A_1790 : vector<16xi1>, vector<16xi32>
    %swap3A_1795 = arith.constant 384 : index
    %swap3A_1796 = tpu.vector_load %arg11[%swap3A_1795] {strides = array<i32>} : memref<4096xi32, #tpu.memory_space<vmem>>, vector<16xi32>,
    tpu.vector_store %arg11[%swap3A_1795], %select_n3A_1794 {strides = array<i32>} : memref<4096xi32, #tpu.memory_space<vmem>>, vector<16xi32>,
    %shift_right_arithmetic3A_1797 = arith.constant 5 : i32
    %shift_right_arithmetic3A_1798 = vector.broadcast %shift_right_arithmetic3A_1797 : i32 to vector<16xi32>
    %shift_right_arithmetic3A_1799 = arith.shrsi %add3A_1752, %shift_right_arithmetic3A_1798 : vector<16xi32>
    %select_n3A_1800 = arith.select %and3A_1788, %shift_right_arithmetic3A_1799, %broadcast_in_dim3A_1790 : vector<16xi1>, vector<16xi32>
    %swap3A_1801 = arith.constant 1408 : index
    %swap3A_1802 = tpu.vector_load %arg11[%swap3A_1801] {strides = array<i32>} : memref<4096xi32, #tpu.memory_space<vmem>>, vector<16xi32>,
    tpu.vector_store %arg11[%swap3A_1801], %select_n3A_1800 {strides = array<i32>} : memref<4096xi32, #tpu.memory_space<vmem>>, vector<16xi32>,
    %and3A_1803 = arith.constant 31 : i32
    %and3A_1804 = vector.broadcast %and3A_1803 : i32 to vector<16xi32>
    %and3A_1805 = arith.andi %get3A_1743, %and3A_1804 : vector<16xi32>
    %select_n3A_1806 = arith.select %and3A_1788, %and3A_1805, %broadcast_in_dim3A_1790 : vector<16xi1>, vector<16xi32>
    %swap3A_1807 = arith.constant 2432 : index
    %swap3A_1808 = tpu.vector_load %arg11[%swap3A_1807] {strides = array<i32>} : memref<4096xi32, #tpu.memory_space<vmem>>, vector<16xi32>,
    tpu.vector_store %arg11[%swap3A_1807], %select_n3A_1806 {strides = array<i32>} : memref<4096xi32, #tpu.memory_space<vmem>>, vector<16xi32>,
    %shift_right_arithmetic3A_1809 = arith.constant 5 : i32
    %shift_right_arithmetic3A_1810 = vector.broadcast %shift_right_arithmetic3A_1809 : i32 to vector<16xi32>
    %shift_right_arithmetic3A_1811 = arith.shrsi %get3A_1743, %shift_right_arithmetic3A_1810 : vector<16xi32>
    %select_n3A_1812 = arith.select %and3A_1788, %shift_right_arithmetic3A_1811, %broadcast_in_dim3A_1790 : vector<16xi1>, vector<16xi32>
    %swap3A_1813 = arith.constant 3456 : index
    %swap3A_1814 = tpu.vector_load %arg11[%swap3A_1813] {strides = array<i32>} : memref<4096xi32, #tpu.memory_space<vmem>>, vector<16xi32>,
    tpu.vector_store %arg11[%swap3A_1813], %select_n3A_1812 {strides = array<i32>} : memref<4096xi32, #tpu.memory_space<vmem>>, vector<16xi32>,
    %get3A_1815 = arith.constant 400 : index
    %get3A_1816 = tpu.vector_load %arg7[%get3A_1815] {strides = array<i32>} : memref<1024xi32, #tpu.memory_space<vmem>>, vector<16xi32>,
    %get3A_1817 = arith.constant 400 : index
    %get3A_1818 = tpu.vector_load %arg8[%get3A_1817] {strides = array<i32>} : memref<1024xi32, #tpu.memory_space<vmem>>, vector<16xi32>,
    %get3A_1819 = arith.constant 400 : index
    %get3A_1820 = tpu.vector_load %arg10[%get3A_1819] {strides = array<i32>} : memref<1024xf32, #tpu.memory_space<vmem>>, vector<16xf32>,
    %gather3A_1821 = tpu.vector_load_idx %arg8[%get3A_1816] : memref<1024xi32, #tpu.memory_space<vmem>>[vector<16xi32>], vector<16xi32>,
    %gather3A_1822 = tpu.vector_load_idx %arg9[%get3A_1816] : memref<1024xf32, #tpu.memory_space<vmem>>[vector<16xi32>], vector<16xf32>,
    %add3A_1823 = arith.constant 400 : i32
    %add3A_1824 = vector.broadcast %add3A_1823 : i32 to vector<16xi32>
    %add3A_1825 = arith.addi %iota3A, %add3A_1824 : vector<16xi32>
    %and3A_1826 = arith.constant 31 : i32
    %and3A_1827 = vector.broadcast %and3A_1826 : i32 to vector<16xi32>
    %and3A_1828 = arith.andi %gather3A_1821, %and3A_1827 : vector<16xi32>
    %and3A_1829 = arith.constant 31 : i32
    %and3A_1830 = vector.broadcast %and3A_1829 : i32 to vector<16xi32>
    %and3A_1831 = arith.andi %add3A_1825, %and3A_1830 : vector<16xi32>
    %sub3A_1832 = arith.subi %and3A_1828, %and3A_1831 : vector<16xi32>
    %shift_right_arithmetic3A_1833 = arith.constant 5 : i32
    %shift_right_arithmetic3A_1834 = vector.broadcast %shift_right_arithmetic3A_1833 : i32 to vector<16xi32>
    %shift_right_arithmetic3A_1835 = arith.shrsi %gather3A_1821, %shift_right_arithmetic3A_1834 : vector<16xi32>
    %shift_right_arithmetic3A_1836 = arith.constant 5 : i32
    %shift_right_arithmetic3A_1837 = vector.broadcast %shift_right_arithmetic3A_1836 : i32 to vector<16xi32>
    %shift_right_arithmetic3A_1838 = arith.shrsi %add3A_1825, %shift_right_arithmetic3A_1837 : vector<16xi32>
    %sub3A_1839 = arith.subi %shift_right_arithmetic3A_1835, %shift_right_arithmetic3A_1838 : vector<16xi32>
    %mul3A_1840 = arith.muli %sub3A_1832, %sub3A_1832 : vector<16xi32>
    %mul3A_1841 = arith.muli %sub3A_1839, %sub3A_1839 : vector<16xi32>
    %add3A_1842 = arith.addi %mul3A_1840, %mul3A_1841 : vector<16xi32>
    %le3A_1843 = arith.constant 9 : i32
    %le3A_1844 = vector.broadcast %le3A_1843 : i32 to vector<16xi32>
    %le3A_1845 = arith.cmpi sle, %add3A_1842, %le3A_1844 : vector<16xi32>
    %ge3A_1846 = arith.constant 1.000000e-01 : f32
    %ge3A_1847 = vector.broadcast %ge3A_1846 : f32 to vector<16xf32>
    %ge3A_1848 = arith.cmpf oge, %gather3A_1822, %ge3A_1847 : vector<16xf32>
    %and3A_1849 = arith.andi %le3A_1845, %ge3A_1848 : vector<16xi1>
    %ne3A_1850 = arith.constant 0 : i32
    %ne3A_1851 = vector.broadcast %ne3A_1850 : i32 to vector<16xi32>
    %ne3A_1852 = arith.cmpi ne, %get3A_1818, %ne3A_1851 : vector<16xi32>
    %ne3A_1853 = arith.constant 0 : i32
    %ne3A_1854 = vector.broadcast %ne3A_1853 : i32 to vector<16xi32>
    %ne3A_1855 = arith.cmpi ne, %get3A_1816, %ne3A_1854 : vector<16xi32>
    %and3A_1856 = arith.andi %ne3A_1852, %ne3A_1855 : vector<16xi1>
    %ne3A_1857 = arith.constant 0.000000e+00 : f32
    %ne3A_1858 = vector.broadcast %ne3A_1857 : f32 to vector<16xf32>
    %ne3A_1859 = arith.cmpf one, %get3A_1820, %ne3A_1858 : vector<16xf32>
    %and3A_1860 = arith.andi %ne3A_1859, %and3A_1849 : vector<16xi1>
    %and3A_1861 = arith.andi %and3A_1860, %and3A_1856 : vector<16xi1>
    %broadcast_in_dim3A_1862 = arith.constant -1 : i32
    %broadcast_in_dim3A_1863 = vector.broadcast %broadcast_in_dim3A_1862 : i32 to vector<16xi32>
    %and3A_1864 = arith.constant 31 : i32
    %and3A_1865 = vector.broadcast %and3A_1864 : i32 to vector<16xi32>
    %and3A_1866 = arith.andi %add3A_1825, %and3A_1865 : vector<16xi32>
    %select_n3A_1867 = arith.select %and3A_1861, %and3A_1866, %broadcast_in_dim3A_1863 : vector<16xi1>, vector<16xi32>
    %swap3A_1868 = arith.constant 400 : index
    %swap3A_1869 = tpu.vector_load %arg11[%swap3A_1868] {strides = array<i32>} : memref<4096xi32, #tpu.memory_space<vmem>>, vector<16xi32>,
    tpu.vector_store %arg11[%swap3A_1868], %select_n3A_1867 {strides = array<i32>} : memref<4096xi32, #tpu.memory_space<vmem>>, vector<16xi32>,
    %shift_right_arithmetic3A_1870 = arith.constant 5 : i32
    %shift_right_arithmetic3A_1871 = vector.broadcast %shift_right_arithmetic3A_1870 : i32 to vector<16xi32>
    %shift_right_arithmetic3A_1872 = arith.shrsi %add3A_1825, %shift_right_arithmetic3A_1871 : vector<16xi32>
    %select_n3A_1873 = arith.select %and3A_1861, %shift_right_arithmetic3A_1872, %broadcast_in_dim3A_1863 : vector<16xi1>, vector<16xi32>
    %swap3A_1874 = arith.constant 1424 : index
    %swap3A_1875 = tpu.vector_load %arg11[%swap3A_1874] {strides = array<i32>} : memref<4096xi32, #tpu.memory_space<vmem>>, vector<16xi32>,
    tpu.vector_store %arg11[%swap3A_1874], %select_n3A_1873 {strides = array<i32>} : memref<4096xi32, #tpu.memory_space<vmem>>, vector<16xi32>,
    %and3A_1876 = arith.constant 31 : i32
    %and3A_1877 = vector.broadcast %and3A_1876 : i32 to vector<16xi32>
    %and3A_1878 = arith.andi %get3A_1816, %and3A_1877 : vector<16xi32>
    %select_n3A_1879 = arith.select %and3A_1861, %and3A_1878, %broadcast_in_dim3A_1863 : vector<16xi1>, vector<16xi32>
    %swap3A_1880 = arith.constant 2448 : index
    %swap3A_1881 = tpu.vector_load %arg11[%swap3A_1880] {strides = array<i32>} : memref<4096xi32, #tpu.memory_space<vmem>>, vector<16xi32>,
    tpu.vector_store %arg11[%swap3A_1880], %select_n3A_1879 {strides = array<i32>} : memref<4096xi32, #tpu.memory_space<vmem>>, vector<16xi32>,
    %shift_right_arithmetic3A_1882 = arith.constant 5 : i32
    %shift_right_arithmetic3A_1883 = vector.broadcast %shift_right_arithmetic3A_1882 : i32 to vector<16xi32>
    %shift_right_arithmetic3A_1884 = arith.shrsi %get3A_1816, %shift_right_arithmetic3A_1883 : vector<16xi32>
    %select_n3A_1885 = arith.select %and3A_1861, %shift_right_arithmetic3A_1884, %broadcast_in_dim3A_1863 : vector<16xi1>, vector<16xi32>
    %swap3A_1886 = arith.constant 3472 : index
    %swap3A_1887 = tpu.vector_load %arg11[%swap3A_1886] {strides = array<i32>} : memref<4096xi32, #tpu.memory_space<vmem>>, vector<16xi32>,
    tpu.vector_store %arg11[%swap3A_1886], %select_n3A_1885 {strides = array<i32>} : memref<4096xi32, #tpu.memory_space<vmem>>, vector<16xi32>,
    %get3A_1888 = arith.constant 416 : index
    %get3A_1889 = tpu.vector_load %arg7[%get3A_1888] {strides = array<i32>} : memref<1024xi32, #tpu.memory_space<vmem>>, vector<16xi32>,
    %get3A_1890 = arith.constant 416 : index
    %get3A_1891 = tpu.vector_load %arg8[%get3A_1890] {strides = array<i32>} : memref<1024xi32, #tpu.memory_space<vmem>>, vector<16xi32>,
    %get3A_1892 = arith.constant 416 : index
    %get3A_1893 = tpu.vector_load %arg10[%get3A_1892] {strides = array<i32>} : memref<1024xf32, #tpu.memory_space<vmem>>, vector<16xf32>,
    %gather3A_1894 = tpu.vector_load_idx %arg8[%get3A_1889] : memref<1024xi32, #tpu.memory_space<vmem>>[vector<16xi32>], vector<16xi32>,
    %gather3A_1895 = tpu.vector_load_idx %arg9[%get3A_1889] : memref<1024xf32, #tpu.memory_space<vmem>>[vector<16xi32>], vector<16xf32>,
    %add3A_1896 = arith.constant 416 : i32
    %add3A_1897 = vector.broadcast %add3A_1896 : i32 to vector<16xi32>
    %add3A_1898 = arith.addi %iota3A, %add3A_1897 : vector<16xi32>
    %and3A_1899 = arith.constant 31 : i32
    %and3A_1900 = vector.broadcast %and3A_1899 : i32 to vector<16xi32>
    %and3A_1901 = arith.andi %gather3A_1894, %and3A_1900 : vector<16xi32>
    %and3A_1902 = arith.constant 31 : i32
    %and3A_1903 = vector.broadcast %and3A_1902 : i32 to vector<16xi32>
    %and3A_1904 = arith.andi %add3A_1898, %and3A_1903 : vector<16xi32>
    %sub3A_1905 = arith.subi %and3A_1901, %and3A_1904 : vector<16xi32>
    %shift_right_arithmetic3A_1906 = arith.constant 5 : i32
    %shift_right_arithmetic3A_1907 = vector.broadcast %shift_right_arithmetic3A_1906 : i32 to vector<16xi32>
    %shift_right_arithmetic3A_1908 = arith.shrsi %gather3A_1894, %shift_right_arithmetic3A_1907 : vector<16xi32>
    %shift_right_arithmetic3A_1909 = arith.constant 5 : i32
    %shift_right_arithmetic3A_1910 = vector.broadcast %shift_right_arithmetic3A_1909 : i32 to vector<16xi32>
    %shift_right_arithmetic3A_1911 = arith.shrsi %add3A_1898, %shift_right_arithmetic3A_1910 : vector<16xi32>
    %sub3A_1912 = arith.subi %shift_right_arithmetic3A_1908, %shift_right_arithmetic3A_1911 : vector<16xi32>
    %mul3A_1913 = arith.muli %sub3A_1905, %sub3A_1905 : vector<16xi32>
    %mul3A_1914 = arith.muli %sub3A_1912, %sub3A_1912 : vector<16xi32>
    %add3A_1915 = arith.addi %mul3A_1913, %mul3A_1914 : vector<16xi32>
    %le3A_1916 = arith.constant 9 : i32
    %le3A_1917 = vector.broadcast %le3A_1916 : i32 to vector<16xi32>
    %le3A_1918 = arith.cmpi sle, %add3A_1915, %le3A_1917 : vector<16xi32>
    %ge3A_1919 = arith.constant 1.000000e-01 : f32
    %ge3A_1920 = vector.broadcast %ge3A_1919 : f32 to vector<16xf32>
    %ge3A_1921 = arith.cmpf oge, %gather3A_1895, %ge3A_1920 : vector<16xf32>
    %and3A_1922 = arith.andi %le3A_1918, %ge3A_1921 : vector<16xi1>
    %ne3A_1923 = arith.constant 0 : i32
    %ne3A_1924 = vector.broadcast %ne3A_1923 : i32 to vector<16xi32>
    %ne3A_1925 = arith.cmpi ne, %get3A_1891, %ne3A_1924 : vector<16xi32>
    %ne3A_1926 = arith.constant 0 : i32
    %ne3A_1927 = vector.broadcast %ne3A_1926 : i32 to vector<16xi32>
    %ne3A_1928 = arith.cmpi ne, %get3A_1889, %ne3A_1927 : vector<16xi32>
    %and3A_1929 = arith.andi %ne3A_1925, %ne3A_1928 : vector<16xi1>
    %ne3A_1930 = arith.constant 0.000000e+00 : f32
    %ne3A_1931 = vector.broadcast %ne3A_1930 : f32 to vector<16xf32>
    %ne3A_1932 = arith.cmpf one, %get3A_1893, %ne3A_1931 : vector<16xf32>
    %and3A_1933 = arith.andi %ne3A_1932, %and3A_1922 : vector<16xi1>
    %and3A_1934 = arith.andi %and3A_1933, %and3A_1929 : vector<16xi1>
    %broadcast_in_dim3A_1935 = arith.constant -1 : i32
    %broadcast_in_dim3A_1936 = vector.broadcast %broadcast_in_dim3A_1935 : i32 to vector<16xi32>
    %and3A_1937 = arith.constant 31 : i32
    %and3A_1938 = vector.broadcast %and3A_1937 : i32 to vector<16xi32>
    %and3A_1939 = arith.andi %add3A_1898, %and3A_1938 : vector<16xi32>
    %select_n3A_1940 = arith.select %and3A_1934, %and3A_1939, %broadcast_in_dim3A_1936 : vector<16xi1>, vector<16xi32>
    %swap3A_1941 = arith.constant 416 : index
    %swap3A_1942 = tpu.vector_load %arg11[%swap3A_1941] {strides = array<i32>} : memref<4096xi32, #tpu.memory_space<vmem>>, vector<16xi32>,
    tpu.vector_store %arg11[%swap3A_1941], %select_n3A_1940 {strides = array<i32>} : memref<4096xi32, #tpu.memory_space<vmem>>, vector<16xi32>,
    %shift_right_arithmetic3A_1943 = arith.constant 5 : i32
    %shift_right_arithmetic3A_1944 = vector.broadcast %shift_right_arithmetic3A_1943 : i32 to vector<16xi32>
    %shift_right_arithmetic3A_1945 = arith.shrsi %add3A_1898, %shift_right_arithmetic3A_1944 : vector<16xi32>
    %select_n3A_1946 = arith.select %and3A_1934, %shift_right_arithmetic3A_1945, %broadcast_in_dim3A_1936 : vector<16xi1>, vector<16xi32>
    %swap3A_1947 = arith.constant 1440 : index
    %swap3A_1948 = tpu.vector_load %arg11[%swap3A_1947] {strides = array<i32>} : memref<4096xi32, #tpu.memory_space<vmem>>, vector<16xi32>,
    tpu.vector_store %arg11[%swap3A_1947], %select_n3A_1946 {strides = array<i32>} : memref<4096xi32, #tpu.memory_space<vmem>>, vector<16xi32>,
    %and3A_1949 = arith.constant 31 : i32
    %and3A_1950 = vector.broadcast %and3A_1949 : i32 to vector<16xi32>
    %and3A_1951 = arith.andi %get3A_1889, %and3A_1950 : vector<16xi32>
    %select_n3A_1952 = arith.select %and3A_1934, %and3A_1951, %broadcast_in_dim3A_1936 : vector<16xi1>, vector<16xi32>
    %swap3A_1953 = arith.constant 2464 : index
    %swap3A_1954 = tpu.vector_load %arg11[%swap3A_1953] {strides = array<i32>} : memref<4096xi32, #tpu.memory_space<vmem>>, vector<16xi32>,
    tpu.vector_store %arg11[%swap3A_1953], %select_n3A_1952 {strides = array<i32>} : memref<4096xi32, #tpu.memory_space<vmem>>, vector<16xi32>,
    %shift_right_arithmetic3A_1955 = arith.constant 5 : i32
    %shift_right_arithmetic3A_1956 = vector.broadcast %shift_right_arithmetic3A_1955 : i32 to vector<16xi32>
    %shift_right_arithmetic3A_1957 = arith.shrsi %get3A_1889, %shift_right_arithmetic3A_1956 : vector<16xi32>
    %select_n3A_1958 = arith.select %and3A_1934, %shift_right_arithmetic3A_1957, %broadcast_in_dim3A_1936 : vector<16xi1>, vector<16xi32>
    %swap3A_1959 = arith.constant 3488 : index
    %swap3A_1960 = tpu.vector_load %arg11[%swap3A_1959] {strides = array<i32>} : memref<4096xi32, #tpu.memory_space<vmem>>, vector<16xi32>,
    tpu.vector_store %arg11[%swap3A_1959], %select_n3A_1958 {strides = array<i32>} : memref<4096xi32, #tpu.memory_space<vmem>>, vector<16xi32>,
    %get3A_1961 = arith.constant 432 : index
    %get3A_1962 = tpu.vector_load %arg7[%get3A_1961] {strides = array<i32>} : memref<1024xi32, #tpu.memory_space<vmem>>, vector<16xi32>,
    %get3A_1963 = arith.constant 432 : index
    %get3A_1964 = tpu.vector_load %arg8[%get3A_1963] {strides = array<i32>} : memref<1024xi32, #tpu.memory_space<vmem>>, vector<16xi32>,
    %get3A_1965 = arith.constant 432 : index
    %get3A_1966 = tpu.vector_load %arg10[%get3A_1965] {strides = array<i32>} : memref<1024xf32, #tpu.memory_space<vmem>>, vector<16xf32>,
    %gather3A_1967 = tpu.vector_load_idx %arg8[%get3A_1962] : memref<1024xi32, #tpu.memory_space<vmem>>[vector<16xi32>], vector<16xi32>,
    %gather3A_1968 = tpu.vector_load_idx %arg9[%get3A_1962] : memref<1024xf32, #tpu.memory_space<vmem>>[vector<16xi32>], vector<16xf32>,
    %add3A_1969 = arith.constant 432 : i32
    %add3A_1970 = vector.broadcast %add3A_1969 : i32 to vector<16xi32>
    %add3A_1971 = arith.addi %iota3A, %add3A_1970 : vector<16xi32>
    %and3A_1972 = arith.constant 31 : i32
    %and3A_1973 = vector.broadcast %and3A_1972 : i32 to vector<16xi32>
    %and3A_1974 = arith.andi %gather3A_1967, %and3A_1973 : vector<16xi32>
    %and3A_1975 = arith.constant 31 : i32
    %and3A_1976 = vector.broadcast %and3A_1975 : i32 to vector<16xi32>
    %and3A_1977 = arith.andi %add3A_1971, %and3A_1976 : vector<16xi32>
    %sub3A_1978 = arith.subi %and3A_1974, %and3A_1977 : vector<16xi32>
    %shift_right_arithmetic3A_1979 = arith.constant 5 : i32
    %shift_right_arithmetic3A_1980 = vector.broadcast %shift_right_arithmetic3A_1979 : i32 to vector<16xi32>
    %shift_right_arithmetic3A_1981 = arith.shrsi %gather3A_1967, %shift_right_arithmetic3A_1980 : vector<16xi32>
    %shift_right_arithmetic3A_1982 = arith.constant 5 : i32
    %shift_right_arithmetic3A_1983 = vector.broadcast %shift_right_arithmetic3A_1982 : i32 to vector<16xi32>
    %shift_right_arithmetic3A_1984 = arith.shrsi %add3A_1971, %shift_right_arithmetic3A_1983 : vector<16xi32>
    %sub3A_1985 = arith.subi %shift_right_arithmetic3A_1981, %shift_right_arithmetic3A_1984 : vector<16xi32>
    %mul3A_1986 = arith.muli %sub3A_1978, %sub3A_1978 : vector<16xi32>
    %mul3A_1987 = arith.muli %sub3A_1985, %sub3A_1985 : vector<16xi32>
    %add3A_1988 = arith.addi %mul3A_1986, %mul3A_1987 : vector<16xi32>
    %le3A_1989 = arith.constant 9 : i32
    %le3A_1990 = vector.broadcast %le3A_1989 : i32 to vector<16xi32>
    %le3A_1991 = arith.cmpi sle, %add3A_1988, %le3A_1990 : vector<16xi32>
    %ge3A_1992 = arith.constant 1.000000e-01 : f32
    %ge3A_1993 = vector.broadcast %ge3A_1992 : f32 to vector<16xf32>
    %ge3A_1994 = arith.cmpf oge, %gather3A_1968, %ge3A_1993 : vector<16xf32>
    %and3A_1995 = arith.andi %le3A_1991, %ge3A_1994 : vector<16xi1>
    %ne3A_1996 = arith.constant 0 : i32
    %ne3A_1997 = vector.broadcast %ne3A_1996 : i32 to vector<16xi32>
    %ne3A_1998 = arith.cmpi ne, %get3A_1964, %ne3A_1997 : vector<16xi32>
    %ne3A_1999 = arith.constant 0 : i32
    %ne3A_2000 = vector.broadcast %ne3A_1999 : i32 to vector<16xi32>
    %ne3A_2001 = arith.cmpi ne, %get3A_1962, %ne3A_2000 : vector<16xi32>
    %and3A_2002 = arith.andi %ne3A_1998, %ne3A_2001 : vector<16xi1>
    %ne3A_2003 = arith.constant 0.000000e+00 : f32
    %ne3A_2004 = vector.broadcast %ne3A_2003 : f32 to vector<16xf32>
    %ne3A_2005 = arith.cmpf one, %get3A_1966, %ne3A_2004 : vector<16xf32>
    %and3A_2006 = arith.andi %ne3A_2005, %and3A_1995 : vector<16xi1>
    %and3A_2007 = arith.andi %and3A_2006, %and3A_2002 : vector<16xi1>
    %broadcast_in_dim3A_2008 = arith.constant -1 : i32
    %broadcast_in_dim3A_2009 = vector.broadcast %broadcast_in_dim3A_2008 : i32 to vector<16xi32>
    %and3A_2010 = arith.constant 31 : i32
    %and3A_2011 = vector.broadcast %and3A_2010 : i32 to vector<16xi32>
    %and3A_2012 = arith.andi %add3A_1971, %and3A_2011 : vector<16xi32>
    %select_n3A_2013 = arith.select %and3A_2007, %and3A_2012, %broadcast_in_dim3A_2009 : vector<16xi1>, vector<16xi32>
    %swap3A_2014 = arith.constant 432 : index
    %swap3A_2015 = tpu.vector_load %arg11[%swap3A_2014] {strides = array<i32>} : memref<4096xi32, #tpu.memory_space<vmem>>, vector<16xi32>,
    tpu.vector_store %arg11[%swap3A_2014], %select_n3A_2013 {strides = array<i32>} : memref<4096xi32, #tpu.memory_space<vmem>>, vector<16xi32>,
    %shift_right_arithmetic3A_2016 = arith.constant 5 : i32
    %shift_right_arithmetic3A_2017 = vector.broadcast %shift_right_arithmetic3A_2016 : i32 to vector<16xi32>
    %shift_right_arithmetic3A_2018 = arith.shrsi %add3A_1971, %shift_right_arithmetic3A_2017 : vector<16xi32>
    %select_n3A_2019 = arith.select %and3A_2007, %shift_right_arithmetic3A_2018, %broadcast_in_dim3A_2009 : vector<16xi1>, vector<16xi32>
    %swap3A_2020 = arith.constant 1456 : index
    %swap3A_2021 = tpu.vector_load %arg11[%swap3A_2020] {strides = array<i32>} : memref<4096xi32, #tpu.memory_space<vmem>>, vector<16xi32>,
    tpu.vector_store %arg11[%swap3A_2020], %select_n3A_2019 {strides = array<i32>} : memref<4096xi32, #tpu.memory_space<vmem>>, vector<16xi32>,
    %and3A_2022 = arith.constant 31 : i32
    %and3A_2023 = vector.broadcast %and3A_2022 : i32 to vector<16xi32>
    %and3A_2024 = arith.andi %get3A_1962, %and3A_2023 : vector<16xi32>
    %select_n3A_2025 = arith.select %and3A_2007, %and3A_2024, %broadcast_in_dim3A_2009 : vector<16xi1>, vector<16xi32>
    %swap3A_2026 = arith.constant 2480 : index
    %swap3A_2027 = tpu.vector_load %arg11[%swap3A_2026] {strides = array<i32>} : memref<4096xi32, #tpu.memory_space<vmem>>, vector<16xi32>,
    tpu.vector_store %arg11[%swap3A_2026], %select_n3A_2025 {strides = array<i32>} : memref<4096xi32, #tpu.memory_space<vmem>>, vector<16xi32>,
    %shift_right_arithmetic3A_2028 = arith.constant 5 : i32
    %shift_right_arithmetic3A_2029 = vector.broadcast %shift_right_arithmetic3A_2028 : i32 to vector<16xi32>
    %shift_right_arithmetic3A_2030 = arith.shrsi %get3A_1962, %shift_right_arithmetic3A_2029 : vector<16xi32>
    %select_n3A_2031 = arith.select %and3A_2007, %shift_right_arithmetic3A_2030, %broadcast_in_dim3A_2009 : vector<16xi1>, vector<16xi32>
    %swap3A_2032 = arith.constant 3504 : index
    %swap3A_2033 = tpu.vector_load %arg11[%swap3A_2032] {strides = array<i32>} : memref<4096xi32, #tpu.memory_space<vmem>>, vector<16xi32>,
    tpu.vector_store %arg11[%swap3A_2032], %select_n3A_2031 {strides = array<i32>} : memref<4096xi32, #tpu.memory_space<vmem>>, vector<16xi32>,
    %get3A_2034 = arith.constant 448 : index
    %get3A_2035 = tpu.vector_load %arg7[%get3A_2034] {strides = array<i32>} : memref<1024xi32, #tpu.memory_space<vmem>>, vector<16xi32>,
    %get3A_2036 = arith.constant 448 : index
    %get3A_2037 = tpu.vector_load %arg8[%get3A_2036] {strides = array<i32>} : memref<1024xi32, #tpu.memory_space<vmem>>, vector<16xi32>,
    %get3A_2038 = arith.constant 448 : index
    %get3A_2039 = tpu.vector_load %arg10[%get3A_2038] {strides = array<i32>} : memref<1024xf32, #tpu.memory_space<vmem>>, vector<16xf32>,
    %gather3A_2040 = tpu.vector_load_idx %arg8[%get3A_2035] : memref<1024xi32, #tpu.memory_space<vmem>>[vector<16xi32>], vector<16xi32>,
    %gather3A_2041 = tpu.vector_load_idx %arg9[%get3A_2035] : memref<1024xf32, #tpu.memory_space<vmem>>[vector<16xi32>], vector<16xf32>,
    %add3A_2042 = arith.constant 448 : i32
    %add3A_2043 = vector.broadcast %add3A_2042 : i32 to vector<16xi32>
    %add3A_2044 = arith.addi %iota3A, %add3A_2043 : vector<16xi32>
    %and3A_2045 = arith.constant 31 : i32
    %and3A_2046 = vector.broadcast %and3A_2045 : i32 to vector<16xi32>
    %and3A_2047 = arith.andi %gather3A_2040, %and3A_2046 : vector<16xi32>
    %and3A_2048 = arith.constant 31 : i32
    %and3A_2049 = vector.broadcast %and3A_2048 : i32 to vector<16xi32>
    %and3A_2050 = arith.andi %add3A_2044, %and3A_2049 : vector<16xi32>
    %sub3A_2051 = arith.subi %and3A_2047, %and3A_2050 : vector<16xi32>
    %shift_right_arithmetic3A_2052 = arith.constant 5 : i32
    %shift_right_arithmetic3A_2053 = vector.broadcast %shift_right_arithmetic3A_2052 : i32 to vector<16xi32>
    %shift_right_arithmetic3A_2054 = arith.shrsi %gather3A_2040, %shift_right_arithmetic3A_2053 : vector<16xi32>
    %shift_right_arithmetic3A_2055 = arith.constant 5 : i32
    %shift_right_arithmetic3A_2056 = vector.broadcast %shift_right_arithmetic3A_2055 : i32 to vector<16xi32>
    %shift_right_arithmetic3A_2057 = arith.shrsi %add3A_2044, %shift_right_arithmetic3A_2056 : vector<16xi32>
    %sub3A_2058 = arith.subi %shift_right_arithmetic3A_2054, %shift_right_arithmetic3A_2057 : vector<16xi32>
    %mul3A_2059 = arith.muli %sub3A_2051, %sub3A_2051 : vector<16xi32>
    %mul3A_2060 = arith.muli %sub3A_2058, %sub3A_2058 : vector<16xi32>
    %add3A_2061 = arith.addi %mul3A_2059, %mul3A_2060 : vector<16xi32>
    %le3A_2062 = arith.constant 9 : i32
    %le3A_2063 = vector.broadcast %le3A_2062 : i32 to vector<16xi32>
    %le3A_2064 = arith.cmpi sle, %add3A_2061, %le3A_2063 : vector<16xi32>
    %ge3A_2065 = arith.constant 1.000000e-01 : f32
    %ge3A_2066 = vector.broadcast %ge3A_2065 : f32 to vector<16xf32>
    %ge3A_2067 = arith.cmpf oge, %gather3A_2041, %ge3A_2066 : vector<16xf32>
    %and3A_2068 = arith.andi %le3A_2064, %ge3A_2067 : vector<16xi1>
    %ne3A_2069 = arith.constant 0 : i32
    %ne3A_2070 = vector.broadcast %ne3A_2069 : i32 to vector<16xi32>
    %ne3A_2071 = arith.cmpi ne, %get3A_2037, %ne3A_2070 : vector<16xi32>
    %ne3A_2072 = arith.constant 0 : i32
    %ne3A_2073 = vector.broadcast %ne3A_2072 : i32 to vector<16xi32>
    %ne3A_2074 = arith.cmpi ne, %get3A_2035, %ne3A_2073 : vector<16xi32>
    %and3A_2075 = arith.andi %ne3A_2071, %ne3A_2074 : vector<16xi1>
    %ne3A_2076 = arith.constant 0.000000e+00 : f32
    %ne3A_2077 = vector.broadcast %ne3A_2076 : f32 to vector<16xf32>
    %ne3A_2078 = arith.cmpf one, %get3A_2039, %ne3A_2077 : vector<16xf32>
    %and3A_2079 = arith.andi %ne3A_2078, %and3A_2068 : vector<16xi1>
    %and3A_2080 = arith.andi %and3A_2079, %and3A_2075 : vector<16xi1>
    %broadcast_in_dim3A_2081 = arith.constant -1 : i32
    %broadcast_in_dim3A_2082 = vector.broadcast %broadcast_in_dim3A_2081 : i32 to vector<16xi32>
    %and3A_2083 = arith.constant 31 : i32
    %and3A_2084 = vector.broadcast %and3A_2083 : i32 to vector<16xi32>
    %and3A_2085 = arith.andi %add3A_2044, %and3A_2084 : vector<16xi32>
    %select_n3A_2086 = arith.select %and3A_2080, %and3A_2085, %broadcast_in_dim3A_2082 : vector<16xi1>, vector<16xi32>
    %swap3A_2087 = arith.constant 448 : index
    %swap3A_2088 = tpu.vector_load %arg11[%swap3A_2087] {strides = array<i32>} : memref<4096xi32, #tpu.memory_space<vmem>>, vector<16xi32>,
    tpu.vector_store %arg11[%swap3A_2087], %select_n3A_2086 {strides = array<i32>} : memref<4096xi32, #tpu.memory_space<vmem>>, vector<16xi32>,
    %shift_right_arithmetic3A_2089 = arith.constant 5 : i32
    %shift_right_arithmetic3A_2090 = vector.broadcast %shift_right_arithmetic3A_2089 : i32 to vector<16xi32>
    %shift_right_arithmetic3A_2091 = arith.shrsi %add3A_2044, %shift_right_arithmetic3A_2090 : vector<16xi32>
    %select_n3A_2092 = arith.select %and3A_2080, %shift_right_arithmetic3A_2091, %broadcast_in_dim3A_2082 : vector<16xi1>, vector<16xi32>
    %swap3A_2093 = arith.constant 1472 : index
    %swap3A_2094 = tpu.vector_load %arg11[%swap3A_2093] {strides = array<i32>} : memref<4096xi32, #tpu.memory_space<vmem>>, vector<16xi32>,
    tpu.vector_store %arg11[%swap3A_2093], %select_n3A_2092 {strides = array<i32>} : memref<4096xi32, #tpu.memory_space<vmem>>, vector<16xi32>,
    %and3A_2095 = arith.constant 31 : i32
    %and3A_2096 = vector.broadcast %and3A_2095 : i32 to vector<16xi32>
    %and3A_2097 = arith.andi %get3A_2035, %and3A_2096 : vector<16xi32>
    %select_n3A_2098 = arith.select %and3A_2080, %and3A_2097, %broadcast_in_dim3A_2082 : vector<16xi1>, vector<16xi32>
    %swap3A_2099 = arith.constant 2496 : index
    %swap3A_2100 = tpu.vector_load %arg11[%swap3A_2099] {strides = array<i32>} : memref<4096xi32, #tpu.memory_space<vmem>>, vector<16xi32>,
    tpu.vector_store %arg11[%swap3A_2099], %select_n3A_2098 {strides = array<i32>} : memref<4096xi32, #tpu.memory_space<vmem>>, vector<16xi32>,
    %shift_right_arithmetic3A_2101 = arith.constant 5 : i32
    %shift_right_arithmetic3A_2102 = vector.broadcast %shift_right_arithmetic3A_2101 : i32 to vector<16xi32>
    %shift_right_arithmetic3A_2103 = arith.shrsi %get3A_2035, %shift_right_arithmetic3A_2102 : vector<16xi32>
    %select_n3A_2104 = arith.select %and3A_2080, %shift_right_arithmetic3A_2103, %broadcast_in_dim3A_2082 : vector<16xi1>, vector<16xi32>
    %swap3A_2105 = arith.constant 3520 : index
    %swap3A_2106 = tpu.vector_load %arg11[%swap3A_2105] {strides = array<i32>} : memref<4096xi32, #tpu.memory_space<vmem>>, vector<16xi32>,
    tpu.vector_store %arg11[%swap3A_2105], %select_n3A_2104 {strides = array<i32>} : memref<4096xi32, #tpu.memory_space<vmem>>, vector<16xi32>,
    %get3A_2107 = arith.constant 464 : index
    %get3A_2108 = tpu.vector_load %arg7[%get3A_2107] {strides = array<i32>} : memref<1024xi32, #tpu.memory_space<vmem>>, vector<16xi32>,
    %get3A_2109 = arith.constant 464 : index
    %get3A_2110 = tpu.vector_load %arg8[%get3A_2109] {strides = array<i32>} : memref<1024xi32, #tpu.memory_space<vmem>>, vector<16xi32>,
    %get3A_2111 = arith.constant 464 : index
    %get3A_2112 = tpu.vector_load %arg10[%get3A_2111] {strides = array<i32>} : memref<1024xf32, #tpu.memory_space<vmem>>, vector<16xf32>,
    %gather3A_2113 = tpu.vector_load_idx %arg8[%get3A_2108] : memref<1024xi32, #tpu.memory_space<vmem>>[vector<16xi32>], vector<16xi32>,
    %gather3A_2114 = tpu.vector_load_idx %arg9[%get3A_2108] : memref<1024xf32, #tpu.memory_space<vmem>>[vector<16xi32>], vector<16xf32>,
    %add3A_2115 = arith.constant 464 : i32
    %add3A_2116 = vector.broadcast %add3A_2115 : i32 to vector<16xi32>
    %add3A_2117 = arith.addi %iota3A, %add3A_2116 : vector<16xi32>
    %and3A_2118 = arith.constant 31 : i32
    %and3A_2119 = vector.broadcast %and3A_2118 : i32 to vector<16xi32>
    %and3A_2120 = arith.andi %gather3A_2113, %and3A_2119 : vector<16xi32>
    %and3A_2121 = arith.constant 31 : i32
    %and3A_2122 = vector.broadcast %and3A_2121 : i32 to vector<16xi32>
    %and3A_2123 = arith.andi %add3A_2117, %and3A_2122 : vector<16xi32>
    %sub3A_2124 = arith.subi %and3A_2120, %and3A_2123 : vector<16xi32>
    %shift_right_arithmetic3A_2125 = arith.constant 5 : i32
    %shift_right_arithmetic3A_2126 = vector.broadcast %shift_right_arithmetic3A_2125 : i32 to vector<16xi32>
    %shift_right_arithmetic3A_2127 = arith.shrsi %gather3A_2113, %shift_right_arithmetic3A_2126 : vector<16xi32>
    %shift_right_arithmetic3A_2128 = arith.constant 5 : i32
    %shift_right_arithmetic3A_2129 = vector.broadcast %shift_right_arithmetic3A_2128 : i32 to vector<16xi32>
    %shift_right_arithmetic3A_2130 = arith.shrsi %add3A_2117, %shift_right_arithmetic3A_2129 : vector<16xi32>
    %sub3A_2131 = arith.subi %shift_right_arithmetic3A_2127, %shift_right_arithmetic3A_2130 : vector<16xi32>
    %mul3A_2132 = arith.muli %sub3A_2124, %sub3A_2124 : vector<16xi32>
    %mul3A_2133 = arith.muli %sub3A_2131, %sub3A_2131 : vector<16xi32>
    %add3A_2134 = arith.addi %mul3A_2132, %mul3A_2133 : vector<16xi32>
    %le3A_2135 = arith.constant 9 : i32
    %le3A_2136 = vector.broadcast %le3A_2135 : i32 to vector<16xi32>
    %le3A_2137 = arith.cmpi sle, %add3A_2134, %le3A_2136 : vector<16xi32>
    %ge3A_2138 = arith.constant 1.000000e-01 : f32
    %ge3A_2139 = vector.broadcast %ge3A_2138 : f32 to vector<16xf32>
    %ge3A_2140 = arith.cmpf oge, %gather3A_2114, %ge3A_2139 : vector<16xf32>
    %and3A_2141 = arith.andi %le3A_2137, %ge3A_2140 : vector<16xi1>
    %ne3A_2142 = arith.constant 0 : i32
    %ne3A_2143 = vector.broadcast %ne3A_2142 : i32 to vector<16xi32>
    %ne3A_2144 = arith.cmpi ne, %get3A_2110, %ne3A_2143 : vector<16xi32>
    %ne3A_2145 = arith.constant 0 : i32
    %ne3A_2146 = vector.broadcast %ne3A_2145 : i32 to vector<16xi32>
    %ne3A_2147 = arith.cmpi ne, %get3A_2108, %ne3A_2146 : vector<16xi32>
    %and3A_2148 = arith.andi %ne3A_2144, %ne3A_2147 : vector<16xi1>
    %ne3A_2149 = arith.constant 0.000000e+00 : f32
    %ne3A_2150 = vector.broadcast %ne3A_2149 : f32 to vector<16xf32>
    %ne3A_2151 = arith.cmpf one, %get3A_2112, %ne3A_2150 : vector<16xf32>
    %and3A_2152 = arith.andi %ne3A_2151, %and3A_2141 : vector<16xi1>
    %and3A_2153 = arith.andi %and3A_2152, %and3A_2148 : vector<16xi1>
    %broadcast_in_dim3A_2154 = arith.constant -1 : i32
    %broadcast_in_dim3A_2155 = vector.broadcast %broadcast_in_dim3A_2154 : i32 to vector<16xi32>
    %and3A_2156 = arith.constant 31 : i32
    %and3A_2157 = vector.broadcast %and3A_2156 : i32 to vector<16xi32>
    %and3A_2158 = arith.andi %add3A_2117, %and3A_2157 : vector<16xi32>
    %select_n3A_2159 = arith.select %and3A_2153, %and3A_2158, %broadcast_in_dim3A_2155 : vector<16xi1>, vector<16xi32>
    %swap3A_2160 = arith.constant 464 : index
    %swap3A_2161 = tpu.vector_load %arg11[%swap3A_2160] {strides = array<i32>} : memref<4096xi32, #tpu.memory_space<vmem>>, vector<16xi32>,
    tpu.vector_store %arg11[%swap3A_2160], %select_n3A_2159 {strides = array<i32>} : memref<4096xi32, #tpu.memory_space<vmem>>, vector<16xi32>,
    %shift_right_arithmetic3A_2162 = arith.constant 5 : i32
    %shift_right_arithmetic3A_2163 = vector.broadcast %shift_right_arithmetic3A_2162 : i32 to vector<16xi32>
    %shift_right_arithmetic3A_2164 = arith.shrsi %add3A_2117, %shift_right_arithmetic3A_2163 : vector<16xi32>
    %select_n3A_2165 = arith.select %and3A_2153, %shift_right_arithmetic3A_2164, %broadcast_in_dim3A_2155 : vector<16xi1>, vector<16xi32>
    %swap3A_2166 = arith.constant 1488 : index
    %swap3A_2167 = tpu.vector_load %arg11[%swap3A_2166] {strides = array<i32>} : memref<4096xi32, #tpu.memory_space<vmem>>, vector<16xi32>,
    tpu.vector_store %arg11[%swap3A_2166], %select_n3A_2165 {strides = array<i32>} : memref<4096xi32, #tpu.memory_space<vmem>>, vector<16xi32>,
    %and3A_2168 = arith.constant 31 : i32
    %and3A_2169 = vector.broadcast %and3A_2168 : i32 to vector<16xi32>
    %and3A_2170 = arith.andi %get3A_2108, %and3A_2169 : vector<16xi32>
    %select_n3A_2171 = arith.select %and3A_2153, %and3A_2170, %broadcast_in_dim3A_2155 : vector<16xi1>, vector<16xi32>
    %swap3A_2172 = arith.constant 2512 : index
    %swap3A_2173 = tpu.vector_load %arg11[%swap3A_2172] {strides = array<i32>} : memref<4096xi32, #tpu.memory_space<vmem>>, vector<16xi32>,
    tpu.vector_store %arg11[%swap3A_2172], %select_n3A_2171 {strides = array<i32>} : memref<4096xi32, #tpu.memory_space<vmem>>, vector<16xi32>,
    %shift_right_arithmetic3A_2174 = arith.constant 5 : i32
    %shift_right_arithmetic3A_2175 = vector.broadcast %shift_right_arithmetic3A_2174 : i32 to vector<16xi32>
    %shift_right_arithmetic3A_2176 = arith.shrsi %get3A_2108, %shift_right_arithmetic3A_2175 : vector<16xi32>
    %select_n3A_2177 = arith.select %and3A_2153, %shift_right_arithmetic3A_2176, %broadcast_in_dim3A_2155 : vector<16xi1>, vector<16xi32>
    %swap3A_2178 = arith.constant 3536 : index
    %swap3A_2179 = tpu.vector_load %arg11[%swap3A_2178] {strides = array<i32>} : memref<4096xi32, #tpu.memory_space<vmem>>, vector<16xi32>,
    tpu.vector_store %arg11[%swap3A_2178], %select_n3A_2177 {strides = array<i32>} : memref<4096xi32, #tpu.memory_space<vmem>>, vector<16xi32>,
    %get3A_2180 = arith.constant 480 : index
    %get3A_2181 = tpu.vector_load %arg7[%get3A_2180] {strides = array<i32>} : memref<1024xi32, #tpu.memory_space<vmem>>, vector<16xi32>,
    %get3A_2182 = arith.constant 480 : index
    %get3A_2183 = tpu.vector_load %arg8[%get3A_2182] {strides = array<i32>} : memref<1024xi32, #tpu.memory_space<vmem>>, vector<16xi32>,
    %get3A_2184 = arith.constant 480 : index
    %get3A_2185 = tpu.vector_load %arg10[%get3A_2184] {strides = array<i32>} : memref<1024xf32, #tpu.memory_space<vmem>>, vector<16xf32>,
    %gather3A_2186 = tpu.vector_load_idx %arg8[%get3A_2181] : memref<1024xi32, #tpu.memory_space<vmem>>[vector<16xi32>], vector<16xi32>,
    %gather3A_2187 = tpu.vector_load_idx %arg9[%get3A_2181] : memref<1024xf32, #tpu.memory_space<vmem>>[vector<16xi32>], vector<16xf32>,
    %add3A_2188 = arith.constant 480 : i32
    %add3A_2189 = vector.broadcast %add3A_2188 : i32 to vector<16xi32>
    %add3A_2190 = arith.addi %iota3A, %add3A_2189 : vector<16xi32>
    %and3A_2191 = arith.constant 31 : i32
    %and3A_2192 = vector.broadcast %and3A_2191 : i32 to vector<16xi32>
    %and3A_2193 = arith.andi %gather3A_2186, %and3A_2192 : vector<16xi32>
    %and3A_2194 = arith.constant 31 : i32
    %and3A_2195 = vector.broadcast %and3A_2194 : i32 to vector<16xi32>
    %and3A_2196 = arith.andi %add3A_2190, %and3A_2195 : vector<16xi32>
    %sub3A_2197 = arith.subi %and3A_2193, %and3A_2196 : vector<16xi32>
    %shift_right_arithmetic3A_2198 = arith.constant 5 : i32
    %shift_right_arithmetic3A_2199 = vector.broadcast %shift_right_arithmetic3A_2198 : i32 to vector<16xi32>
    %shift_right_arithmetic3A_2200 = arith.shrsi %gather3A_2186, %shift_right_arithmetic3A_2199 : vector<16xi32>
    %shift_right_arithmetic3A_2201 = arith.constant 5 : i32
    %shift_right_arithmetic3A_2202 = vector.broadcast %shift_right_arithmetic3A_2201 : i32 to vector<16xi32>
    %shift_right_arithmetic3A_2203 = arith.shrsi %add3A_2190, %shift_right_arithmetic3A_2202 : vector<16xi32>
    %sub3A_2204 = arith.subi %shift_right_arithmetic3A_2200, %shift_right_arithmetic3A_2203 : vector<16xi32>
    %mul3A_2205 = arith.muli %sub3A_2197, %sub3A_2197 : vector<16xi32>
    %mul3A_2206 = arith.muli %sub3A_2204, %sub3A_2204 : vector<16xi32>
    %add3A_2207 = arith.addi %mul3A_2205, %mul3A_2206 : vector<16xi32>
    %le3A_2208 = arith.constant 9 : i32
    %le3A_2209 = vector.broadcast %le3A_2208 : i32 to vector<16xi32>
    %le3A_2210 = arith.cmpi sle, %add3A_2207, %le3A_2209 : vector<16xi32>
    %ge3A_2211 = arith.constant 1.000000e-01 : f32
    %ge3A_2212 = vector.broadcast %ge3A_2211 : f32 to vector<16xf32>
    %ge3A_2213 = arith.cmpf oge, %gather3A_2187, %ge3A_2212 : vector<16xf32>
    %and3A_2214 = arith.andi %le3A_2210, %ge3A_2213 : vector<16xi1>
    %ne3A_2215 = arith.constant 0 : i32
    %ne3A_2216 = vector.broadcast %ne3A_2215 : i32 to vector<16xi32>
    %ne3A_2217 = arith.cmpi ne, %get3A_2183, %ne3A_2216 : vector<16xi32>
    %ne3A_2218 = arith.constant 0 : i32
    %ne3A_2219 = vector.broadcast %ne3A_2218 : i32 to vector<16xi32>
    %ne3A_2220 = arith.cmpi ne, %get3A_2181, %ne3A_2219 : vector<16xi32>
    %and3A_2221 = arith.andi %ne3A_2217, %ne3A_2220 : vector<16xi1>
    %ne3A_2222 = arith.constant 0.000000e+00 : f32
    %ne3A_2223 = vector.broadcast %ne3A_2222 : f32 to vector<16xf32>
    %ne3A_2224 = arith.cmpf one, %get3A_2185, %ne3A_2223 : vector<16xf32>
    %and3A_2225 = arith.andi %ne3A_2224, %and3A_2214 : vector<16xi1>
    %and3A_2226 = arith.andi %and3A_2225, %and3A_2221 : vector<16xi1>
    %broadcast_in_dim3A_2227 = arith.constant -1 : i32
    %broadcast_in_dim3A_2228 = vector.broadcast %broadcast_in_dim3A_2227 : i32 to vector<16xi32>
    %and3A_2229 = arith.constant 31 : i32
    %and3A_2230 = vector.broadcast %and3A_2229 : i32 to vector<16xi32>
    %and3A_2231 = arith.andi %add3A_2190, %and3A_2230 : vector<16xi32>
    %select_n3A_2232 = arith.select %and3A_2226, %and3A_2231, %broadcast_in_dim3A_2228 : vector<16xi1>, vector<16xi32>
    %swap3A_2233 = arith.constant 480 : index
    %swap3A_2234 = tpu.vector_load %arg11[%swap3A_2233] {strides = array<i32>} : memref<4096xi32, #tpu.memory_space<vmem>>, vector<16xi32>,
    tpu.vector_store %arg11[%swap3A_2233], %select_n3A_2232 {strides = array<i32>} : memref<4096xi32, #tpu.memory_space<vmem>>, vector<16xi32>,
    %shift_right_arithmetic3A_2235 = arith.constant 5 : i32
    %shift_right_arithmetic3A_2236 = vector.broadcast %shift_right_arithmetic3A_2235 : i32 to vector<16xi32>
    %shift_right_arithmetic3A_2237 = arith.shrsi %add3A_2190, %shift_right_arithmetic3A_2236 : vector<16xi32>
    %select_n3A_2238 = arith.select %and3A_2226, %shift_right_arithmetic3A_2237, %broadcast_in_dim3A_2228 : vector<16xi1>, vector<16xi32>
    %swap3A_2239 = arith.constant 1504 : index
    %swap3A_2240 = tpu.vector_load %arg11[%swap3A_2239] {strides = array<i32>} : memref<4096xi32, #tpu.memory_space<vmem>>, vector<16xi32>,
    tpu.vector_store %arg11[%swap3A_2239], %select_n3A_2238 {strides = array<i32>} : memref<4096xi32, #tpu.memory_space<vmem>>, vector<16xi32>,
    %and3A_2241 = arith.constant 31 : i32
    %and3A_2242 = vector.broadcast %and3A_2241 : i32 to vector<16xi32>
    %and3A_2243 = arith.andi %get3A_2181, %and3A_2242 : vector<16xi32>
    %select_n3A_2244 = arith.select %and3A_2226, %and3A_2243, %broadcast_in_dim3A_2228 : vector<16xi1>, vector<16xi32>
    %swap3A_2245 = arith.constant 2528 : index
    %swap3A_2246 = tpu.vector_load %arg11[%swap3A_2245] {strides = array<i32>} : memref<4096xi32, #tpu.memory_space<vmem>>, vector<16xi32>,
    tpu.vector_store %arg11[%swap3A_2245], %select_n3A_2244 {strides = array<i32>} : memref<4096xi32, #tpu.memory_space<vmem>>, vector<16xi32>,
    %shift_right_arithmetic3A_2247 = arith.constant 5 : i32
    %shift_right_arithmetic3A_2248 = vector.broadcast %shift_right_arithmetic3A_2247 : i32 to vector<16xi32>
    %shift_right_arithmetic3A_2249 = arith.shrsi %get3A_2181, %shift_right_arithmetic3A_2248 : vector<16xi32>
    %select_n3A_2250 = arith.select %and3A_2226, %shift_right_arithmetic3A_2249, %broadcast_in_dim3A_2228 : vector<16xi1>, vector<16xi32>
    %swap3A_2251 = arith.constant 3552 : index
    %swap3A_2252 = tpu.vector_load %arg11[%swap3A_2251] {strides = array<i32>} : memref<4096xi32, #tpu.memory_space<vmem>>, vector<16xi32>,
    tpu.vector_store %arg11[%swap3A_2251], %select_n3A_2250 {strides = array<i32>} : memref<4096xi32, #tpu.memory_space<vmem>>, vector<16xi32>,
    %get3A_2253 = arith.constant 496 : index
    %get3A_2254 = tpu.vector_load %arg7[%get3A_2253] {strides = array<i32>} : memref<1024xi32, #tpu.memory_space<vmem>>, vector<16xi32>,
    %get3A_2255 = arith.constant 496 : index
    %get3A_2256 = tpu.vector_load %arg8[%get3A_2255] {strides = array<i32>} : memref<1024xi32, #tpu.memory_space<vmem>>, vector<16xi32>,
    %get3A_2257 = arith.constant 496 : index
    %get3A_2258 = tpu.vector_load %arg10[%get3A_2257] {strides = array<i32>} : memref<1024xf32, #tpu.memory_space<vmem>>, vector<16xf32>,
    %gather3A_2259 = tpu.vector_load_idx %arg8[%get3A_2254] : memref<1024xi32, #tpu.memory_space<vmem>>[vector<16xi32>], vector<16xi32>,
    %gather3A_2260 = tpu.vector_load_idx %arg9[%get3A_2254] : memref<1024xf32, #tpu.memory_space<vmem>>[vector<16xi32>], vector<16xf32>,
    %add3A_2261 = arith.constant 496 : i32
    %add3A_2262 = vector.broadcast %add3A_2261 : i32 to vector<16xi32>
    %add3A_2263 = arith.addi %iota3A, %add3A_2262 : vector<16xi32>
    %and3A_2264 = arith.constant 31 : i32
    %and3A_2265 = vector.broadcast %and3A_2264 : i32 to vector<16xi32>
    %and3A_2266 = arith.andi %gather3A_2259, %and3A_2265 : vector<16xi32>
    %and3A_2267 = arith.constant 31 : i32
    %and3A_2268 = vector.broadcast %and3A_2267 : i32 to vector<16xi32>
    %and3A_2269 = arith.andi %add3A_2263, %and3A_2268 : vector<16xi32>
    %sub3A_2270 = arith.subi %and3A_2266, %and3A_2269 : vector<16xi32>
    %shift_right_arithmetic3A_2271 = arith.constant 5 : i32
    %shift_right_arithmetic3A_2272 = vector.broadcast %shift_right_arithmetic3A_2271 : i32 to vector<16xi32>
    %shift_right_arithmetic3A_2273 = arith.shrsi %gather3A_2259, %shift_right_arithmetic3A_2272 : vector<16xi32>
    %shift_right_arithmetic3A_2274 = arith.constant 5 : i32
    %shift_right_arithmetic3A_2275 = vector.broadcast %shift_right_arithmetic3A_2274 : i32 to vector<16xi32>
    %shift_right_arithmetic3A_2276 = arith.shrsi %add3A_2263, %shift_right_arithmetic3A_2275 : vector<16xi32>
    %sub3A_2277 = arith.subi %shift_right_arithmetic3A_2273, %shift_right_arithmetic3A_2276 : vector<16xi32>
    %mul3A_2278 = arith.muli %sub3A_2270, %sub3A_2270 : vector<16xi32>
    %mul3A_2279 = arith.muli %sub3A_2277, %sub3A_2277 : vector<16xi32>
    %add3A_2280 = arith.addi %mul3A_2278, %mul3A_2279 : vector<16xi32>
    %le3A_2281 = arith.constant 9 : i32
    %le3A_2282 = vector.broadcast %le3A_2281 : i32 to vector<16xi32>
    %le3A_2283 = arith.cmpi sle, %add3A_2280, %le3A_2282 : vector<16xi32>
    %ge3A_2284 = arith.constant 1.000000e-01 : f32
    %ge3A_2285 = vector.broadcast %ge3A_2284 : f32 to vector<16xf32>
    %ge3A_2286 = arith.cmpf oge, %gather3A_2260, %ge3A_2285 : vector<16xf32>
    %and3A_2287 = arith.andi %le3A_2283, %ge3A_2286 : vector<16xi1>
    %ne3A_2288 = arith.constant 0 : i32
    %ne3A_2289 = vector.broadcast %ne3A_2288 : i32 to vector<16xi32>
    %ne3A_2290 = arith.cmpi ne, %get3A_2256, %ne3A_2289 : vector<16xi32>
    %ne3A_2291 = arith.constant 0 : i32
    %ne3A_2292 = vector.broadcast %ne3A_2291 : i32 to vector<16xi32>
    %ne3A_2293 = arith.cmpi ne, %get3A_2254, %ne3A_2292 : vector<16xi32>
    %and3A_2294 = arith.andi %ne3A_2290, %ne3A_2293 : vector<16xi1>
    %ne3A_2295 = arith.constant 0.000000e+00 : f32
    %ne3A_2296 = vector.broadcast %ne3A_2295 : f32 to vector<16xf32>
    %ne3A_2297 = arith.cmpf one, %get3A_2258, %ne3A_2296 : vector<16xf32>
    %and3A_2298 = arith.andi %ne3A_2297, %and3A_2287 : vector<16xi1>
    %and3A_2299 = arith.andi %and3A_2298, %and3A_2294 : vector<16xi1>
    %broadcast_in_dim3A_2300 = arith.constant -1 : i32
    %broadcast_in_dim3A_2301 = vector.broadcast %broadcast_in_dim3A_2300 : i32 to vector<16xi32>
    %and3A_2302 = arith.constant 31 : i32
    %and3A_2303 = vector.broadcast %and3A_2302 : i32 to vector<16xi32>
    %and3A_2304 = arith.andi %add3A_2263, %and3A_2303 : vector<16xi32>
    %select_n3A_2305 = arith.select %and3A_2299, %and3A_2304, %broadcast_in_dim3A_2301 : vector<16xi1>, vector<16xi32>
    %swap3A_2306 = arith.constant 496 : index
    %swap3A_2307 = tpu.vector_load %arg11[%swap3A_2306] {strides = array<i32>} : memref<4096xi32, #tpu.memory_space<vmem>>, vector<16xi32>,
    tpu.vector_store %arg11[%swap3A_2306], %select_n3A_2305 {strides = array<i32>} : memref<4096xi32, #tpu.memory_space<vmem>>, vector<16xi32>,
    %shift_right_arithmetic3A_2308 = arith.constant 5 : i32
    %shift_right_arithmetic3A_2309 = vector.broadcast %shift_right_arithmetic3A_2308 : i32 to vector<16xi32>
    %shift_right_arithmetic3A_2310 = arith.shrsi %add3A_2263, %shift_right_arithmetic3A_2309 : vector<16xi32>
    %select_n3A_2311 = arith.select %and3A_2299, %shift_right_arithmetic3A_2310, %broadcast_in_dim3A_2301 : vector<16xi1>, vector<16xi32>
    %swap3A_2312 = arith.constant 1520 : index
    %swap3A_2313 = tpu.vector_load %arg11[%swap3A_2312] {strides = array<i32>} : memref<4096xi32, #tpu.memory_space<vmem>>, vector<16xi32>,
    tpu.vector_store %arg11[%swap3A_2312], %select_n3A_2311 {strides = array<i32>} : memref<4096xi32, #tpu.memory_space<vmem>>, vector<16xi32>,
    %and3A_2314 = arith.constant 31 : i32
    %and3A_2315 = vector.broadcast %and3A_2314 : i32 to vector<16xi32>
    %and3A_2316 = arith.andi %get3A_2254, %and3A_2315 : vector<16xi32>
    %select_n3A_2317 = arith.select %and3A_2299, %and3A_2316, %broadcast_in_dim3A_2301 : vector<16xi1>, vector<16xi32>
    %swap3A_2318 = arith.constant 2544 : index
    %swap3A_2319 = tpu.vector_load %arg11[%swap3A_2318] {strides = array<i32>} : memref<4096xi32, #tpu.memory_space<vmem>>, vector<16xi32>,
    tpu.vector_store %arg11[%swap3A_2318], %select_n3A_2317 {strides = array<i32>} : memref<4096xi32, #tpu.memory_space<vmem>>, vector<16xi32>,
    %shift_right_arithmetic3A_2320 = arith.constant 5 : i32
    %shift_right_arithmetic3A_2321 = vector.broadcast %shift_right_arithmetic3A_2320 : i32 to vector<16xi32>
    %shift_right_arithmetic3A_2322 = arith.shrsi %get3A_2254, %shift_right_arithmetic3A_2321 : vector<16xi32>
    %select_n3A_2323 = arith.select %and3A_2299, %shift_right_arithmetic3A_2322, %broadcast_in_dim3A_2301 : vector<16xi1>, vector<16xi32>
    %swap3A_2324 = arith.constant 3568 : index
    %swap3A_2325 = tpu.vector_load %arg11[%swap3A_2324] {strides = array<i32>} : memref<4096xi32, #tpu.memory_space<vmem>>, vector<16xi32>,
    tpu.vector_store %arg11[%swap3A_2324], %select_n3A_2323 {strides = array<i32>} : memref<4096xi32, #tpu.memory_space<vmem>>, vector<16xi32>,
    %get3A_2326 = arith.constant 512 : index
    %get3A_2327 = tpu.vector_load %arg7[%get3A_2326] {strides = array<i32>} : memref<1024xi32, #tpu.memory_space<vmem>>, vector<16xi32>,
    %get3A_2328 = arith.constant 512 : index
    %get3A_2329 = tpu.vector_load %arg8[%get3A_2328] {strides = array<i32>} : memref<1024xi32, #tpu.memory_space<vmem>>, vector<16xi32>,
    %get3A_2330 = arith.constant 512 : index
    %get3A_2331 = tpu.vector_load %arg10[%get3A_2330] {strides = array<i32>} : memref<1024xf32, #tpu.memory_space<vmem>>, vector<16xf32>,
    %gather3A_2332 = tpu.vector_load_idx %arg8[%get3A_2327] : memref<1024xi32, #tpu.memory_space<vmem>>[vector<16xi32>], vector<16xi32>,
    %gather3A_2333 = tpu.vector_load_idx %arg9[%get3A_2327] : memref<1024xf32, #tpu.memory_space<vmem>>[vector<16xi32>], vector<16xf32>,
    %add3A_2334 = arith.constant 512 : i32
    %add3A_2335 = vector.broadcast %add3A_2334 : i32 to vector<16xi32>
    %add3A_2336 = arith.addi %iota3A, %add3A_2335 : vector<16xi32>
    %and3A_2337 = arith.constant 31 : i32
    %and3A_2338 = vector.broadcast %and3A_2337 : i32 to vector<16xi32>
    %and3A_2339 = arith.andi %gather3A_2332, %and3A_2338 : vector<16xi32>
    %and3A_2340 = arith.constant 31 : i32
    %and3A_2341 = vector.broadcast %and3A_2340 : i32 to vector<16xi32>
    %and3A_2342 = arith.andi %add3A_2336, %and3A_2341 : vector<16xi32>
    %sub3A_2343 = arith.subi %and3A_2339, %and3A_2342 : vector<16xi32>
    %shift_right_arithmetic3A_2344 = arith.constant 5 : i32
    %shift_right_arithmetic3A_2345 = vector.broadcast %shift_right_arithmetic3A_2344 : i32 to vector<16xi32>
    %shift_right_arithmetic3A_2346 = arith.shrsi %gather3A_2332, %shift_right_arithmetic3A_2345 : vector<16xi32>
    %shift_right_arithmetic3A_2347 = arith.constant 5 : i32
    %shift_right_arithmetic3A_2348 = vector.broadcast %shift_right_arithmetic3A_2347 : i32 to vector<16xi32>
    %shift_right_arithmetic3A_2349 = arith.shrsi %add3A_2336, %shift_right_arithmetic3A_2348 : vector<16xi32>
    %sub3A_2350 = arith.subi %shift_right_arithmetic3A_2346, %shift_right_arithmetic3A_2349 : vector<16xi32>
    %mul3A_2351 = arith.muli %sub3A_2343, %sub3A_2343 : vector<16xi32>
    %mul3A_2352 = arith.muli %sub3A_2350, %sub3A_2350 : vector<16xi32>
    %add3A_2353 = arith.addi %mul3A_2351, %mul3A_2352 : vector<16xi32>
    %le3A_2354 = arith.constant 9 : i32
    %le3A_2355 = vector.broadcast %le3A_2354 : i32 to vector<16xi32>
    %le3A_2356 = arith.cmpi sle, %add3A_2353, %le3A_2355 : vector<16xi32>
    %ge3A_2357 = arith.constant 1.000000e-01 : f32
    %ge3A_2358 = vector.broadcast %ge3A_2357 : f32 to vector<16xf32>
    %ge3A_2359 = arith.cmpf oge, %gather3A_2333, %ge3A_2358 : vector<16xf32>
    %and3A_2360 = arith.andi %le3A_2356, %ge3A_2359 : vector<16xi1>
    %ne3A_2361 = arith.constant 0 : i32
    %ne3A_2362 = vector.broadcast %ne3A_2361 : i32 to vector<16xi32>
    %ne3A_2363 = arith.cmpi ne, %get3A_2329, %ne3A_2362 : vector<16xi32>
    %ne3A_2364 = arith.constant 0 : i32
    %ne3A_2365 = vector.broadcast %ne3A_2364 : i32 to vector<16xi32>
    %ne3A_2366 = arith.cmpi ne, %get3A_2327, %ne3A_2365 : vector<16xi32>
    %and3A_2367 = arith.andi %ne3A_2363, %ne3A_2366 : vector<16xi1>
    %ne3A_2368 = arith.constant 0.000000e+00 : f32
    %ne3A_2369 = vector.broadcast %ne3A_2368 : f32 to vector<16xf32>
    %ne3A_2370 = arith.cmpf one, %get3A_2331, %ne3A_2369 : vector<16xf32>
    %and3A_2371 = arith.andi %ne3A_2370, %and3A_2360 : vector<16xi1>
    %and3A_2372 = arith.andi %and3A_2371, %and3A_2367 : vector<16xi1>
    %broadcast_in_dim3A_2373 = arith.constant -1 : i32
    %broadcast_in_dim3A_2374 = vector.broadcast %broadcast_in_dim3A_2373 : i32 to vector<16xi32>
    %and3A_2375 = arith.constant 31 : i32
    %and3A_2376 = vector.broadcast %and3A_2375 : i32 to vector<16xi32>
    %and3A_2377 = arith.andi %add3A_2336, %and3A_2376 : vector<16xi32>
    %select_n3A_2378 = arith.select %and3A_2372, %and3A_2377, %broadcast_in_dim3A_2374 : vector<16xi1>, vector<16xi32>
    %swap3A_2379 = arith.constant 512 : index
    %swap3A_2380 = tpu.vector_load %arg11[%swap3A_2379] {strides = array<i32>} : memref<4096xi32, #tpu.memory_space<vmem>>, vector<16xi32>,
    tpu.vector_store %arg11[%swap3A_2379], %select_n3A_2378 {strides = array<i32>} : memref<4096xi32, #tpu.memory_space<vmem>>, vector<16xi32>,
    %shift_right_arithmetic3A_2381 = arith.constant 5 : i32
    %shift_right_arithmetic3A_2382 = vector.broadcast %shift_right_arithmetic3A_2381 : i32 to vector<16xi32>
    %shift_right_arithmetic3A_2383 = arith.shrsi %add3A_2336, %shift_right_arithmetic3A_2382 : vector<16xi32>
    %select_n3A_2384 = arith.select %and3A_2372, %shift_right_arithmetic3A_2383, %broadcast_in_dim3A_2374 : vector<16xi1>, vector<16xi32>
    %swap3A_2385 = arith.constant 1536 : index
    %swap3A_2386 = tpu.vector_load %arg11[%swap3A_2385] {strides = array<i32>} : memref<4096xi32, #tpu.memory_space<vmem>>, vector<16xi32>,
    tpu.vector_store %arg11[%swap3A_2385], %select_n3A_2384 {strides = array<i32>} : memref<4096xi32, #tpu.memory_space<vmem>>, vector<16xi32>,
    %and3A_2387 = arith.constant 31 : i32
    %and3A_2388 = vector.broadcast %and3A_2387 : i32 to vector<16xi32>
    %and3A_2389 = arith.andi %get3A_2327, %and3A_2388 : vector<16xi32>
    %select_n3A_2390 = arith.select %and3A_2372, %and3A_2389, %broadcast_in_dim3A_2374 : vector<16xi1>, vector<16xi32>
    %swap3A_2391 = arith.constant 2560 : index
    %swap3A_2392 = tpu.vector_load %arg11[%swap3A_2391] {strides = array<i32>} : memref<4096xi32, #tpu.memory_space<vmem>>, vector<16xi32>,
    tpu.vector_store %arg11[%swap3A_2391], %select_n3A_2390 {strides = array<i32>} : memref<4096xi32, #tpu.memory_space<vmem>>, vector<16xi32>,
    %shift_right_arithmetic3A_2393 = arith.constant 5 : i32
    %shift_right_arithmetic3A_2394 = vector.broadcast %shift_right_arithmetic3A_2393 : i32 to vector<16xi32>
    %shift_right_arithmetic3A_2395 = arith.shrsi %get3A_2327, %shift_right_arithmetic3A_2394 : vector<16xi32>
    %select_n3A_2396 = arith.select %and3A_2372, %shift_right_arithmetic3A_2395, %broadcast_in_dim3A_2374 : vector<16xi1>, vector<16xi32>
    %swap3A_2397 = arith.constant 3584 : index
    %swap3A_2398 = tpu.vector_load %arg11[%swap3A_2397] {strides = array<i32>} : memref<4096xi32, #tpu.memory_space<vmem>>, vector<16xi32>,
    tpu.vector_store %arg11[%swap3A_2397], %select_n3A_2396 {strides = array<i32>} : memref<4096xi32, #tpu.memory_space<vmem>>, vector<16xi32>,
    %get3A_2399 = arith.constant 528 : index
    %get3A_2400 = tpu.vector_load %arg7[%get3A_2399] {strides = array<i32>} : memref<1024xi32, #tpu.memory_space<vmem>>, vector<16xi32>,
    %get3A_2401 = arith.constant 528 : index
    %get3A_2402 = tpu.vector_load %arg8[%get3A_2401] {strides = array<i32>} : memref<1024xi32, #tpu.memory_space<vmem>>, vector<16xi32>,
    %get3A_2403 = arith.constant 528 : index
    %get3A_2404 = tpu.vector_load %arg10[%get3A_2403] {strides = array<i32>} : memref<1024xf32, #tpu.memory_space<vmem>>, vector<16xf32>,
    %gather3A_2405 = tpu.vector_load_idx %arg8[%get3A_2400] : memref<1024xi32, #tpu.memory_space<vmem>>[vector<16xi32>], vector<16xi32>,
    %gather3A_2406 = tpu.vector_load_idx %arg9[%get3A_2400] : memref<1024xf32, #tpu.memory_space<vmem>>[vector<16xi32>], vector<16xf32>,
    %add3A_2407 = arith.constant 528 : i32
    %add3A_2408 = vector.broadcast %add3A_2407 : i32 to vector<16xi32>
    %add3A_2409 = arith.addi %iota3A, %add3A_2408 : vector<16xi32>
    %and3A_2410 = arith.constant 31 : i32
    %and3A_2411 = vector.broadcast %and3A_2410 : i32 to vector<16xi32>
    %and3A_2412 = arith.andi %gather3A_2405, %and3A_2411 : vector<16xi32>
    %and3A_2413 = arith.constant 31 : i32
    %and3A_2414 = vector.broadcast %and3A_2413 : i32 to vector<16xi32>
    %and3A_2415 = arith.andi %add3A_2409, %and3A_2414 : vector<16xi32>
    %sub3A_2416 = arith.subi %and3A_2412, %and3A_2415 : vector<16xi32>
    %shift_right_arithmetic3A_2417 = arith.constant 5 : i32
    %shift_right_arithmetic3A_2418 = vector.broadcast %shift_right_arithmetic3A_2417 : i32 to vector<16xi32>
    %shift_right_arithmetic3A_2419 = arith.shrsi %gather3A_2405, %shift_right_arithmetic3A_2418 : vector<16xi32>
    %shift_right_arithmetic3A_2420 = arith.constant 5 : i32
    %shift_right_arithmetic3A_2421 = vector.broadcast %shift_right_arithmetic3A_2420 : i32 to vector<16xi32>
    %shift_right_arithmetic3A_2422 = arith.shrsi %add3A_2409, %shift_right_arithmetic3A_2421 : vector<16xi32>
    %sub3A_2423 = arith.subi %shift_right_arithmetic3A_2419, %shift_right_arithmetic3A_2422 : vector<16xi32>
    %mul3A_2424 = arith.muli %sub3A_2416, %sub3A_2416 : vector<16xi32>
    %mul3A_2425 = arith.muli %sub3A_2423, %sub3A_2423 : vector<16xi32>
    %add3A_2426 = arith.addi %mul3A_2424, %mul3A_2425 : vector<16xi32>
    %le3A_2427 = arith.constant 9 : i32
    %le3A_2428 = vector.broadcast %le3A_2427 : i32 to vector<16xi32>
    %le3A_2429 = arith.cmpi sle, %add3A_2426, %le3A_2428 : vector<16xi32>
    %ge3A_2430 = arith.constant 1.000000e-01 : f32
    %ge3A_2431 = vector.broadcast %ge3A_2430 : f32 to vector<16xf32>
    %ge3A_2432 = arith.cmpf oge, %gather3A_2406, %ge3A_2431 : vector<16xf32>
    %and3A_2433 = arith.andi %le3A_2429, %ge3A_2432 : vector<16xi1>
    %ne3A_2434 = arith.constant 0 : i32
    %ne3A_2435 = vector.broadcast %ne3A_2434 : i32 to vector<16xi32>
    %ne3A_2436 = arith.cmpi ne, %get3A_2402, %ne3A_2435 : vector<16xi32>
    %ne3A_2437 = arith.constant 0 : i32
    %ne3A_2438 = vector.broadcast %ne3A_2437 : i32 to vector<16xi32>
    %ne3A_2439 = arith.cmpi ne, %get3A_2400, %ne3A_2438 : vector<16xi32>
    %and3A_2440 = arith.andi %ne3A_2436, %ne3A_2439 : vector<16xi1>
    %ne3A_2441 = arith.constant 0.000000e+00 : f32
    %ne3A_2442 = vector.broadcast %ne3A_2441 : f32 to vector<16xf32>
    %ne3A_2443 = arith.cmpf one, %get3A_2404, %ne3A_2442 : vector<16xf32>
    %and3A_2444 = arith.andi %ne3A_2443, %and3A_2433 : vector<16xi1>
    %and3A_2445 = arith.andi %and3A_2444, %and3A_2440 : vector<16xi1>
    %broadcast_in_dim3A_2446 = arith.constant -1 : i32
    %broadcast_in_dim3A_2447 = vector.broadcast %broadcast_in_dim3A_2446 : i32 to vector<16xi32>
    %and3A_2448 = arith.constant 31 : i32
    %and3A_2449 = vector.broadcast %and3A_2448 : i32 to vector<16xi32>
    %and3A_2450 = arith.andi %add3A_2409, %and3A_2449 : vector<16xi32>
    %select_n3A_2451 = arith.select %and3A_2445, %and3A_2450, %broadcast_in_dim3A_2447 : vector<16xi1>, vector<16xi32>
    %swap3A_2452 = arith.constant 528 : index
    %swap3A_2453 = tpu.vector_load %arg11[%swap3A_2452] {strides = array<i32>} : memref<4096xi32, #tpu.memory_space<vmem>>, vector<16xi32>,
    tpu.vector_store %arg11[%swap3A_2452], %select_n3A_2451 {strides = array<i32>} : memref<4096xi32, #tpu.memory_space<vmem>>, vector<16xi32>,
    %shift_right_arithmetic3A_2454 = arith.constant 5 : i32
    %shift_right_arithmetic3A_2455 = vector.broadcast %shift_right_arithmetic3A_2454 : i32 to vector<16xi32>
    %shift_right_arithmetic3A_2456 = arith.shrsi %add3A_2409, %shift_right_arithmetic3A_2455 : vector<16xi32>
    %select_n3A_2457 = arith.select %and3A_2445, %shift_right_arithmetic3A_2456, %broadcast_in_dim3A_2447 : vector<16xi1>, vector<16xi32>
    %swap3A_2458 = arith.constant 1552 : index
    %swap3A_2459 = tpu.vector_load %arg11[%swap3A_2458] {strides = array<i32>} : memref<4096xi32, #tpu.memory_space<vmem>>, vector<16xi32>,
    tpu.vector_store %arg11[%swap3A_2458], %select_n3A_2457 {strides = array<i32>} : memref<4096xi32, #tpu.memory_space<vmem>>, vector<16xi32>,
    %and3A_2460 = arith.constant 31 : i32
    %and3A_2461 = vector.broadcast %and3A_2460 : i32 to vector<16xi32>
    %and3A_2462 = arith.andi %get3A_2400, %and3A_2461 : vector<16xi32>
    %select_n3A_2463 = arith.select %and3A_2445, %and3A_2462, %broadcast_in_dim3A_2447 : vector<16xi1>, vector<16xi32>
    %swap3A_2464 = arith.constant 2576 : index
    %swap3A_2465 = tpu.vector_load %arg11[%swap3A_2464] {strides = array<i32>} : memref<4096xi32, #tpu.memory_space<vmem>>, vector<16xi32>,
    tpu.vector_store %arg11[%swap3A_2464], %select_n3A_2463 {strides = array<i32>} : memref<4096xi32, #tpu.memory_space<vmem>>, vector<16xi32>,
    %shift_right_arithmetic3A_2466 = arith.constant 5 : i32
    %shift_right_arithmetic3A_2467 = vector.broadcast %shift_right_arithmetic3A_2466 : i32 to vector<16xi32>
    %shift_right_arithmetic3A_2468 = arith.shrsi %get3A_2400, %shift_right_arithmetic3A_2467 : vector<16xi32>
    %select_n3A_2469 = arith.select %and3A_2445, %shift_right_arithmetic3A_2468, %broadcast_in_dim3A_2447 : vector<16xi1>, vector<16xi32>
    %swap3A_2470 = arith.constant 3600 : index
    %swap3A_2471 = tpu.vector_load %arg11[%swap3A_2470] {strides = array<i32>} : memref<4096xi32, #tpu.memory_space<vmem>>, vector<16xi32>,
    tpu.vector_store %arg11[%swap3A_2470], %select_n3A_2469 {strides = array<i32>} : memref<4096xi32, #tpu.memory_space<vmem>>, vector<16xi32>,
    %get3A_2472 = arith.constant 544 : index
    %get3A_2473 = tpu.vector_load %arg7[%get3A_2472] {strides = array<i32>} : memref<1024xi32, #tpu.memory_space<vmem>>, vector<16xi32>,
    %get3A_2474 = arith.constant 544 : index
    %get3A_2475 = tpu.vector_load %arg8[%get3A_2474] {strides = array<i32>} : memref<1024xi32, #tpu.memory_space<vmem>>, vector<16xi32>,
    %get3A_2476 = arith.constant 544 : index
    %get3A_2477 = tpu.vector_load %arg10[%get3A_2476] {strides = array<i32>} : memref<1024xf32, #tpu.memory_space<vmem>>, vector<16xf32>,
    %gather3A_2478 = tpu.vector_load_idx %arg8[%get3A_2473] : memref<1024xi32, #tpu.memory_space<vmem>>[vector<16xi32>], vector<16xi32>,
    %gather3A_2479 = tpu.vector_load_idx %arg9[%get3A_2473] : memref<1024xf32, #tpu.memory_space<vmem>>[vector<16xi32>], vector<16xf32>,
    %add3A_2480 = arith.constant 544 : i32
    %add3A_2481 = vector.broadcast %add3A_2480 : i32 to vector<16xi32>
    %add3A_2482 = arith.addi %iota3A, %add3A_2481 : vector<16xi32>
    %and3A_2483 = arith.constant 31 : i32
    %and3A_2484 = vector.broadcast %and3A_2483 : i32 to vector<16xi32>
    %and3A_2485 = arith.andi %gather3A_2478, %and3A_2484 : vector<16xi32>
    %and3A_2486 = arith.constant 31 : i32
    %and3A_2487 = vector.broadcast %and3A_2486 : i32 to vector<16xi32>
    %and3A_2488 = arith.andi %add3A_2482, %and3A_2487 : vector<16xi32>
    %sub3A_2489 = arith.subi %and3A_2485, %and3A_2488 : vector<16xi32>
    %shift_right_arithmetic3A_2490 = arith.constant 5 : i32
    %shift_right_arithmetic3A_2491 = vector.broadcast %shift_right_arithmetic3A_2490 : i32 to vector<16xi32>
    %shift_right_arithmetic3A_2492 = arith.shrsi %gather3A_2478, %shift_right_arithmetic3A_2491 : vector<16xi32>
    %shift_right_arithmetic3A_2493 = arith.constant 5 : i32
    %shift_right_arithmetic3A_2494 = vector.broadcast %shift_right_arithmetic3A_2493 : i32 to vector<16xi32>
    %shift_right_arithmetic3A_2495 = arith.shrsi %add3A_2482, %shift_right_arithmetic3A_2494 : vector<16xi32>
    %sub3A_2496 = arith.subi %shift_right_arithmetic3A_2492, %shift_right_arithmetic3A_2495 : vector<16xi32>
    %mul3A_2497 = arith.muli %sub3A_2489, %sub3A_2489 : vector<16xi32>
    %mul3A_2498 = arith.muli %sub3A_2496, %sub3A_2496 : vector<16xi32>
    %add3A_2499 = arith.addi %mul3A_2497, %mul3A_2498 : vector<16xi32>
    %le3A_2500 = arith.constant 9 : i32
    %le3A_2501 = vector.broadcast %le3A_2500 : i32 to vector<16xi32>
    %le3A_2502 = arith.cmpi sle, %add3A_2499, %le3A_2501 : vector<16xi32>
    %ge3A_2503 = arith.constant 1.000000e-01 : f32
    %ge3A_2504 = vector.broadcast %ge3A_2503 : f32 to vector<16xf32>
    %ge3A_2505 = arith.cmpf oge, %gather3A_2479, %ge3A_2504 : vector<16xf32>
    %and3A_2506 = arith.andi %le3A_2502, %ge3A_2505 : vector<16xi1>
    %ne3A_2507 = arith.constant 0 : i32
    %ne3A_2508 = vector.broadcast %ne3A_2507 : i32 to vector<16xi32>
    %ne3A_2509 = arith.cmpi ne, %get3A_2475, %ne3A_2508 : vector<16xi32>
    %ne3A_2510 = arith.constant 0 : i32
    %ne3A_2511 = vector.broadcast %ne3A_2510 : i32 to vector<16xi32>
    %ne3A_2512 = arith.cmpi ne, %get3A_2473, %ne3A_2511 : vector<16xi32>
    %and3A_2513 = arith.andi %ne3A_2509, %ne3A_2512 : vector<16xi1>
    %ne3A_2514 = arith.constant 0.000000e+00 : f32
    %ne3A_2515 = vector.broadcast %ne3A_2514 : f32 to vector<16xf32>
    %ne3A_2516 = arith.cmpf one, %get3A_2477, %ne3A_2515 : vector<16xf32>
    %and3A_2517 = arith.andi %ne3A_2516, %and3A_2506 : vector<16xi1>
    %and3A_2518 = arith.andi %and3A_2517, %and3A_2513 : vector<16xi1>
    %broadcast_in_dim3A_2519 = arith.constant -1 : i32
    %broadcast_in_dim3A_2520 = vector.broadcast %broadcast_in_dim3A_2519 : i32 to vector<16xi32>
    %and3A_2521 = arith.constant 31 : i32
    %and3A_2522 = vector.broadcast %and3A_2521 : i32 to vector<16xi32>
    %and3A_2523 = arith.andi %add3A_2482, %and3A_2522 : vector<16xi32>
    %select_n3A_2524 = arith.select %and3A_2518, %and3A_2523, %broadcast_in_dim3A_2520 : vector<16xi1>, vector<16xi32>
    %swap3A_2525 = arith.constant 544 : index
    %swap3A_2526 = tpu.vector_load %arg11[%swap3A_2525] {strides = array<i32>} : memref<4096xi32, #tpu.memory_space<vmem>>, vector<16xi32>,
    tpu.vector_store %arg11[%swap3A_2525], %select_n3A_2524 {strides = array<i32>} : memref<4096xi32, #tpu.memory_space<vmem>>, vector<16xi32>,
    %shift_right_arithmetic3A_2527 = arith.constant 5 : i32
    %shift_right_arithmetic3A_2528 = vector.broadcast %shift_right_arithmetic3A_2527 : i32 to vector<16xi32>
    %shift_right_arithmetic3A_2529 = arith.shrsi %add3A_2482, %shift_right_arithmetic3A_2528 : vector<16xi32>
    %select_n3A_2530 = arith.select %and3A_2518, %shift_right_arithmetic3A_2529, %broadcast_in_dim3A_2520 : vector<16xi1>, vector<16xi32>
    %swap3A_2531 = arith.constant 1568 : index
    %swap3A_2532 = tpu.vector_load %arg11[%swap3A_2531] {strides = array<i32>} : memref<4096xi32, #tpu.memory_space<vmem>>, vector<16xi32>,
    tpu.vector_store %arg11[%swap3A_2531], %select_n3A_2530 {strides = array<i32>} : memref<4096xi32, #tpu.memory_space<vmem>>, vector<16xi32>,
    %and3A_2533 = arith.constant 31 : i32
    %and3A_2534 = vector.broadcast %and3A_2533 : i32 to vector<16xi32>
    %and3A_2535 = arith.andi %get3A_2473, %and3A_2534 : vector<16xi32>
    %select_n3A_2536 = arith.select %and3A_2518, %and3A_2535, %broadcast_in_dim3A_2520 : vector<16xi1>, vector<16xi32>
    %swap3A_2537 = arith.constant 2592 : index
    %swap3A_2538 = tpu.vector_load %arg11[%swap3A_2537] {strides = array<i32>} : memref<4096xi32, #tpu.memory_space<vmem>>, vector<16xi32>,
    tpu.vector_store %arg11[%swap3A_2537], %select_n3A_2536 {strides = array<i32>} : memref<4096xi32, #tpu.memory_space<vmem>>, vector<16xi32>,
    %shift_right_arithmetic3A_2539 = arith.constant 5 : i32
    %shift_right_arithmetic3A_2540 = vector.broadcast %shift_right_arithmetic3A_2539 : i32 to vector<16xi32>
    %shift_right_arithmetic3A_2541 = arith.shrsi %get3A_2473, %shift_right_arithmetic3A_2540 : vector<16xi32>
    %select_n3A_2542 = arith.select %and3A_2518, %shift_right_arithmetic3A_2541, %broadcast_in_dim3A_2520 : vector<16xi1>, vector<16xi32>
    %swap3A_2543 = arith.constant 3616 : index
    %swap3A_2544 = tpu.vector_load %arg11[%swap3A_2543] {strides = array<i32>} : memref<4096xi32, #tpu.memory_space<vmem>>, vector<16xi32>,
    tpu.vector_store %arg11[%swap3A_2543], %select_n3A_2542 {strides = array<i32>} : memref<4096xi32, #tpu.memory_space<vmem>>, vector<16xi32>,
    %get3A_2545 = arith.constant 560 : index
    %get3A_2546 = tpu.vector_load %arg7[%get3A_2545] {strides = array<i32>} : memref<1024xi32, #tpu.memory_space<vmem>>, vector<16xi32>,
    %get3A_2547 = arith.constant 560 : index
    %get3A_2548 = tpu.vector_load %arg8[%get3A_2547] {strides = array<i32>} : memref<1024xi32, #tpu.memory_space<vmem>>, vector<16xi32>,
    %get3A_2549 = arith.constant 560 : index
    %get3A_2550 = tpu.vector_load %arg10[%get3A_2549] {strides = array<i32>} : memref<1024xf32, #tpu.memory_space<vmem>>, vector<16xf32>,
    %gather3A_2551 = tpu.vector_load_idx %arg8[%get3A_2546] : memref<1024xi32, #tpu.memory_space<vmem>>[vector<16xi32>], vector<16xi32>,
    %gather3A_2552 = tpu.vector_load_idx %arg9[%get3A_2546] : memref<1024xf32, #tpu.memory_space<vmem>>[vector<16xi32>], vector<16xf32>,
    %add3A_2553 = arith.constant 560 : i32
    %add3A_2554 = vector.broadcast %add3A_2553 : i32 to vector<16xi32>
    %add3A_2555 = arith.addi %iota3A, %add3A_2554 : vector<16xi32>
    %and3A_2556 = arith.constant 31 : i32
    %and3A_2557 = vector.broadcast %and3A_2556 : i32 to vector<16xi32>
    %and3A_2558 = arith.andi %gather3A_2551, %and3A_2557 : vector<16xi32>
    %and3A_2559 = arith.constant 31 : i32
    %and3A_2560 = vector.broadcast %and3A_2559 : i32 to vector<16xi32>
    %and3A_2561 = arith.andi %add3A_2555, %and3A_2560 : vector<16xi32>
    %sub3A_2562 = arith.subi %and3A_2558, %and3A_2561 : vector<16xi32>
    %shift_right_arithmetic3A_2563 = arith.constant 5 : i32
    %shift_right_arithmetic3A_2564 = vector.broadcast %shift_right_arithmetic3A_2563 : i32 to vector<16xi32>
    %shift_right_arithmetic3A_2565 = arith.shrsi %gather3A_2551, %shift_right_arithmetic3A_2564 : vector<16xi32>
    %shift_right_arithmetic3A_2566 = arith.constant 5 : i32
    %shift_right_arithmetic3A_2567 = vector.broadcast %shift_right_arithmetic3A_2566 : i32 to vector<16xi32>
    %shift_right_arithmetic3A_2568 = arith.shrsi %add3A_2555, %shift_right_arithmetic3A_2567 : vector<16xi32>
    %sub3A_2569 = arith.subi %shift_right_arithmetic3A_2565, %shift_right_arithmetic3A_2568 : vector<16xi32>
    %mul3A_2570 = arith.muli %sub3A_2562, %sub3A_2562 : vector<16xi32>
    %mul3A_2571 = arith.muli %sub3A_2569, %sub3A_2569 : vector<16xi32>
    %add3A_2572 = arith.addi %mul3A_2570, %mul3A_2571 : vector<16xi32>
    %le3A_2573 = arith.constant 9 : i32
    %le3A_2574 = vector.broadcast %le3A_2573 : i32 to vector<16xi32>
    %le3A_2575 = arith.cmpi sle, %add3A_2572, %le3A_2574 : vector<16xi32>
    %ge3A_2576 = arith.constant 1.000000e-01 : f32
    %ge3A_2577 = vector.broadcast %ge3A_2576 : f32 to vector<16xf32>
    %ge3A_2578 = arith.cmpf oge, %gather3A_2552, %ge3A_2577 : vector<16xf32>
    %and3A_2579 = arith.andi %le3A_2575, %ge3A_2578 : vector<16xi1>
    %ne3A_2580 = arith.constant 0 : i32
    %ne3A_2581 = vector.broadcast %ne3A_2580 : i32 to vector<16xi32>
    %ne3A_2582 = arith.cmpi ne, %get3A_2548, %ne3A_2581 : vector<16xi32>
    %ne3A_2583 = arith.constant 0 : i32
    %ne3A_2584 = vector.broadcast %ne3A_2583 : i32 to vector<16xi32>
    %ne3A_2585 = arith.cmpi ne, %get3A_2546, %ne3A_2584 : vector<16xi32>
    %and3A_2586 = arith.andi %ne3A_2582, %ne3A_2585 : vector<16xi1>
    %ne3A_2587 = arith.constant 0.000000e+00 : f32
    %ne3A_2588 = vector.broadcast %ne3A_2587 : f32 to vector<16xf32>
    %ne3A_2589 = arith.cmpf one, %get3A_2550, %ne3A_2588 : vector<16xf32>
    %and3A_2590 = arith.andi %ne3A_2589, %and3A_2579 : vector<16xi1>
    %and3A_2591 = arith.andi %and3A_2590, %and3A_2586 : vector<16xi1>
    %broadcast_in_dim3A_2592 = arith.constant -1 : i32
    %broadcast_in_dim3A_2593 = vector.broadcast %broadcast_in_dim3A_2592 : i32 to vector<16xi32>
    %and3A_2594 = arith.constant 31 : i32
    %and3A_2595 = vector.broadcast %and3A_2594 : i32 to vector<16xi32>
    %and3A_2596 = arith.andi %add3A_2555, %and3A_2595 : vector<16xi32>
    %select_n3A_2597 = arith.select %and3A_2591, %and3A_2596, %broadcast_in_dim3A_2593 : vector<16xi1>, vector<16xi32>
    %swap3A_2598 = arith.constant 560 : index
    %swap3A_2599 = tpu.vector_load %arg11[%swap3A_2598] {strides = array<i32>} : memref<4096xi32, #tpu.memory_space<vmem>>, vector<16xi32>,
    tpu.vector_store %arg11[%swap3A_2598], %select_n3A_2597 {strides = array<i32>} : memref<4096xi32, #tpu.memory_space<vmem>>, vector<16xi32>,
    %shift_right_arithmetic3A_2600 = arith.constant 5 : i32
    %shift_right_arithmetic3A_2601 = vector.broadcast %shift_right_arithmetic3A_2600 : i32 to vector<16xi32>
    %shift_right_arithmetic3A_2602 = arith.shrsi %add3A_2555, %shift_right_arithmetic3A_2601 : vector<16xi32>
    %select_n3A_2603 = arith.select %and3A_2591, %shift_right_arithmetic3A_2602, %broadcast_in_dim3A_2593 : vector<16xi1>, vector<16xi32>
    %swap3A_2604 = arith.constant 1584 : index
    %swap3A_2605 = tpu.vector_load %arg11[%swap3A_2604] {strides = array<i32>} : memref<4096xi32, #tpu.memory_space<vmem>>, vector<16xi32>,
    tpu.vector_store %arg11[%swap3A_2604], %select_n3A_2603 {strides = array<i32>} : memref<4096xi32, #tpu.memory_space<vmem>>, vector<16xi32>,
    %and3A_2606 = arith.constant 31 : i32
    %and3A_2607 = vector.broadcast %and3A_2606 : i32 to vector<16xi32>
    %and3A_2608 = arith.andi %get3A_2546, %and3A_2607 : vector<16xi32>
    %select_n3A_2609 = arith.select %and3A_2591, %and3A_2608, %broadcast_in_dim3A_2593 : vector<16xi1>, vector<16xi32>
    %swap3A_2610 = arith.constant 2608 : index
    %swap3A_2611 = tpu.vector_load %arg11[%swap3A_2610] {strides = array<i32>} : memref<4096xi32, #tpu.memory_space<vmem>>, vector<16xi32>,
    tpu.vector_store %arg11[%swap3A_2610], %select_n3A_2609 {strides = array<i32>} : memref<4096xi32, #tpu.memory_space<vmem>>, vector<16xi32>,
    %shift_right_arithmetic3A_2612 = arith.constant 5 : i32
    %shift_right_arithmetic3A_2613 = vector.broadcast %shift_right_arithmetic3A_2612 : i32 to vector<16xi32>
    %shift_right_arithmetic3A_2614 = arith.shrsi %get3A_2546, %shift_right_arithmetic3A_2613 : vector<16xi32>
    %select_n3A_2615 = arith.select %and3A_2591, %shift_right_arithmetic3A_2614, %broadcast_in_dim3A_2593 : vector<16xi1>, vector<16xi32>
    %swap3A_2616 = arith.constant 3632 : index
    %swap3A_2617 = tpu.vector_load %arg11[%swap3A_2616] {strides = array<i32>} : memref<4096xi32, #tpu.memory_space<vmem>>, vector<16xi32>,
    tpu.vector_store %arg11[%swap3A_2616], %select_n3A_2615 {strides = array<i32>} : memref<4096xi32, #tpu.memory_space<vmem>>, vector<16xi32>,
    %get3A_2618 = arith.constant 576 : index
    %get3A_2619 = tpu.vector_load %arg7[%get3A_2618] {strides = array<i32>} : memref<1024xi32, #tpu.memory_space<vmem>>, vector<16xi32>,
    %get3A_2620 = arith.constant 576 : index
    %get3A_2621 = tpu.vector_load %arg8[%get3A_2620] {strides = array<i32>} : memref<1024xi32, #tpu.memory_space<vmem>>, vector<16xi32>,
    %get3A_2622 = arith.constant 576 : index
    %get3A_2623 = tpu.vector_load %arg10[%get3A_2622] {strides = array<i32>} : memref<1024xf32, #tpu.memory_space<vmem>>, vector<16xf32>,
    %gather3A_2624 = tpu.vector_load_idx %arg8[%get3A_2619] : memref<1024xi32, #tpu.memory_space<vmem>>[vector<16xi32>], vector<16xi32>,
    %gather3A_2625 = tpu.vector_load_idx %arg9[%get3A_2619] : memref<1024xf32, #tpu.memory_space<vmem>>[vector<16xi32>], vector<16xf32>,
    %add3A_2626 = arith.constant 576 : i32
    %add3A_2627 = vector.broadcast %add3A_2626 : i32 to vector<16xi32>
    %add3A_2628 = arith.addi %iota3A, %add3A_2627 : vector<16xi32>
    %and3A_2629 = arith.constant 31 : i32
    %and3A_2630 = vector.broadcast %and3A_2629 : i32 to vector<16xi32>
    %and3A_2631 = arith.andi %gather3A_2624, %and3A_2630 : vector<16xi32>
    %and3A_2632 = arith.constant 31 : i32
    %and3A_2633 = vector.broadcast %and3A_2632 : i32 to vector<16xi32>
    %and3A_2634 = arith.andi %add3A_2628, %and3A_2633 : vector<16xi32>
    %sub3A_2635 = arith.subi %and3A_2631, %and3A_2634 : vector<16xi32>
    %shift_right_arithmetic3A_2636 = arith.constant 5 : i32
    %shift_right_arithmetic3A_2637 = vector.broadcast %shift_right_arithmetic3A_2636 : i32 to vector<16xi32>
    %shift_right_arithmetic3A_2638 = arith.shrsi %gather3A_2624, %shift_right_arithmetic3A_2637 : vector<16xi32>
    %shift_right_arithmetic3A_2639 = arith.constant 5 : i32
    %shift_right_arithmetic3A_2640 = vector.broadcast %shift_right_arithmetic3A_2639 : i32 to vector<16xi32>
    %shift_right_arithmetic3A_2641 = arith.shrsi %add3A_2628, %shift_right_arithmetic3A_2640 : vector<16xi32>
    %sub3A_2642 = arith.subi %shift_right_arithmetic3A_2638, %shift_right_arithmetic3A_2641 : vector<16xi32>
    %mul3A_2643 = arith.muli %sub3A_2635, %sub3A_2635 : vector<16xi32>
    %mul3A_2644 = arith.muli %sub3A_2642, %sub3A_2642 : vector<16xi32>
    %add3A_2645 = arith.addi %mul3A_2643, %mul3A_2644 : vector<16xi32>
    %le3A_2646 = arith.constant 9 : i32
    %le3A_2647 = vector.broadcast %le3A_2646 : i32 to vector<16xi32>
    %le3A_2648 = arith.cmpi sle, %add3A_2645, %le3A_2647 : vector<16xi32>
    %ge3A_2649 = arith.constant 1.000000e-01 : f32
    %ge3A_2650 = vector.broadcast %ge3A_2649 : f32 to vector<16xf32>
    %ge3A_2651 = arith.cmpf oge, %gather3A_2625, %ge3A_2650 : vector<16xf32>
    %and3A_2652 = arith.andi %le3A_2648, %ge3A_2651 : vector<16xi1>
    %ne3A_2653 = arith.constant 0 : i32
    %ne3A_2654 = vector.broadcast %ne3A_2653 : i32 to vector<16xi32>
    %ne3A_2655 = arith.cmpi ne, %get3A_2621, %ne3A_2654 : vector<16xi32>
    %ne3A_2656 = arith.constant 0 : i32
    %ne3A_2657 = vector.broadcast %ne3A_2656 : i32 to vector<16xi32>
    %ne3A_2658 = arith.cmpi ne, %get3A_2619, %ne3A_2657 : vector<16xi32>
    %and3A_2659 = arith.andi %ne3A_2655, %ne3A_2658 : vector<16xi1>
    %ne3A_2660 = arith.constant 0.000000e+00 : f32
    %ne3A_2661 = vector.broadcast %ne3A_2660 : f32 to vector<16xf32>
    %ne3A_2662 = arith.cmpf one, %get3A_2623, %ne3A_2661 : vector<16xf32>
    %and3A_2663 = arith.andi %ne3A_2662, %and3A_2652 : vector<16xi1>
    %and3A_2664 = arith.andi %and3A_2663, %and3A_2659 : vector<16xi1>
    %broadcast_in_dim3A_2665 = arith.constant -1 : i32
    %broadcast_in_dim3A_2666 = vector.broadcast %broadcast_in_dim3A_2665 : i32 to vector<16xi32>
    %and3A_2667 = arith.constant 31 : i32
    %and3A_2668 = vector.broadcast %and3A_2667 : i32 to vector<16xi32>
    %and3A_2669 = arith.andi %add3A_2628, %and3A_2668 : vector<16xi32>
    %select_n3A_2670 = arith.select %and3A_2664, %and3A_2669, %broadcast_in_dim3A_2666 : vector<16xi1>, vector<16xi32>
    %swap3A_2671 = arith.constant 576 : index
    %swap3A_2672 = tpu.vector_load %arg11[%swap3A_2671] {strides = array<i32>} : memref<4096xi32, #tpu.memory_space<vmem>>, vector<16xi32>,
    tpu.vector_store %arg11[%swap3A_2671], %select_n3A_2670 {strides = array<i32>} : memref<4096xi32, #tpu.memory_space<vmem>>, vector<16xi32>,
    %shift_right_arithmetic3A_2673 = arith.constant 5 : i32
    %shift_right_arithmetic3A_2674 = vector.broadcast %shift_right_arithmetic3A_2673 : i32 to vector<16xi32>
    %shift_right_arithmetic3A_2675 = arith.shrsi %add3A_2628, %shift_right_arithmetic3A_2674 : vector<16xi32>
    %select_n3A_2676 = arith.select %and3A_2664, %shift_right_arithmetic3A_2675, %broadcast_in_dim3A_2666 : vector<16xi1>, vector<16xi32>
    %swap3A_2677 = arith.constant 1600 : index
    %swap3A_2678 = tpu.vector_load %arg11[%swap3A_2677] {strides = array<i32>} : memref<4096xi32, #tpu.memory_space<vmem>>, vector<16xi32>,
    tpu.vector_store %arg11[%swap3A_2677], %select_n3A_2676 {strides = array<i32>} : memref<4096xi32, #tpu.memory_space<vmem>>, vector<16xi32>,
    %and3A_2679 = arith.constant 31 : i32
    %and3A_2680 = vector.broadcast %and3A_2679 : i32 to vector<16xi32>
    %and3A_2681 = arith.andi %get3A_2619, %and3A_2680 : vector<16xi32>
    %select_n3A_2682 = arith.select %and3A_2664, %and3A_2681, %broadcast_in_dim3A_2666 : vector<16xi1>, vector<16xi32>
    %swap3A_2683 = arith.constant 2624 : index
    %swap3A_2684 = tpu.vector_load %arg11[%swap3A_2683] {strides = array<i32>} : memref<4096xi32, #tpu.memory_space<vmem>>, vector<16xi32>,
    tpu.vector_store %arg11[%swap3A_2683], %select_n3A_2682 {strides = array<i32>} : memref<4096xi32, #tpu.memory_space<vmem>>, vector<16xi32>,
    %shift_right_arithmetic3A_2685 = arith.constant 5 : i32
    %shift_right_arithmetic3A_2686 = vector.broadcast %shift_right_arithmetic3A_2685 : i32 to vector<16xi32>
    %shift_right_arithmetic3A_2687 = arith.shrsi %get3A_2619, %shift_right_arithmetic3A_2686 : vector<16xi32>
    %select_n3A_2688 = arith.select %and3A_2664, %shift_right_arithmetic3A_2687, %broadcast_in_dim3A_2666 : vector<16xi1>, vector<16xi32>
    %swap3A_2689 = arith.constant 3648 : index
    %swap3A_2690 = tpu.vector_load %arg11[%swap3A_2689] {strides = array<i32>} : memref<4096xi32, #tpu.memory_space<vmem>>, vector<16xi32>,
    tpu.vector_store %arg11[%swap3A_2689], %select_n3A_2688 {strides = array<i32>} : memref<4096xi32, #tpu.memory_space<vmem>>, vector<16xi32>,
    %get3A_2691 = arith.constant 592 : index
    %get3A_2692 = tpu.vector_load %arg7[%get3A_2691] {strides = array<i32>} : memref<1024xi32, #tpu.memory_space<vmem>>, vector<16xi32>,
    %get3A_2693 = arith.constant 592 : index
    %get3A_2694 = tpu.vector_load %arg8[%get3A_2693] {strides = array<i32>} : memref<1024xi32, #tpu.memory_space<vmem>>, vector<16xi32>,
    %get3A_2695 = arith.constant 592 : index
    %get3A_2696 = tpu.vector_load %arg10[%get3A_2695] {strides = array<i32>} : memref<1024xf32, #tpu.memory_space<vmem>>, vector<16xf32>,
    %gather3A_2697 = tpu.vector_load_idx %arg8[%get3A_2692] : memref<1024xi32, #tpu.memory_space<vmem>>[vector<16xi32>], vector<16xi32>,
    %gather3A_2698 = tpu.vector_load_idx %arg9[%get3A_2692] : memref<1024xf32, #tpu.memory_space<vmem>>[vector<16xi32>], vector<16xf32>,
    %add3A_2699 = arith.constant 592 : i32
    %add3A_2700 = vector.broadcast %add3A_2699 : i32 to vector<16xi32>
    %add3A_2701 = arith.addi %iota3A, %add3A_2700 : vector<16xi32>
    %and3A_2702 = arith.constant 31 : i32
    %and3A_2703 = vector.broadcast %and3A_2702 : i32 to vector<16xi32>
    %and3A_2704 = arith.andi %gather3A_2697, %and3A_2703 : vector<16xi32>
    %and3A_2705 = arith.constant 31 : i32
    %and3A_2706 = vector.broadcast %and3A_2705 : i32 to vector<16xi32>
    %and3A_2707 = arith.andi %add3A_2701, %and3A_2706 : vector<16xi32>
    %sub3A_2708 = arith.subi %and3A_2704, %and3A_2707 : vector<16xi32>
    %shift_right_arithmetic3A_2709 = arith.constant 5 : i32
    %shift_right_arithmetic3A_2710 = vector.broadcast %shift_right_arithmetic3A_2709 : i32 to vector<16xi32>
    %shift_right_arithmetic3A_2711 = arith.shrsi %gather3A_2697, %shift_right_arithmetic3A_2710 : vector<16xi32>
    %shift_right_arithmetic3A_2712 = arith.constant 5 : i32
    %shift_right_arithmetic3A_2713 = vector.broadcast %shift_right_arithmetic3A_2712 : i32 to vector<16xi32>
    %shift_right_arithmetic3A_2714 = arith.shrsi %add3A_2701, %shift_right_arithmetic3A_2713 : vector<16xi32>
    %sub3A_2715 = arith.subi %shift_right_arithmetic3A_2711, %shift_right_arithmetic3A_2714 : vector<16xi32>
    %mul3A_2716 = arith.muli %sub3A_2708, %sub3A_2708 : vector<16xi32>
    %mul3A_2717 = arith.muli %sub3A_2715, %sub3A_2715 : vector<16xi32>
    %add3A_2718 = arith.addi %mul3A_2716, %mul3A_2717 : vector<16xi32>
    %le3A_2719 = arith.constant 9 : i32
    %le3A_2720 = vector.broadcast %le3A_2719 : i32 to vector<16xi32>
    %le3A_2721 = arith.cmpi sle, %add3A_2718, %le3A_2720 : vector<16xi32>
    %ge3A_2722 = arith.constant 1.000000e-01 : f32
    %ge3A_2723 = vector.broadcast %ge3A_2722 : f32 to vector<16xf32>
    %ge3A_2724 = arith.cmpf oge, %gather3A_2698, %ge3A_2723 : vector<16xf32>
    %and3A_2725 = arith.andi %le3A_2721, %ge3A_2724 : vector<16xi1>
    %ne3A_2726 = arith.constant 0 : i32
    %ne3A_2727 = vector.broadcast %ne3A_2726 : i32 to vector<16xi32>
    %ne3A_2728 = arith.cmpi ne, %get3A_2694, %ne3A_2727 : vector<16xi32>
    %ne3A_2729 = arith.constant 0 : i32
    %ne3A_2730 = vector.broadcast %ne3A_2729 : i32 to vector<16xi32>
    %ne3A_2731 = arith.cmpi ne, %get3A_2692, %ne3A_2730 : vector<16xi32>
    %and3A_2732 = arith.andi %ne3A_2728, %ne3A_2731 : vector<16xi1>
    %ne3A_2733 = arith.constant 0.000000e+00 : f32
    %ne3A_2734 = vector.broadcast %ne3A_2733 : f32 to vector<16xf32>
    %ne3A_2735 = arith.cmpf one, %get3A_2696, %ne3A_2734 : vector<16xf32>
    %and3A_2736 = arith.andi %ne3A_2735, %and3A_2725 : vector<16xi1>
    %and3A_2737 = arith.andi %and3A_2736, %and3A_2732 : vector<16xi1>
    %broadcast_in_dim3A_2738 = arith.constant -1 : i32
    %broadcast_in_dim3A_2739 = vector.broadcast %broadcast_in_dim3A_2738 : i32 to vector<16xi32>
    %and3A_2740 = arith.constant 31 : i32
    %and3A_2741 = vector.broadcast %and3A_2740 : i32 to vector<16xi32>
    %and3A_2742 = arith.andi %add3A_2701, %and3A_2741 : vector<16xi32>
    %select_n3A_2743 = arith.select %and3A_2737, %and3A_2742, %broadcast_in_dim3A_2739 : vector<16xi1>, vector<16xi32>
    %swap3A_2744 = arith.constant 592 : index
    %swap3A_2745 = tpu.vector_load %arg11[%swap3A_2744] {strides = array<i32>} : memref<4096xi32, #tpu.memory_space<vmem>>, vector<16xi32>,
    tpu.vector_store %arg11[%swap3A_2744], %select_n3A_2743 {strides = array<i32>} : memref<4096xi32, #tpu.memory_space<vmem>>, vector<16xi32>,
    %shift_right_arithmetic3A_2746 = arith.constant 5 : i32
    %shift_right_arithmetic3A_2747 = vector.broadcast %shift_right_arithmetic3A_2746 : i32 to vector<16xi32>
    %shift_right_arithmetic3A_2748 = arith.shrsi %add3A_2701, %shift_right_arithmetic3A_2747 : vector<16xi32>
    %select_n3A_2749 = arith.select %and3A_2737, %shift_right_arithmetic3A_2748, %broadcast_in_dim3A_2739 : vector<16xi1>, vector<16xi32>
    %swap3A_2750 = arith.constant 1616 : index
    %swap3A_2751 = tpu.vector_load %arg11[%swap3A_2750] {strides = array<i32>} : memref<4096xi32, #tpu.memory_space<vmem>>, vector<16xi32>,
    tpu.vector_store %arg11[%swap3A_2750], %select_n3A_2749 {strides = array<i32>} : memref<4096xi32, #tpu.memory_space<vmem>>, vector<16xi32>,
    %and3A_2752 = arith.constant 31 : i32
    %and3A_2753 = vector.broadcast %and3A_2752 : i32 to vector<16xi32>
    %and3A_2754 = arith.andi %get3A_2692, %and3A_2753 : vector<16xi32>
    %select_n3A_2755 = arith.select %and3A_2737, %and3A_2754, %broadcast_in_dim3A_2739 : vector<16xi1>, vector<16xi32>
    %swap3A_2756 = arith.constant 2640 : index
    %swap3A_2757 = tpu.vector_load %arg11[%swap3A_2756] {strides = array<i32>} : memref<4096xi32, #tpu.memory_space<vmem>>, vector<16xi32>,
    tpu.vector_store %arg11[%swap3A_2756], %select_n3A_2755 {strides = array<i32>} : memref<4096xi32, #tpu.memory_space<vmem>>, vector<16xi32>,
    %shift_right_arithmetic3A_2758 = arith.constant 5 : i32
    %shift_right_arithmetic3A_2759 = vector.broadcast %shift_right_arithmetic3A_2758 : i32 to vector<16xi32>
    %shift_right_arithmetic3A_2760 = arith.shrsi %get3A_2692, %shift_right_arithmetic3A_2759 : vector<16xi32>
    %select_n3A_2761 = arith.select %and3A_2737, %shift_right_arithmetic3A_2760, %broadcast_in_dim3A_2739 : vector<16xi1>, vector<16xi32>
    %swap3A_2762 = arith.constant 3664 : index
    %swap3A_2763 = tpu.vector_load %arg11[%swap3A_2762] {strides = array<i32>} : memref<4096xi32, #tpu.memory_space<vmem>>, vector<16xi32>,
    tpu.vector_store %arg11[%swap3A_2762], %select_n3A_2761 {strides = array<i32>} : memref<4096xi32, #tpu.memory_space<vmem>>, vector<16xi32>,
    %get3A_2764 = arith.constant 608 : index
    %get3A_2765 = tpu.vector_load %arg7[%get3A_2764] {strides = array<i32>} : memref<1024xi32, #tpu.memory_space<vmem>>, vector<16xi32>,
    %get3A_2766 = arith.constant 608 : index
    %get3A_2767 = tpu.vector_load %arg8[%get3A_2766] {strides = array<i32>} : memref<1024xi32, #tpu.memory_space<vmem>>, vector<16xi32>,
    %get3A_2768 = arith.constant 608 : index
    %get3A_2769 = tpu.vector_load %arg10[%get3A_2768] {strides = array<i32>} : memref<1024xf32, #tpu.memory_space<vmem>>, vector<16xf32>,
    %gather3A_2770 = tpu.vector_load_idx %arg8[%get3A_2765] : memref<1024xi32, #tpu.memory_space<vmem>>[vector<16xi32>], vector<16xi32>,
    %gather3A_2771 = tpu.vector_load_idx %arg9[%get3A_2765] : memref<1024xf32, #tpu.memory_space<vmem>>[vector<16xi32>], vector<16xf32>,
    %add3A_2772 = arith.constant 608 : i32
    %add3A_2773 = vector.broadcast %add3A_2772 : i32 to vector<16xi32>
    %add3A_2774 = arith.addi %iota3A, %add3A_2773 : vector<16xi32>
    %and3A_2775 = arith.constant 31 : i32
    %and3A_2776 = vector.broadcast %and3A_2775 : i32 to vector<16xi32>
    %and3A_2777 = arith.andi %gather3A_2770, %and3A_2776 : vector<16xi32>
    %and3A_2778 = arith.constant 31 : i32
    %and3A_2779 = vector.broadcast %and3A_2778 : i32 to vector<16xi32>
    %and3A_2780 = arith.andi %add3A_2774, %and3A_2779 : vector<16xi32>
    %sub3A_2781 = arith.subi %and3A_2777, %and3A_2780 : vector<16xi32>
    %shift_right_arithmetic3A_2782 = arith.constant 5 : i32
    %shift_right_arithmetic3A_2783 = vector.broadcast %shift_right_arithmetic3A_2782 : i32 to vector<16xi32>
    %shift_right_arithmetic3A_2784 = arith.shrsi %gather3A_2770, %shift_right_arithmetic3A_2783 : vector<16xi32>
    %shift_right_arithmetic3A_2785 = arith.constant 5 : i32
    %shift_right_arithmetic3A_2786 = vector.broadcast %shift_right_arithmetic3A_2785 : i32 to vector<16xi32>
    %shift_right_arithmetic3A_2787 = arith.shrsi %add3A_2774, %shift_right_arithmetic3A_2786 : vector<16xi32>
    %sub3A_2788 = arith.subi %shift_right_arithmetic3A_2784, %shift_right_arithmetic3A_2787 : vector<16xi32>
    %mul3A_2789 = arith.muli %sub3A_2781, %sub3A_2781 : vector<16xi32>
    %mul3A_2790 = arith.muli %sub3A_2788, %sub3A_2788 : vector<16xi32>
    %add3A_2791 = arith.addi %mul3A_2789, %mul3A_2790 : vector<16xi32>
    %le3A_2792 = arith.constant 9 : i32
    %le3A_2793 = vector.broadcast %le3A_2792 : i32 to vector<16xi32>
    %le3A_2794 = arith.cmpi sle, %add3A_2791, %le3A_2793 : vector<16xi32>
    %ge3A_2795 = arith.constant 1.000000e-01 : f32
    %ge3A_2796 = vector.broadcast %ge3A_2795 : f32 to vector<16xf32>
    %ge3A_2797 = arith.cmpf oge, %gather3A_2771, %ge3A_2796 : vector<16xf32>
    %and3A_2798 = arith.andi %le3A_2794, %ge3A_2797 : vector<16xi1>
    %ne3A_2799 = arith.constant 0 : i32
    %ne3A_2800 = vector.broadcast %ne3A_2799 : i32 to vector<16xi32>
    %ne3A_2801 = arith.cmpi ne, %get3A_2767, %ne3A_2800 : vector<16xi32>
    %ne3A_2802 = arith.constant 0 : i32
    %ne3A_2803 = vector.broadcast %ne3A_2802 : i32 to vector<16xi32>
    %ne3A_2804 = arith.cmpi ne, %get3A_2765, %ne3A_2803 : vector<16xi32>
    %and3A_2805 = arith.andi %ne3A_2801, %ne3A_2804 : vector<16xi1>
    %ne3A_2806 = arith.constant 0.000000e+00 : f32
    %ne3A_2807 = vector.broadcast %ne3A_2806 : f32 to vector<16xf32>
    %ne3A_2808 = arith.cmpf one, %get3A_2769, %ne3A_2807 : vector<16xf32>
    %and3A_2809 = arith.andi %ne3A_2808, %and3A_2798 : vector<16xi1>
    %and3A_2810 = arith.andi %and3A_2809, %and3A_2805 : vector<16xi1>
    %broadcast_in_dim3A_2811 = arith.constant -1 : i32
    %broadcast_in_dim3A_2812 = vector.broadcast %broadcast_in_dim3A_2811 : i32 to vector<16xi32>
    %and3A_2813 = arith.constant 31 : i32
    %and3A_2814 = vector.broadcast %and3A_2813 : i32 to vector<16xi32>
    %and3A_2815 = arith.andi %add3A_2774, %and3A_2814 : vector<16xi32>
    %select_n3A_2816 = arith.select %and3A_2810, %and3A_2815, %broadcast_in_dim3A_2812 : vector<16xi1>, vector<16xi32>
    %swap3A_2817 = arith.constant 608 : index
    %swap3A_2818 = tpu.vector_load %arg11[%swap3A_2817] {strides = array<i32>} : memref<4096xi32, #tpu.memory_space<vmem>>, vector<16xi32>,
    tpu.vector_store %arg11[%swap3A_2817], %select_n3A_2816 {strides = array<i32>} : memref<4096xi32, #tpu.memory_space<vmem>>, vector<16xi32>,
    %shift_right_arithmetic3A_2819 = arith.constant 5 : i32
    %shift_right_arithmetic3A_2820 = vector.broadcast %shift_right_arithmetic3A_2819 : i32 to vector<16xi32>
    %shift_right_arithmetic3A_2821 = arith.shrsi %add3A_2774, %shift_right_arithmetic3A_2820 : vector<16xi32>
    %select_n3A_2822 = arith.select %and3A_2810, %shift_right_arithmetic3A_2821, %broadcast_in_dim3A_2812 : vector<16xi1>, vector<16xi32>
    %swap3A_2823 = arith.constant 1632 : index
    %swap3A_2824 = tpu.vector_load %arg11[%swap3A_2823] {strides = array<i32>} : memref<4096xi32, #tpu.memory_space<vmem>>, vector<16xi32>,
    tpu.vector_store %arg11[%swap3A_2823], %select_n3A_2822 {strides = array<i32>} : memref<4096xi32, #tpu.memory_space<vmem>>, vector<16xi32>,
    %and3A_2825 = arith.constant 31 : i32
    %and3A_2826 = vector.broadcast %and3A_2825 : i32 to vector<16xi32>
    %and3A_2827 = arith.andi %get3A_2765, %and3A_2826 : vector<16xi32>
    %select_n3A_2828 = arith.select %and3A_2810, %and3A_2827, %broadcast_in_dim3A_2812 : vector<16xi1>, vector<16xi32>
    %swap3A_2829 = arith.constant 2656 : index
    %swap3A_2830 = tpu.vector_load %arg11[%swap3A_2829] {strides = array<i32>} : memref<4096xi32, #tpu.memory_space<vmem>>, vector<16xi32>,
    tpu.vector_store %arg11[%swap3A_2829], %select_n3A_2828 {strides = array<i32>} : memref<4096xi32, #tpu.memory_space<vmem>>, vector<16xi32>,
    %shift_right_arithmetic3A_2831 = arith.constant 5 : i32
    %shift_right_arithmetic3A_2832 = vector.broadcast %shift_right_arithmetic3A_2831 : i32 to vector<16xi32>
    %shift_right_arithmetic3A_2833 = arith.shrsi %get3A_2765, %shift_right_arithmetic3A_2832 : vector<16xi32>
    %select_n3A_2834 = arith.select %and3A_2810, %shift_right_arithmetic3A_2833, %broadcast_in_dim3A_2812 : vector<16xi1>, vector<16xi32>
    %swap3A_2835 = arith.constant 3680 : index
    %swap3A_2836 = tpu.vector_load %arg11[%swap3A_2835] {strides = array<i32>} : memref<4096xi32, #tpu.memory_space<vmem>>, vector<16xi32>,
    tpu.vector_store %arg11[%swap3A_2835], %select_n3A_2834 {strides = array<i32>} : memref<4096xi32, #tpu.memory_space<vmem>>, vector<16xi32>,
    %get3A_2837 = arith.constant 624 : index
    %get3A_2838 = tpu.vector_load %arg7[%get3A_2837] {strides = array<i32>} : memref<1024xi32, #tpu.memory_space<vmem>>, vector<16xi32>,
    %get3A_2839 = arith.constant 624 : index
    %get3A_2840 = tpu.vector_load %arg8[%get3A_2839] {strides = array<i32>} : memref<1024xi32, #tpu.memory_space<vmem>>, vector<16xi32>,
    %get3A_2841 = arith.constant 624 : index
    %get3A_2842 = tpu.vector_load %arg10[%get3A_2841] {strides = array<i32>} : memref<1024xf32, #tpu.memory_space<vmem>>, vector<16xf32>,
    %gather3A_2843 = tpu.vector_load_idx %arg8[%get3A_2838] : memref<1024xi32, #tpu.memory_space<vmem>>[vector<16xi32>], vector<16xi32>,
    %gather3A_2844 = tpu.vector_load_idx %arg9[%get3A_2838] : memref<1024xf32, #tpu.memory_space<vmem>>[vector<16xi32>], vector<16xf32>,
    %add3A_2845 = arith.constant 624 : i32
    %add3A_2846 = vector.broadcast %add3A_2845 : i32 to vector<16xi32>
    %add3A_2847 = arith.addi %iota3A, %add3A_2846 : vector<16xi32>
    %and3A_2848 = arith.constant 31 : i32
    %and3A_2849 = vector.broadcast %and3A_2848 : i32 to vector<16xi32>
    %and3A_2850 = arith.andi %gather3A_2843, %and3A_2849 : vector<16xi32>
    %and3A_2851 = arith.constant 31 : i32
    %and3A_2852 = vector.broadcast %and3A_2851 : i32 to vector<16xi32>
    %and3A_2853 = arith.andi %add3A_2847, %and3A_2852 : vector<16xi32>
    %sub3A_2854 = arith.subi %and3A_2850, %and3A_2853 : vector<16xi32>
    %shift_right_arithmetic3A_2855 = arith.constant 5 : i32
    %shift_right_arithmetic3A_2856 = vector.broadcast %shift_right_arithmetic3A_2855 : i32 to vector<16xi32>
    %shift_right_arithmetic3A_2857 = arith.shrsi %gather3A_2843, %shift_right_arithmetic3A_2856 : vector<16xi32>
    %shift_right_arithmetic3A_2858 = arith.constant 5 : i32
    %shift_right_arithmetic3A_2859 = vector.broadcast %shift_right_arithmetic3A_2858 : i32 to vector<16xi32>
    %shift_right_arithmetic3A_2860 = arith.shrsi %add3A_2847, %shift_right_arithmetic3A_2859 : vector<16xi32>
    %sub3A_2861 = arith.subi %shift_right_arithmetic3A_2857, %shift_right_arithmetic3A_2860 : vector<16xi32>
    %mul3A_2862 = arith.muli %sub3A_2854, %sub3A_2854 : vector<16xi32>
    %mul3A_2863 = arith.muli %sub3A_2861, %sub3A_2861 : vector<16xi32>
    %add3A_2864 = arith.addi %mul3A_2862, %mul3A_2863 : vector<16xi32>
    %le3A_2865 = arith.constant 9 : i32
    %le3A_2866 = vector.broadcast %le3A_2865 : i32 to vector<16xi32>
    %le3A_2867 = arith.cmpi sle, %add3A_2864, %le3A_2866 : vector<16xi32>
    %ge3A_2868 = arith.constant 1.000000e-01 : f32
    %ge3A_2869 = vector.broadcast %ge3A_2868 : f32 to vector<16xf32>
    %ge3A_2870 = arith.cmpf oge, %gather3A_2844, %ge3A_2869 : vector<16xf32>
    %and3A_2871 = arith.andi %le3A_2867, %ge3A_2870 : vector<16xi1>
    %ne3A_2872 = arith.constant 0 : i32
    %ne3A_2873 = vector.broadcast %ne3A_2872 : i32 to vector<16xi32>
    %ne3A_2874 = arith.cmpi ne, %get3A_2840, %ne3A_2873 : vector<16xi32>
    %ne3A_2875 = arith.constant 0 : i32
    %ne3A_2876 = vector.broadcast %ne3A_2875 : i32 to vector<16xi32>
    %ne3A_2877 = arith.cmpi ne, %get3A_2838, %ne3A_2876 : vector<16xi32>
    %and3A_2878 = arith.andi %ne3A_2874, %ne3A_2877 : vector<16xi1>
    %ne3A_2879 = arith.constant 0.000000e+00 : f32
    %ne3A_2880 = vector.broadcast %ne3A_2879 : f32 to vector<16xf32>
    %ne3A_2881 = arith.cmpf one, %get3A_2842, %ne3A_2880 : vector<16xf32>
    %and3A_2882 = arith.andi %ne3A_2881, %and3A_2871 : vector<16xi1>
    %and3A_2883 = arith.andi %and3A_2882, %and3A_2878 : vector<16xi1>
    %broadcast_in_dim3A_2884 = arith.constant -1 : i32
    %broadcast_in_dim3A_2885 = vector.broadcast %broadcast_in_dim3A_2884 : i32 to vector<16xi32>
    %and3A_2886 = arith.constant 31 : i32
    %and3A_2887 = vector.broadcast %and3A_2886 : i32 to vector<16xi32>
    %and3A_2888 = arith.andi %add3A_2847, %and3A_2887 : vector<16xi32>
    %select_n3A_2889 = arith.select %and3A_2883, %and3A_2888, %broadcast_in_dim3A_2885 : vector<16xi1>, vector<16xi32>
    %swap3A_2890 = arith.constant 624 : index
    %swap3A_2891 = tpu.vector_load %arg11[%swap3A_2890] {strides = array<i32>} : memref<4096xi32, #tpu.memory_space<vmem>>, vector<16xi32>,
    tpu.vector_store %arg11[%swap3A_2890], %select_n3A_2889 {strides = array<i32>} : memref<4096xi32, #tpu.memory_space<vmem>>, vector<16xi32>,
    %shift_right_arithmetic3A_2892 = arith.constant 5 : i32
    %shift_right_arithmetic3A_2893 = vector.broadcast %shift_right_arithmetic3A_2892 : i32 to vector<16xi32>
    %shift_right_arithmetic3A_2894 = arith.shrsi %add3A_2847, %shift_right_arithmetic3A_2893 : vector<16xi32>
    %select_n3A_2895 = arith.select %and3A_2883, %shift_right_arithmetic3A_2894, %broadcast_in_dim3A_2885 : vector<16xi1>, vector<16xi32>
    %swap3A_2896 = arith.constant 1648 : index
    %swap3A_2897 = tpu.vector_load %arg11[%swap3A_2896] {strides = array<i32>} : memref<4096xi32, #tpu.memory_space<vmem>>, vector<16xi32>,
    tpu.vector_store %arg11[%swap3A_2896], %select_n3A_2895 {strides = array<i32>} : memref<4096xi32, #tpu.memory_space<vmem>>, vector<16xi32>,
    %and3A_2898 = arith.constant 31 : i32
    %and3A_2899 = vector.broadcast %and3A_2898 : i32 to vector<16xi32>
    %and3A_2900 = arith.andi %get3A_2838, %and3A_2899 : vector<16xi32>
    %select_n3A_2901 = arith.select %and3A_2883, %and3A_2900, %broadcast_in_dim3A_2885 : vector<16xi1>, vector<16xi32>
    %swap3A_2902 = arith.constant 2672 : index
    %swap3A_2903 = tpu.vector_load %arg11[%swap3A_2902] {strides = array<i32>} : memref<4096xi32, #tpu.memory_space<vmem>>, vector<16xi32>,
    tpu.vector_store %arg11[%swap3A_2902], %select_n3A_2901 {strides = array<i32>} : memref<4096xi32, #tpu.memory_space<vmem>>, vector<16xi32>,
    %shift_right_arithmetic3A_2904 = arith.constant 5 : i32
    %shift_right_arithmetic3A_2905 = vector.broadcast %shift_right_arithmetic3A_2904 : i32 to vector<16xi32>
    %shift_right_arithmetic3A_2906 = arith.shrsi %get3A_2838, %shift_right_arithmetic3A_2905 : vector<16xi32>
    %select_n3A_2907 = arith.select %and3A_2883, %shift_right_arithmetic3A_2906, %broadcast_in_dim3A_2885 : vector<16xi1>, vector<16xi32>
    %swap3A_2908 = arith.constant 3696 : index
    %swap3A_2909 = tpu.vector_load %arg11[%swap3A_2908] {strides = array<i32>} : memref<4096xi32, #tpu.memory_space<vmem>>, vector<16xi32>,
    tpu.vector_store %arg11[%swap3A_2908], %select_n3A_2907 {strides = array<i32>} : memref<4096xi32, #tpu.memory_space<vmem>>, vector<16xi32>,
    %get3A_2910 = arith.constant 640 : index
    %get3A_2911 = tpu.vector_load %arg7[%get3A_2910] {strides = array<i32>} : memref<1024xi32, #tpu.memory_space<vmem>>, vector<16xi32>,
    %get3A_2912 = arith.constant 640 : index
    %get3A_2913 = tpu.vector_load %arg8[%get3A_2912] {strides = array<i32>} : memref<1024xi32, #tpu.memory_space<vmem>>, vector<16xi32>,
    %get3A_2914 = arith.constant 640 : index
    %get3A_2915 = tpu.vector_load %arg10[%get3A_2914] {strides = array<i32>} : memref<1024xf32, #tpu.memory_space<vmem>>, vector<16xf32>,
    %gather3A_2916 = tpu.vector_load_idx %arg8[%get3A_2911] : memref<1024xi32, #tpu.memory_space<vmem>>[vector<16xi32>], vector<16xi32>,
    %gather3A_2917 = tpu.vector_load_idx %arg9[%get3A_2911] : memref<1024xf32, #tpu.memory_space<vmem>>[vector<16xi32>], vector<16xf32>,
    %add3A_2918 = arith.constant 640 : i32
    %add3A_2919 = vector.broadcast %add3A_2918 : i32 to vector<16xi32>
    %add3A_2920 = arith.addi %iota3A, %add3A_2919 : vector<16xi32>
    %and3A_2921 = arith.constant 31 : i32
    %and3A_2922 = vector.broadcast %and3A_2921 : i32 to vector<16xi32>
    %and3A_2923 = arith.andi %gather3A_2916, %and3A_2922 : vector<16xi32>
    %and3A_2924 = arith.constant 31 : i32
    %and3A_2925 = vector.broadcast %and3A_2924 : i32 to vector<16xi32>
    %and3A_2926 = arith.andi %add3A_2920, %and3A_2925 : vector<16xi32>
    %sub3A_2927 = arith.subi %and3A_2923, %and3A_2926 : vector<16xi32>
    %shift_right_arithmetic3A_2928 = arith.constant 5 : i32
    %shift_right_arithmetic3A_2929 = vector.broadcast %shift_right_arithmetic3A_2928 : i32 to vector<16xi32>
    %shift_right_arithmetic3A_2930 = arith.shrsi %gather3A_2916, %shift_right_arithmetic3A_2929 : vector<16xi32>
    %shift_right_arithmetic3A_2931 = arith.constant 5 : i32
    %shift_right_arithmetic3A_2932 = vector.broadcast %shift_right_arithmetic3A_2931 : i32 to vector<16xi32>
    %shift_right_arithmetic3A_2933 = arith.shrsi %add3A_2920, %shift_right_arithmetic3A_2932 : vector<16xi32>
    %sub3A_2934 = arith.subi %shift_right_arithmetic3A_2930, %shift_right_arithmetic3A_2933 : vector<16xi32>
    %mul3A_2935 = arith.muli %sub3A_2927, %sub3A_2927 : vector<16xi32>
    %mul3A_2936 = arith.muli %sub3A_2934, %sub3A_2934 : vector<16xi32>
    %add3A_2937 = arith.addi %mul3A_2935, %mul3A_2936 : vector<16xi32>
    %le3A_2938 = arith.constant 9 : i32
    %le3A_2939 = vector.broadcast %le3A_2938 : i32 to vector<16xi32>
    %le3A_2940 = arith.cmpi sle, %add3A_2937, %le3A_2939 : vector<16xi32>
    %ge3A_2941 = arith.constant 1.000000e-01 : f32
    %ge3A_2942 = vector.broadcast %ge3A_2941 : f32 to vector<16xf32>
    %ge3A_2943 = arith.cmpf oge, %gather3A_2917, %ge3A_2942 : vector<16xf32>
    %and3A_2944 = arith.andi %le3A_2940, %ge3A_2943 : vector<16xi1>
    %ne3A_2945 = arith.constant 0 : i32
    %ne3A_2946 = vector.broadcast %ne3A_2945 : i32 to vector<16xi32>
    %ne3A_2947 = arith.cmpi ne, %get3A_2913, %ne3A_2946 : vector<16xi32>
    %ne3A_2948 = arith.constant 0 : i32
    %ne3A_2949 = vector.broadcast %ne3A_2948 : i32 to vector<16xi32>
    %ne3A_2950 = arith.cmpi ne, %get3A_2911, %ne3A_2949 : vector<16xi32>
    %and3A_2951 = arith.andi %ne3A_2947, %ne3A_2950 : vector<16xi1>
    %ne3A_2952 = arith.constant 0.000000e+00 : f32
    %ne3A_2953 = vector.broadcast %ne3A_2952 : f32 to vector<16xf32>
    %ne3A_2954 = arith.cmpf one, %get3A_2915, %ne3A_2953 : vector<16xf32>
    %and3A_2955 = arith.andi %ne3A_2954, %and3A_2944 : vector<16xi1>
    %and3A_2956 = arith.andi %and3A_2955, %and3A_2951 : vector<16xi1>
    %broadcast_in_dim3A_2957 = arith.constant -1 : i32
    %broadcast_in_dim3A_2958 = vector.broadcast %broadcast_in_dim3A_2957 : i32 to vector<16xi32>
    %and3A_2959 = arith.constant 31 : i32
    %and3A_2960 = vector.broadcast %and3A_2959 : i32 to vector<16xi32>
    %and3A_2961 = arith.andi %add3A_2920, %and3A_2960 : vector<16xi32>
    %select_n3A_2962 = arith.select %and3A_2956, %and3A_2961, %broadcast_in_dim3A_2958 : vector<16xi1>, vector<16xi32>
    %swap3A_2963 = arith.constant 640 : index
    %swap3A_2964 = tpu.vector_load %arg11[%swap3A_2963] {strides = array<i32>} : memref<4096xi32, #tpu.memory_space<vmem>>, vector<16xi32>,
    tpu.vector_store %arg11[%swap3A_2963], %select_n3A_2962 {strides = array<i32>} : memref<4096xi32, #tpu.memory_space<vmem>>, vector<16xi32>,
    %shift_right_arithmetic3A_2965 = arith.constant 5 : i32
    %shift_right_arithmetic3A_2966 = vector.broadcast %shift_right_arithmetic3A_2965 : i32 to vector<16xi32>
    %shift_right_arithmetic3A_2967 = arith.shrsi %add3A_2920, %shift_right_arithmetic3A_2966 : vector<16xi32>
    %select_n3A_2968 = arith.select %and3A_2956, %shift_right_arithmetic3A_2967, %broadcast_in_dim3A_2958 : vector<16xi1>, vector<16xi32>
    %swap3A_2969 = arith.constant 1664 : index
    %swap3A_2970 = tpu.vector_load %arg11[%swap3A_2969] {strides = array<i32>} : memref<4096xi32, #tpu.memory_space<vmem>>, vector<16xi32>,
    tpu.vector_store %arg11[%swap3A_2969], %select_n3A_2968 {strides = array<i32>} : memref<4096xi32, #tpu.memory_space<vmem>>, vector<16xi32>,
    %and3A_2971 = arith.constant 31 : i32
    %and3A_2972 = vector.broadcast %and3A_2971 : i32 to vector<16xi32>
    %and3A_2973 = arith.andi %get3A_2911, %and3A_2972 : vector<16xi32>
    %select_n3A_2974 = arith.select %and3A_2956, %and3A_2973, %broadcast_in_dim3A_2958 : vector<16xi1>, vector<16xi32>
    %swap3A_2975 = arith.constant 2688 : index
    %swap3A_2976 = tpu.vector_load %arg11[%swap3A_2975] {strides = array<i32>} : memref<4096xi32, #tpu.memory_space<vmem>>, vector<16xi32>,
    tpu.vector_store %arg11[%swap3A_2975], %select_n3A_2974 {strides = array<i32>} : memref<4096xi32, #tpu.memory_space<vmem>>, vector<16xi32>,
    %shift_right_arithmetic3A_2977 = arith.constant 5 : i32
    %shift_right_arithmetic3A_2978 = vector.broadcast %shift_right_arithmetic3A_2977 : i32 to vector<16xi32>
    %shift_right_arithmetic3A_2979 = arith.shrsi %get3A_2911, %shift_right_arithmetic3A_2978 : vector<16xi32>
    %select_n3A_2980 = arith.select %and3A_2956, %shift_right_arithmetic3A_2979, %broadcast_in_dim3A_2958 : vector<16xi1>, vector<16xi32>
    %swap3A_2981 = arith.constant 3712 : index
    %swap3A_2982 = tpu.vector_load %arg11[%swap3A_2981] {strides = array<i32>} : memref<4096xi32, #tpu.memory_space<vmem>>, vector<16xi32>,
    tpu.vector_store %arg11[%swap3A_2981], %select_n3A_2980 {strides = array<i32>} : memref<4096xi32, #tpu.memory_space<vmem>>, vector<16xi32>,
    %get3A_2983 = arith.constant 656 : index
    %get3A_2984 = tpu.vector_load %arg7[%get3A_2983] {strides = array<i32>} : memref<1024xi32, #tpu.memory_space<vmem>>, vector<16xi32>,
    %get3A_2985 = arith.constant 656 : index
    %get3A_2986 = tpu.vector_load %arg8[%get3A_2985] {strides = array<i32>} : memref<1024xi32, #tpu.memory_space<vmem>>, vector<16xi32>,
    %get3A_2987 = arith.constant 656 : index
    %get3A_2988 = tpu.vector_load %arg10[%get3A_2987] {strides = array<i32>} : memref<1024xf32, #tpu.memory_space<vmem>>, vector<16xf32>,
    %gather3A_2989 = tpu.vector_load_idx %arg8[%get3A_2984] : memref<1024xi32, #tpu.memory_space<vmem>>[vector<16xi32>], vector<16xi32>,
    %gather3A_2990 = tpu.vector_load_idx %arg9[%get3A_2984] : memref<1024xf32, #tpu.memory_space<vmem>>[vector<16xi32>], vector<16xf32>,
    %add3A_2991 = arith.constant 656 : i32
    %add3A_2992 = vector.broadcast %add3A_2991 : i32 to vector<16xi32>
    %add3A_2993 = arith.addi %iota3A, %add3A_2992 : vector<16xi32>
    %and3A_2994 = arith.constant 31 : i32
    %and3A_2995 = vector.broadcast %and3A_2994 : i32 to vector<16xi32>
    %and3A_2996 = arith.andi %gather3A_2989, %and3A_2995 : vector<16xi32>
    %and3A_2997 = arith.constant 31 : i32
    %and3A_2998 = vector.broadcast %and3A_2997 : i32 to vector<16xi32>
    %and3A_2999 = arith.andi %add3A_2993, %and3A_2998 : vector<16xi32>
    %sub3A_3000 = arith.subi %and3A_2996, %and3A_2999 : vector<16xi32>
    %shift_right_arithmetic3A_3001 = arith.constant 5 : i32
    %shift_right_arithmetic3A_3002 = vector.broadcast %shift_right_arithmetic3A_3001 : i32 to vector<16xi32>
    %shift_right_arithmetic3A_3003 = arith.shrsi %gather3A_2989, %shift_right_arithmetic3A_3002 : vector<16xi32>
    %shift_right_arithmetic3A_3004 = arith.constant 5 : i32
    %shift_right_arithmetic3A_3005 = vector.broadcast %shift_right_arithmetic3A_3004 : i32 to vector<16xi32>
    %shift_right_arithmetic3A_3006 = arith.shrsi %add3A_2993, %shift_right_arithmetic3A_3005 : vector<16xi32>
    %sub3A_3007 = arith.subi %shift_right_arithmetic3A_3003, %shift_right_arithmetic3A_3006 : vector<16xi32>
    %mul3A_3008 = arith.muli %sub3A_3000, %sub3A_3000 : vector<16xi32>
    %mul3A_3009 = arith.muli %sub3A_3007, %sub3A_3007 : vector<16xi32>
    %add3A_3010 = arith.addi %mul3A_3008, %mul3A_3009 : vector<16xi32>
    %le3A_3011 = arith.constant 9 : i32
    %le3A_3012 = vector.broadcast %le3A_3011 : i32 to vector<16xi32>
    %le3A_3013 = arith.cmpi sle, %add3A_3010, %le3A_3012 : vector<16xi32>
    %ge3A_3014 = arith.constant 1.000000e-01 : f32
    %ge3A_3015 = vector.broadcast %ge3A_3014 : f32 to vector<16xf32>
    %ge3A_3016 = arith.cmpf oge, %gather3A_2990, %ge3A_3015 : vector<16xf32>
    %and3A_3017 = arith.andi %le3A_3013, %ge3A_3016 : vector<16xi1>
    %ne3A_3018 = arith.constant 0 : i32
    %ne3A_3019 = vector.broadcast %ne3A_3018 : i32 to vector<16xi32>
    %ne3A_3020 = arith.cmpi ne, %get3A_2986, %ne3A_3019 : vector<16xi32>
    %ne3A_3021 = arith.constant 0 : i32
    %ne3A_3022 = vector.broadcast %ne3A_3021 : i32 to vector<16xi32>
    %ne3A_3023 = arith.cmpi ne, %get3A_2984, %ne3A_3022 : vector<16xi32>
    %and3A_3024 = arith.andi %ne3A_3020, %ne3A_3023 : vector<16xi1>
    %ne3A_3025 = arith.constant 0.000000e+00 : f32
    %ne3A_3026 = vector.broadcast %ne3A_3025 : f32 to vector<16xf32>
    %ne3A_3027 = arith.cmpf one, %get3A_2988, %ne3A_3026 : vector<16xf32>
    %and3A_3028 = arith.andi %ne3A_3027, %and3A_3017 : vector<16xi1>
    %and3A_3029 = arith.andi %and3A_3028, %and3A_3024 : vector<16xi1>
    %broadcast_in_dim3A_3030 = arith.constant -1 : i32
    %broadcast_in_dim3A_3031 = vector.broadcast %broadcast_in_dim3A_3030 : i32 to vector<16xi32>
    %and3A_3032 = arith.constant 31 : i32
    %and3A_3033 = vector.broadcast %and3A_3032 : i32 to vector<16xi32>
    %and3A_3034 = arith.andi %add3A_2993, %and3A_3033 : vector<16xi32>
    %select_n3A_3035 = arith.select %and3A_3029, %and3A_3034, %broadcast_in_dim3A_3031 : vector<16xi1>, vector<16xi32>
    %swap3A_3036 = arith.constant 656 : index
    %swap3A_3037 = tpu.vector_load %arg11[%swap3A_3036] {strides = array<i32>} : memref<4096xi32, #tpu.memory_space<vmem>>, vector<16xi32>,
    tpu.vector_store %arg11[%swap3A_3036], %select_n3A_3035 {strides = array<i32>} : memref<4096xi32, #tpu.memory_space<vmem>>, vector<16xi32>,
    %shift_right_arithmetic3A_3038 = arith.constant 5 : i32
    %shift_right_arithmetic3A_3039 = vector.broadcast %shift_right_arithmetic3A_3038 : i32 to vector<16xi32>
    %shift_right_arithmetic3A_3040 = arith.shrsi %add3A_2993, %shift_right_arithmetic3A_3039 : vector<16xi32>
    %select_n3A_3041 = arith.select %and3A_3029, %shift_right_arithmetic3A_3040, %broadcast_in_dim3A_3031 : vector<16xi1>, vector<16xi32>
    %swap3A_3042 = arith.constant 1680 : index
    %swap3A_3043 = tpu.vector_load %arg11[%swap3A_3042] {strides = array<i32>} : memref<4096xi32, #tpu.memory_space<vmem>>, vector<16xi32>,
    tpu.vector_store %arg11[%swap3A_3042], %select_n3A_3041 {strides = array<i32>} : memref<4096xi32, #tpu.memory_space<vmem>>, vector<16xi32>,
    %and3A_3044 = arith.constant 31 : i32
    %and3A_3045 = vector.broadcast %and3A_3044 : i32 to vector<16xi32>
    %and3A_3046 = arith.andi %get3A_2984, %and3A_3045 : vector<16xi32>
    %select_n3A_3047 = arith.select %and3A_3029, %and3A_3046, %broadcast_in_dim3A_3031 : vector<16xi1>, vector<16xi32>
    %swap3A_3048 = arith.constant 2704 : index
    %swap3A_3049 = tpu.vector_load %arg11[%swap3A_3048] {strides = array<i32>} : memref<4096xi32, #tpu.memory_space<vmem>>, vector<16xi32>,
    tpu.vector_store %arg11[%swap3A_3048], %select_n3A_3047 {strides = array<i32>} : memref<4096xi32, #tpu.memory_space<vmem>>, vector<16xi32>,
    %shift_right_arithmetic3A_3050 = arith.constant 5 : i32
    %shift_right_arithmetic3A_3051 = vector.broadcast %shift_right_arithmetic3A_3050 : i32 to vector<16xi32>
    %shift_right_arithmetic3A_3052 = arith.shrsi %get3A_2984, %shift_right_arithmetic3A_3051 : vector<16xi32>
    %select_n3A_3053 = arith.select %and3A_3029, %shift_right_arithmetic3A_3052, %broadcast_in_dim3A_3031 : vector<16xi1>, vector<16xi32>
    %swap3A_3054 = arith.constant 3728 : index
    %swap3A_3055 = tpu.vector_load %arg11[%swap3A_3054] {strides = array<i32>} : memref<4096xi32, #tpu.memory_space<vmem>>, vector<16xi32>,
    tpu.vector_store %arg11[%swap3A_3054], %select_n3A_3053 {strides = array<i32>} : memref<4096xi32, #tpu.memory_space<vmem>>, vector<16xi32>,
    %get3A_3056 = arith.constant 672 : index
    %get3A_3057 = tpu.vector_load %arg7[%get3A_3056] {strides = array<i32>} : memref<1024xi32, #tpu.memory_space<vmem>>, vector<16xi32>,
    %get3A_3058 = arith.constant 672 : index
    %get3A_3059 = tpu.vector_load %arg8[%get3A_3058] {strides = array<i32>} : memref<1024xi32, #tpu.memory_space<vmem>>, vector<16xi32>,
    %get3A_3060 = arith.constant 672 : index
    %get3A_3061 = tpu.vector_load %arg10[%get3A_3060] {strides = array<i32>} : memref<1024xf32, #tpu.memory_space<vmem>>, vector<16xf32>,
    %gather3A_3062 = tpu.vector_load_idx %arg8[%get3A_3057] : memref<1024xi32, #tpu.memory_space<vmem>>[vector<16xi32>], vector<16xi32>,
    %gather3A_3063 = tpu.vector_load_idx %arg9[%get3A_3057] : memref<1024xf32, #tpu.memory_space<vmem>>[vector<16xi32>], vector<16xf32>,
    %add3A_3064 = arith.constant 672 : i32
    %add3A_3065 = vector.broadcast %add3A_3064 : i32 to vector<16xi32>
    %add3A_3066 = arith.addi %iota3A, %add3A_3065 : vector<16xi32>
    %and3A_3067 = arith.constant 31 : i32
    %and3A_3068 = vector.broadcast %and3A_3067 : i32 to vector<16xi32>
    %and3A_3069 = arith.andi %gather3A_3062, %and3A_3068 : vector<16xi32>
    %and3A_3070 = arith.constant 31 : i32
    %and3A_3071 = vector.broadcast %and3A_3070 : i32 to vector<16xi32>
    %and3A_3072 = arith.andi %add3A_3066, %and3A_3071 : vector<16xi32>
    %sub3A_3073 = arith.subi %and3A_3069, %and3A_3072 : vector<16xi32>
    %shift_right_arithmetic3A_3074 = arith.constant 5 : i32
    %shift_right_arithmetic3A_3075 = vector.broadcast %shift_right_arithmetic3A_3074 : i32 to vector<16xi32>
    %shift_right_arithmetic3A_3076 = arith.shrsi %gather3A_3062, %shift_right_arithmetic3A_3075 : vector<16xi32>
    %shift_right_arithmetic3A_3077 = arith.constant 5 : i32
    %shift_right_arithmetic3A_3078 = vector.broadcast %shift_right_arithmetic3A_3077 : i32 to vector<16xi32>
    %shift_right_arithmetic3A_3079 = arith.shrsi %add3A_3066, %shift_right_arithmetic3A_3078 : vector<16xi32>
    %sub3A_3080 = arith.subi %shift_right_arithmetic3A_3076, %shift_right_arithmetic3A_3079 : vector<16xi32>
    %mul3A_3081 = arith.muli %sub3A_3073, %sub3A_3073 : vector<16xi32>
    %mul3A_3082 = arith.muli %sub3A_3080, %sub3A_3080 : vector<16xi32>
    %add3A_3083 = arith.addi %mul3A_3081, %mul3A_3082 : vector<16xi32>
    %le3A_3084 = arith.constant 9 : i32
    %le3A_3085 = vector.broadcast %le3A_3084 : i32 to vector<16xi32>
    %le3A_3086 = arith.cmpi sle, %add3A_3083, %le3A_3085 : vector<16xi32>
    %ge3A_3087 = arith.constant 1.000000e-01 : f32
    %ge3A_3088 = vector.broadcast %ge3A_3087 : f32 to vector<16xf32>
    %ge3A_3089 = arith.cmpf oge, %gather3A_3063, %ge3A_3088 : vector<16xf32>
    %and3A_3090 = arith.andi %le3A_3086, %ge3A_3089 : vector<16xi1>
    %ne3A_3091 = arith.constant 0 : i32
    %ne3A_3092 = vector.broadcast %ne3A_3091 : i32 to vector<16xi32>
    %ne3A_3093 = arith.cmpi ne, %get3A_3059, %ne3A_3092 : vector<16xi32>
    %ne3A_3094 = arith.constant 0 : i32
    %ne3A_3095 = vector.broadcast %ne3A_3094 : i32 to vector<16xi32>
    %ne3A_3096 = arith.cmpi ne, %get3A_3057, %ne3A_3095 : vector<16xi32>
    %and3A_3097 = arith.andi %ne3A_3093, %ne3A_3096 : vector<16xi1>
    %ne3A_3098 = arith.constant 0.000000e+00 : f32
    %ne3A_3099 = vector.broadcast %ne3A_3098 : f32 to vector<16xf32>
    %ne3A_3100 = arith.cmpf one, %get3A_3061, %ne3A_3099 : vector<16xf32>
    %and3A_3101 = arith.andi %ne3A_3100, %and3A_3090 : vector<16xi1>
    %and3A_3102 = arith.andi %and3A_3101, %and3A_3097 : vector<16xi1>
    %broadcast_in_dim3A_3103 = arith.constant -1 : i32
    %broadcast_in_dim3A_3104 = vector.broadcast %broadcast_in_dim3A_3103 : i32 to vector<16xi32>
    %and3A_3105 = arith.constant 31 : i32
    %and3A_3106 = vector.broadcast %and3A_3105 : i32 to vector<16xi32>
    %and3A_3107 = arith.andi %add3A_3066, %and3A_3106 : vector<16xi32>
    %select_n3A_3108 = arith.select %and3A_3102, %and3A_3107, %broadcast_in_dim3A_3104 : vector<16xi1>, vector<16xi32>
    %swap3A_3109 = arith.constant 672 : index
    %swap3A_3110 = tpu.vector_load %arg11[%swap3A_3109] {strides = array<i32>} : memref<4096xi32, #tpu.memory_space<vmem>>, vector<16xi32>,
    tpu.vector_store %arg11[%swap3A_3109], %select_n3A_3108 {strides = array<i32>} : memref<4096xi32, #tpu.memory_space<vmem>>, vector<16xi32>,
    %shift_right_arithmetic3A_3111 = arith.constant 5 : i32
    %shift_right_arithmetic3A_3112 = vector.broadcast %shift_right_arithmetic3A_3111 : i32 to vector<16xi32>
    %shift_right_arithmetic3A_3113 = arith.shrsi %add3A_3066, %shift_right_arithmetic3A_3112 : vector<16xi32>
    %select_n3A_3114 = arith.select %and3A_3102, %shift_right_arithmetic3A_3113, %broadcast_in_dim3A_3104 : vector<16xi1>, vector<16xi32>
    %swap3A_3115 = arith.constant 1696 : index
    %swap3A_3116 = tpu.vector_load %arg11[%swap3A_3115] {strides = array<i32>} : memref<4096xi32, #tpu.memory_space<vmem>>, vector<16xi32>,
    tpu.vector_store %arg11[%swap3A_3115], %select_n3A_3114 {strides = array<i32>} : memref<4096xi32, #tpu.memory_space<vmem>>, vector<16xi32>,
    %and3A_3117 = arith.constant 31 : i32
    %and3A_3118 = vector.broadcast %and3A_3117 : i32 to vector<16xi32>
    %and3A_3119 = arith.andi %get3A_3057, %and3A_3118 : vector<16xi32>
    %select_n3A_3120 = arith.select %and3A_3102, %and3A_3119, %broadcast_in_dim3A_3104 : vector<16xi1>, vector<16xi32>
    %swap3A_3121 = arith.constant 2720 : index
    %swap3A_3122 = tpu.vector_load %arg11[%swap3A_3121] {strides = array<i32>} : memref<4096xi32, #tpu.memory_space<vmem>>, vector<16xi32>,
    tpu.vector_store %arg11[%swap3A_3121], %select_n3A_3120 {strides = array<i32>} : memref<4096xi32, #tpu.memory_space<vmem>>, vector<16xi32>,
    %shift_right_arithmetic3A_3123 = arith.constant 5 : i32
    %shift_right_arithmetic3A_3124 = vector.broadcast %shift_right_arithmetic3A_3123 : i32 to vector<16xi32>
    %shift_right_arithmetic3A_3125 = arith.shrsi %get3A_3057, %shift_right_arithmetic3A_3124 : vector<16xi32>
    %select_n3A_3126 = arith.select %and3A_3102, %shift_right_arithmetic3A_3125, %broadcast_in_dim3A_3104 : vector<16xi1>, vector<16xi32>
    %swap3A_3127 = arith.constant 3744 : index
    %swap3A_3128 = tpu.vector_load %arg11[%swap3A_3127] {strides = array<i32>} : memref<4096xi32, #tpu.memory_space<vmem>>, vector<16xi32>,
    tpu.vector_store %arg11[%swap3A_3127], %select_n3A_3126 {strides = array<i32>} : memref<4096xi32, #tpu.memory_space<vmem>>, vector<16xi32>,
    %get3A_3129 = arith.constant 688 : index
    %get3A_3130 = tpu.vector_load %arg7[%get3A_3129] {strides = array<i32>} : memref<1024xi32, #tpu.memory_space<vmem>>, vector<16xi32>,
    %get3A_3131 = arith.constant 688 : index
    %get3A_3132 = tpu.vector_load %arg8[%get3A_3131] {strides = array<i32>} : memref<1024xi32, #tpu.memory_space<vmem>>, vector<16xi32>,
    %get3A_3133 = arith.constant 688 : index
    %get3A_3134 = tpu.vector_load %arg10[%get3A_3133] {strides = array<i32>} : memref<1024xf32, #tpu.memory_space<vmem>>, vector<16xf32>,
    %gather3A_3135 = tpu.vector_load_idx %arg8[%get3A_3130] : memref<1024xi32, #tpu.memory_space<vmem>>[vector<16xi32>], vector<16xi32>,
    %gather3A_3136 = tpu.vector_load_idx %arg9[%get3A_3130] : memref<1024xf32, #tpu.memory_space<vmem>>[vector<16xi32>], vector<16xf32>,
    %add3A_3137 = arith.constant 688 : i32
    %add3A_3138 = vector.broadcast %add3A_3137 : i32 to vector<16xi32>
    %add3A_3139 = arith.addi %iota3A, %add3A_3138 : vector<16xi32>
    %and3A_3140 = arith.constant 31 : i32
    %and3A_3141 = vector.broadcast %and3A_3140 : i32 to vector<16xi32>
    %and3A_3142 = arith.andi %gather3A_3135, %and3A_3141 : vector<16xi32>
    %and3A_3143 = arith.constant 31 : i32
    %and3A_3144 = vector.broadcast %and3A_3143 : i32 to vector<16xi32>
    %and3A_3145 = arith.andi %add3A_3139, %and3A_3144 : vector<16xi32>
    %sub3A_3146 = arith.subi %and3A_3142, %and3A_3145 : vector<16xi32>
    %shift_right_arithmetic3A_3147 = arith.constant 5 : i32
    %shift_right_arithmetic3A_3148 = vector.broadcast %shift_right_arithmetic3A_3147 : i32 to vector<16xi32>
    %shift_right_arithmetic3A_3149 = arith.shrsi %gather3A_3135, %shift_right_arithmetic3A_3148 : vector<16xi32>
    %shift_right_arithmetic3A_3150 = arith.constant 5 : i32
    %shift_right_arithmetic3A_3151 = vector.broadcast %shift_right_arithmetic3A_3150 : i32 to vector<16xi32>
    %shift_right_arithmetic3A_3152 = arith.shrsi %add3A_3139, %shift_right_arithmetic3A_3151 : vector<16xi32>
    %sub3A_3153 = arith.subi %shift_right_arithmetic3A_3149, %shift_right_arithmetic3A_3152 : vector<16xi32>
    %mul3A_3154 = arith.muli %sub3A_3146, %sub3A_3146 : vector<16xi32>
    %mul3A_3155 = arith.muli %sub3A_3153, %sub3A_3153 : vector<16xi32>
    %add3A_3156 = arith.addi %mul3A_3154, %mul3A_3155 : vector<16xi32>
    %le3A_3157 = arith.constant 9 : i32
    %le3A_3158 = vector.broadcast %le3A_3157 : i32 to vector<16xi32>
    %le3A_3159 = arith.cmpi sle, %add3A_3156, %le3A_3158 : vector<16xi32>
    %ge3A_3160 = arith.constant 1.000000e-01 : f32
    %ge3A_3161 = vector.broadcast %ge3A_3160 : f32 to vector<16xf32>
    %ge3A_3162 = arith.cmpf oge, %gather3A_3136, %ge3A_3161 : vector<16xf32>
    %and3A_3163 = arith.andi %le3A_3159, %ge3A_3162 : vector<16xi1>
    %ne3A_3164 = arith.constant 0 : i32
    %ne3A_3165 = vector.broadcast %ne3A_3164 : i32 to vector<16xi32>
    %ne3A_3166 = arith.cmpi ne, %get3A_3132, %ne3A_3165 : vector<16xi32>
    %ne3A_3167 = arith.constant 0 : i32
    %ne3A_3168 = vector.broadcast %ne3A_3167 : i32 to vector<16xi32>
    %ne3A_3169 = arith.cmpi ne, %get3A_3130, %ne3A_3168 : vector<16xi32>
    %and3A_3170 = arith.andi %ne3A_3166, %ne3A_3169 : vector<16xi1>
    %ne3A_3171 = arith.constant 0.000000e+00 : f32
    %ne3A_3172 = vector.broadcast %ne3A_3171 : f32 to vector<16xf32>
    %ne3A_3173 = arith.cmpf one, %get3A_3134, %ne3A_3172 : vector<16xf32>
    %and3A_3174 = arith.andi %ne3A_3173, %and3A_3163 : vector<16xi1>
    %and3A_3175 = arith.andi %and3A_3174, %and3A_3170 : vector<16xi1>
    %broadcast_in_dim3A_3176 = arith.constant -1 : i32
    %broadcast_in_dim3A_3177 = vector.broadcast %broadcast_in_dim3A_3176 : i32 to vector<16xi32>
    %and3A_3178 = arith.constant 31 : i32
    %and3A_3179 = vector.broadcast %and3A_3178 : i32 to vector<16xi32>
    %and3A_3180 = arith.andi %add3A_3139, %and3A_3179 : vector<16xi32>
    %select_n3A_3181 = arith.select %and3A_3175, %and3A_3180, %broadcast_in_dim3A_3177 : vector<16xi1>, vector<16xi32>
    %swap3A_3182 = arith.constant 688 : index
    %swap3A_3183 = tpu.vector_load %arg11[%swap3A_3182] {strides = array<i32>} : memref<4096xi32, #tpu.memory_space<vmem>>, vector<16xi32>,
    tpu.vector_store %arg11[%swap3A_3182], %select_n3A_3181 {strides = array<i32>} : memref<4096xi32, #tpu.memory_space<vmem>>, vector<16xi32>,
    %shift_right_arithmetic3A_3184 = arith.constant 5 : i32
    %shift_right_arithmetic3A_3185 = vector.broadcast %shift_right_arithmetic3A_3184 : i32 to vector<16xi32>
    %shift_right_arithmetic3A_3186 = arith.shrsi %add3A_3139, %shift_right_arithmetic3A_3185 : vector<16xi32>
    %select_n3A_3187 = arith.select %and3A_3175, %shift_right_arithmetic3A_3186, %broadcast_in_dim3A_3177 : vector<16xi1>, vector<16xi32>
    %swap3A_3188 = arith.constant 1712 : index
    %swap3A_3189 = tpu.vector_load %arg11[%swap3A_3188] {strides = array<i32>} : memref<4096xi32, #tpu.memory_space<vmem>>, vector<16xi32>,
    tpu.vector_store %arg11[%swap3A_3188], %select_n3A_3187 {strides = array<i32>} : memref<4096xi32, #tpu.memory_space<vmem>>, vector<16xi32>,
    %and3A_3190 = arith.constant 31 : i32
    %and3A_3191 = vector.broadcast %and3A_3190 : i32 to vector<16xi32>
    %and3A_3192 = arith.andi %get3A_3130, %and3A_3191 : vector<16xi32>
    %select_n3A_3193 = arith.select %and3A_3175, %and3A_3192, %broadcast_in_dim3A_3177 : vector<16xi1>, vector<16xi32>
    %swap3A_3194 = arith.constant 2736 : index
    %swap3A_3195 = tpu.vector_load %arg11[%swap3A_3194] {strides = array<i32>} : memref<4096xi32, #tpu.memory_space<vmem>>, vector<16xi32>,
    tpu.vector_store %arg11[%swap3A_3194], %select_n3A_3193 {strides = array<i32>} : memref<4096xi32, #tpu.memory_space<vmem>>, vector<16xi32>,
    %shift_right_arithmetic3A_3196 = arith.constant 5 : i32
    %shift_right_arithmetic3A_3197 = vector.broadcast %shift_right_arithmetic3A_3196 : i32 to vector<16xi32>
    %shift_right_arithmetic3A_3198 = arith.shrsi %get3A_3130, %shift_right_arithmetic3A_3197 : vector<16xi32>
    %select_n3A_3199 = arith.select %and3A_3175, %shift_right_arithmetic3A_3198, %broadcast_in_dim3A_3177 : vector<16xi1>, vector<16xi32>
    %swap3A_3200 = arith.constant 3760 : index
    %swap3A_3201 = tpu.vector_load %arg11[%swap3A_3200] {strides = array<i32>} : memref<4096xi32, #tpu.memory_space<vmem>>, vector<16xi32>,
    tpu.vector_store %arg11[%swap3A_3200], %select_n3A_3199 {strides = array<i32>} : memref<4096xi32, #tpu.memory_space<vmem>>, vector<16xi32>,
    %get3A_3202 = arith.constant 704 : index
    %get3A_3203 = tpu.vector_load %arg7[%get3A_3202] {strides = array<i32>} : memref<1024xi32, #tpu.memory_space<vmem>>, vector<16xi32>,
    %get3A_3204 = arith.constant 704 : index
    %get3A_3205 = tpu.vector_load %arg8[%get3A_3204] {strides = array<i32>} : memref<1024xi32, #tpu.memory_space<vmem>>, vector<16xi32>,
    %get3A_3206 = arith.constant 704 : index
    %get3A_3207 = tpu.vector_load %arg10[%get3A_3206] {strides = array<i32>} : memref<1024xf32, #tpu.memory_space<vmem>>, vector<16xf32>,
    %gather3A_3208 = tpu.vector_load_idx %arg8[%get3A_3203] : memref<1024xi32, #tpu.memory_space<vmem>>[vector<16xi32>], vector<16xi32>,
    %gather3A_3209 = tpu.vector_load_idx %arg9[%get3A_3203] : memref<1024xf32, #tpu.memory_space<vmem>>[vector<16xi32>], vector<16xf32>,
    %add3A_3210 = arith.constant 704 : i32
    %add3A_3211 = vector.broadcast %add3A_3210 : i32 to vector<16xi32>
    %add3A_3212 = arith.addi %iota3A, %add3A_3211 : vector<16xi32>
    %and3A_3213 = arith.constant 31 : i32
    %and3A_3214 = vector.broadcast %and3A_3213 : i32 to vector<16xi32>
    %and3A_3215 = arith.andi %gather3A_3208, %and3A_3214 : vector<16xi32>
    %and3A_3216 = arith.constant 31 : i32
    %and3A_3217 = vector.broadcast %and3A_3216 : i32 to vector<16xi32>
    %and3A_3218 = arith.andi %add3A_3212, %and3A_3217 : vector<16xi32>
    %sub3A_3219 = arith.subi %and3A_3215, %and3A_3218 : vector<16xi32>
    %shift_right_arithmetic3A_3220 = arith.constant 5 : i32
    %shift_right_arithmetic3A_3221 = vector.broadcast %shift_right_arithmetic3A_3220 : i32 to vector<16xi32>
    %shift_right_arithmetic3A_3222 = arith.shrsi %gather3A_3208, %shift_right_arithmetic3A_3221 : vector<16xi32>
    %shift_right_arithmetic3A_3223 = arith.constant 5 : i32
    %shift_right_arithmetic3A_3224 = vector.broadcast %shift_right_arithmetic3A_3223 : i32 to vector<16xi32>
    %shift_right_arithmetic3A_3225 = arith.shrsi %add3A_3212, %shift_right_arithmetic3A_3224 : vector<16xi32>
    %sub3A_3226 = arith.subi %shift_right_arithmetic3A_3222, %shift_right_arithmetic3A_3225 : vector<16xi32>
    %mul3A_3227 = arith.muli %sub3A_3219, %sub3A_3219 : vector<16xi32>
    %mul3A_3228 = arith.muli %sub3A_3226, %sub3A_3226 : vector<16xi32>
    %add3A_3229 = arith.addi %mul3A_3227, %mul3A_3228 : vector<16xi32>
    %le3A_3230 = arith.constant 9 : i32
    %le3A_3231 = vector.broadcast %le3A_3230 : i32 to vector<16xi32>
    %le3A_3232 = arith.cmpi sle, %add3A_3229, %le3A_3231 : vector<16xi32>
    %ge3A_3233 = arith.constant 1.000000e-01 : f32
    %ge3A_3234 = vector.broadcast %ge3A_3233 : f32 to vector<16xf32>
    %ge3A_3235 = arith.cmpf oge, %gather3A_3209, %ge3A_3234 : vector<16xf32>
    %and3A_3236 = arith.andi %le3A_3232, %ge3A_3235 : vector<16xi1>
    %ne3A_3237 = arith.constant 0 : i32
    %ne3A_3238 = vector.broadcast %ne3A_3237 : i32 to vector<16xi32>
    %ne3A_3239 = arith.cmpi ne, %get3A_3205, %ne3A_3238 : vector<16xi32>
    %ne3A_3240 = arith.constant 0 : i32
    %ne3A_3241 = vector.broadcast %ne3A_3240 : i32 to vector<16xi32>
    %ne3A_3242 = arith.cmpi ne, %get3A_3203, %ne3A_3241 : vector<16xi32>
    %and3A_3243 = arith.andi %ne3A_3239, %ne3A_3242 : vector<16xi1>
    %ne3A_3244 = arith.constant 0.000000e+00 : f32
    %ne3A_3245 = vector.broadcast %ne3A_3244 : f32 to vector<16xf32>
    %ne3A_3246 = arith.cmpf one, %get3A_3207, %ne3A_3245 : vector<16xf32>
    %and3A_3247 = arith.andi %ne3A_3246, %and3A_3236 : vector<16xi1>
    %and3A_3248 = arith.andi %and3A_3247, %and3A_3243 : vector<16xi1>
    %broadcast_in_dim3A_3249 = arith.constant -1 : i32
    %broadcast_in_dim3A_3250 = vector.broadcast %broadcast_in_dim3A_3249 : i32 to vector<16xi32>
    %and3A_3251 = arith.constant 31 : i32
    %and3A_3252 = vector.broadcast %and3A_3251 : i32 to vector<16xi32>
    %and3A_3253 = arith.andi %add3A_3212, %and3A_3252 : vector<16xi32>
    %select_n3A_3254 = arith.select %and3A_3248, %and3A_3253, %broadcast_in_dim3A_3250 : vector<16xi1>, vector<16xi32>
    %swap3A_3255 = arith.constant 704 : index
    %swap3A_3256 = tpu.vector_load %arg11[%swap3A_3255] {strides = array<i32>} : memref<4096xi32, #tpu.memory_space<vmem>>, vector<16xi32>,
    tpu.vector_store %arg11[%swap3A_3255], %select_n3A_3254 {strides = array<i32>} : memref<4096xi32, #tpu.memory_space<vmem>>, vector<16xi32>,
    %shift_right_arithmetic3A_3257 = arith.constant 5 : i32
    %shift_right_arithmetic3A_3258 = vector.broadcast %shift_right_arithmetic3A_3257 : i32 to vector<16xi32>
    %shift_right_arithmetic3A_3259 = arith.shrsi %add3A_3212, %shift_right_arithmetic3A_3258 : vector<16xi32>
    %select_n3A_3260 = arith.select %and3A_3248, %shift_right_arithmetic3A_3259, %broadcast_in_dim3A_3250 : vector<16xi1>, vector<16xi32>
    %swap3A_3261 = arith.constant 1728 : index
    %swap3A_3262 = tpu.vector_load %arg11[%swap3A_3261] {strides = array<i32>} : memref<4096xi32, #tpu.memory_space<vmem>>, vector<16xi32>,
    tpu.vector_store %arg11[%swap3A_3261], %select_n3A_3260 {strides = array<i32>} : memref<4096xi32, #tpu.memory_space<vmem>>, vector<16xi32>,
    %and3A_3263 = arith.constant 31 : i32
    %and3A_3264 = vector.broadcast %and3A_3263 : i32 to vector<16xi32>
    %and3A_3265 = arith.andi %get3A_3203, %and3A_3264 : vector<16xi32>
    %select_n3A_3266 = arith.select %and3A_3248, %and3A_3265, %broadcast_in_dim3A_3250 : vector<16xi1>, vector<16xi32>
    %swap3A_3267 = arith.constant 2752 : index
    %swap3A_3268 = tpu.vector_load %arg11[%swap3A_3267] {strides = array<i32>} : memref<4096xi32, #tpu.memory_space<vmem>>, vector<16xi32>,
    tpu.vector_store %arg11[%swap3A_3267], %select_n3A_3266 {strides = array<i32>} : memref<4096xi32, #tpu.memory_space<vmem>>, vector<16xi32>,
    %shift_right_arithmetic3A_3269 = arith.constant 5 : i32
    %shift_right_arithmetic3A_3270 = vector.broadcast %shift_right_arithmetic3A_3269 : i32 to vector<16xi32>
    %shift_right_arithmetic3A_3271 = arith.shrsi %get3A_3203, %shift_right_arithmetic3A_3270 : vector<16xi32>
    %select_n3A_3272 = arith.select %and3A_3248, %shift_right_arithmetic3A_3271, %broadcast_in_dim3A_3250 : vector<16xi1>, vector<16xi32>
    %swap3A_3273 = arith.constant 3776 : index
    %swap3A_3274 = tpu.vector_load %arg11[%swap3A_3273] {strides = array<i32>} : memref<4096xi32, #tpu.memory_space<vmem>>, vector<16xi32>,
    tpu.vector_store %arg11[%swap3A_3273], %select_n3A_3272 {strides = array<i32>} : memref<4096xi32, #tpu.memory_space<vmem>>, vector<16xi32>,
    %get3A_3275 = arith.constant 720 : index
    %get3A_3276 = tpu.vector_load %arg7[%get3A_3275] {strides = array<i32>} : memref<1024xi32, #tpu.memory_space<vmem>>, vector<16xi32>,
    %get3A_3277 = arith.constant 720 : index
    %get3A_3278 = tpu.vector_load %arg8[%get3A_3277] {strides = array<i32>} : memref<1024xi32, #tpu.memory_space<vmem>>, vector<16xi32>,
    %get3A_3279 = arith.constant 720 : index
    %get3A_3280 = tpu.vector_load %arg10[%get3A_3279] {strides = array<i32>} : memref<1024xf32, #tpu.memory_space<vmem>>, vector<16xf32>,
    %gather3A_3281 = tpu.vector_load_idx %arg8[%get3A_3276] : memref<1024xi32, #tpu.memory_space<vmem>>[vector<16xi32>], vector<16xi32>,
    %gather3A_3282 = tpu.vector_load_idx %arg9[%get3A_3276] : memref<1024xf32, #tpu.memory_space<vmem>>[vector<16xi32>], vector<16xf32>,
    %add3A_3283 = arith.constant 720 : i32
    %add3A_3284 = vector.broadcast %add3A_3283 : i32 to vector<16xi32>
    %add3A_3285 = arith.addi %iota3A, %add3A_3284 : vector<16xi32>
    %and3A_3286 = arith.constant 31 : i32
    %and3A_3287 = vector.broadcast %and3A_3286 : i32 to vector<16xi32>
    %and3A_3288 = arith.andi %gather3A_3281, %and3A_3287 : vector<16xi32>
    %and3A_3289 = arith.constant 31 : i32
    %and3A_3290 = vector.broadcast %and3A_3289 : i32 to vector<16xi32>
    %and3A_3291 = arith.andi %add3A_3285, %and3A_3290 : vector<16xi32>
    %sub3A_3292 = arith.subi %and3A_3288, %and3A_3291 : vector<16xi32>
    %shift_right_arithmetic3A_3293 = arith.constant 5 : i32
    %shift_right_arithmetic3A_3294 = vector.broadcast %shift_right_arithmetic3A_3293 : i32 to vector<16xi32>
    %shift_right_arithmetic3A_3295 = arith.shrsi %gather3A_3281, %shift_right_arithmetic3A_3294 : vector<16xi32>
    %shift_right_arithmetic3A_3296 = arith.constant 5 : i32
    %shift_right_arithmetic3A_3297 = vector.broadcast %shift_right_arithmetic3A_3296 : i32 to vector<16xi32>
    %shift_right_arithmetic3A_3298 = arith.shrsi %add3A_3285, %shift_right_arithmetic3A_3297 : vector<16xi32>
    %sub3A_3299 = arith.subi %shift_right_arithmetic3A_3295, %shift_right_arithmetic3A_3298 : vector<16xi32>
    %mul3A_3300 = arith.muli %sub3A_3292, %sub3A_3292 : vector<16xi32>
    %mul3A_3301 = arith.muli %sub3A_3299, %sub3A_3299 : vector<16xi32>
    %add3A_3302 = arith.addi %mul3A_3300, %mul3A_3301 : vector<16xi32>
    %le3A_3303 = arith.constant 9 : i32
    %le3A_3304 = vector.broadcast %le3A_3303 : i32 to vector<16xi32>
    %le3A_3305 = arith.cmpi sle, %add3A_3302, %le3A_3304 : vector<16xi32>
    %ge3A_3306 = arith.constant 1.000000e-01 : f32
    %ge3A_3307 = vector.broadcast %ge3A_3306 : f32 to vector<16xf32>
    %ge3A_3308 = arith.cmpf oge, %gather3A_3282, %ge3A_3307 : vector<16xf32>
    %and3A_3309 = arith.andi %le3A_3305, %ge3A_3308 : vector<16xi1>
    %ne3A_3310 = arith.constant 0 : i32
    %ne3A_3311 = vector.broadcast %ne3A_3310 : i32 to vector<16xi32>
    %ne3A_3312 = arith.cmpi ne, %get3A_3278, %ne3A_3311 : vector<16xi32>
    %ne3A_3313 = arith.constant 0 : i32
    %ne3A_3314 = vector.broadcast %ne3A_3313 : i32 to vector<16xi32>
    %ne3A_3315 = arith.cmpi ne, %get3A_3276, %ne3A_3314 : vector<16xi32>
    %and3A_3316 = arith.andi %ne3A_3312, %ne3A_3315 : vector<16xi1>
    %ne3A_3317 = arith.constant 0.000000e+00 : f32
    %ne3A_3318 = vector.broadcast %ne3A_3317 : f32 to vector<16xf32>
    %ne3A_3319 = arith.cmpf one, %get3A_3280, %ne3A_3318 : vector<16xf32>
    %and3A_3320 = arith.andi %ne3A_3319, %and3A_3309 : vector<16xi1>
    %and3A_3321 = arith.andi %and3A_3320, %and3A_3316 : vector<16xi1>
    %broadcast_in_dim3A_3322 = arith.constant -1 : i32
    %broadcast_in_dim3A_3323 = vector.broadcast %broadcast_in_dim3A_3322 : i32 to vector<16xi32>
    %and3A_3324 = arith.constant 31 : i32
    %and3A_3325 = vector.broadcast %and3A_3324 : i32 to vector<16xi32>
    %and3A_3326 = arith.andi %add3A_3285, %and3A_3325 : vector<16xi32>
    %select_n3A_3327 = arith.select %and3A_3321, %and3A_3326, %broadcast_in_dim3A_3323 : vector<16xi1>, vector<16xi32>
    %swap3A_3328 = arith.constant 720 : index
    %swap3A_3329 = tpu.vector_load %arg11[%swap3A_3328] {strides = array<i32>} : memref<4096xi32, #tpu.memory_space<vmem>>, vector<16xi32>,
    tpu.vector_store %arg11[%swap3A_3328], %select_n3A_3327 {strides = array<i32>} : memref<4096xi32, #tpu.memory_space<vmem>>, vector<16xi32>,
    %shift_right_arithmetic3A_3330 = arith.constant 5 : i32
    %shift_right_arithmetic3A_3331 = vector.broadcast %shift_right_arithmetic3A_3330 : i32 to vector<16xi32>
    %shift_right_arithmetic3A_3332 = arith.shrsi %add3A_3285, %shift_right_arithmetic3A_3331 : vector<16xi32>
    %select_n3A_3333 = arith.select %and3A_3321, %shift_right_arithmetic3A_3332, %broadcast_in_dim3A_3323 : vector<16xi1>, vector<16xi32>
    %swap3A_3334 = arith.constant 1744 : index
    %swap3A_3335 = tpu.vector_load %arg11[%swap3A_3334] {strides = array<i32>} : memref<4096xi32, #tpu.memory_space<vmem>>, vector<16xi32>,
    tpu.vector_store %arg11[%swap3A_3334], %select_n3A_3333 {strides = array<i32>} : memref<4096xi32, #tpu.memory_space<vmem>>, vector<16xi32>,
    %and3A_3336 = arith.constant 31 : i32
    %and3A_3337 = vector.broadcast %and3A_3336 : i32 to vector<16xi32>
    %and3A_3338 = arith.andi %get3A_3276, %and3A_3337 : vector<16xi32>
    %select_n3A_3339 = arith.select %and3A_3321, %and3A_3338, %broadcast_in_dim3A_3323 : vector<16xi1>, vector<16xi32>
    %swap3A_3340 = arith.constant 2768 : index
    %swap3A_3341 = tpu.vector_load %arg11[%swap3A_3340] {strides = array<i32>} : memref<4096xi32, #tpu.memory_space<vmem>>, vector<16xi32>,
    tpu.vector_store %arg11[%swap3A_3340], %select_n3A_3339 {strides = array<i32>} : memref<4096xi32, #tpu.memory_space<vmem>>, vector<16xi32>,
    %shift_right_arithmetic3A_3342 = arith.constant 5 : i32
    %shift_right_arithmetic3A_3343 = vector.broadcast %shift_right_arithmetic3A_3342 : i32 to vector<16xi32>
    %shift_right_arithmetic3A_3344 = arith.shrsi %get3A_3276, %shift_right_arithmetic3A_3343 : vector<16xi32>
    %select_n3A_3345 = arith.select %and3A_3321, %shift_right_arithmetic3A_3344, %broadcast_in_dim3A_3323 : vector<16xi1>, vector<16xi32>
    %swap3A_3346 = arith.constant 3792 : index
    %swap3A_3347 = tpu.vector_load %arg11[%swap3A_3346] {strides = array<i32>} : memref<4096xi32, #tpu.memory_space<vmem>>, vector<16xi32>,
    tpu.vector_store %arg11[%swap3A_3346], %select_n3A_3345 {strides = array<i32>} : memref<4096xi32, #tpu.memory_space<vmem>>, vector<16xi32>,
    %get3A_3348 = arith.constant 736 : index
    %get3A_3349 = tpu.vector_load %arg7[%get3A_3348] {strides = array<i32>} : memref<1024xi32, #tpu.memory_space<vmem>>, vector<16xi32>,
    %get3A_3350 = arith.constant 736 : index
    %get3A_3351 = tpu.vector_load %arg8[%get3A_3350] {strides = array<i32>} : memref<1024xi32, #tpu.memory_space<vmem>>, vector<16xi32>,
    %get3A_3352 = arith.constant 736 : index
    %get3A_3353 = tpu.vector_load %arg10[%get3A_3352] {strides = array<i32>} : memref<1024xf32, #tpu.memory_space<vmem>>, vector<16xf32>,
    %gather3A_3354 = tpu.vector_load_idx %arg8[%get3A_3349] : memref<1024xi32, #tpu.memory_space<vmem>>[vector<16xi32>], vector<16xi32>,
    %gather3A_3355 = tpu.vector_load_idx %arg9[%get3A_3349] : memref<1024xf32, #tpu.memory_space<vmem>>[vector<16xi32>], vector<16xf32>,
    %add3A_3356 = arith.constant 736 : i32
    %add3A_3357 = vector.broadcast %add3A_3356 : i32 to vector<16xi32>
    %add3A_3358 = arith.addi %iota3A, %add3A_3357 : vector<16xi32>
    %and3A_3359 = arith.constant 31 : i32
    %and3A_3360 = vector.broadcast %and3A_3359 : i32 to vector<16xi32>
    %and3A_3361 = arith.andi %gather3A_3354, %and3A_3360 : vector<16xi32>
    %and3A_3362 = arith.constant 31 : i32
    %and3A_3363 = vector.broadcast %and3A_3362 : i32 to vector<16xi32>
    %and3A_3364 = arith.andi %add3A_3358, %and3A_3363 : vector<16xi32>
    %sub3A_3365 = arith.subi %and3A_3361, %and3A_3364 : vector<16xi32>
    %shift_right_arithmetic3A_3366 = arith.constant 5 : i32
    %shift_right_arithmetic3A_3367 = vector.broadcast %shift_right_arithmetic3A_3366 : i32 to vector<16xi32>
    %shift_right_arithmetic3A_3368 = arith.shrsi %gather3A_3354, %shift_right_arithmetic3A_3367 : vector<16xi32>
    %shift_right_arithmetic3A_3369 = arith.constant 5 : i32
    %shift_right_arithmetic3A_3370 = vector.broadcast %shift_right_arithmetic3A_3369 : i32 to vector<16xi32>
    %shift_right_arithmetic3A_3371 = arith.shrsi %add3A_3358, %shift_right_arithmetic3A_3370 : vector<16xi32>
    %sub3A_3372 = arith.subi %shift_right_arithmetic3A_3368, %shift_right_arithmetic3A_3371 : vector<16xi32>
    %mul3A_3373 = arith.muli %sub3A_3365, %sub3A_3365 : vector<16xi32>
    %mul3A_3374 = arith.muli %sub3A_3372, %sub3A_3372 : vector<16xi32>
    %add3A_3375 = arith.addi %mul3A_3373, %mul3A_3374 : vector<16xi32>
    %le3A_3376 = arith.constant 9 : i32
    %le3A_3377 = vector.broadcast %le3A_3376 : i32 to vector<16xi32>
    %le3A_3378 = arith.cmpi sle, %add3A_3375, %le3A_3377 : vector<16xi32>
    %ge3A_3379 = arith.constant 1.000000e-01 : f32
    %ge3A_3380 = vector.broadcast %ge3A_3379 : f32 to vector<16xf32>
    %ge3A_3381 = arith.cmpf oge, %gather3A_3355, %ge3A_3380 : vector<16xf32>
    %and3A_3382 = arith.andi %le3A_3378, %ge3A_3381 : vector<16xi1>
    %ne3A_3383 = arith.constant 0 : i32
    %ne3A_3384 = vector.broadcast %ne3A_3383 : i32 to vector<16xi32>
    %ne3A_3385 = arith.cmpi ne, %get3A_3351, %ne3A_3384 : vector<16xi32>
    %ne3A_3386 = arith.constant 0 : i32
    %ne3A_3387 = vector.broadcast %ne3A_3386 : i32 to vector<16xi32>
    %ne3A_3388 = arith.cmpi ne, %get3A_3349, %ne3A_3387 : vector<16xi32>
    %and3A_3389 = arith.andi %ne3A_3385, %ne3A_3388 : vector<16xi1>
    %ne3A_3390 = arith.constant 0.000000e+00 : f32
    %ne3A_3391 = vector.broadcast %ne3A_3390 : f32 to vector<16xf32>
    %ne3A_3392 = arith.cmpf one, %get3A_3353, %ne3A_3391 : vector<16xf32>
    %and3A_3393 = arith.andi %ne3A_3392, %and3A_3382 : vector<16xi1>
    %and3A_3394 = arith.andi %and3A_3393, %and3A_3389 : vector<16xi1>
    %broadcast_in_dim3A_3395 = arith.constant -1 : i32
    %broadcast_in_dim3A_3396 = vector.broadcast %broadcast_in_dim3A_3395 : i32 to vector<16xi32>
    %and3A_3397 = arith.constant 31 : i32
    %and3A_3398 = vector.broadcast %and3A_3397 : i32 to vector<16xi32>
    %and3A_3399 = arith.andi %add3A_3358, %and3A_3398 : vector<16xi32>
    %select_n3A_3400 = arith.select %and3A_3394, %and3A_3399, %broadcast_in_dim3A_3396 : vector<16xi1>, vector<16xi32>
    %swap3A_3401 = arith.constant 736 : index
    %swap3A_3402 = tpu.vector_load %arg11[%swap3A_3401] {strides = array<i32>} : memref<4096xi32, #tpu.memory_space<vmem>>, vector<16xi32>,
    tpu.vector_store %arg11[%swap3A_3401], %select_n3A_3400 {strides = array<i32>} : memref<4096xi32, #tpu.memory_space<vmem>>, vector<16xi32>,
    %shift_right_arithmetic3A_3403 = arith.constant 5 : i32
    %shift_right_arithmetic3A_3404 = vector.broadcast %shift_right_arithmetic3A_3403 : i32 to vector<16xi32>
    %shift_right_arithmetic3A_3405 = arith.shrsi %add3A_3358, %shift_right_arithmetic3A_3404 : vector<16xi32>
    %select_n3A_3406 = arith.select %and3A_3394, %shift_right_arithmetic3A_3405, %broadcast_in_dim3A_3396 : vector<16xi1>, vector<16xi32>
    %swap3A_3407 = arith.constant 1760 : index
    %swap3A_3408 = tpu.vector_load %arg11[%swap3A_3407] {strides = array<i32>} : memref<4096xi32, #tpu.memory_space<vmem>>, vector<16xi32>,
    tpu.vector_store %arg11[%swap3A_3407], %select_n3A_3406 {strides = array<i32>} : memref<4096xi32, #tpu.memory_space<vmem>>, vector<16xi32>,
    %and3A_3409 = arith.constant 31 : i32
    %and3A_3410 = vector.broadcast %and3A_3409 : i32 to vector<16xi32>
    %and3A_3411 = arith.andi %get3A_3349, %and3A_3410 : vector<16xi32>
    %select_n3A_3412 = arith.select %and3A_3394, %and3A_3411, %broadcast_in_dim3A_3396 : vector<16xi1>, vector<16xi32>
    %swap3A_3413 = arith.constant 2784 : index
    %swap3A_3414 = tpu.vector_load %arg11[%swap3A_3413] {strides = array<i32>} : memref<4096xi32, #tpu.memory_space<vmem>>, vector<16xi32>,
    tpu.vector_store %arg11[%swap3A_3413], %select_n3A_3412 {strides = array<i32>} : memref<4096xi32, #tpu.memory_space<vmem>>, vector<16xi32>,
    %shift_right_arithmetic3A_3415 = arith.constant 5 : i32
    %shift_right_arithmetic3A_3416 = vector.broadcast %shift_right_arithmetic3A_3415 : i32 to vector<16xi32>
    %shift_right_arithmetic3A_3417 = arith.shrsi %get3A_3349, %shift_right_arithmetic3A_3416 : vector<16xi32>
    %select_n3A_3418 = arith.select %and3A_3394, %shift_right_arithmetic3A_3417, %broadcast_in_dim3A_3396 : vector<16xi1>, vector<16xi32>
    %swap3A_3419 = arith.constant 3808 : index
    %swap3A_3420 = tpu.vector_load %arg11[%swap3A_3419] {strides = array<i32>} : memref<4096xi32, #tpu.memory_space<vmem>>, vector<16xi32>,
    tpu.vector_store %arg11[%swap3A_3419], %select_n3A_3418 {strides = array<i32>} : memref<4096xi32, #tpu.memory_space<vmem>>, vector<16xi32>,
    %get3A_3421 = arith.constant 752 : index
    %get3A_3422 = tpu.vector_load %arg7[%get3A_3421] {strides = array<i32>} : memref<1024xi32, #tpu.memory_space<vmem>>, vector<16xi32>,
    %get3A_3423 = arith.constant 752 : index
    %get3A_3424 = tpu.vector_load %arg8[%get3A_3423] {strides = array<i32>} : memref<1024xi32, #tpu.memory_space<vmem>>, vector<16xi32>,
    %get3A_3425 = arith.constant 752 : index
    %get3A_3426 = tpu.vector_load %arg10[%get3A_3425] {strides = array<i32>} : memref<1024xf32, #tpu.memory_space<vmem>>, vector<16xf32>,
    %gather3A_3427 = tpu.vector_load_idx %arg8[%get3A_3422] : memref<1024xi32, #tpu.memory_space<vmem>>[vector<16xi32>], vector<16xi32>,
    %gather3A_3428 = tpu.vector_load_idx %arg9[%get3A_3422] : memref<1024xf32, #tpu.memory_space<vmem>>[vector<16xi32>], vector<16xf32>,
    %add3A_3429 = arith.constant 752 : i32
    %add3A_3430 = vector.broadcast %add3A_3429 : i32 to vector<16xi32>
    %add3A_3431 = arith.addi %iota3A, %add3A_3430 : vector<16xi32>
    %and3A_3432 = arith.constant 31 : i32
    %and3A_3433 = vector.broadcast %and3A_3432 : i32 to vector<16xi32>
    %and3A_3434 = arith.andi %gather3A_3427, %and3A_3433 : vector<16xi32>
    %and3A_3435 = arith.constant 31 : i32
    %and3A_3436 = vector.broadcast %and3A_3435 : i32 to vector<16xi32>
    %and3A_3437 = arith.andi %add3A_3431, %and3A_3436 : vector<16xi32>
    %sub3A_3438 = arith.subi %and3A_3434, %and3A_3437 : vector<16xi32>
    %shift_right_arithmetic3A_3439 = arith.constant 5 : i32
    %shift_right_arithmetic3A_3440 = vector.broadcast %shift_right_arithmetic3A_3439 : i32 to vector<16xi32>
    %shift_right_arithmetic3A_3441 = arith.shrsi %gather3A_3427, %shift_right_arithmetic3A_3440 : vector<16xi32>
    %shift_right_arithmetic3A_3442 = arith.constant 5 : i32
    %shift_right_arithmetic3A_3443 = vector.broadcast %shift_right_arithmetic3A_3442 : i32 to vector<16xi32>
    %shift_right_arithmetic3A_3444 = arith.shrsi %add3A_3431, %shift_right_arithmetic3A_3443 : vector<16xi32>
    %sub3A_3445 = arith.subi %shift_right_arithmetic3A_3441, %shift_right_arithmetic3A_3444 : vector<16xi32>
    %mul3A_3446 = arith.muli %sub3A_3438, %sub3A_3438 : vector<16xi32>
    %mul3A_3447 = arith.muli %sub3A_3445, %sub3A_3445 : vector<16xi32>
    %add3A_3448 = arith.addi %mul3A_3446, %mul3A_3447 : vector<16xi32>
    %le3A_3449 = arith.constant 9 : i32
    %le3A_3450 = vector.broadcast %le3A_3449 : i32 to vector<16xi32>
    %le3A_3451 = arith.cmpi sle, %add3A_3448, %le3A_3450 : vector<16xi32>
    %ge3A_3452 = arith.constant 1.000000e-01 : f32
    %ge3A_3453 = vector.broadcast %ge3A_3452 : f32 to vector<16xf32>
    %ge3A_3454 = arith.cmpf oge, %gather3A_3428, %ge3A_3453 : vector<16xf32>
    %and3A_3455 = arith.andi %le3A_3451, %ge3A_3454 : vector<16xi1>
    %ne3A_3456 = arith.constant 0 : i32
    %ne3A_3457 = vector.broadcast %ne3A_3456 : i32 to vector<16xi32>
    %ne3A_3458 = arith.cmpi ne, %get3A_3424, %ne3A_3457 : vector<16xi32>
    %ne3A_3459 = arith.constant 0 : i32
    %ne3A_3460 = vector.broadcast %ne3A_3459 : i32 to vector<16xi32>
    %ne3A_3461 = arith.cmpi ne, %get3A_3422, %ne3A_3460 : vector<16xi32>
    %and3A_3462 = arith.andi %ne3A_3458, %ne3A_3461 : vector<16xi1>
    %ne3A_3463 = arith.constant 0.000000e+00 : f32
    %ne3A_3464 = vector.broadcast %ne3A_3463 : f32 to vector<16xf32>
    %ne3A_3465 = arith.cmpf one, %get3A_3426, %ne3A_3464 : vector<16xf32>
    %and3A_3466 = arith.andi %ne3A_3465, %and3A_3455 : vector<16xi1>
    %and3A_3467 = arith.andi %and3A_3466, %and3A_3462 : vector<16xi1>
    %broadcast_in_dim3A_3468 = arith.constant -1 : i32
    %broadcast_in_dim3A_3469 = vector.broadcast %broadcast_in_dim3A_3468 : i32 to vector<16xi32>
    %and3A_3470 = arith.constant 31 : i32
    %and3A_3471 = vector.broadcast %and3A_3470 : i32 to vector<16xi32>
    %and3A_3472 = arith.andi %add3A_3431, %and3A_3471 : vector<16xi32>
    %select_n3A_3473 = arith.select %and3A_3467, %and3A_3472, %broadcast_in_dim3A_3469 : vector<16xi1>, vector<16xi32>
    %swap3A_3474 = arith.constant 752 : index
    %swap3A_3475 = tpu.vector_load %arg11[%swap3A_3474] {strides = array<i32>} : memref<4096xi32, #tpu.memory_space<vmem>>, vector<16xi32>,
    tpu.vector_store %arg11[%swap3A_3474], %select_n3A_3473 {strides = array<i32>} : memref<4096xi32, #tpu.memory_space<vmem>>, vector<16xi32>,
    %shift_right_arithmetic3A_3476 = arith.constant 5 : i32
    %shift_right_arithmetic3A_3477 = vector.broadcast %shift_right_arithmetic3A_3476 : i32 to vector<16xi32>
    %shift_right_arithmetic3A_3478 = arith.shrsi %add3A_3431, %shift_right_arithmetic3A_3477 : vector<16xi32>
    %select_n3A_3479 = arith.select %and3A_3467, %shift_right_arithmetic3A_3478, %broadcast_in_dim3A_3469 : vector<16xi1>, vector<16xi32>
    %swap3A_3480 = arith.constant 1776 : index
    %swap3A_3481 = tpu.vector_load %arg11[%swap3A_3480] {strides = array<i32>} : memref<4096xi32, #tpu.memory_space<vmem>>, vector<16xi32>,
    tpu.vector_store %arg11[%swap3A_3480], %select_n3A_3479 {strides = array<i32>} : memref<4096xi32, #tpu.memory_space<vmem>>, vector<16xi32>,
    %and3A_3482 = arith.constant 31 : i32
    %and3A_3483 = vector.broadcast %and3A_3482 : i32 to vector<16xi32>
    %and3A_3484 = arith.andi %get3A_3422, %and3A_3483 : vector<16xi32>
    %select_n3A_3485 = arith.select %and3A_3467, %and3A_3484, %broadcast_in_dim3A_3469 : vector<16xi1>, vector<16xi32>
    %swap3A_3486 = arith.constant 2800 : index
    %swap3A_3487 = tpu.vector_load %arg11[%swap3A_3486] {strides = array<i32>} : memref<4096xi32, #tpu.memory_space<vmem>>, vector<16xi32>,
    tpu.vector_store %arg11[%swap3A_3486], %select_n3A_3485 {strides = array<i32>} : memref<4096xi32, #tpu.memory_space<vmem>>, vector<16xi32>,
    %shift_right_arithmetic3A_3488 = arith.constant 5 : i32
    %shift_right_arithmetic3A_3489 = vector.broadcast %shift_right_arithmetic3A_3488 : i32 to vector<16xi32>
    %shift_right_arithmetic3A_3490 = arith.shrsi %get3A_3422, %shift_right_arithmetic3A_3489 : vector<16xi32>
    %select_n3A_3491 = arith.select %and3A_3467, %shift_right_arithmetic3A_3490, %broadcast_in_dim3A_3469 : vector<16xi1>, vector<16xi32>
    %swap3A_3492 = arith.constant 3824 : index
    %swap3A_3493 = tpu.vector_load %arg11[%swap3A_3492] {strides = array<i32>} : memref<4096xi32, #tpu.memory_space<vmem>>, vector<16xi32>,
    tpu.vector_store %arg11[%swap3A_3492], %select_n3A_3491 {strides = array<i32>} : memref<4096xi32, #tpu.memory_space<vmem>>, vector<16xi32>,
    %get3A_3494 = arith.constant 768 : index
    %get3A_3495 = tpu.vector_load %arg7[%get3A_3494] {strides = array<i32>} : memref<1024xi32, #tpu.memory_space<vmem>>, vector<16xi32>,
    %get3A_3496 = arith.constant 768 : index
    %get3A_3497 = tpu.vector_load %arg8[%get3A_3496] {strides = array<i32>} : memref<1024xi32, #tpu.memory_space<vmem>>, vector<16xi32>,
    %get3A_3498 = arith.constant 768 : index
    %get3A_3499 = tpu.vector_load %arg10[%get3A_3498] {strides = array<i32>} : memref<1024xf32, #tpu.memory_space<vmem>>, vector<16xf32>,
    %gather3A_3500 = tpu.vector_load_idx %arg8[%get3A_3495] : memref<1024xi32, #tpu.memory_space<vmem>>[vector<16xi32>], vector<16xi32>,
    %gather3A_3501 = tpu.vector_load_idx %arg9[%get3A_3495] : memref<1024xf32, #tpu.memory_space<vmem>>[vector<16xi32>], vector<16xf32>,
    %add3A_3502 = arith.constant 768 : i32
    %add3A_3503 = vector.broadcast %add3A_3502 : i32 to vector<16xi32>
    %add3A_3504 = arith.addi %iota3A, %add3A_3503 : vector<16xi32>
    %and3A_3505 = arith.constant 31 : i32
    %and3A_3506 = vector.broadcast %and3A_3505 : i32 to vector<16xi32>
    %and3A_3507 = arith.andi %gather3A_3500, %and3A_3506 : vector<16xi32>
    %and3A_3508 = arith.constant 31 : i32
    %and3A_3509 = vector.broadcast %and3A_3508 : i32 to vector<16xi32>
    %and3A_3510 = arith.andi %add3A_3504, %and3A_3509 : vector<16xi32>
    %sub3A_3511 = arith.subi %and3A_3507, %and3A_3510 : vector<16xi32>
    %shift_right_arithmetic3A_3512 = arith.constant 5 : i32
    %shift_right_arithmetic3A_3513 = vector.broadcast %shift_right_arithmetic3A_3512 : i32 to vector<16xi32>
    %shift_right_arithmetic3A_3514 = arith.shrsi %gather3A_3500, %shift_right_arithmetic3A_3513 : vector<16xi32>
    %shift_right_arithmetic3A_3515 = arith.constant 5 : i32
    %shift_right_arithmetic3A_3516 = vector.broadcast %shift_right_arithmetic3A_3515 : i32 to vector<16xi32>
    %shift_right_arithmetic3A_3517 = arith.shrsi %add3A_3504, %shift_right_arithmetic3A_3516 : vector<16xi32>
    %sub3A_3518 = arith.subi %shift_right_arithmetic3A_3514, %shift_right_arithmetic3A_3517 : vector<16xi32>
    %mul3A_3519 = arith.muli %sub3A_3511, %sub3A_3511 : vector<16xi32>
    %mul3A_3520 = arith.muli %sub3A_3518, %sub3A_3518 : vector<16xi32>
    %add3A_3521 = arith.addi %mul3A_3519, %mul3A_3520 : vector<16xi32>
    %le3A_3522 = arith.constant 9 : i32
    %le3A_3523 = vector.broadcast %le3A_3522 : i32 to vector<16xi32>
    %le3A_3524 = arith.cmpi sle, %add3A_3521, %le3A_3523 : vector<16xi32>
    %ge3A_3525 = arith.constant 1.000000e-01 : f32
    %ge3A_3526 = vector.broadcast %ge3A_3525 : f32 to vector<16xf32>
    %ge3A_3527 = arith.cmpf oge, %gather3A_3501, %ge3A_3526 : vector<16xf32>
    %and3A_3528 = arith.andi %le3A_3524, %ge3A_3527 : vector<16xi1>
    %ne3A_3529 = arith.constant 0 : i32
    %ne3A_3530 = vector.broadcast %ne3A_3529 : i32 to vector<16xi32>
    %ne3A_3531 = arith.cmpi ne, %get3A_3497, %ne3A_3530 : vector<16xi32>
    %ne3A_3532 = arith.constant 0 : i32
    %ne3A_3533 = vector.broadcast %ne3A_3532 : i32 to vector<16xi32>
    %ne3A_3534 = arith.cmpi ne, %get3A_3495, %ne3A_3533 : vector<16xi32>
    %and3A_3535 = arith.andi %ne3A_3531, %ne3A_3534 : vector<16xi1>
    %ne3A_3536 = arith.constant 0.000000e+00 : f32
    %ne3A_3537 = vector.broadcast %ne3A_3536 : f32 to vector<16xf32>
    %ne3A_3538 = arith.cmpf one, %get3A_3499, %ne3A_3537 : vector<16xf32>
    %and3A_3539 = arith.andi %ne3A_3538, %and3A_3528 : vector<16xi1>
    %and3A_3540 = arith.andi %and3A_3539, %and3A_3535 : vector<16xi1>
    %broadcast_in_dim3A_3541 = arith.constant -1 : i32
    %broadcast_in_dim3A_3542 = vector.broadcast %broadcast_in_dim3A_3541 : i32 to vector<16xi32>
    %and3A_3543 = arith.constant 31 : i32
    %and3A_3544 = vector.broadcast %and3A_3543 : i32 to vector<16xi32>
    %and3A_3545 = arith.andi %add3A_3504, %and3A_3544 : vector<16xi32>
    %select_n3A_3546 = arith.select %and3A_3540, %and3A_3545, %broadcast_in_dim3A_3542 : vector<16xi1>, vector<16xi32>
    %swap3A_3547 = arith.constant 768 : index
    %swap3A_3548 = tpu.vector_load %arg11[%swap3A_3547] {strides = array<i32>} : memref<4096xi32, #tpu.memory_space<vmem>>, vector<16xi32>,
    tpu.vector_store %arg11[%swap3A_3547], %select_n3A_3546 {strides = array<i32>} : memref<4096xi32, #tpu.memory_space<vmem>>, vector<16xi32>,
    %shift_right_arithmetic3A_3549 = arith.constant 5 : i32
    %shift_right_arithmetic3A_3550 = vector.broadcast %shift_right_arithmetic3A_3549 : i32 to vector<16xi32>
    %shift_right_arithmetic3A_3551 = arith.shrsi %add3A_3504, %shift_right_arithmetic3A_3550 : vector<16xi32>
    %select_n3A_3552 = arith.select %and3A_3540, %shift_right_arithmetic3A_3551, %broadcast_in_dim3A_3542 : vector<16xi1>, vector<16xi32>
    %swap3A_3553 = arith.constant 1792 : index
    %swap3A_3554 = tpu.vector_load %arg11[%swap3A_3553] {strides = array<i32>} : memref<4096xi32, #tpu.memory_space<vmem>>, vector<16xi32>,
    tpu.vector_store %arg11[%swap3A_3553], %select_n3A_3552 {strides = array<i32>} : memref<4096xi32, #tpu.memory_space<vmem>>, vector<16xi32>,
    %and3A_3555 = arith.constant 31 : i32
    %and3A_3556 = vector.broadcast %and3A_3555 : i32 to vector<16xi32>
    %and3A_3557 = arith.andi %get3A_3495, %and3A_3556 : vector<16xi32>
    %select_n3A_3558 = arith.select %and3A_3540, %and3A_3557, %broadcast_in_dim3A_3542 : vector<16xi1>, vector<16xi32>
    %swap3A_3559 = arith.constant 2816 : index
    %swap3A_3560 = tpu.vector_load %arg11[%swap3A_3559] {strides = array<i32>} : memref<4096xi32, #tpu.memory_space<vmem>>, vector<16xi32>,
    tpu.vector_store %arg11[%swap3A_3559], %select_n3A_3558 {strides = array<i32>} : memref<4096xi32, #tpu.memory_space<vmem>>, vector<16xi32>,
    %shift_right_arithmetic3A_3561 = arith.constant 5 : i32
    %shift_right_arithmetic3A_3562 = vector.broadcast %shift_right_arithmetic3A_3561 : i32 to vector<16xi32>
    %shift_right_arithmetic3A_3563 = arith.shrsi %get3A_3495, %shift_right_arithmetic3A_3562 : vector<16xi32>
    %select_n3A_3564 = arith.select %and3A_3540, %shift_right_arithmetic3A_3563, %broadcast_in_dim3A_3542 : vector<16xi1>, vector<16xi32>
    %swap3A_3565 = arith.constant 3840 : index
    %swap3A_3566 = tpu.vector_load %arg11[%swap3A_3565] {strides = array<i32>} : memref<4096xi32, #tpu.memory_space<vmem>>, vector<16xi32>,
    tpu.vector_store %arg11[%swap3A_3565], %select_n3A_3564 {strides = array<i32>} : memref<4096xi32, #tpu.memory_space<vmem>>, vector<16xi32>,
    %get3A_3567 = arith.constant 784 : index
    %get3A_3568 = tpu.vector_load %arg7[%get3A_3567] {strides = array<i32>} : memref<1024xi32, #tpu.memory_space<vmem>>, vector<16xi32>,
    %get3A_3569 = arith.constant 784 : index
    %get3A_3570 = tpu.vector_load %arg8[%get3A_3569] {strides = array<i32>} : memref<1024xi32, #tpu.memory_space<vmem>>, vector<16xi32>,
    %get3A_3571 = arith.constant 784 : index
    %get3A_3572 = tpu.vector_load %arg10[%get3A_3571] {strides = array<i32>} : memref<1024xf32, #tpu.memory_space<vmem>>, vector<16xf32>,
    %gather3A_3573 = tpu.vector_load_idx %arg8[%get3A_3568] : memref<1024xi32, #tpu.memory_space<vmem>>[vector<16xi32>], vector<16xi32>,
    %gather3A_3574 = tpu.vector_load_idx %arg9[%get3A_3568] : memref<1024xf32, #tpu.memory_space<vmem>>[vector<16xi32>], vector<16xf32>,
    %add3A_3575 = arith.constant 784 : i32
    %add3A_3576 = vector.broadcast %add3A_3575 : i32 to vector<16xi32>
    %add3A_3577 = arith.addi %iota3A, %add3A_3576 : vector<16xi32>
    %and3A_3578 = arith.constant 31 : i32
    %and3A_3579 = vector.broadcast %and3A_3578 : i32 to vector<16xi32>
    %and3A_3580 = arith.andi %gather3A_3573, %and3A_3579 : vector<16xi32>
    %and3A_3581 = arith.constant 31 : i32
    %and3A_3582 = vector.broadcast %and3A_3581 : i32 to vector<16xi32>
    %and3A_3583 = arith.andi %add3A_3577, %and3A_3582 : vector<16xi32>
    %sub3A_3584 = arith.subi %and3A_3580, %and3A_3583 : vector<16xi32>
    %shift_right_arithmetic3A_3585 = arith.constant 5 : i32
    %shift_right_arithmetic3A_3586 = vector.broadcast %shift_right_arithmetic3A_3585 : i32 to vector<16xi32>
    %shift_right_arithmetic3A_3587 = arith.shrsi %gather3A_3573, %shift_right_arithmetic3A_3586 : vector<16xi32>
    %shift_right_arithmetic3A_3588 = arith.constant 5 : i32
    %shift_right_arithmetic3A_3589 = vector.broadcast %shift_right_arithmetic3A_3588 : i32 to vector<16xi32>
    %shift_right_arithmetic3A_3590 = arith.shrsi %add3A_3577, %shift_right_arithmetic3A_3589 : vector<16xi32>
    %sub3A_3591 = arith.subi %shift_right_arithmetic3A_3587, %shift_right_arithmetic3A_3590 : vector<16xi32>
    %mul3A_3592 = arith.muli %sub3A_3584, %sub3A_3584 : vector<16xi32>
    %mul3A_3593 = arith.muli %sub3A_3591, %sub3A_3591 : vector<16xi32>
    %add3A_3594 = arith.addi %mul3A_3592, %mul3A_3593 : vector<16xi32>
    %le3A_3595 = arith.constant 9 : i32
    %le3A_3596 = vector.broadcast %le3A_3595 : i32 to vector<16xi32>
    %le3A_3597 = arith.cmpi sle, %add3A_3594, %le3A_3596 : vector<16xi32>
    %ge3A_3598 = arith.constant 1.000000e-01 : f32
    %ge3A_3599 = vector.broadcast %ge3A_3598 : f32 to vector<16xf32>
    %ge3A_3600 = arith.cmpf oge, %gather3A_3574, %ge3A_3599 : vector<16xf32>
    %and3A_3601 = arith.andi %le3A_3597, %ge3A_3600 : vector<16xi1>
    %ne3A_3602 = arith.constant 0 : i32
    %ne3A_3603 = vector.broadcast %ne3A_3602 : i32 to vector<16xi32>
    %ne3A_3604 = arith.cmpi ne, %get3A_3570, %ne3A_3603 : vector<16xi32>
    %ne3A_3605 = arith.constant 0 : i32
    %ne3A_3606 = vector.broadcast %ne3A_3605 : i32 to vector<16xi32>
    %ne3A_3607 = arith.cmpi ne, %get3A_3568, %ne3A_3606 : vector<16xi32>
    %and3A_3608 = arith.andi %ne3A_3604, %ne3A_3607 : vector<16xi1>
    %ne3A_3609 = arith.constant 0.000000e+00 : f32
    %ne3A_3610 = vector.broadcast %ne3A_3609 : f32 to vector<16xf32>
    %ne3A_3611 = arith.cmpf one, %get3A_3572, %ne3A_3610 : vector<16xf32>
    %and3A_3612 = arith.andi %ne3A_3611, %and3A_3601 : vector<16xi1>
    %and3A_3613 = arith.andi %and3A_3612, %and3A_3608 : vector<16xi1>
    %broadcast_in_dim3A_3614 = arith.constant -1 : i32
    %broadcast_in_dim3A_3615 = vector.broadcast %broadcast_in_dim3A_3614 : i32 to vector<16xi32>
    %and3A_3616 = arith.constant 31 : i32
    %and3A_3617 = vector.broadcast %and3A_3616 : i32 to vector<16xi32>
    %and3A_3618 = arith.andi %add3A_3577, %and3A_3617 : vector<16xi32>
    %select_n3A_3619 = arith.select %and3A_3613, %and3A_3618, %broadcast_in_dim3A_3615 : vector<16xi1>, vector<16xi32>
    %swap3A_3620 = arith.constant 784 : index
    %swap3A_3621 = tpu.vector_load %arg11[%swap3A_3620] {strides = array<i32>} : memref<4096xi32, #tpu.memory_space<vmem>>, vector<16xi32>,
    tpu.vector_store %arg11[%swap3A_3620], %select_n3A_3619 {strides = array<i32>} : memref<4096xi32, #tpu.memory_space<vmem>>, vector<16xi32>,
    %shift_right_arithmetic3A_3622 = arith.constant 5 : i32
    %shift_right_arithmetic3A_3623 = vector.broadcast %shift_right_arithmetic3A_3622 : i32 to vector<16xi32>
    %shift_right_arithmetic3A_3624 = arith.shrsi %add3A_3577, %shift_right_arithmetic3A_3623 : vector<16xi32>
    %select_n3A_3625 = arith.select %and3A_3613, %shift_right_arithmetic3A_3624, %broadcast_in_dim3A_3615 : vector<16xi1>, vector<16xi32>
    %swap3A_3626 = arith.constant 1808 : index
    %swap3A_3627 = tpu.vector_load %arg11[%swap3A_3626] {strides = array<i32>} : memref<4096xi32, #tpu.memory_space<vmem>>, vector<16xi32>,
    tpu.vector_store %arg11[%swap3A_3626], %select_n3A_3625 {strides = array<i32>} : memref<4096xi32, #tpu.memory_space<vmem>>, vector<16xi32>,
    %and3A_3628 = arith.constant 31 : i32
    %and3A_3629 = vector.broadcast %and3A_3628 : i32 to vector<16xi32>
    %and3A_3630 = arith.andi %get3A_3568, %and3A_3629 : vector<16xi32>
    %select_n3A_3631 = arith.select %and3A_3613, %and3A_3630, %broadcast_in_dim3A_3615 : vector<16xi1>, vector<16xi32>
    %swap3A_3632 = arith.constant 2832 : index
    %swap3A_3633 = tpu.vector_load %arg11[%swap3A_3632] {strides = array<i32>} : memref<4096xi32, #tpu.memory_space<vmem>>, vector<16xi32>,
    tpu.vector_store %arg11[%swap3A_3632], %select_n3A_3631 {strides = array<i32>} : memref<4096xi32, #tpu.memory_space<vmem>>, vector<16xi32>,
    %shift_right_arithmetic3A_3634 = arith.constant 5 : i32
    %shift_right_arithmetic3A_3635 = vector.broadcast %shift_right_arithmetic3A_3634 : i32 to vector<16xi32>
    %shift_right_arithmetic3A_3636 = arith.shrsi %get3A_3568, %shift_right_arithmetic3A_3635 : vector<16xi32>
    %select_n3A_3637 = arith.select %and3A_3613, %shift_right_arithmetic3A_3636, %broadcast_in_dim3A_3615 : vector<16xi1>, vector<16xi32>
    %swap3A_3638 = arith.constant 3856 : index
    %swap3A_3639 = tpu.vector_load %arg11[%swap3A_3638] {strides = array<i32>} : memref<4096xi32, #tpu.memory_space<vmem>>, vector<16xi32>,
    tpu.vector_store %arg11[%swap3A_3638], %select_n3A_3637 {strides = array<i32>} : memref<4096xi32, #tpu.memory_space<vmem>>, vector<16xi32>,
    %get3A_3640 = arith.constant 800 : index
    %get3A_3641 = tpu.vector_load %arg7[%get3A_3640] {strides = array<i32>} : memref<1024xi32, #tpu.memory_space<vmem>>, vector<16xi32>,
    %get3A_3642 = arith.constant 800 : index
    %get3A_3643 = tpu.vector_load %arg8[%get3A_3642] {strides = array<i32>} : memref<1024xi32, #tpu.memory_space<vmem>>, vector<16xi32>,
    %get3A_3644 = arith.constant 800 : index
    %get3A_3645 = tpu.vector_load %arg10[%get3A_3644] {strides = array<i32>} : memref<1024xf32, #tpu.memory_space<vmem>>, vector<16xf32>,
    %gather3A_3646 = tpu.vector_load_idx %arg8[%get3A_3641] : memref<1024xi32, #tpu.memory_space<vmem>>[vector<16xi32>], vector<16xi32>,
    %gather3A_3647 = tpu.vector_load_idx %arg9[%get3A_3641] : memref<1024xf32, #tpu.memory_space<vmem>>[vector<16xi32>], vector<16xf32>,
    %add3A_3648 = arith.constant 800 : i32
    %add3A_3649 = vector.broadcast %add3A_3648 : i32 to vector<16xi32>
    %add3A_3650 = arith.addi %iota3A, %add3A_3649 : vector<16xi32>
    %and3A_3651 = arith.constant 31 : i32
    %and3A_3652 = vector.broadcast %and3A_3651 : i32 to vector<16xi32>
    %and3A_3653 = arith.andi %gather3A_3646, %and3A_3652 : vector<16xi32>
    %and3A_3654 = arith.constant 31 : i32
    %and3A_3655 = vector.broadcast %and3A_3654 : i32 to vector<16xi32>
    %and3A_3656 = arith.andi %add3A_3650, %and3A_3655 : vector<16xi32>
    %sub3A_3657 = arith.subi %and3A_3653, %and3A_3656 : vector<16xi32>
    %shift_right_arithmetic3A_3658 = arith.constant 5 : i32
    %shift_right_arithmetic3A_3659 = vector.broadcast %shift_right_arithmetic3A_3658 : i32 to vector<16xi32>
    %shift_right_arithmetic3A_3660 = arith.shrsi %gather3A_3646, %shift_right_arithmetic3A_3659 : vector<16xi32>
    %shift_right_arithmetic3A_3661 = arith.constant 5 : i32
    %shift_right_arithmetic3A_3662 = vector.broadcast %shift_right_arithmetic3A_3661 : i32 to vector<16xi32>
    %shift_right_arithmetic3A_3663 = arith.shrsi %add3A_3650, %shift_right_arithmetic3A_3662 : vector<16xi32>
    %sub3A_3664 = arith.subi %shift_right_arithmetic3A_3660, %shift_right_arithmetic3A_3663 : vector<16xi32>
    %mul3A_3665 = arith.muli %sub3A_3657, %sub3A_3657 : vector<16xi32>
    %mul3A_3666 = arith.muli %sub3A_3664, %sub3A_3664 : vector<16xi32>
    %add3A_3667 = arith.addi %mul3A_3665, %mul3A_3666 : vector<16xi32>
    %le3A_3668 = arith.constant 9 : i32
    %le3A_3669 = vector.broadcast %le3A_3668 : i32 to vector<16xi32>
    %le3A_3670 = arith.cmpi sle, %add3A_3667, %le3A_3669 : vector<16xi32>
    %ge3A_3671 = arith.constant 1.000000e-01 : f32
    %ge3A_3672 = vector.broadcast %ge3A_3671 : f32 to vector<16xf32>
    %ge3A_3673 = arith.cmpf oge, %gather3A_3647, %ge3A_3672 : vector<16xf32>
    %and3A_3674 = arith.andi %le3A_3670, %ge3A_3673 : vector<16xi1>
    %ne3A_3675 = arith.constant 0 : i32
    %ne3A_3676 = vector.broadcast %ne3A_3675 : i32 to vector<16xi32>
    %ne3A_3677 = arith.cmpi ne, %get3A_3643, %ne3A_3676 : vector<16xi32>
    %ne3A_3678 = arith.constant 0 : i32
    %ne3A_3679 = vector.broadcast %ne3A_3678 : i32 to vector<16xi32>
    %ne3A_3680 = arith.cmpi ne, %get3A_3641, %ne3A_3679 : vector<16xi32>
    %and3A_3681 = arith.andi %ne3A_3677, %ne3A_3680 : vector<16xi1>
    %ne3A_3682 = arith.constant 0.000000e+00 : f32
    %ne3A_3683 = vector.broadcast %ne3A_3682 : f32 to vector<16xf32>
    %ne3A_3684 = arith.cmpf one, %get3A_3645, %ne3A_3683 : vector<16xf32>
    %and3A_3685 = arith.andi %ne3A_3684, %and3A_3674 : vector<16xi1>
    %and3A_3686 = arith.andi %and3A_3685, %and3A_3681 : vector<16xi1>
    %broadcast_in_dim3A_3687 = arith.constant -1 : i32
    %broadcast_in_dim3A_3688 = vector.broadcast %broadcast_in_dim3A_3687 : i32 to vector<16xi32>
    %and3A_3689 = arith.constant 31 : i32
    %and3A_3690 = vector.broadcast %and3A_3689 : i32 to vector<16xi32>
    %and3A_3691 = arith.andi %add3A_3650, %and3A_3690 : vector<16xi32>
    %select_n3A_3692 = arith.select %and3A_3686, %and3A_3691, %broadcast_in_dim3A_3688 : vector<16xi1>, vector<16xi32>
    %swap3A_3693 = arith.constant 800 : index
    %swap3A_3694 = tpu.vector_load %arg11[%swap3A_3693] {strides = array<i32>} : memref<4096xi32, #tpu.memory_space<vmem>>, vector<16xi32>,
    tpu.vector_store %arg11[%swap3A_3693], %select_n3A_3692 {strides = array<i32>} : memref<4096xi32, #tpu.memory_space<vmem>>, vector<16xi32>,
    %shift_right_arithmetic3A_3695 = arith.constant 5 : i32
    %shift_right_arithmetic3A_3696 = vector.broadcast %shift_right_arithmetic3A_3695 : i32 to vector<16xi32>
    %shift_right_arithmetic3A_3697 = arith.shrsi %add3A_3650, %shift_right_arithmetic3A_3696 : vector<16xi32>
    %select_n3A_3698 = arith.select %and3A_3686, %shift_right_arithmetic3A_3697, %broadcast_in_dim3A_3688 : vector<16xi1>, vector<16xi32>
    %swap3A_3699 = arith.constant 1824 : index
    %swap3A_3700 = tpu.vector_load %arg11[%swap3A_3699] {strides = array<i32>} : memref<4096xi32, #tpu.memory_space<vmem>>, vector<16xi32>,
    tpu.vector_store %arg11[%swap3A_3699], %select_n3A_3698 {strides = array<i32>} : memref<4096xi32, #tpu.memory_space<vmem>>, vector<16xi32>,
    %and3A_3701 = arith.constant 31 : i32
    %and3A_3702 = vector.broadcast %and3A_3701 : i32 to vector<16xi32>
    %and3A_3703 = arith.andi %get3A_3641, %and3A_3702 : vector<16xi32>
    %select_n3A_3704 = arith.select %and3A_3686, %and3A_3703, %broadcast_in_dim3A_3688 : vector<16xi1>, vector<16xi32>
    %swap3A_3705 = arith.constant 2848 : index
    %swap3A_3706 = tpu.vector_load %arg11[%swap3A_3705] {strides = array<i32>} : memref<4096xi32, #tpu.memory_space<vmem>>, vector<16xi32>,
    tpu.vector_store %arg11[%swap3A_3705], %select_n3A_3704 {strides = array<i32>} : memref<4096xi32, #tpu.memory_space<vmem>>, vector<16xi32>,
    %shift_right_arithmetic3A_3707 = arith.constant 5 : i32
    %shift_right_arithmetic3A_3708 = vector.broadcast %shift_right_arithmetic3A_3707 : i32 to vector<16xi32>
    %shift_right_arithmetic3A_3709 = arith.shrsi %get3A_3641, %shift_right_arithmetic3A_3708 : vector<16xi32>
    %select_n3A_3710 = arith.select %and3A_3686, %shift_right_arithmetic3A_3709, %broadcast_in_dim3A_3688 : vector<16xi1>, vector<16xi32>
    %swap3A_3711 = arith.constant 3872 : index
    %swap3A_3712 = tpu.vector_load %arg11[%swap3A_3711] {strides = array<i32>} : memref<4096xi32, #tpu.memory_space<vmem>>, vector<16xi32>,
    tpu.vector_store %arg11[%swap3A_3711], %select_n3A_3710 {strides = array<i32>} : memref<4096xi32, #tpu.memory_space<vmem>>, vector<16xi32>,
    %get3A_3713 = arith.constant 816 : index
    %get3A_3714 = tpu.vector_load %arg7[%get3A_3713] {strides = array<i32>} : memref<1024xi32, #tpu.memory_space<vmem>>, vector<16xi32>,
    %get3A_3715 = arith.constant 816 : index
    %get3A_3716 = tpu.vector_load %arg8[%get3A_3715] {strides = array<i32>} : memref<1024xi32, #tpu.memory_space<vmem>>, vector<16xi32>,
    %get3A_3717 = arith.constant 816 : index
    %get3A_3718 = tpu.vector_load %arg10[%get3A_3717] {strides = array<i32>} : memref<1024xf32, #tpu.memory_space<vmem>>, vector<16xf32>,
    %gather3A_3719 = tpu.vector_load_idx %arg8[%get3A_3714] : memref<1024xi32, #tpu.memory_space<vmem>>[vector<16xi32>], vector<16xi32>,
    %gather3A_3720 = tpu.vector_load_idx %arg9[%get3A_3714] : memref<1024xf32, #tpu.memory_space<vmem>>[vector<16xi32>], vector<16xf32>,
    %add3A_3721 = arith.constant 816 : i32
    %add3A_3722 = vector.broadcast %add3A_3721 : i32 to vector<16xi32>
    %add3A_3723 = arith.addi %iota3A, %add3A_3722 : vector<16xi32>
    %and3A_3724 = arith.constant 31 : i32
    %and3A_3725 = vector.broadcast %and3A_3724 : i32 to vector<16xi32>
    %and3A_3726 = arith.andi %gather3A_3719, %and3A_3725 : vector<16xi32>
    %and3A_3727 = arith.constant 31 : i32
    %and3A_3728 = vector.broadcast %and3A_3727 : i32 to vector<16xi32>
    %and3A_3729 = arith.andi %add3A_3723, %and3A_3728 : vector<16xi32>
    %sub3A_3730 = arith.subi %and3A_3726, %and3A_3729 : vector<16xi32>
    %shift_right_arithmetic3A_3731 = arith.constant 5 : i32
    %shift_right_arithmetic3A_3732 = vector.broadcast %shift_right_arithmetic3A_3731 : i32 to vector<16xi32>
    %shift_right_arithmetic3A_3733 = arith.shrsi %gather3A_3719, %shift_right_arithmetic3A_3732 : vector<16xi32>
    %shift_right_arithmetic3A_3734 = arith.constant 5 : i32
    %shift_right_arithmetic3A_3735 = vector.broadcast %shift_right_arithmetic3A_3734 : i32 to vector<16xi32>
    %shift_right_arithmetic3A_3736 = arith.shrsi %add3A_3723, %shift_right_arithmetic3A_3735 : vector<16xi32>
    %sub3A_3737 = arith.subi %shift_right_arithmetic3A_3733, %shift_right_arithmetic3A_3736 : vector<16xi32>
    %mul3A_3738 = arith.muli %sub3A_3730, %sub3A_3730 : vector<16xi32>
    %mul3A_3739 = arith.muli %sub3A_3737, %sub3A_3737 : vector<16xi32>
    %add3A_3740 = arith.addi %mul3A_3738, %mul3A_3739 : vector<16xi32>
    %le3A_3741 = arith.constant 9 : i32
    %le3A_3742 = vector.broadcast %le3A_3741 : i32 to vector<16xi32>
    %le3A_3743 = arith.cmpi sle, %add3A_3740, %le3A_3742 : vector<16xi32>
    %ge3A_3744 = arith.constant 1.000000e-01 : f32
    %ge3A_3745 = vector.broadcast %ge3A_3744 : f32 to vector<16xf32>
    %ge3A_3746 = arith.cmpf oge, %gather3A_3720, %ge3A_3745 : vector<16xf32>
    %and3A_3747 = arith.andi %le3A_3743, %ge3A_3746 : vector<16xi1>
    %ne3A_3748 = arith.constant 0 : i32
    %ne3A_3749 = vector.broadcast %ne3A_3748 : i32 to vector<16xi32>
    %ne3A_3750 = arith.cmpi ne, %get3A_3716, %ne3A_3749 : vector<16xi32>
    %ne3A_3751 = arith.constant 0 : i32
    %ne3A_3752 = vector.broadcast %ne3A_3751 : i32 to vector<16xi32>
    %ne3A_3753 = arith.cmpi ne, %get3A_3714, %ne3A_3752 : vector<16xi32>
    %and3A_3754 = arith.andi %ne3A_3750, %ne3A_3753 : vector<16xi1>
    %ne3A_3755 = arith.constant 0.000000e+00 : f32
    %ne3A_3756 = vector.broadcast %ne3A_3755 : f32 to vector<16xf32>
    %ne3A_3757 = arith.cmpf one, %get3A_3718, %ne3A_3756 : vector<16xf32>
    %and3A_3758 = arith.andi %ne3A_3757, %and3A_3747 : vector<16xi1>
    %and3A_3759 = arith.andi %and3A_3758, %and3A_3754 : vector<16xi1>
    %broadcast_in_dim3A_3760 = arith.constant -1 : i32
    %broadcast_in_dim3A_3761 = vector.broadcast %broadcast_in_dim3A_3760 : i32 to vector<16xi32>
    %and3A_3762 = arith.constant 31 : i32
    %and3A_3763 = vector.broadcast %and3A_3762 : i32 to vector<16xi32>
    %and3A_3764 = arith.andi %add3A_3723, %and3A_3763 : vector<16xi32>
    %select_n3A_3765 = arith.select %and3A_3759, %and3A_3764, %broadcast_in_dim3A_3761 : vector<16xi1>, vector<16xi32>
    %swap3A_3766 = arith.constant 816 : index
    %swap3A_3767 = tpu.vector_load %arg11[%swap3A_3766] {strides = array<i32>} : memref<4096xi32, #tpu.memory_space<vmem>>, vector<16xi32>,
    tpu.vector_store %arg11[%swap3A_3766], %select_n3A_3765 {strides = array<i32>} : memref<4096xi32, #tpu.memory_space<vmem>>, vector<16xi32>,
    %shift_right_arithmetic3A_3768 = arith.constant 5 : i32
    %shift_right_arithmetic3A_3769 = vector.broadcast %shift_right_arithmetic3A_3768 : i32 to vector<16xi32>
    %shift_right_arithmetic3A_3770 = arith.shrsi %add3A_3723, %shift_right_arithmetic3A_3769 : vector<16xi32>
    %select_n3A_3771 = arith.select %and3A_3759, %shift_right_arithmetic3A_3770, %broadcast_in_dim3A_3761 : vector<16xi1>, vector<16xi32>
    %swap3A_3772 = arith.constant 1840 : index
    %swap3A_3773 = tpu.vector_load %arg11[%swap3A_3772] {strides = array<i32>} : memref<4096xi32, #tpu.memory_space<vmem>>, vector<16xi32>,
    tpu.vector_store %arg11[%swap3A_3772], %select_n3A_3771 {strides = array<i32>} : memref<4096xi32, #tpu.memory_space<vmem>>, vector<16xi32>,
    %and3A_3774 = arith.constant 31 : i32
    %and3A_3775 = vector.broadcast %and3A_3774 : i32 to vector<16xi32>
    %and3A_3776 = arith.andi %get3A_3714, %and3A_3775 : vector<16xi32>
    %select_n3A_3777 = arith.select %and3A_3759, %and3A_3776, %broadcast_in_dim3A_3761 : vector<16xi1>, vector<16xi32>
    %swap3A_3778 = arith.constant 2864 : index
    %swap3A_3779 = tpu.vector_load %arg11[%swap3A_3778] {strides = array<i32>} : memref<4096xi32, #tpu.memory_space<vmem>>, vector<16xi32>,
    tpu.vector_store %arg11[%swap3A_3778], %select_n3A_3777 {strides = array<i32>} : memref<4096xi32, #tpu.memory_space<vmem>>, vector<16xi32>,
    %shift_right_arithmetic3A_3780 = arith.constant 5 : i32
    %shift_right_arithmetic3A_3781 = vector.broadcast %shift_right_arithmetic3A_3780 : i32 to vector<16xi32>
    %shift_right_arithmetic3A_3782 = arith.shrsi %get3A_3714, %shift_right_arithmetic3A_3781 : vector<16xi32>
    %select_n3A_3783 = arith.select %and3A_3759, %shift_right_arithmetic3A_3782, %broadcast_in_dim3A_3761 : vector<16xi1>, vector<16xi32>
    %swap3A_3784 = arith.constant 3888 : index
    %swap3A_3785 = tpu.vector_load %arg11[%swap3A_3784] {strides = array<i32>} : memref<4096xi32, #tpu.memory_space<vmem>>, vector<16xi32>,
    tpu.vector_store %arg11[%swap3A_3784], %select_n3A_3783 {strides = array<i32>} : memref<4096xi32, #tpu.memory_space<vmem>>, vector<16xi32>,
    %get3A_3786 = arith.constant 832 : index
    %get3A_3787 = tpu.vector_load %arg7[%get3A_3786] {strides = array<i32>} : memref<1024xi32, #tpu.memory_space<vmem>>, vector<16xi32>,
    %get3A_3788 = arith.constant 832 : index
    %get3A_3789 = tpu.vector_load %arg8[%get3A_3788] {strides = array<i32>} : memref<1024xi32, #tpu.memory_space<vmem>>, vector<16xi32>,
    %get3A_3790 = arith.constant 832 : index
    %get3A_3791 = tpu.vector_load %arg10[%get3A_3790] {strides = array<i32>} : memref<1024xf32, #tpu.memory_space<vmem>>, vector<16xf32>,
    %gather3A_3792 = tpu.vector_load_idx %arg8[%get3A_3787] : memref<1024xi32, #tpu.memory_space<vmem>>[vector<16xi32>], vector<16xi32>,
    %gather3A_3793 = tpu.vector_load_idx %arg9[%get3A_3787] : memref<1024xf32, #tpu.memory_space<vmem>>[vector<16xi32>], vector<16xf32>,
    %add3A_3794 = arith.constant 832 : i32
    %add3A_3795 = vector.broadcast %add3A_3794 : i32 to vector<16xi32>
    %add3A_3796 = arith.addi %iota3A, %add3A_3795 : vector<16xi32>
    %and3A_3797 = arith.constant 31 : i32
    %and3A_3798 = vector.broadcast %and3A_3797 : i32 to vector<16xi32>
    %and3A_3799 = arith.andi %gather3A_3792, %and3A_3798 : vector<16xi32>
    %and3A_3800 = arith.constant 31 : i32
    %and3A_3801 = vector.broadcast %and3A_3800 : i32 to vector<16xi32>
    %and3A_3802 = arith.andi %add3A_3796, %and3A_3801 : vector<16xi32>
    %sub3A_3803 = arith.subi %and3A_3799, %and3A_3802 : vector<16xi32>
    %shift_right_arithmetic3A_3804 = arith.constant 5 : i32
    %shift_right_arithmetic3A_3805 = vector.broadcast %shift_right_arithmetic3A_3804 : i32 to vector<16xi32>
    %shift_right_arithmetic3A_3806 = arith.shrsi %gather3A_3792, %shift_right_arithmetic3A_3805 : vector<16xi32>
    %shift_right_arithmetic3A_3807 = arith.constant 5 : i32
    %shift_right_arithmetic3A_3808 = vector.broadcast %shift_right_arithmetic3A_3807 : i32 to vector<16xi32>
    %shift_right_arithmetic3A_3809 = arith.shrsi %add3A_3796, %shift_right_arithmetic3A_3808 : vector<16xi32>
    %sub3A_3810 = arith.subi %shift_right_arithmetic3A_3806, %shift_right_arithmetic3A_3809 : vector<16xi32>
    %mul3A_3811 = arith.muli %sub3A_3803, %sub3A_3803 : vector<16xi32>
    %mul3A_3812 = arith.muli %sub3A_3810, %sub3A_3810 : vector<16xi32>
    %add3A_3813 = arith.addi %mul3A_3811, %mul3A_3812 : vector<16xi32>
    %le3A_3814 = arith.constant 9 : i32
    %le3A_3815 = vector.broadcast %le3A_3814 : i32 to vector<16xi32>
    %le3A_3816 = arith.cmpi sle, %add3A_3813, %le3A_3815 : vector<16xi32>
    %ge3A_3817 = arith.constant 1.000000e-01 : f32
    %ge3A_3818 = vector.broadcast %ge3A_3817 : f32 to vector<16xf32>
    %ge3A_3819 = arith.cmpf oge, %gather3A_3793, %ge3A_3818 : vector<16xf32>
    %and3A_3820 = arith.andi %le3A_3816, %ge3A_3819 : vector<16xi1>
    %ne3A_3821 = arith.constant 0 : i32
    %ne3A_3822 = vector.broadcast %ne3A_3821 : i32 to vector<16xi32>
    %ne3A_3823 = arith.cmpi ne, %get3A_3789, %ne3A_3822 : vector<16xi32>
    %ne3A_3824 = arith.constant 0 : i32
    %ne3A_3825 = vector.broadcast %ne3A_3824 : i32 to vector<16xi32>
    %ne3A_3826 = arith.cmpi ne, %get3A_3787, %ne3A_3825 : vector<16xi32>
    %and3A_3827 = arith.andi %ne3A_3823, %ne3A_3826 : vector<16xi1>
    %ne3A_3828 = arith.constant 0.000000e+00 : f32
    %ne3A_3829 = vector.broadcast %ne3A_3828 : f32 to vector<16xf32>
    %ne3A_3830 = arith.cmpf one, %get3A_3791, %ne3A_3829 : vector<16xf32>
    %and3A_3831 = arith.andi %ne3A_3830, %and3A_3820 : vector<16xi1>
    %and3A_3832 = arith.andi %and3A_3831, %and3A_3827 : vector<16xi1>
    %broadcast_in_dim3A_3833 = arith.constant -1 : i32
    %broadcast_in_dim3A_3834 = vector.broadcast %broadcast_in_dim3A_3833 : i32 to vector<16xi32>
    %and3A_3835 = arith.constant 31 : i32
    %and3A_3836 = vector.broadcast %and3A_3835 : i32 to vector<16xi32>
    %and3A_3837 = arith.andi %add3A_3796, %and3A_3836 : vector<16xi32>
    %select_n3A_3838 = arith.select %and3A_3832, %and3A_3837, %broadcast_in_dim3A_3834 : vector<16xi1>, vector<16xi32>
    %swap3A_3839 = arith.constant 832 : index
    %swap3A_3840 = tpu.vector_load %arg11[%swap3A_3839] {strides = array<i32>} : memref<4096xi32, #tpu.memory_space<vmem>>, vector<16xi32>,
    tpu.vector_store %arg11[%swap3A_3839], %select_n3A_3838 {strides = array<i32>} : memref<4096xi32, #tpu.memory_space<vmem>>, vector<16xi32>,
    %shift_right_arithmetic3A_3841 = arith.constant 5 : i32
    %shift_right_arithmetic3A_3842 = vector.broadcast %shift_right_arithmetic3A_3841 : i32 to vector<16xi32>
    %shift_right_arithmetic3A_3843 = arith.shrsi %add3A_3796, %shift_right_arithmetic3A_3842 : vector<16xi32>
    %select_n3A_3844 = arith.select %and3A_3832, %shift_right_arithmetic3A_3843, %broadcast_in_dim3A_3834 : vector<16xi1>, vector<16xi32>
    %swap3A_3845 = arith.constant 1856 : index
    %swap3A_3846 = tpu.vector_load %arg11[%swap3A_3845] {strides = array<i32>} : memref<4096xi32, #tpu.memory_space<vmem>>, vector<16xi32>,
    tpu.vector_store %arg11[%swap3A_3845], %select_n3A_3844 {strides = array<i32>} : memref<4096xi32, #tpu.memory_space<vmem>>, vector<16xi32>,
    %and3A_3847 = arith.constant 31 : i32
    %and3A_3848 = vector.broadcast %and3A_3847 : i32 to vector<16xi32>
    %and3A_3849 = arith.andi %get3A_3787, %and3A_3848 : vector<16xi32>
    %select_n3A_3850 = arith.select %and3A_3832, %and3A_3849, %broadcast_in_dim3A_3834 : vector<16xi1>, vector<16xi32>
    %swap3A_3851 = arith.constant 2880 : index
    %swap3A_3852 = tpu.vector_load %arg11[%swap3A_3851] {strides = array<i32>} : memref<4096xi32, #tpu.memory_space<vmem>>, vector<16xi32>,
    tpu.vector_store %arg11[%swap3A_3851], %select_n3A_3850 {strides = array<i32>} : memref<4096xi32, #tpu.memory_space<vmem>>, vector<16xi32>,
    %shift_right_arithmetic3A_3853 = arith.constant 5 : i32
    %shift_right_arithmetic3A_3854 = vector.broadcast %shift_right_arithmetic3A_3853 : i32 to vector<16xi32>
    %shift_right_arithmetic3A_3855 = arith.shrsi %get3A_3787, %shift_right_arithmetic3A_3854 : vector<16xi32>
    %select_n3A_3856 = arith.select %and3A_3832, %shift_right_arithmetic3A_3855, %broadcast_in_dim3A_3834 : vector<16xi1>, vector<16xi32>
    %swap3A_3857 = arith.constant 3904 : index
    %swap3A_3858 = tpu.vector_load %arg11[%swap3A_3857] {strides = array<i32>} : memref<4096xi32, #tpu.memory_space<vmem>>, vector<16xi32>,
    tpu.vector_store %arg11[%swap3A_3857], %select_n3A_3856 {strides = array<i32>} : memref<4096xi32, #tpu.memory_space<vmem>>, vector<16xi32>,
    %get3A_3859 = arith.constant 848 : index
    %get3A_3860 = tpu.vector_load %arg7[%get3A_3859] {strides = array<i32>} : memref<1024xi32, #tpu.memory_space<vmem>>, vector<16xi32>,
    %get3A_3861 = arith.constant 848 : index
    %get3A_3862 = tpu.vector_load %arg8[%get3A_3861] {strides = array<i32>} : memref<1024xi32, #tpu.memory_space<vmem>>, vector<16xi32>,
    %get3A_3863 = arith.constant 848 : index
    %get3A_3864 = tpu.vector_load %arg10[%get3A_3863] {strides = array<i32>} : memref<1024xf32, #tpu.memory_space<vmem>>, vector<16xf32>,
    %gather3A_3865 = tpu.vector_load_idx %arg8[%get3A_3860] : memref<1024xi32, #tpu.memory_space<vmem>>[vector<16xi32>], vector<16xi32>,
    %gather3A_3866 = tpu.vector_load_idx %arg9[%get3A_3860] : memref<1024xf32, #tpu.memory_space<vmem>>[vector<16xi32>], vector<16xf32>,
    %add3A_3867 = arith.constant 848 : i32
    %add3A_3868 = vector.broadcast %add3A_3867 : i32 to vector<16xi32>
    %add3A_3869 = arith.addi %iota3A, %add3A_3868 : vector<16xi32>
    %and3A_3870 = arith.constant 31 : i32
    %and3A_3871 = vector.broadcast %and3A_3870 : i32 to vector<16xi32>
    %and3A_3872 = arith.andi %gather3A_3865, %and3A_3871 : vector<16xi32>
    %and3A_3873 = arith.constant 31 : i32
    %and3A_3874 = vector.broadcast %and3A_3873 : i32 to vector<16xi32>
    %and3A_3875 = arith.andi %add3A_3869, %and3A_3874 : vector<16xi32>
    %sub3A_3876 = arith.subi %and3A_3872, %and3A_3875 : vector<16xi32>
    %shift_right_arithmetic3A_3877 = arith.constant 5 : i32
    %shift_right_arithmetic3A_3878 = vector.broadcast %shift_right_arithmetic3A_3877 : i32 to vector<16xi32>
    %shift_right_arithmetic3A_3879 = arith.shrsi %gather3A_3865, %shift_right_arithmetic3A_3878 : vector<16xi32>
    %shift_right_arithmetic3A_3880 = arith.constant 5 : i32
    %shift_right_arithmetic3A_3881 = vector.broadcast %shift_right_arithmetic3A_3880 : i32 to vector<16xi32>
    %shift_right_arithmetic3A_3882 = arith.shrsi %add3A_3869, %shift_right_arithmetic3A_3881 : vector<16xi32>
    %sub3A_3883 = arith.subi %shift_right_arithmetic3A_3879, %shift_right_arithmetic3A_3882 : vector<16xi32>
    %mul3A_3884 = arith.muli %sub3A_3876, %sub3A_3876 : vector<16xi32>
    %mul3A_3885 = arith.muli %sub3A_3883, %sub3A_3883 : vector<16xi32>
    %add3A_3886 = arith.addi %mul3A_3884, %mul3A_3885 : vector<16xi32>
    %le3A_3887 = arith.constant 9 : i32
    %le3A_3888 = vector.broadcast %le3A_3887 : i32 to vector<16xi32>
    %le3A_3889 = arith.cmpi sle, %add3A_3886, %le3A_3888 : vector<16xi32>
    %ge3A_3890 = arith.constant 1.000000e-01 : f32
    %ge3A_3891 = vector.broadcast %ge3A_3890 : f32 to vector<16xf32>
    %ge3A_3892 = arith.cmpf oge, %gather3A_3866, %ge3A_3891 : vector<16xf32>
    %and3A_3893 = arith.andi %le3A_3889, %ge3A_3892 : vector<16xi1>
    %ne3A_3894 = arith.constant 0 : i32
    %ne3A_3895 = vector.broadcast %ne3A_3894 : i32 to vector<16xi32>
    %ne3A_3896 = arith.cmpi ne, %get3A_3862, %ne3A_3895 : vector<16xi32>
    %ne3A_3897 = arith.constant 0 : i32
    %ne3A_3898 = vector.broadcast %ne3A_3897 : i32 to vector<16xi32>
    %ne3A_3899 = arith.cmpi ne, %get3A_3860, %ne3A_3898 : vector<16xi32>
    %and3A_3900 = arith.andi %ne3A_3896, %ne3A_3899 : vector<16xi1>
    %ne3A_3901 = arith.constant 0.000000e+00 : f32
    %ne3A_3902 = vector.broadcast %ne3A_3901 : f32 to vector<16xf32>
    %ne3A_3903 = arith.cmpf one, %get3A_3864, %ne3A_3902 : vector<16xf32>
    %and3A_3904 = arith.andi %ne3A_3903, %and3A_3893 : vector<16xi1>
    %and3A_3905 = arith.andi %and3A_3904, %and3A_3900 : vector<16xi1>
    %broadcast_in_dim3A_3906 = arith.constant -1 : i32
    %broadcast_in_dim3A_3907 = vector.broadcast %broadcast_in_dim3A_3906 : i32 to vector<16xi32>
    %and3A_3908 = arith.constant 31 : i32
    %and3A_3909 = vector.broadcast %and3A_3908 : i32 to vector<16xi32>
    %and3A_3910 = arith.andi %add3A_3869, %and3A_3909 : vector<16xi32>
    %select_n3A_3911 = arith.select %and3A_3905, %and3A_3910, %broadcast_in_dim3A_3907 : vector<16xi1>, vector<16xi32>
    %swap3A_3912 = arith.constant 848 : index
    %swap3A_3913 = tpu.vector_load %arg11[%swap3A_3912] {strides = array<i32>} : memref<4096xi32, #tpu.memory_space<vmem>>, vector<16xi32>,
    tpu.vector_store %arg11[%swap3A_3912], %select_n3A_3911 {strides = array<i32>} : memref<4096xi32, #tpu.memory_space<vmem>>, vector<16xi32>,
    %shift_right_arithmetic3A_3914 = arith.constant 5 : i32
    %shift_right_arithmetic3A_3915 = vector.broadcast %shift_right_arithmetic3A_3914 : i32 to vector<16xi32>
    %shift_right_arithmetic3A_3916 = arith.shrsi %add3A_3869, %shift_right_arithmetic3A_3915 : vector<16xi32>
    %select_n3A_3917 = arith.select %and3A_3905, %shift_right_arithmetic3A_3916, %broadcast_in_dim3A_3907 : vector<16xi1>, vector<16xi32>
    %swap3A_3918 = arith.constant 1872 : index
    %swap3A_3919 = tpu.vector_load %arg11[%swap3A_3918] {strides = array<i32>} : memref<4096xi32, #tpu.memory_space<vmem>>, vector<16xi32>,
    tpu.vector_store %arg11[%swap3A_3918], %select_n3A_3917 {strides = array<i32>} : memref<4096xi32, #tpu.memory_space<vmem>>, vector<16xi32>,
    %and3A_3920 = arith.constant 31 : i32
    %and3A_3921 = vector.broadcast %and3A_3920 : i32 to vector<16xi32>
    %and3A_3922 = arith.andi %get3A_3860, %and3A_3921 : vector<16xi32>
    %select_n3A_3923 = arith.select %and3A_3905, %and3A_3922, %broadcast_in_dim3A_3907 : vector<16xi1>, vector<16xi32>
    %swap3A_3924 = arith.constant 2896 : index
    %swap3A_3925 = tpu.vector_load %arg11[%swap3A_3924] {strides = array<i32>} : memref<4096xi32, #tpu.memory_space<vmem>>, vector<16xi32>,
    tpu.vector_store %arg11[%swap3A_3924], %select_n3A_3923 {strides = array<i32>} : memref<4096xi32, #tpu.memory_space<vmem>>, vector<16xi32>,
    %shift_right_arithmetic3A_3926 = arith.constant 5 : i32
    %shift_right_arithmetic3A_3927 = vector.broadcast %shift_right_arithmetic3A_3926 : i32 to vector<16xi32>
    %shift_right_arithmetic3A_3928 = arith.shrsi %get3A_3860, %shift_right_arithmetic3A_3927 : vector<16xi32>
    %select_n3A_3929 = arith.select %and3A_3905, %shift_right_arithmetic3A_3928, %broadcast_in_dim3A_3907 : vector<16xi1>, vector<16xi32>
    %swap3A_3930 = arith.constant 3920 : index
    %swap3A_3931 = tpu.vector_load %arg11[%swap3A_3930] {strides = array<i32>} : memref<4096xi32, #tpu.memory_space<vmem>>, vector<16xi32>,
    tpu.vector_store %arg11[%swap3A_3930], %select_n3A_3929 {strides = array<i32>} : memref<4096xi32, #tpu.memory_space<vmem>>, vector<16xi32>,
    %get3A_3932 = arith.constant 864 : index
    %get3A_3933 = tpu.vector_load %arg7[%get3A_3932] {strides = array<i32>} : memref<1024xi32, #tpu.memory_space<vmem>>, vector<16xi32>,
    %get3A_3934 = arith.constant 864 : index
    %get3A_3935 = tpu.vector_load %arg8[%get3A_3934] {strides = array<i32>} : memref<1024xi32, #tpu.memory_space<vmem>>, vector<16xi32>,
    %get3A_3936 = arith.constant 864 : index
    %get3A_3937 = tpu.vector_load %arg10[%get3A_3936] {strides = array<i32>} : memref<1024xf32, #tpu.memory_space<vmem>>, vector<16xf32>,
    %gather3A_3938 = tpu.vector_load_idx %arg8[%get3A_3933] : memref<1024xi32, #tpu.memory_space<vmem>>[vector<16xi32>], vector<16xi32>,
    %gather3A_3939 = tpu.vector_load_idx %arg9[%get3A_3933] : memref<1024xf32, #tpu.memory_space<vmem>>[vector<16xi32>], vector<16xf32>,
    %add3A_3940 = arith.constant 864 : i32
    %add3A_3941 = vector.broadcast %add3A_3940 : i32 to vector<16xi32>
    %add3A_3942 = arith.addi %iota3A, %add3A_3941 : vector<16xi32>
    %and3A_3943 = arith.constant 31 : i32
    %and3A_3944 = vector.broadcast %and3A_3943 : i32 to vector<16xi32>
    %and3A_3945 = arith.andi %gather3A_3938, %and3A_3944 : vector<16xi32>
    %and3A_3946 = arith.constant 31 : i32
    %and3A_3947 = vector.broadcast %and3A_3946 : i32 to vector<16xi32>
    %and3A_3948 = arith.andi %add3A_3942, %and3A_3947 : vector<16xi32>
    %sub3A_3949 = arith.subi %and3A_3945, %and3A_3948 : vector<16xi32>
    %shift_right_arithmetic3A_3950 = arith.constant 5 : i32
    %shift_right_arithmetic3A_3951 = vector.broadcast %shift_right_arithmetic3A_3950 : i32 to vector<16xi32>
    %shift_right_arithmetic3A_3952 = arith.shrsi %gather3A_3938, %shift_right_arithmetic3A_3951 : vector<16xi32>
    %shift_right_arithmetic3A_3953 = arith.constant 5 : i32
    %shift_right_arithmetic3A_3954 = vector.broadcast %shift_right_arithmetic3A_3953 : i32 to vector<16xi32>
    %shift_right_arithmetic3A_3955 = arith.shrsi %add3A_3942, %shift_right_arithmetic3A_3954 : vector<16xi32>
    %sub3A_3956 = arith.subi %shift_right_arithmetic3A_3952, %shift_right_arithmetic3A_3955 : vector<16xi32>
    %mul3A_3957 = arith.muli %sub3A_3949, %sub3A_3949 : vector<16xi32>
    %mul3A_3958 = arith.muli %sub3A_3956, %sub3A_3956 : vector<16xi32>
    %add3A_3959 = arith.addi %mul3A_3957, %mul3A_3958 : vector<16xi32>
    %le3A_3960 = arith.constant 9 : i32
    %le3A_3961 = vector.broadcast %le3A_3960 : i32 to vector<16xi32>
    %le3A_3962 = arith.cmpi sle, %add3A_3959, %le3A_3961 : vector<16xi32>
    %ge3A_3963 = arith.constant 1.000000e-01 : f32
    %ge3A_3964 = vector.broadcast %ge3A_3963 : f32 to vector<16xf32>
    %ge3A_3965 = arith.cmpf oge, %gather3A_3939, %ge3A_3964 : vector<16xf32>
    %and3A_3966 = arith.andi %le3A_3962, %ge3A_3965 : vector<16xi1>
    %ne3A_3967 = arith.constant 0 : i32
    %ne3A_3968 = vector.broadcast %ne3A_3967 : i32 to vector<16xi32>
    %ne3A_3969 = arith.cmpi ne, %get3A_3935, %ne3A_3968 : vector<16xi32>
    %ne3A_3970 = arith.constant 0 : i32
    %ne3A_3971 = vector.broadcast %ne3A_3970 : i32 to vector<16xi32>
    %ne3A_3972 = arith.cmpi ne, %get3A_3933, %ne3A_3971 : vector<16xi32>
    %and3A_3973 = arith.andi %ne3A_3969, %ne3A_3972 : vector<16xi1>
    %ne3A_3974 = arith.constant 0.000000e+00 : f32
    %ne3A_3975 = vector.broadcast %ne3A_3974 : f32 to vector<16xf32>
    %ne3A_3976 = arith.cmpf one, %get3A_3937, %ne3A_3975 : vector<16xf32>
    %and3A_3977 = arith.andi %ne3A_3976, %and3A_3966 : vector<16xi1>
    %and3A_3978 = arith.andi %and3A_3977, %and3A_3973 : vector<16xi1>
    %broadcast_in_dim3A_3979 = arith.constant -1 : i32
    %broadcast_in_dim3A_3980 = vector.broadcast %broadcast_in_dim3A_3979 : i32 to vector<16xi32>
    %and3A_3981 = arith.constant 31 : i32
    %and3A_3982 = vector.broadcast %and3A_3981 : i32 to vector<16xi32>
    %and3A_3983 = arith.andi %add3A_3942, %and3A_3982 : vector<16xi32>
    %select_n3A_3984 = arith.select %and3A_3978, %and3A_3983, %broadcast_in_dim3A_3980 : vector<16xi1>, vector<16xi32>
    %swap3A_3985 = arith.constant 864 : index
    %swap3A_3986 = tpu.vector_load %arg11[%swap3A_3985] {strides = array<i32>} : memref<4096xi32, #tpu.memory_space<vmem>>, vector<16xi32>,
    tpu.vector_store %arg11[%swap3A_3985], %select_n3A_3984 {strides = array<i32>} : memref<4096xi32, #tpu.memory_space<vmem>>, vector<16xi32>,
    %shift_right_arithmetic3A_3987 = arith.constant 5 : i32
    %shift_right_arithmetic3A_3988 = vector.broadcast %shift_right_arithmetic3A_3987 : i32 to vector<16xi32>
    %shift_right_arithmetic3A_3989 = arith.shrsi %add3A_3942, %shift_right_arithmetic3A_3988 : vector<16xi32>
    %select_n3A_3990 = arith.select %and3A_3978, %shift_right_arithmetic3A_3989, %broadcast_in_dim3A_3980 : vector<16xi1>, vector<16xi32>
    %swap3A_3991 = arith.constant 1888 : index
    %swap3A_3992 = tpu.vector_load %arg11[%swap3A_3991] {strides = array<i32>} : memref<4096xi32, #tpu.memory_space<vmem>>, vector<16xi32>,
    tpu.vector_store %arg11[%swap3A_3991], %select_n3A_3990 {strides = array<i32>} : memref<4096xi32, #tpu.memory_space<vmem>>, vector<16xi32>,
    %and3A_3993 = arith.constant 31 : i32
    %and3A_3994 = vector.broadcast %and3A_3993 : i32 to vector<16xi32>
    %and3A_3995 = arith.andi %get3A_3933, %and3A_3994 : vector<16xi32>
    %select_n3A_3996 = arith.select %and3A_3978, %and3A_3995, %broadcast_in_dim3A_3980 : vector<16xi1>, vector<16xi32>
    %swap3A_3997 = arith.constant 2912 : index
    %swap3A_3998 = tpu.vector_load %arg11[%swap3A_3997] {strides = array<i32>} : memref<4096xi32, #tpu.memory_space<vmem>>, vector<16xi32>,
    tpu.vector_store %arg11[%swap3A_3997], %select_n3A_3996 {strides = array<i32>} : memref<4096xi32, #tpu.memory_space<vmem>>, vector<16xi32>,
    %shift_right_arithmetic3A_3999 = arith.constant 5 : i32
    %shift_right_arithmetic3A_4000 = vector.broadcast %shift_right_arithmetic3A_3999 : i32 to vector<16xi32>
    %shift_right_arithmetic3A_4001 = arith.shrsi %get3A_3933, %shift_right_arithmetic3A_4000 : vector<16xi32>
    %select_n3A_4002 = arith.select %and3A_3978, %shift_right_arithmetic3A_4001, %broadcast_in_dim3A_3980 : vector<16xi1>, vector<16xi32>
    %swap3A_4003 = arith.constant 3936 : index
    %swap3A_4004 = tpu.vector_load %arg11[%swap3A_4003] {strides = array<i32>} : memref<4096xi32, #tpu.memory_space<vmem>>, vector<16xi32>,
    tpu.vector_store %arg11[%swap3A_4003], %select_n3A_4002 {strides = array<i32>} : memref<4096xi32, #tpu.memory_space<vmem>>, vector<16xi32>,
    %get3A_4005 = arith.constant 880 : index
    %get3A_4006 = tpu.vector_load %arg7[%get3A_4005] {strides = array<i32>} : memref<1024xi32, #tpu.memory_space<vmem>>, vector<16xi32>,
    %get3A_4007 = arith.constant 880 : index
    %get3A_4008 = tpu.vector_load %arg8[%get3A_4007] {strides = array<i32>} : memref<1024xi32, #tpu.memory_space<vmem>>, vector<16xi32>,
    %get3A_4009 = arith.constant 880 : index
    %get3A_4010 = tpu.vector_load %arg10[%get3A_4009] {strides = array<i32>} : memref<1024xf32, #tpu.memory_space<vmem>>, vector<16xf32>,
    %gather3A_4011 = tpu.vector_load_idx %arg8[%get3A_4006] : memref<1024xi32, #tpu.memory_space<vmem>>[vector<16xi32>], vector<16xi32>,
    %gather3A_4012 = tpu.vector_load_idx %arg9[%get3A_4006] : memref<1024xf32, #tpu.memory_space<vmem>>[vector<16xi32>], vector<16xf32>,
    %add3A_4013 = arith.constant 880 : i32
    %add3A_4014 = vector.broadcast %add3A_4013 : i32 to vector<16xi32>
    %add3A_4015 = arith.addi %iota3A, %add3A_4014 : vector<16xi32>
    %and3A_4016 = arith.constant 31 : i32
    %and3A_4017 = vector.broadcast %and3A_4016 : i32 to vector<16xi32>
    %and3A_4018 = arith.andi %gather3A_4011, %and3A_4017 : vector<16xi32>
    %and3A_4019 = arith.constant 31 : i32
    %and3A_4020 = vector.broadcast %and3A_4019 : i32 to vector<16xi32>
    %and3A_4021 = arith.andi %add3A_4015, %and3A_4020 : vector<16xi32>
    %sub3A_4022 = arith.subi %and3A_4018, %and3A_4021 : vector<16xi32>
    %shift_right_arithmetic3A_4023 = arith.constant 5 : i32
    %shift_right_arithmetic3A_4024 = vector.broadcast %shift_right_arithmetic3A_4023 : i32 to vector<16xi32>
    %shift_right_arithmetic3A_4025 = arith.shrsi %gather3A_4011, %shift_right_arithmetic3A_4024 : vector<16xi32>
    %shift_right_arithmetic3A_4026 = arith.constant 5 : i32
    %shift_right_arithmetic3A_4027 = vector.broadcast %shift_right_arithmetic3A_4026 : i32 to vector<16xi32>
    %shift_right_arithmetic3A_4028 = arith.shrsi %add3A_4015, %shift_right_arithmetic3A_4027 : vector<16xi32>
    %sub3A_4029 = arith.subi %shift_right_arithmetic3A_4025, %shift_right_arithmetic3A_4028 : vector<16xi32>
    %mul3A_4030 = arith.muli %sub3A_4022, %sub3A_4022 : vector<16xi32>
    %mul3A_4031 = arith.muli %sub3A_4029, %sub3A_4029 : vector<16xi32>
    %add3A_4032 = arith.addi %mul3A_4030, %mul3A_4031 : vector<16xi32>
    %le3A_4033 = arith.constant 9 : i32
    %le3A_4034 = vector.broadcast %le3A_4033 : i32 to vector<16xi32>
    %le3A_4035 = arith.cmpi sle, %add3A_4032, %le3A_4034 : vector<16xi32>
    %ge3A_4036 = arith.constant 1.000000e-01 : f32
    %ge3A_4037 = vector.broadcast %ge3A_4036 : f32 to vector<16xf32>
    %ge3A_4038 = arith.cmpf oge, %gather3A_4012, %ge3A_4037 : vector<16xf32>
    %and3A_4039 = arith.andi %le3A_4035, %ge3A_4038 : vector<16xi1>
    %ne3A_4040 = arith.constant 0 : i32
    %ne3A_4041 = vector.broadcast %ne3A_4040 : i32 to vector<16xi32>
    %ne3A_4042 = arith.cmpi ne, %get3A_4008, %ne3A_4041 : vector<16xi32>
    %ne3A_4043 = arith.constant 0 : i32
    %ne3A_4044 = vector.broadcast %ne3A_4043 : i32 to vector<16xi32>
    %ne3A_4045 = arith.cmpi ne, %get3A_4006, %ne3A_4044 : vector<16xi32>
    %and3A_4046 = arith.andi %ne3A_4042, %ne3A_4045 : vector<16xi1>
    %ne3A_4047 = arith.constant 0.000000e+00 : f32
    %ne3A_4048 = vector.broadcast %ne3A_4047 : f32 to vector<16xf32>
    %ne3A_4049 = arith.cmpf one, %get3A_4010, %ne3A_4048 : vector<16xf32>
    %and3A_4050 = arith.andi %ne3A_4049, %and3A_4039 : vector<16xi1>
    %and3A_4051 = arith.andi %and3A_4050, %and3A_4046 : vector<16xi1>
    %broadcast_in_dim3A_4052 = arith.constant -1 : i32
    %broadcast_in_dim3A_4053 = vector.broadcast %broadcast_in_dim3A_4052 : i32 to vector<16xi32>
    %and3A_4054 = arith.constant 31 : i32
    %and3A_4055 = vector.broadcast %and3A_4054 : i32 to vector<16xi32>
    %and3A_4056 = arith.andi %add3A_4015, %and3A_4055 : vector<16xi32>
    %select_n3A_4057 = arith.select %and3A_4051, %and3A_4056, %broadcast_in_dim3A_4053 : vector<16xi1>, vector<16xi32>
    %swap3A_4058 = arith.constant 880 : index
    %swap3A_4059 = tpu.vector_load %arg11[%swap3A_4058] {strides = array<i32>} : memref<4096xi32, #tpu.memory_space<vmem>>, vector<16xi32>,
    tpu.vector_store %arg11[%swap3A_4058], %select_n3A_4057 {strides = array<i32>} : memref<4096xi32, #tpu.memory_space<vmem>>, vector<16xi32>,
    %shift_right_arithmetic3A_4060 = arith.constant 5 : i32
    %shift_right_arithmetic3A_4061 = vector.broadcast %shift_right_arithmetic3A_4060 : i32 to vector<16xi32>
    %shift_right_arithmetic3A_4062 = arith.shrsi %add3A_4015, %shift_right_arithmetic3A_4061 : vector<16xi32>
    %select_n3A_4063 = arith.select %and3A_4051, %shift_right_arithmetic3A_4062, %broadcast_in_dim3A_4053 : vector<16xi1>, vector<16xi32>
    %swap3A_4064 = arith.constant 1904 : index
    %swap3A_4065 = tpu.vector_load %arg11[%swap3A_4064] {strides = array<i32>} : memref<4096xi32, #tpu.memory_space<vmem>>, vector<16xi32>,
    tpu.vector_store %arg11[%swap3A_4064], %select_n3A_4063 {strides = array<i32>} : memref<4096xi32, #tpu.memory_space<vmem>>, vector<16xi32>,
    %and3A_4066 = arith.constant 31 : i32
    %and3A_4067 = vector.broadcast %and3A_4066 : i32 to vector<16xi32>
    %and3A_4068 = arith.andi %get3A_4006, %and3A_4067 : vector<16xi32>
    %select_n3A_4069 = arith.select %and3A_4051, %and3A_4068, %broadcast_in_dim3A_4053 : vector<16xi1>, vector<16xi32>
    %swap3A_4070 = arith.constant 2928 : index
    %swap3A_4071 = tpu.vector_load %arg11[%swap3A_4070] {strides = array<i32>} : memref<4096xi32, #tpu.memory_space<vmem>>, vector<16xi32>,
    tpu.vector_store %arg11[%swap3A_4070], %select_n3A_4069 {strides = array<i32>} : memref<4096xi32, #tpu.memory_space<vmem>>, vector<16xi32>,
    %shift_right_arithmetic3A_4072 = arith.constant 5 : i32
    %shift_right_arithmetic3A_4073 = vector.broadcast %shift_right_arithmetic3A_4072 : i32 to vector<16xi32>
    %shift_right_arithmetic3A_4074 = arith.shrsi %get3A_4006, %shift_right_arithmetic3A_4073 : vector<16xi32>
    %select_n3A_4075 = arith.select %and3A_4051, %shift_right_arithmetic3A_4074, %broadcast_in_dim3A_4053 : vector<16xi1>, vector<16xi32>
    %swap3A_4076 = arith.constant 3952 : index
    %swap3A_4077 = tpu.vector_load %arg11[%swap3A_4076] {strides = array<i32>} : memref<4096xi32, #tpu.memory_space<vmem>>, vector<16xi32>,
    tpu.vector_store %arg11[%swap3A_4076], %select_n3A_4075 {strides = array<i32>} : memref<4096xi32, #tpu.memory_space<vmem>>, vector<16xi32>,
    %get3A_4078 = arith.constant 896 : index
    %get3A_4079 = tpu.vector_load %arg7[%get3A_4078] {strides = array<i32>} : memref<1024xi32, #tpu.memory_space<vmem>>, vector<16xi32>,
    %get3A_4080 = arith.constant 896 : index
    %get3A_4081 = tpu.vector_load %arg8[%get3A_4080] {strides = array<i32>} : memref<1024xi32, #tpu.memory_space<vmem>>, vector<16xi32>,
    %get3A_4082 = arith.constant 896 : index
    %get3A_4083 = tpu.vector_load %arg10[%get3A_4082] {strides = array<i32>} : memref<1024xf32, #tpu.memory_space<vmem>>, vector<16xf32>,
    %gather3A_4084 = tpu.vector_load_idx %arg8[%get3A_4079] : memref<1024xi32, #tpu.memory_space<vmem>>[vector<16xi32>], vector<16xi32>,
    %gather3A_4085 = tpu.vector_load_idx %arg9[%get3A_4079] : memref<1024xf32, #tpu.memory_space<vmem>>[vector<16xi32>], vector<16xf32>,
    %add3A_4086 = arith.constant 896 : i32
    %add3A_4087 = vector.broadcast %add3A_4086 : i32 to vector<16xi32>
    %add3A_4088 = arith.addi %iota3A, %add3A_4087 : vector<16xi32>
    %and3A_4089 = arith.constant 31 : i32
    %and3A_4090 = vector.broadcast %and3A_4089 : i32 to vector<16xi32>
    %and3A_4091 = arith.andi %gather3A_4084, %and3A_4090 : vector<16xi32>
    %and3A_4092 = arith.constant 31 : i32
    %and3A_4093 = vector.broadcast %and3A_4092 : i32 to vector<16xi32>
    %and3A_4094 = arith.andi %add3A_4088, %and3A_4093 : vector<16xi32>
    %sub3A_4095 = arith.subi %and3A_4091, %and3A_4094 : vector<16xi32>
    %shift_right_arithmetic3A_4096 = arith.constant 5 : i32
    %shift_right_arithmetic3A_4097 = vector.broadcast %shift_right_arithmetic3A_4096 : i32 to vector<16xi32>
    %shift_right_arithmetic3A_4098 = arith.shrsi %gather3A_4084, %shift_right_arithmetic3A_4097 : vector<16xi32>
    %shift_right_arithmetic3A_4099 = arith.constant 5 : i32
    %shift_right_arithmetic3A_4100 = vector.broadcast %shift_right_arithmetic3A_4099 : i32 to vector<16xi32>
    %shift_right_arithmetic3A_4101 = arith.shrsi %add3A_4088, %shift_right_arithmetic3A_4100 : vector<16xi32>
    %sub3A_4102 = arith.subi %shift_right_arithmetic3A_4098, %shift_right_arithmetic3A_4101 : vector<16xi32>
    %mul3A_4103 = arith.muli %sub3A_4095, %sub3A_4095 : vector<16xi32>
    %mul3A_4104 = arith.muli %sub3A_4102, %sub3A_4102 : vector<16xi32>
    %add3A_4105 = arith.addi %mul3A_4103, %mul3A_4104 : vector<16xi32>
    %le3A_4106 = arith.constant 9 : i32
    %le3A_4107 = vector.broadcast %le3A_4106 : i32 to vector<16xi32>
    %le3A_4108 = arith.cmpi sle, %add3A_4105, %le3A_4107 : vector<16xi32>
    %ge3A_4109 = arith.constant 1.000000e-01 : f32
    %ge3A_4110 = vector.broadcast %ge3A_4109 : f32 to vector<16xf32>
    %ge3A_4111 = arith.cmpf oge, %gather3A_4085, %ge3A_4110 : vector<16xf32>
    %and3A_4112 = arith.andi %le3A_4108, %ge3A_4111 : vector<16xi1>
    %ne3A_4113 = arith.constant 0 : i32
    %ne3A_4114 = vector.broadcast %ne3A_4113 : i32 to vector<16xi32>
    %ne3A_4115 = arith.cmpi ne, %get3A_4081, %ne3A_4114 : vector<16xi32>
    %ne3A_4116 = arith.constant 0 : i32
    %ne3A_4117 = vector.broadcast %ne3A_4116 : i32 to vector<16xi32>
    %ne3A_4118 = arith.cmpi ne, %get3A_4079, %ne3A_4117 : vector<16xi32>
    %and3A_4119 = arith.andi %ne3A_4115, %ne3A_4118 : vector<16xi1>
    %ne3A_4120 = arith.constant 0.000000e+00 : f32
    %ne3A_4121 = vector.broadcast %ne3A_4120 : f32 to vector<16xf32>
    %ne3A_4122 = arith.cmpf one, %get3A_4083, %ne3A_4121 : vector<16xf32>
    %and3A_4123 = arith.andi %ne3A_4122, %and3A_4112 : vector<16xi1>
    %and3A_4124 = arith.andi %and3A_4123, %and3A_4119 : vector<16xi1>
    %broadcast_in_dim3A_4125 = arith.constant -1 : i32
    %broadcast_in_dim3A_4126 = vector.broadcast %broadcast_in_dim3A_4125 : i32 to vector<16xi32>
    %and3A_4127 = arith.constant 31 : i32
    %and3A_4128 = vector.broadcast %and3A_4127 : i32 to vector<16xi32>
    %and3A_4129 = arith.andi %add3A_4088, %and3A_4128 : vector<16xi32>
    %select_n3A_4130 = arith.select %and3A_4124, %and3A_4129, %broadcast_in_dim3A_4126 : vector<16xi1>, vector<16xi32>
    %swap3A_4131 = arith.constant 896 : index
    %swap3A_4132 = tpu.vector_load %arg11[%swap3A_4131] {strides = array<i32>} : memref<4096xi32, #tpu.memory_space<vmem>>, vector<16xi32>,
    tpu.vector_store %arg11[%swap3A_4131], %select_n3A_4130 {strides = array<i32>} : memref<4096xi32, #tpu.memory_space<vmem>>, vector<16xi32>,
    %shift_right_arithmetic3A_4133 = arith.constant 5 : i32
    %shift_right_arithmetic3A_4134 = vector.broadcast %shift_right_arithmetic3A_4133 : i32 to vector<16xi32>
    %shift_right_arithmetic3A_4135 = arith.shrsi %add3A_4088, %shift_right_arithmetic3A_4134 : vector<16xi32>
    %select_n3A_4136 = arith.select %and3A_4124, %shift_right_arithmetic3A_4135, %broadcast_in_dim3A_4126 : vector<16xi1>, vector<16xi32>
    %swap3A_4137 = arith.constant 1920 : index
    %swap3A_4138 = tpu.vector_load %arg11[%swap3A_4137] {strides = array<i32>} : memref<4096xi32, #tpu.memory_space<vmem>>, vector<16xi32>,
    tpu.vector_store %arg11[%swap3A_4137], %select_n3A_4136 {strides = array<i32>} : memref<4096xi32, #tpu.memory_space<vmem>>, vector<16xi32>,
    %and3A_4139 = arith.constant 31 : i32
    %and3A_4140 = vector.broadcast %and3A_4139 : i32 to vector<16xi32>
    %and3A_4141 = arith.andi %get3A_4079, %and3A_4140 : vector<16xi32>
    %select_n3A_4142 = arith.select %and3A_4124, %and3A_4141, %broadcast_in_dim3A_4126 : vector<16xi1>, vector<16xi32>
    %swap3A_4143 = arith.constant 2944 : index
    %swap3A_4144 = tpu.vector_load %arg11[%swap3A_4143] {strides = array<i32>} : memref<4096xi32, #tpu.memory_space<vmem>>, vector<16xi32>,
    tpu.vector_store %arg11[%swap3A_4143], %select_n3A_4142 {strides = array<i32>} : memref<4096xi32, #tpu.memory_space<vmem>>, vector<16xi32>,
    %shift_right_arithmetic3A_4145 = arith.constant 5 : i32
    %shift_right_arithmetic3A_4146 = vector.broadcast %shift_right_arithmetic3A_4145 : i32 to vector<16xi32>
    %shift_right_arithmetic3A_4147 = arith.shrsi %get3A_4079, %shift_right_arithmetic3A_4146 : vector<16xi32>
    %select_n3A_4148 = arith.select %and3A_4124, %shift_right_arithmetic3A_4147, %broadcast_in_dim3A_4126 : vector<16xi1>, vector<16xi32>
    %swap3A_4149 = arith.constant 3968 : index
    %swap3A_4150 = tpu.vector_load %arg11[%swap3A_4149] {strides = array<i32>} : memref<4096xi32, #tpu.memory_space<vmem>>, vector<16xi32>,
    tpu.vector_store %arg11[%swap3A_4149], %select_n3A_4148 {strides = array<i32>} : memref<4096xi32, #tpu.memory_space<vmem>>, vector<16xi32>,
    %get3A_4151 = arith.constant 912 : index
    %get3A_4152 = tpu.vector_load %arg7[%get3A_4151] {strides = array<i32>} : memref<1024xi32, #tpu.memory_space<vmem>>, vector<16xi32>,
    %get3A_4153 = arith.constant 912 : index
    %get3A_4154 = tpu.vector_load %arg8[%get3A_4153] {strides = array<i32>} : memref<1024xi32, #tpu.memory_space<vmem>>, vector<16xi32>,
    %get3A_4155 = arith.constant 912 : index
    %get3A_4156 = tpu.vector_load %arg10[%get3A_4155] {strides = array<i32>} : memref<1024xf32, #tpu.memory_space<vmem>>, vector<16xf32>,
    %gather3A_4157 = tpu.vector_load_idx %arg8[%get3A_4152] : memref<1024xi32, #tpu.memory_space<vmem>>[vector<16xi32>], vector<16xi32>,
    %gather3A_4158 = tpu.vector_load_idx %arg9[%get3A_4152] : memref<1024xf32, #tpu.memory_space<vmem>>[vector<16xi32>], vector<16xf32>,
    %add3A_4159 = arith.constant 912 : i32
    %add3A_4160 = vector.broadcast %add3A_4159 : i32 to vector<16xi32>
    %add3A_4161 = arith.addi %iota3A, %add3A_4160 : vector<16xi32>
    %and3A_4162 = arith.constant 31 : i32
    %and3A_4163 = vector.broadcast %and3A_4162 : i32 to vector<16xi32>
    %and3A_4164 = arith.andi %gather3A_4157, %and3A_4163 : vector<16xi32>
    %and3A_4165 = arith.constant 31 : i32
    %and3A_4166 = vector.broadcast %and3A_4165 : i32 to vector<16xi32>
    %and3A_4167 = arith.andi %add3A_4161, %and3A_4166 : vector<16xi32>
    %sub3A_4168 = arith.subi %and3A_4164, %and3A_4167 : vector<16xi32>
    %shift_right_arithmetic3A_4169 = arith.constant 5 : i32
    %shift_right_arithmetic3A_4170 = vector.broadcast %shift_right_arithmetic3A_4169 : i32 to vector<16xi32>
    %shift_right_arithmetic3A_4171 = arith.shrsi %gather3A_4157, %shift_right_arithmetic3A_4170 : vector<16xi32>
    %shift_right_arithmetic3A_4172 = arith.constant 5 : i32
    %shift_right_arithmetic3A_4173 = vector.broadcast %shift_right_arithmetic3A_4172 : i32 to vector<16xi32>
    %shift_right_arithmetic3A_4174 = arith.shrsi %add3A_4161, %shift_right_arithmetic3A_4173 : vector<16xi32>
    %sub3A_4175 = arith.subi %shift_right_arithmetic3A_4171, %shift_right_arithmetic3A_4174 : vector<16xi32>
    %mul3A_4176 = arith.muli %sub3A_4168, %sub3A_4168 : vector<16xi32>
    %mul3A_4177 = arith.muli %sub3A_4175, %sub3A_4175 : vector<16xi32>
    %add3A_4178 = arith.addi %mul3A_4176, %mul3A_4177 : vector<16xi32>
    %le3A_4179 = arith.constant 9 : i32
    %le3A_4180 = vector.broadcast %le3A_4179 : i32 to vector<16xi32>
    %le3A_4181 = arith.cmpi sle, %add3A_4178, %le3A_4180 : vector<16xi32>
    %ge3A_4182 = arith.constant 1.000000e-01 : f32
    %ge3A_4183 = vector.broadcast %ge3A_4182 : f32 to vector<16xf32>
    %ge3A_4184 = arith.cmpf oge, %gather3A_4158, %ge3A_4183 : vector<16xf32>
    %and3A_4185 = arith.andi %le3A_4181, %ge3A_4184 : vector<16xi1>
    %ne3A_4186 = arith.constant 0 : i32
    %ne3A_4187 = vector.broadcast %ne3A_4186 : i32 to vector<16xi32>
    %ne3A_4188 = arith.cmpi ne, %get3A_4154, %ne3A_4187 : vector<16xi32>
    %ne3A_4189 = arith.constant 0 : i32
    %ne3A_4190 = vector.broadcast %ne3A_4189 : i32 to vector<16xi32>
    %ne3A_4191 = arith.cmpi ne, %get3A_4152, %ne3A_4190 : vector<16xi32>
    %and3A_4192 = arith.andi %ne3A_4188, %ne3A_4191 : vector<16xi1>
    %ne3A_4193 = arith.constant 0.000000e+00 : f32
    %ne3A_4194 = vector.broadcast %ne3A_4193 : f32 to vector<16xf32>
    %ne3A_4195 = arith.cmpf one, %get3A_4156, %ne3A_4194 : vector<16xf32>
    %and3A_4196 = arith.andi %ne3A_4195, %and3A_4185 : vector<16xi1>
    %and3A_4197 = arith.andi %and3A_4196, %and3A_4192 : vector<16xi1>
    %broadcast_in_dim3A_4198 = arith.constant -1 : i32
    %broadcast_in_dim3A_4199 = vector.broadcast %broadcast_in_dim3A_4198 : i32 to vector<16xi32>
    %and3A_4200 = arith.constant 31 : i32
    %and3A_4201 = vector.broadcast %and3A_4200 : i32 to vector<16xi32>
    %and3A_4202 = arith.andi %add3A_4161, %and3A_4201 : vector<16xi32>
    %select_n3A_4203 = arith.select %and3A_4197, %and3A_4202, %broadcast_in_dim3A_4199 : vector<16xi1>, vector<16xi32>
    %swap3A_4204 = arith.constant 912 : index
    %swap3A_4205 = tpu.vector_load %arg11[%swap3A_4204] {strides = array<i32>} : memref<4096xi32, #tpu.memory_space<vmem>>, vector<16xi32>,
    tpu.vector_store %arg11[%swap3A_4204], %select_n3A_4203 {strides = array<i32>} : memref<4096xi32, #tpu.memory_space<vmem>>, vector<16xi32>,
    %shift_right_arithmetic3A_4206 = arith.constant 5 : i32
    %shift_right_arithmetic3A_4207 = vector.broadcast %shift_right_arithmetic3A_4206 : i32 to vector<16xi32>
    %shift_right_arithmetic3A_4208 = arith.shrsi %add3A_4161, %shift_right_arithmetic3A_4207 : vector<16xi32>
    %select_n3A_4209 = arith.select %and3A_4197, %shift_right_arithmetic3A_4208, %broadcast_in_dim3A_4199 : vector<16xi1>, vector<16xi32>
    %swap3A_4210 = arith.constant 1936 : index
    %swap3A_4211 = tpu.vector_load %arg11[%swap3A_4210] {strides = array<i32>} : memref<4096xi32, #tpu.memory_space<vmem>>, vector<16xi32>,
    tpu.vector_store %arg11[%swap3A_4210], %select_n3A_4209 {strides = array<i32>} : memref<4096xi32, #tpu.memory_space<vmem>>, vector<16xi32>,
    %and3A_4212 = arith.constant 31 : i32
    %and3A_4213 = vector.broadcast %and3A_4212 : i32 to vector<16xi32>
    %and3A_4214 = arith.andi %get3A_4152, %and3A_4213 : vector<16xi32>
    %select_n3A_4215 = arith.select %and3A_4197, %and3A_4214, %broadcast_in_dim3A_4199 : vector<16xi1>, vector<16xi32>
    %swap3A_4216 = arith.constant 2960 : index
    %swap3A_4217 = tpu.vector_load %arg11[%swap3A_4216] {strides = array<i32>} : memref<4096xi32, #tpu.memory_space<vmem>>, vector<16xi32>,
    tpu.vector_store %arg11[%swap3A_4216], %select_n3A_4215 {strides = array<i32>} : memref<4096xi32, #tpu.memory_space<vmem>>, vector<16xi32>,
    %shift_right_arithmetic3A_4218 = arith.constant 5 : i32
    %shift_right_arithmetic3A_4219 = vector.broadcast %shift_right_arithmetic3A_4218 : i32 to vector<16xi32>
    %shift_right_arithmetic3A_4220 = arith.shrsi %get3A_4152, %shift_right_arithmetic3A_4219 : vector<16xi32>
    %select_n3A_4221 = arith.select %and3A_4197, %shift_right_arithmetic3A_4220, %broadcast_in_dim3A_4199 : vector<16xi1>, vector<16xi32>
    %swap3A_4222 = arith.constant 3984 : index
    %swap3A_4223 = tpu.vector_load %arg11[%swap3A_4222] {strides = array<i32>} : memref<4096xi32, #tpu.memory_space<vmem>>, vector<16xi32>,
    tpu.vector_store %arg11[%swap3A_4222], %select_n3A_4221 {strides = array<i32>} : memref<4096xi32, #tpu.memory_space<vmem>>, vector<16xi32>,
    %get3A_4224 = arith.constant 928 : index
    %get3A_4225 = tpu.vector_load %arg7[%get3A_4224] {strides = array<i32>} : memref<1024xi32, #tpu.memory_space<vmem>>, vector<16xi32>,
    %get3A_4226 = arith.constant 928 : index
    %get3A_4227 = tpu.vector_load %arg8[%get3A_4226] {strides = array<i32>} : memref<1024xi32, #tpu.memory_space<vmem>>, vector<16xi32>,
    %get3A_4228 = arith.constant 928 : index
    %get3A_4229 = tpu.vector_load %arg10[%get3A_4228] {strides = array<i32>} : memref<1024xf32, #tpu.memory_space<vmem>>, vector<16xf32>,
    %gather3A_4230 = tpu.vector_load_idx %arg8[%get3A_4225] : memref<1024xi32, #tpu.memory_space<vmem>>[vector<16xi32>], vector<16xi32>,
    %gather3A_4231 = tpu.vector_load_idx %arg9[%get3A_4225] : memref<1024xf32, #tpu.memory_space<vmem>>[vector<16xi32>], vector<16xf32>,
    %add3A_4232 = arith.constant 928 : i32
    %add3A_4233 = vector.broadcast %add3A_4232 : i32 to vector<16xi32>
    %add3A_4234 = arith.addi %iota3A, %add3A_4233 : vector<16xi32>
    %and3A_4235 = arith.constant 31 : i32
    %and3A_4236 = vector.broadcast %and3A_4235 : i32 to vector<16xi32>
    %and3A_4237 = arith.andi %gather3A_4230, %and3A_4236 : vector<16xi32>
    %and3A_4238 = arith.constant 31 : i32
    %and3A_4239 = vector.broadcast %and3A_4238 : i32 to vector<16xi32>
    %and3A_4240 = arith.andi %add3A_4234, %and3A_4239 : vector<16xi32>
    %sub3A_4241 = arith.subi %and3A_4237, %and3A_4240 : vector<16xi32>
    %shift_right_arithmetic3A_4242 = arith.constant 5 : i32
    %shift_right_arithmetic3A_4243 = vector.broadcast %shift_right_arithmetic3A_4242 : i32 to vector<16xi32>
    %shift_right_arithmetic3A_4244 = arith.shrsi %gather3A_4230, %shift_right_arithmetic3A_4243 : vector<16xi32>
    %shift_right_arithmetic3A_4245 = arith.constant 5 : i32
    %shift_right_arithmetic3A_4246 = vector.broadcast %shift_right_arithmetic3A_4245 : i32 to vector<16xi32>
    %shift_right_arithmetic3A_4247 = arith.shrsi %add3A_4234, %shift_right_arithmetic3A_4246 : vector<16xi32>
    %sub3A_4248 = arith.subi %shift_right_arithmetic3A_4244, %shift_right_arithmetic3A_4247 : vector<16xi32>
    %mul3A_4249 = arith.muli %sub3A_4241, %sub3A_4241 : vector<16xi32>
    %mul3A_4250 = arith.muli %sub3A_4248, %sub3A_4248 : vector<16xi32>
    %add3A_4251 = arith.addi %mul3A_4249, %mul3A_4250 : vector<16xi32>
    %le3A_4252 = arith.constant 9 : i32
    %le3A_4253 = vector.broadcast %le3A_4252 : i32 to vector<16xi32>
    %le3A_4254 = arith.cmpi sle, %add3A_4251, %le3A_4253 : vector<16xi32>
    %ge3A_4255 = arith.constant 1.000000e-01 : f32
    %ge3A_4256 = vector.broadcast %ge3A_4255 : f32 to vector<16xf32>
    %ge3A_4257 = arith.cmpf oge, %gather3A_4231, %ge3A_4256 : vector<16xf32>
    %and3A_4258 = arith.andi %le3A_4254, %ge3A_4257 : vector<16xi1>
    %ne3A_4259 = arith.constant 0 : i32
    %ne3A_4260 = vector.broadcast %ne3A_4259 : i32 to vector<16xi32>
    %ne3A_4261 = arith.cmpi ne, %get3A_4227, %ne3A_4260 : vector<16xi32>
    %ne3A_4262 = arith.constant 0 : i32
    %ne3A_4263 = vector.broadcast %ne3A_4262 : i32 to vector<16xi32>
    %ne3A_4264 = arith.cmpi ne, %get3A_4225, %ne3A_4263 : vector<16xi32>
    %and3A_4265 = arith.andi %ne3A_4261, %ne3A_4264 : vector<16xi1>
    %ne3A_4266 = arith.constant 0.000000e+00 : f32
    %ne3A_4267 = vector.broadcast %ne3A_4266 : f32 to vector<16xf32>
    %ne3A_4268 = arith.cmpf one, %get3A_4229, %ne3A_4267 : vector<16xf32>
    %and3A_4269 = arith.andi %ne3A_4268, %and3A_4258 : vector<16xi1>
    %and3A_4270 = arith.andi %and3A_4269, %and3A_4265 : vector<16xi1>
    %broadcast_in_dim3A_4271 = arith.constant -1 : i32
    %broadcast_in_dim3A_4272 = vector.broadcast %broadcast_in_dim3A_4271 : i32 to vector<16xi32>
    %and3A_4273 = arith.constant 31 : i32
    %and3A_4274 = vector.broadcast %and3A_4273 : i32 to vector<16xi32>
    %and3A_4275 = arith.andi %add3A_4234, %and3A_4274 : vector<16xi32>
    %select_n3A_4276 = arith.select %and3A_4270, %and3A_4275, %broadcast_in_dim3A_4272 : vector<16xi1>, vector<16xi32>
    %swap3A_4277 = arith.constant 928 : index
    %swap3A_4278 = tpu.vector_load %arg11[%swap3A_4277] {strides = array<i32>} : memref<4096xi32, #tpu.memory_space<vmem>>, vector<16xi32>,
    tpu.vector_store %arg11[%swap3A_4277], %select_n3A_4276 {strides = array<i32>} : memref<4096xi32, #tpu.memory_space<vmem>>, vector<16xi32>,
    %shift_right_arithmetic3A_4279 = arith.constant 5 : i32
    %shift_right_arithmetic3A_4280 = vector.broadcast %shift_right_arithmetic3A_4279 : i32 to vector<16xi32>
    %shift_right_arithmetic3A_4281 = arith.shrsi %add3A_4234, %shift_right_arithmetic3A_4280 : vector<16xi32>
    %select_n3A_4282 = arith.select %and3A_4270, %shift_right_arithmetic3A_4281, %broadcast_in_dim3A_4272 : vector<16xi1>, vector<16xi32>
    %swap3A_4283 = arith.constant 1952 : index
    %swap3A_4284 = tpu.vector_load %arg11[%swap3A_4283] {strides = array<i32>} : memref<4096xi32, #tpu.memory_space<vmem>>, vector<16xi32>,
    tpu.vector_store %arg11[%swap3A_4283], %select_n3A_4282 {strides = array<i32>} : memref<4096xi32, #tpu.memory_space<vmem>>, vector<16xi32>,
    %and3A_4285 = arith.constant 31 : i32
    %and3A_4286 = vector.broadcast %and3A_4285 : i32 to vector<16xi32>
    %and3A_4287 = arith.andi %get3A_4225, %and3A_4286 : vector<16xi32>
    %select_n3A_4288 = arith.select %and3A_4270, %and3A_4287, %broadcast_in_dim3A_4272 : vector<16xi1>, vector<16xi32>
    %swap3A_4289 = arith.constant 2976 : index
    %swap3A_4290 = tpu.vector_load %arg11[%swap3A_4289] {strides = array<i32>} : memref<4096xi32, #tpu.memory_space<vmem>>, vector<16xi32>,
    tpu.vector_store %arg11[%swap3A_4289], %select_n3A_4288 {strides = array<i32>} : memref<4096xi32, #tpu.memory_space<vmem>>, vector<16xi32>,
    %shift_right_arithmetic3A_4291 = arith.constant 5 : i32
    %shift_right_arithmetic3A_4292 = vector.broadcast %shift_right_arithmetic3A_4291 : i32 to vector<16xi32>
    %shift_right_arithmetic3A_4293 = arith.shrsi %get3A_4225, %shift_right_arithmetic3A_4292 : vector<16xi32>
    %select_n3A_4294 = arith.select %and3A_4270, %shift_right_arithmetic3A_4293, %broadcast_in_dim3A_4272 : vector<16xi1>, vector<16xi32>
    %swap3A_4295 = arith.constant 4000 : index
    %swap3A_4296 = tpu.vector_load %arg11[%swap3A_4295] {strides = array<i32>} : memref<4096xi32, #tpu.memory_space<vmem>>, vector<16xi32>,
    tpu.vector_store %arg11[%swap3A_4295], %select_n3A_4294 {strides = array<i32>} : memref<4096xi32, #tpu.memory_space<vmem>>, vector<16xi32>,
    %get3A_4297 = arith.constant 944 : index
    %get3A_4298 = tpu.vector_load %arg7[%get3A_4297] {strides = array<i32>} : memref<1024xi32, #tpu.memory_space<vmem>>, vector<16xi32>,
    %get3A_4299 = arith.constant 944 : index
    %get3A_4300 = tpu.vector_load %arg8[%get3A_4299] {strides = array<i32>} : memref<1024xi32, #tpu.memory_space<vmem>>, vector<16xi32>,
    %get3A_4301 = arith.constant 944 : index
    %get3A_4302 = tpu.vector_load %arg10[%get3A_4301] {strides = array<i32>} : memref<1024xf32, #tpu.memory_space<vmem>>, vector<16xf32>,
    %gather3A_4303 = tpu.vector_load_idx %arg8[%get3A_4298] : memref<1024xi32, #tpu.memory_space<vmem>>[vector<16xi32>], vector<16xi32>,
    %gather3A_4304 = tpu.vector_load_idx %arg9[%get3A_4298] : memref<1024xf32, #tpu.memory_space<vmem>>[vector<16xi32>], vector<16xf32>,
    %add3A_4305 = arith.constant 944 : i32
    %add3A_4306 = vector.broadcast %add3A_4305 : i32 to vector<16xi32>
    %add3A_4307 = arith.addi %iota3A, %add3A_4306 : vector<16xi32>
    %and3A_4308 = arith.constant 31 : i32
    %and3A_4309 = vector.broadcast %and3A_4308 : i32 to vector<16xi32>
    %and3A_4310 = arith.andi %gather3A_4303, %and3A_4309 : vector<16xi32>
    %and3A_4311 = arith.constant 31 : i32
    %and3A_4312 = vector.broadcast %and3A_4311 : i32 to vector<16xi32>
    %and3A_4313 = arith.andi %add3A_4307, %and3A_4312 : vector<16xi32>
    %sub3A_4314 = arith.subi %and3A_4310, %and3A_4313 : vector<16xi32>
    %shift_right_arithmetic3A_4315 = arith.constant 5 : i32
    %shift_right_arithmetic3A_4316 = vector.broadcast %shift_right_arithmetic3A_4315 : i32 to vector<16xi32>
    %shift_right_arithmetic3A_4317 = arith.shrsi %gather3A_4303, %shift_right_arithmetic3A_4316 : vector<16xi32>
    %shift_right_arithmetic3A_4318 = arith.constant 5 : i32
    %shift_right_arithmetic3A_4319 = vector.broadcast %shift_right_arithmetic3A_4318 : i32 to vector<16xi32>
    %shift_right_arithmetic3A_4320 = arith.shrsi %add3A_4307, %shift_right_arithmetic3A_4319 : vector<16xi32>
    %sub3A_4321 = arith.subi %shift_right_arithmetic3A_4317, %shift_right_arithmetic3A_4320 : vector<16xi32>
    %mul3A_4322 = arith.muli %sub3A_4314, %sub3A_4314 : vector<16xi32>
    %mul3A_4323 = arith.muli %sub3A_4321, %sub3A_4321 : vector<16xi32>
    %add3A_4324 = arith.addi %mul3A_4322, %mul3A_4323 : vector<16xi32>
    %le3A_4325 = arith.constant 9 : i32
    %le3A_4326 = vector.broadcast %le3A_4325 : i32 to vector<16xi32>
    %le3A_4327 = arith.cmpi sle, %add3A_4324, %le3A_4326 : vector<16xi32>
    %ge3A_4328 = arith.constant 1.000000e-01 : f32
    %ge3A_4329 = vector.broadcast %ge3A_4328 : f32 to vector<16xf32>
    %ge3A_4330 = arith.cmpf oge, %gather3A_4304, %ge3A_4329 : vector<16xf32>
    %and3A_4331 = arith.andi %le3A_4327, %ge3A_4330 : vector<16xi1>
    %ne3A_4332 = arith.constant 0 : i32
    %ne3A_4333 = vector.broadcast %ne3A_4332 : i32 to vector<16xi32>
    %ne3A_4334 = arith.cmpi ne, %get3A_4300, %ne3A_4333 : vector<16xi32>
    %ne3A_4335 = arith.constant 0 : i32
    %ne3A_4336 = vector.broadcast %ne3A_4335 : i32 to vector<16xi32>
    %ne3A_4337 = arith.cmpi ne, %get3A_4298, %ne3A_4336 : vector<16xi32>
    %and3A_4338 = arith.andi %ne3A_4334, %ne3A_4337 : vector<16xi1>
    %ne3A_4339 = arith.constant 0.000000e+00 : f32
    %ne3A_4340 = vector.broadcast %ne3A_4339 : f32 to vector<16xf32>
    %ne3A_4341 = arith.cmpf one, %get3A_4302, %ne3A_4340 : vector<16xf32>
    %and3A_4342 = arith.andi %ne3A_4341, %and3A_4331 : vector<16xi1>
    %and3A_4343 = arith.andi %and3A_4342, %and3A_4338 : vector<16xi1>
    %broadcast_in_dim3A_4344 = arith.constant -1 : i32
    %broadcast_in_dim3A_4345 = vector.broadcast %broadcast_in_dim3A_4344 : i32 to vector<16xi32>
    %and3A_4346 = arith.constant 31 : i32
    %and3A_4347 = vector.broadcast %and3A_4346 : i32 to vector<16xi32>
    %and3A_4348 = arith.andi %add3A_4307, %and3A_4347 : vector<16xi32>
    %select_n3A_4349 = arith.select %and3A_4343, %and3A_4348, %broadcast_in_dim3A_4345 : vector<16xi1>, vector<16xi32>
    %swap3A_4350 = arith.constant 944 : index
    %swap3A_4351 = tpu.vector_load %arg11[%swap3A_4350] {strides = array<i32>} : memref<4096xi32, #tpu.memory_space<vmem>>, vector<16xi32>,
    tpu.vector_store %arg11[%swap3A_4350], %select_n3A_4349 {strides = array<i32>} : memref<4096xi32, #tpu.memory_space<vmem>>, vector<16xi32>,
    %shift_right_arithmetic3A_4352 = arith.constant 5 : i32
    %shift_right_arithmetic3A_4353 = vector.broadcast %shift_right_arithmetic3A_4352 : i32 to vector<16xi32>
    %shift_right_arithmetic3A_4354 = arith.shrsi %add3A_4307, %shift_right_arithmetic3A_4353 : vector<16xi32>
    %select_n3A_4355 = arith.select %and3A_4343, %shift_right_arithmetic3A_4354, %broadcast_in_dim3A_4345 : vector<16xi1>, vector<16xi32>
    %swap3A_4356 = arith.constant 1968 : index
    %swap3A_4357 = tpu.vector_load %arg11[%swap3A_4356] {strides = array<i32>} : memref<4096xi32, #tpu.memory_space<vmem>>, vector<16xi32>,
    tpu.vector_store %arg11[%swap3A_4356], %select_n3A_4355 {strides = array<i32>} : memref<4096xi32, #tpu.memory_space<vmem>>, vector<16xi32>,
    %and3A_4358 = arith.constant 31 : i32
    %and3A_4359 = vector.broadcast %and3A_4358 : i32 to vector<16xi32>
    %and3A_4360 = arith.andi %get3A_4298, %and3A_4359 : vector<16xi32>
    %select_n3A_4361 = arith.select %and3A_4343, %and3A_4360, %broadcast_in_dim3A_4345 : vector<16xi1>, vector<16xi32>
    %swap3A_4362 = arith.constant 2992 : index
    %swap3A_4363 = tpu.vector_load %arg11[%swap3A_4362] {strides = array<i32>} : memref<4096xi32, #tpu.memory_space<vmem>>, vector<16xi32>,
    tpu.vector_store %arg11[%swap3A_4362], %select_n3A_4361 {strides = array<i32>} : memref<4096xi32, #tpu.memory_space<vmem>>, vector<16xi32>,
    %shift_right_arithmetic3A_4364 = arith.constant 5 : i32
    %shift_right_arithmetic3A_4365 = vector.broadcast %shift_right_arithmetic3A_4364 : i32 to vector<16xi32>
    %shift_right_arithmetic3A_4366 = arith.shrsi %get3A_4298, %shift_right_arithmetic3A_4365 : vector<16xi32>
    %select_n3A_4367 = arith.select %and3A_4343, %shift_right_arithmetic3A_4366, %broadcast_in_dim3A_4345 : vector<16xi1>, vector<16xi32>
    %swap3A_4368 = arith.constant 4016 : index
    %swap3A_4369 = tpu.vector_load %arg11[%swap3A_4368] {strides = array<i32>} : memref<4096xi32, #tpu.memory_space<vmem>>, vector<16xi32>,
    tpu.vector_store %arg11[%swap3A_4368], %select_n3A_4367 {strides = array<i32>} : memref<4096xi32, #tpu.memory_space<vmem>>, vector<16xi32>,
    %get3A_4370 = arith.constant 960 : index
    %get3A_4371 = tpu.vector_load %arg7[%get3A_4370] {strides = array<i32>} : memref<1024xi32, #tpu.memory_space<vmem>>, vector<16xi32>,
    %get3A_4372 = arith.constant 960 : index
    %get3A_4373 = tpu.vector_load %arg8[%get3A_4372] {strides = array<i32>} : memref<1024xi32, #tpu.memory_space<vmem>>, vector<16xi32>,
    %get3A_4374 = arith.constant 960 : index
    %get3A_4375 = tpu.vector_load %arg10[%get3A_4374] {strides = array<i32>} : memref<1024xf32, #tpu.memory_space<vmem>>, vector<16xf32>,
    %gather3A_4376 = tpu.vector_load_idx %arg8[%get3A_4371] : memref<1024xi32, #tpu.memory_space<vmem>>[vector<16xi32>], vector<16xi32>,
    %gather3A_4377 = tpu.vector_load_idx %arg9[%get3A_4371] : memref<1024xf32, #tpu.memory_space<vmem>>[vector<16xi32>], vector<16xf32>,
    %add3A_4378 = arith.constant 960 : i32
    %add3A_4379 = vector.broadcast %add3A_4378 : i32 to vector<16xi32>
    %add3A_4380 = arith.addi %iota3A, %add3A_4379 : vector<16xi32>
    %and3A_4381 = arith.constant 31 : i32
    %and3A_4382 = vector.broadcast %and3A_4381 : i32 to vector<16xi32>
    %and3A_4383 = arith.andi %gather3A_4376, %and3A_4382 : vector<16xi32>
    %and3A_4384 = arith.constant 31 : i32
    %and3A_4385 = vector.broadcast %and3A_4384 : i32 to vector<16xi32>
    %and3A_4386 = arith.andi %add3A_4380, %and3A_4385 : vector<16xi32>
    %sub3A_4387 = arith.subi %and3A_4383, %and3A_4386 : vector<16xi32>
    %shift_right_arithmetic3A_4388 = arith.constant 5 : i32
    %shift_right_arithmetic3A_4389 = vector.broadcast %shift_right_arithmetic3A_4388 : i32 to vector<16xi32>
    %shift_right_arithmetic3A_4390 = arith.shrsi %gather3A_4376, %shift_right_arithmetic3A_4389 : vector<16xi32>
    %shift_right_arithmetic3A_4391 = arith.constant 5 : i32
    %shift_right_arithmetic3A_4392 = vector.broadcast %shift_right_arithmetic3A_4391 : i32 to vector<16xi32>
    %shift_right_arithmetic3A_4393 = arith.shrsi %add3A_4380, %shift_right_arithmetic3A_4392 : vector<16xi32>
    %sub3A_4394 = arith.subi %shift_right_arithmetic3A_4390, %shift_right_arithmetic3A_4393 : vector<16xi32>
    %mul3A_4395 = arith.muli %sub3A_4387, %sub3A_4387 : vector<16xi32>
    %mul3A_4396 = arith.muli %sub3A_4394, %sub3A_4394 : vector<16xi32>
    %add3A_4397 = arith.addi %mul3A_4395, %mul3A_4396 : vector<16xi32>
    %le3A_4398 = arith.constant 9 : i32
    %le3A_4399 = vector.broadcast %le3A_4398 : i32 to vector<16xi32>
    %le3A_4400 = arith.cmpi sle, %add3A_4397, %le3A_4399 : vector<16xi32>
    %ge3A_4401 = arith.constant 1.000000e-01 : f32
    %ge3A_4402 = vector.broadcast %ge3A_4401 : f32 to vector<16xf32>
    %ge3A_4403 = arith.cmpf oge, %gather3A_4377, %ge3A_4402 : vector<16xf32>
    %and3A_4404 = arith.andi %le3A_4400, %ge3A_4403 : vector<16xi1>
    %ne3A_4405 = arith.constant 0 : i32
    %ne3A_4406 = vector.broadcast %ne3A_4405 : i32 to vector<16xi32>
    %ne3A_4407 = arith.cmpi ne, %get3A_4373, %ne3A_4406 : vector<16xi32>
    %ne3A_4408 = arith.constant 0 : i32
    %ne3A_4409 = vector.broadcast %ne3A_4408 : i32 to vector<16xi32>
    %ne3A_4410 = arith.cmpi ne, %get3A_4371, %ne3A_4409 : vector<16xi32>
    %and3A_4411 = arith.andi %ne3A_4407, %ne3A_4410 : vector<16xi1>
    %ne3A_4412 = arith.constant 0.000000e+00 : f32
    %ne3A_4413 = vector.broadcast %ne3A_4412 : f32 to vector<16xf32>
    %ne3A_4414 = arith.cmpf one, %get3A_4375, %ne3A_4413 : vector<16xf32>
    %and3A_4415 = arith.andi %ne3A_4414, %and3A_4404 : vector<16xi1>
    %and3A_4416 = arith.andi %and3A_4415, %and3A_4411 : vector<16xi1>
    %broadcast_in_dim3A_4417 = arith.constant -1 : i32
    %broadcast_in_dim3A_4418 = vector.broadcast %broadcast_in_dim3A_4417 : i32 to vector<16xi32>
    %and3A_4419 = arith.constant 31 : i32
    %and3A_4420 = vector.broadcast %and3A_4419 : i32 to vector<16xi32>
    %and3A_4421 = arith.andi %add3A_4380, %and3A_4420 : vector<16xi32>
    %select_n3A_4422 = arith.select %and3A_4416, %and3A_4421, %broadcast_in_dim3A_4418 : vector<16xi1>, vector<16xi32>
    %swap3A_4423 = arith.constant 960 : index
    %swap3A_4424 = tpu.vector_load %arg11[%swap3A_4423] {strides = array<i32>} : memref<4096xi32, #tpu.memory_space<vmem>>, vector<16xi32>,
    tpu.vector_store %arg11[%swap3A_4423], %select_n3A_4422 {strides = array<i32>} : memref<4096xi32, #tpu.memory_space<vmem>>, vector<16xi32>,
    %shift_right_arithmetic3A_4425 = arith.constant 5 : i32
    %shift_right_arithmetic3A_4426 = vector.broadcast %shift_right_arithmetic3A_4425 : i32 to vector<16xi32>
    %shift_right_arithmetic3A_4427 = arith.shrsi %add3A_4380, %shift_right_arithmetic3A_4426 : vector<16xi32>
    %select_n3A_4428 = arith.select %and3A_4416, %shift_right_arithmetic3A_4427, %broadcast_in_dim3A_4418 : vector<16xi1>, vector<16xi32>
    %swap3A_4429 = arith.constant 1984 : index
    %swap3A_4430 = tpu.vector_load %arg11[%swap3A_4429] {strides = array<i32>} : memref<4096xi32, #tpu.memory_space<vmem>>, vector<16xi32>,
    tpu.vector_store %arg11[%swap3A_4429], %select_n3A_4428 {strides = array<i32>} : memref<4096xi32, #tpu.memory_space<vmem>>, vector<16xi32>,
    %and3A_4431 = arith.constant 31 : i32
    %and3A_4432 = vector.broadcast %and3A_4431 : i32 to vector<16xi32>
    %and3A_4433 = arith.andi %get3A_4371, %and3A_4432 : vector<16xi32>
    %select_n3A_4434 = arith.select %and3A_4416, %and3A_4433, %broadcast_in_dim3A_4418 : vector<16xi1>, vector<16xi32>
    %swap3A_4435 = arith.constant 3008 : index
    %swap3A_4436 = tpu.vector_load %arg11[%swap3A_4435] {strides = array<i32>} : memref<4096xi32, #tpu.memory_space<vmem>>, vector<16xi32>,
    tpu.vector_store %arg11[%swap3A_4435], %select_n3A_4434 {strides = array<i32>} : memref<4096xi32, #tpu.memory_space<vmem>>, vector<16xi32>,
    %shift_right_arithmetic3A_4437 = arith.constant 5 : i32
    %shift_right_arithmetic3A_4438 = vector.broadcast %shift_right_arithmetic3A_4437 : i32 to vector<16xi32>
    %shift_right_arithmetic3A_4439 = arith.shrsi %get3A_4371, %shift_right_arithmetic3A_4438 : vector<16xi32>
    %select_n3A_4440 = arith.select %and3A_4416, %shift_right_arithmetic3A_4439, %broadcast_in_dim3A_4418 : vector<16xi1>, vector<16xi32>
    %swap3A_4441 = arith.constant 4032 : index
    %swap3A_4442 = tpu.vector_load %arg11[%swap3A_4441] {strides = array<i32>} : memref<4096xi32, #tpu.memory_space<vmem>>, vector<16xi32>,
    tpu.vector_store %arg11[%swap3A_4441], %select_n3A_4440 {strides = array<i32>} : memref<4096xi32, #tpu.memory_space<vmem>>, vector<16xi32>,
    %get3A_4443 = arith.constant 976 : index
    %get3A_4444 = tpu.vector_load %arg7[%get3A_4443] {strides = array<i32>} : memref<1024xi32, #tpu.memory_space<vmem>>, vector<16xi32>,
    %get3A_4445 = arith.constant 976 : index
    %get3A_4446 = tpu.vector_load %arg8[%get3A_4445] {strides = array<i32>} : memref<1024xi32, #tpu.memory_space<vmem>>, vector<16xi32>,
    %get3A_4447 = arith.constant 976 : index
    %get3A_4448 = tpu.vector_load %arg10[%get3A_4447] {strides = array<i32>} : memref<1024xf32, #tpu.memory_space<vmem>>, vector<16xf32>,
    %gather3A_4449 = tpu.vector_load_idx %arg8[%get3A_4444] : memref<1024xi32, #tpu.memory_space<vmem>>[vector<16xi32>], vector<16xi32>,
    %gather3A_4450 = tpu.vector_load_idx %arg9[%get3A_4444] : memref<1024xf32, #tpu.memory_space<vmem>>[vector<16xi32>], vector<16xf32>,
    %add3A_4451 = arith.constant 976 : i32
    %add3A_4452 = vector.broadcast %add3A_4451 : i32 to vector<16xi32>
    %add3A_4453 = arith.addi %iota3A, %add3A_4452 : vector<16xi32>
    %and3A_4454 = arith.constant 31 : i32
    %and3A_4455 = vector.broadcast %and3A_4454 : i32 to vector<16xi32>
    %and3A_4456 = arith.andi %gather3A_4449, %and3A_4455 : vector<16xi32>
    %and3A_4457 = arith.constant 31 : i32
    %and3A_4458 = vector.broadcast %and3A_4457 : i32 to vector<16xi32>
    %and3A_4459 = arith.andi %add3A_4453, %and3A_4458 : vector<16xi32>
    %sub3A_4460 = arith.subi %and3A_4456, %and3A_4459 : vector<16xi32>
    %shift_right_arithmetic3A_4461 = arith.constant 5 : i32
    %shift_right_arithmetic3A_4462 = vector.broadcast %shift_right_arithmetic3A_4461 : i32 to vector<16xi32>
    %shift_right_arithmetic3A_4463 = arith.shrsi %gather3A_4449, %shift_right_arithmetic3A_4462 : vector<16xi32>
    %shift_right_arithmetic3A_4464 = arith.constant 5 : i32
    %shift_right_arithmetic3A_4465 = vector.broadcast %shift_right_arithmetic3A_4464 : i32 to vector<16xi32>
    %shift_right_arithmetic3A_4466 = arith.shrsi %add3A_4453, %shift_right_arithmetic3A_4465 : vector<16xi32>
    %sub3A_4467 = arith.subi %shift_right_arithmetic3A_4463, %shift_right_arithmetic3A_4466 : vector<16xi32>
    %mul3A_4468 = arith.muli %sub3A_4460, %sub3A_4460 : vector<16xi32>
    %mul3A_4469 = arith.muli %sub3A_4467, %sub3A_4467 : vector<16xi32>
    %add3A_4470 = arith.addi %mul3A_4468, %mul3A_4469 : vector<16xi32>
    %le3A_4471 = arith.constant 9 : i32
    %le3A_4472 = vector.broadcast %le3A_4471 : i32 to vector<16xi32>
    %le3A_4473 = arith.cmpi sle, %add3A_4470, %le3A_4472 : vector<16xi32>
    %ge3A_4474 = arith.constant 1.000000e-01 : f32
    %ge3A_4475 = vector.broadcast %ge3A_4474 : f32 to vector<16xf32>
    %ge3A_4476 = arith.cmpf oge, %gather3A_4450, %ge3A_4475 : vector<16xf32>
    %and3A_4477 = arith.andi %le3A_4473, %ge3A_4476 : vector<16xi1>
    %ne3A_4478 = arith.constant 0 : i32
    %ne3A_4479 = vector.broadcast %ne3A_4478 : i32 to vector<16xi32>
    %ne3A_4480 = arith.cmpi ne, %get3A_4446, %ne3A_4479 : vector<16xi32>
    %ne3A_4481 = arith.constant 0 : i32
    %ne3A_4482 = vector.broadcast %ne3A_4481 : i32 to vector<16xi32>
    %ne3A_4483 = arith.cmpi ne, %get3A_4444, %ne3A_4482 : vector<16xi32>
    %and3A_4484 = arith.andi %ne3A_4480, %ne3A_4483 : vector<16xi1>
    %ne3A_4485 = arith.constant 0.000000e+00 : f32
    %ne3A_4486 = vector.broadcast %ne3A_4485 : f32 to vector<16xf32>
    %ne3A_4487 = arith.cmpf one, %get3A_4448, %ne3A_4486 : vector<16xf32>
    %and3A_4488 = arith.andi %ne3A_4487, %and3A_4477 : vector<16xi1>
    %and3A_4489 = arith.andi %and3A_4488, %and3A_4484 : vector<16xi1>
    %broadcast_in_dim3A_4490 = arith.constant -1 : i32
    %broadcast_in_dim3A_4491 = vector.broadcast %broadcast_in_dim3A_4490 : i32 to vector<16xi32>
    %and3A_4492 = arith.constant 31 : i32
    %and3A_4493 = vector.broadcast %and3A_4492 : i32 to vector<16xi32>
    %and3A_4494 = arith.andi %add3A_4453, %and3A_4493 : vector<16xi32>
    %select_n3A_4495 = arith.select %and3A_4489, %and3A_4494, %broadcast_in_dim3A_4491 : vector<16xi1>, vector<16xi32>
    %swap3A_4496 = arith.constant 976 : index
    %swap3A_4497 = tpu.vector_load %arg11[%swap3A_4496] {strides = array<i32>} : memref<4096xi32, #tpu.memory_space<vmem>>, vector<16xi32>,
    tpu.vector_store %arg11[%swap3A_4496], %select_n3A_4495 {strides = array<i32>} : memref<4096xi32, #tpu.memory_space<vmem>>, vector<16xi32>,
    %shift_right_arithmetic3A_4498 = arith.constant 5 : i32
    %shift_right_arithmetic3A_4499 = vector.broadcast %shift_right_arithmetic3A_4498 : i32 to vector<16xi32>
    %shift_right_arithmetic3A_4500 = arith.shrsi %add3A_4453, %shift_right_arithmetic3A_4499 : vector<16xi32>
    %select_n3A_4501 = arith.select %and3A_4489, %shift_right_arithmetic3A_4500, %broadcast_in_dim3A_4491 : vector<16xi1>, vector<16xi32>
    %swap3A_4502 = arith.constant 2000 : index
    %swap3A_4503 = tpu.vector_load %arg11[%swap3A_4502] {strides = array<i32>} : memref<4096xi32, #tpu.memory_space<vmem>>, vector<16xi32>,
    tpu.vector_store %arg11[%swap3A_4502], %select_n3A_4501 {strides = array<i32>} : memref<4096xi32, #tpu.memory_space<vmem>>, vector<16xi32>,
    %and3A_4504 = arith.constant 31 : i32
    %and3A_4505 = vector.broadcast %and3A_4504 : i32 to vector<16xi32>
    %and3A_4506 = arith.andi %get3A_4444, %and3A_4505 : vector<16xi32>
    %select_n3A_4507 = arith.select %and3A_4489, %and3A_4506, %broadcast_in_dim3A_4491 : vector<16xi1>, vector<16xi32>
    %swap3A_4508 = arith.constant 3024 : index
    %swap3A_4509 = tpu.vector_load %arg11[%swap3A_4508] {strides = array<i32>} : memref<4096xi32, #tpu.memory_space<vmem>>, vector<16xi32>,
    tpu.vector_store %arg11[%swap3A_4508], %select_n3A_4507 {strides = array<i32>} : memref<4096xi32, #tpu.memory_space<vmem>>, vector<16xi32>,
    %shift_right_arithmetic3A_4510 = arith.constant 5 : i32
    %shift_right_arithmetic3A_4511 = vector.broadcast %shift_right_arithmetic3A_4510 : i32 to vector<16xi32>
    %shift_right_arithmetic3A_4512 = arith.shrsi %get3A_4444, %shift_right_arithmetic3A_4511 : vector<16xi32>
    %select_n3A_4513 = arith.select %and3A_4489, %shift_right_arithmetic3A_4512, %broadcast_in_dim3A_4491 : vector<16xi1>, vector<16xi32>
    %swap3A_4514 = arith.constant 4048 : index
    %swap3A_4515 = tpu.vector_load %arg11[%swap3A_4514] {strides = array<i32>} : memref<4096xi32, #tpu.memory_space<vmem>>, vector<16xi32>,
    tpu.vector_store %arg11[%swap3A_4514], %select_n3A_4513 {strides = array<i32>} : memref<4096xi32, #tpu.memory_space<vmem>>, vector<16xi32>,
    %get3A_4516 = arith.constant 992 : index
    %get3A_4517 = tpu.vector_load %arg7[%get3A_4516] {strides = array<i32>} : memref<1024xi32, #tpu.memory_space<vmem>>, vector<16xi32>,
    %get3A_4518 = arith.constant 992 : index
    %get3A_4519 = tpu.vector_load %arg8[%get3A_4518] {strides = array<i32>} : memref<1024xi32, #tpu.memory_space<vmem>>, vector<16xi32>,
    %get3A_4520 = arith.constant 992 : index
    %get3A_4521 = tpu.vector_load %arg10[%get3A_4520] {strides = array<i32>} : memref<1024xf32, #tpu.memory_space<vmem>>, vector<16xf32>,
    %gather3A_4522 = tpu.vector_load_idx %arg8[%get3A_4517] : memref<1024xi32, #tpu.memory_space<vmem>>[vector<16xi32>], vector<16xi32>,
    %gather3A_4523 = tpu.vector_load_idx %arg9[%get3A_4517] : memref<1024xf32, #tpu.memory_space<vmem>>[vector<16xi32>], vector<16xf32>,
    %add3A_4524 = arith.constant 992 : i32
    %add3A_4525 = vector.broadcast %add3A_4524 : i32 to vector<16xi32>
    %add3A_4526 = arith.addi %iota3A, %add3A_4525 : vector<16xi32>
    %and3A_4527 = arith.constant 31 : i32
    %and3A_4528 = vector.broadcast %and3A_4527 : i32 to vector<16xi32>
    %and3A_4529 = arith.andi %gather3A_4522, %and3A_4528 : vector<16xi32>
    %and3A_4530 = arith.constant 31 : i32
    %and3A_4531 = vector.broadcast %and3A_4530 : i32 to vector<16xi32>
    %and3A_4532 = arith.andi %add3A_4526, %and3A_4531 : vector<16xi32>
    %sub3A_4533 = arith.subi %and3A_4529, %and3A_4532 : vector<16xi32>
    %shift_right_arithmetic3A_4534 = arith.constant 5 : i32
    %shift_right_arithmetic3A_4535 = vector.broadcast %shift_right_arithmetic3A_4534 : i32 to vector<16xi32>
    %shift_right_arithmetic3A_4536 = arith.shrsi %gather3A_4522, %shift_right_arithmetic3A_4535 : vector<16xi32>
    %shift_right_arithmetic3A_4537 = arith.constant 5 : i32
    %shift_right_arithmetic3A_4538 = vector.broadcast %shift_right_arithmetic3A_4537 : i32 to vector<16xi32>
    %shift_right_arithmetic3A_4539 = arith.shrsi %add3A_4526, %shift_right_arithmetic3A_4538 : vector<16xi32>
    %sub3A_4540 = arith.subi %shift_right_arithmetic3A_4536, %shift_right_arithmetic3A_4539 : vector<16xi32>
    %mul3A_4541 = arith.muli %sub3A_4533, %sub3A_4533 : vector<16xi32>
    %mul3A_4542 = arith.muli %sub3A_4540, %sub3A_4540 : vector<16xi32>
    %add3A_4543 = arith.addi %mul3A_4541, %mul3A_4542 : vector<16xi32>
    %le3A_4544 = arith.constant 9 : i32
    %le3A_4545 = vector.broadcast %le3A_4544 : i32 to vector<16xi32>
    %le3A_4546 = arith.cmpi sle, %add3A_4543, %le3A_4545 : vector<16xi32>
    %ge3A_4547 = arith.constant 1.000000e-01 : f32
    %ge3A_4548 = vector.broadcast %ge3A_4547 : f32 to vector<16xf32>
    %ge3A_4549 = arith.cmpf oge, %gather3A_4523, %ge3A_4548 : vector<16xf32>
    %and3A_4550 = arith.andi %le3A_4546, %ge3A_4549 : vector<16xi1>
    %ne3A_4551 = arith.constant 0 : i32
    %ne3A_4552 = vector.broadcast %ne3A_4551 : i32 to vector<16xi32>
    %ne3A_4553 = arith.cmpi ne, %get3A_4519, %ne3A_4552 : vector<16xi32>
    %ne3A_4554 = arith.constant 0 : i32
    %ne3A_4555 = vector.broadcast %ne3A_4554 : i32 to vector<16xi32>
    %ne3A_4556 = arith.cmpi ne, %get3A_4517, %ne3A_4555 : vector<16xi32>
    %and3A_4557 = arith.andi %ne3A_4553, %ne3A_4556 : vector<16xi1>
    %ne3A_4558 = arith.constant 0.000000e+00 : f32
    %ne3A_4559 = vector.broadcast %ne3A_4558 : f32 to vector<16xf32>
    %ne3A_4560 = arith.cmpf one, %get3A_4521, %ne3A_4559 : vector<16xf32>
    %and3A_4561 = arith.andi %ne3A_4560, %and3A_4550 : vector<16xi1>
    %and3A_4562 = arith.andi %and3A_4561, %and3A_4557 : vector<16xi1>
    %broadcast_in_dim3A_4563 = arith.constant -1 : i32
    %broadcast_in_dim3A_4564 = vector.broadcast %broadcast_in_dim3A_4563 : i32 to vector<16xi32>
    %and3A_4565 = arith.constant 31 : i32
    %and3A_4566 = vector.broadcast %and3A_4565 : i32 to vector<16xi32>
    %and3A_4567 = arith.andi %add3A_4526, %and3A_4566 : vector<16xi32>
    %select_n3A_4568 = arith.select %and3A_4562, %and3A_4567, %broadcast_in_dim3A_4564 : vector<16xi1>, vector<16xi32>
    %swap3A_4569 = arith.constant 992 : index
    %swap3A_4570 = tpu.vector_load %arg11[%swap3A_4569] {strides = array<i32>} : memref<4096xi32, #tpu.memory_space<vmem>>, vector<16xi32>,
    tpu.vector_store %arg11[%swap3A_4569], %select_n3A_4568 {strides = array<i32>} : memref<4096xi32, #tpu.memory_space<vmem>>, vector<16xi32>,
    %shift_right_arithmetic3A_4571 = arith.constant 5 : i32
    %shift_right_arithmetic3A_4572 = vector.broadcast %shift_right_arithmetic3A_4571 : i32 to vector<16xi32>
    %shift_right_arithmetic3A_4573 = arith.shrsi %add3A_4526, %shift_right_arithmetic3A_4572 : vector<16xi32>
    %select_n3A_4574 = arith.select %and3A_4562, %shift_right_arithmetic3A_4573, %broadcast_in_dim3A_4564 : vector<16xi1>, vector<16xi32>
    %swap3A_4575 = arith.constant 2016 : index
    %swap3A_4576 = tpu.vector_load %arg11[%swap3A_4575] {strides = array<i32>} : memref<4096xi32, #tpu.memory_space<vmem>>, vector<16xi32>,
    tpu.vector_store %arg11[%swap3A_4575], %select_n3A_4574 {strides = array<i32>} : memref<4096xi32, #tpu.memory_space<vmem>>, vector<16xi32>,
    %and3A_4577 = arith.constant 31 : i32
    %and3A_4578 = vector.broadcast %and3A_4577 : i32 to vector<16xi32>
    %and3A_4579 = arith.andi %get3A_4517, %and3A_4578 : vector<16xi32>
    %select_n3A_4580 = arith.select %and3A_4562, %and3A_4579, %broadcast_in_dim3A_4564 : vector<16xi1>, vector<16xi32>
    %swap3A_4581 = arith.constant 3040 : index
    %swap3A_4582 = tpu.vector_load %arg11[%swap3A_4581] {strides = array<i32>} : memref<4096xi32, #tpu.memory_space<vmem>>, vector<16xi32>,
    tpu.vector_store %arg11[%swap3A_4581], %select_n3A_4580 {strides = array<i32>} : memref<4096xi32, #tpu.memory_space<vmem>>, vector<16xi32>,
    %shift_right_arithmetic3A_4583 = arith.constant 5 : i32
    %shift_right_arithmetic3A_4584 = vector.broadcast %shift_right_arithmetic3A_4583 : i32 to vector<16xi32>
    %shift_right_arithmetic3A_4585 = arith.shrsi %get3A_4517, %shift_right_arithmetic3A_4584 : vector<16xi32>
    %select_n3A_4586 = arith.select %and3A_4562, %shift_right_arithmetic3A_4585, %broadcast_in_dim3A_4564 : vector<16xi1>, vector<16xi32>
    %swap3A_4587 = arith.constant 4064 : index
    %swap3A_4588 = tpu.vector_load %arg11[%swap3A_4587] {strides = array<i32>} : memref<4096xi32, #tpu.memory_space<vmem>>, vector<16xi32>,
    tpu.vector_store %arg11[%swap3A_4587], %select_n3A_4586 {strides = array<i32>} : memref<4096xi32, #tpu.memory_space<vmem>>, vector<16xi32>,
    %get3A_4589 = arith.constant 1008 : index
    %get3A_4590 = tpu.vector_load %arg7[%get3A_4589] {strides = array<i32>} : memref<1024xi32, #tpu.memory_space<vmem>>, vector<16xi32>,
    %get3A_4591 = arith.constant 1008 : index
    %get3A_4592 = tpu.vector_load %arg8[%get3A_4591] {strides = array<i32>} : memref<1024xi32, #tpu.memory_space<vmem>>, vector<16xi32>,
    %get3A_4593 = arith.constant 1008 : index
    %get3A_4594 = tpu.vector_load %arg10[%get3A_4593] {strides = array<i32>} : memref<1024xf32, #tpu.memory_space<vmem>>, vector<16xf32>,
    %gather3A_4595 = tpu.vector_load_idx %arg8[%get3A_4590] : memref<1024xi32, #tpu.memory_space<vmem>>[vector<16xi32>], vector<16xi32>,
    %gather3A_4596 = tpu.vector_load_idx %arg9[%get3A_4590] : memref<1024xf32, #tpu.memory_space<vmem>>[vector<16xi32>], vector<16xf32>,
    %add3A_4597 = arith.constant 1008 : i32
    %add3A_4598 = vector.broadcast %add3A_4597 : i32 to vector<16xi32>
    %add3A_4599 = arith.addi %iota3A, %add3A_4598 : vector<16xi32>
    %and3A_4600 = arith.constant 31 : i32
    %and3A_4601 = vector.broadcast %and3A_4600 : i32 to vector<16xi32>
    %and3A_4602 = arith.andi %gather3A_4595, %and3A_4601 : vector<16xi32>
    %and3A_4603 = arith.constant 31 : i32
    %and3A_4604 = vector.broadcast %and3A_4603 : i32 to vector<16xi32>
    %and3A_4605 = arith.andi %add3A_4599, %and3A_4604 : vector<16xi32>
    %sub3A_4606 = arith.subi %and3A_4602, %and3A_4605 : vector<16xi32>
    %shift_right_arithmetic3A_4607 = arith.constant 5 : i32
    %shift_right_arithmetic3A_4608 = vector.broadcast %shift_right_arithmetic3A_4607 : i32 to vector<16xi32>
    %shift_right_arithmetic3A_4609 = arith.shrsi %gather3A_4595, %shift_right_arithmetic3A_4608 : vector<16xi32>
    %shift_right_arithmetic3A_4610 = arith.constant 5 : i32
    %shift_right_arithmetic3A_4611 = vector.broadcast %shift_right_arithmetic3A_4610 : i32 to vector<16xi32>
    %shift_right_arithmetic3A_4612 = arith.shrsi %add3A_4599, %shift_right_arithmetic3A_4611 : vector<16xi32>
    %sub3A_4613 = arith.subi %shift_right_arithmetic3A_4609, %shift_right_arithmetic3A_4612 : vector<16xi32>
    %mul3A_4614 = arith.muli %sub3A_4606, %sub3A_4606 : vector<16xi32>
    %mul3A_4615 = arith.muli %sub3A_4613, %sub3A_4613 : vector<16xi32>
    %add3A_4616 = arith.addi %mul3A_4614, %mul3A_4615 : vector<16xi32>
    %le3A_4617 = arith.constant 9 : i32
    %le3A_4618 = vector.broadcast %le3A_4617 : i32 to vector<16xi32>
    %le3A_4619 = arith.cmpi sle, %add3A_4616, %le3A_4618 : vector<16xi32>
    %ge3A_4620 = arith.constant 1.000000e-01 : f32
    %ge3A_4621 = vector.broadcast %ge3A_4620 : f32 to vector<16xf32>
    %ge3A_4622 = arith.cmpf oge, %gather3A_4596, %ge3A_4621 : vector<16xf32>
    %and3A_4623 = arith.andi %le3A_4619, %ge3A_4622 : vector<16xi1>
    %ne3A_4624 = arith.constant 0 : i32
    %ne3A_4625 = vector.broadcast %ne3A_4624 : i32 to vector<16xi32>
    %ne3A_4626 = arith.cmpi ne, %get3A_4592, %ne3A_4625 : vector<16xi32>
    %ne3A_4627 = arith.constant 0 : i32
    %ne3A_4628 = vector.broadcast %ne3A_4627 : i32 to vector<16xi32>
    %ne3A_4629 = arith.cmpi ne, %get3A_4590, %ne3A_4628 : vector<16xi32>
    %and3A_4630 = arith.andi %ne3A_4626, %ne3A_4629 : vector<16xi1>
    %ne3A_4631 = arith.constant 0.000000e+00 : f32
    %ne3A_4632 = vector.broadcast %ne3A_4631 : f32 to vector<16xf32>
    %ne3A_4633 = arith.cmpf one, %get3A_4594, %ne3A_4632 : vector<16xf32>
    %and3A_4634 = arith.andi %ne3A_4633, %and3A_4623 : vector<16xi1>
    %and3A_4635 = arith.andi %and3A_4634, %and3A_4630 : vector<16xi1>
    %broadcast_in_dim3A_4636 = arith.constant -1 : i32
    %broadcast_in_dim3A_4637 = vector.broadcast %broadcast_in_dim3A_4636 : i32 to vector<16xi32>
    %and3A_4638 = arith.constant 31 : i32
    %and3A_4639 = vector.broadcast %and3A_4638 : i32 to vector<16xi32>
    %and3A_4640 = arith.andi %add3A_4599, %and3A_4639 : vector<16xi32>
    %select_n3A_4641 = arith.select %and3A_4635, %and3A_4640, %broadcast_in_dim3A_4637 : vector<16xi1>, vector<16xi32>
    %swap3A_4642 = arith.constant 1008 : index
    %swap3A_4643 = tpu.vector_load %arg11[%swap3A_4642] {strides = array<i32>} : memref<4096xi32, #tpu.memory_space<vmem>>, vector<16xi32>,
    tpu.vector_store %arg11[%swap3A_4642], %select_n3A_4641 {strides = array<i32>} : memref<4096xi32, #tpu.memory_space<vmem>>, vector<16xi32>,
    %shift_right_arithmetic3A_4644 = arith.constant 5 : i32
    %shift_right_arithmetic3A_4645 = vector.broadcast %shift_right_arithmetic3A_4644 : i32 to vector<16xi32>
    %shift_right_arithmetic3A_4646 = arith.shrsi %add3A_4599, %shift_right_arithmetic3A_4645 : vector<16xi32>
    %select_n3A_4647 = arith.select %and3A_4635, %shift_right_arithmetic3A_4646, %broadcast_in_dim3A_4637 : vector<16xi1>, vector<16xi32>
    %swap3A_4648 = arith.constant 2032 : index
    %swap3A_4649 = tpu.vector_load %arg11[%swap3A_4648] {strides = array<i32>} : memref<4096xi32, #tpu.memory_space<vmem>>, vector<16xi32>,
    tpu.vector_store %arg11[%swap3A_4648], %select_n3A_4647 {strides = array<i32>} : memref<4096xi32, #tpu.memory_space<vmem>>, vector<16xi32>,
    %and3A_4650 = arith.constant 31 : i32
    %and3A_4651 = vector.broadcast %and3A_4650 : i32 to vector<16xi32>
    %and3A_4652 = arith.andi %get3A_4590, %and3A_4651 : vector<16xi32>
    %select_n3A_4653 = arith.select %and3A_4635, %and3A_4652, %broadcast_in_dim3A_4637 : vector<16xi1>, vector<16xi32>
    %swap3A_4654 = arith.constant 3056 : index
    %swap3A_4655 = tpu.vector_load %arg11[%swap3A_4654] {strides = array<i32>} : memref<4096xi32, #tpu.memory_space<vmem>>, vector<16xi32>,
    tpu.vector_store %arg11[%swap3A_4654], %select_n3A_4653 {strides = array<i32>} : memref<4096xi32, #tpu.memory_space<vmem>>, vector<16xi32>,
    %shift_right_arithmetic3A_4656 = arith.constant 5 : i32
    %shift_right_arithmetic3A_4657 = vector.broadcast %shift_right_arithmetic3A_4656 : i32 to vector<16xi32>
    %shift_right_arithmetic3A_4658 = arith.shrsi %get3A_4590, %shift_right_arithmetic3A_4657 : vector<16xi32>
    %select_n3A_4659 = arith.select %and3A_4635, %shift_right_arithmetic3A_4658, %broadcast_in_dim3A_4637 : vector<16xi1>, vector<16xi32>
    %swap3A_4660 = arith.constant 4080 : index
    %swap3A_4661 = tpu.vector_load %arg11[%swap3A_4660] {strides = array<i32>} : memref<4096xi32, #tpu.memory_space<vmem>>, vector<16xi32>,
    tpu.vector_store %arg11[%swap3A_4660], %select_n3A_4659 {strides = array<i32>} : memref<4096xi32, #tpu.memory_space<vmem>>, vector<16xi32>,
    "tpu.region"() ({
      %run_scoped3A = tpu.sem_alloc : memref<!tpu.dma_semaphore, #tpu.memory_space<semaphore_mem>>
      %dma_start3A = arith.constant 0 : i32
      %dma_start3A_4662 = tpu.memref_slice %arg6[%add3A, %dma_start3A] : memref<32x4096xi32, #tpu.memory_space<hbm>> -> memref<1x4096xi32, #tpu.memory_space<hbm>>
      %dma_start3A_4663 = tpu.memref_squeeze %dma_start3A_4662 : memref<1x4096xi32, #tpu.memory_space<hbm>> -> memref<4096xi32, #tpu.memory_space<hbm>>
      %dma_start3A_4664 = arith.constant 0 : i32
      %dma_start3A_4665 = tpu.memref_slice %arg6[%add3A, %dma_start3A_4664] : memref<32x4096xi32, #tpu.memory_space<hbm>> -> memref<1x4096xi32, #tpu.memory_space<hbm>>
      %dma_start3A_4666 = tpu.memref_squeeze %dma_start3A_4665 : memref<1x4096xi32, #tpu.memory_space<hbm>> -> memref<4096xi32, #tpu.memory_space<hbm>>
      tpu.enqueue_dma source(%arg11 : memref<4096xi32, #tpu.memory_space<vmem>>) target(%dma_start3A_4666 : memref<4096xi32, #tpu.memory_space<hbm>>) target_semaphore(%run_scoped3A : memref<!tpu.dma_semaphore, #tpu.memory_space<semaphore_mem>>)
      %dma_wait3A = arith.constant 0 : i32
      %dma_wait3A_4667 = tpu.memref_slice %arg6[%add3A, %dma_wait3A] : memref<32x4096xi32, #tpu.memory_space<hbm>> -> memref<1x4096xi32, #tpu.memory_space<hbm>>
      %dma_wait3A_4668 = tpu.memref_squeeze %dma_wait3A_4667 : memref<1x4096xi32, #tpu.memory_space<hbm>> -> memref<4096xi32, #tpu.memory_space<hbm>>
      %dma_wait3A_4669 = arith.constant 0 : i32
      %dma_wait3A_4670 = tpu.memref_slice %arg6[%add3A, %dma_wait3A_4669] : memref<32x4096xi32, #tpu.memory_space<hbm>> -> memref<1x4096xi32, #tpu.memory_space<hbm>>
      %dma_wait3A_4671 = tpu.memref_squeeze %dma_wait3A_4670 : memref<1x4096xi32, #tpu.memory_space<hbm>> -> memref<4096xi32, #tpu.memory_space<hbm>>
      tpu.wait_dma2 semaphore(%run_scoped3A : memref<!tpu.dma_semaphore, #tpu.memory_space<semaphore_mem>>) src(%arg11 : memref<4096xi32, #tpu.memory_space<vmem>>) dst(%dma_wait3A_4671 : memref<4096xi32, #tpu.memory_space<hbm>>)
      tpu.yield
    }) : () -> ()
    return
  }
}

module attributes {stable_mosaic.version = 14 : i64} {
  func.func @_tc_body(%arg0: i32, %arg1: memref<1x96x1024xf32, #tpu.memory_space<vmem>>, %arg2: memref<1x96x1024xf32, #tpu.memory_space<vmem>>, %arg3: memref<1x1x1024xf32, #tpu.memory_space<vmem>>, %arg4: memref<1x1x1024xf32, #tpu.memory_space<vmem>>, %arg5: memref<1x1x1024xi32, #tpu.memory_space<vmem>>, %arg6: memref<1x1x1024xi32, #tpu.memory_space<vmem>>) attributes {dimension_semantics = [#tpu.dimension_semantics<arbitrary>], iteration_bounds = array<i64: 32>, scalar_prefetch = 0 : i64, scratch_operands = 0 : i64, tpu.core_type = #tpu.core_type<tc>, window_params = [{transform_indices = @transform_0, window_bounds = array<i64: 1, 96, 1024>}, {transform_indices = @transform_1, window_bounds = array<i64: 1, 96, 1024>}, {transform_indices = @transform_2, window_bounds = array<i64: 1, 1, 1024>}, {transform_indices = @transform_3, window_bounds = array<i64: 1, 1, 1024>}, {transform_indices = @transform_4, window_bounds = array<i64: 1, 1, 1024>}, {transform_indices = @transform_5, window_bounds = array<i64: 1, 1, 1024>}]} {
    %get3A = arith.constant 0 : index
    %get3A_0 = arith.constant 0 : index
    %get3A_1 = arith.constant 0 : index
    %get3A_2 = vector.load %arg1[%get3A, %get3A_0, %get3A_1] : memref<1x96x1024xf32, #tpu.memory_space<vmem>>, vector<1x96x1024xf32>
    %get3A_3 = vector.shape_cast %get3A_2 : vector<1x96x1024xf32> to vector<96x1024xf32>
    %get3A_4 = arith.constant 0 : index
    %get3A_5 = arith.constant 0 : index
    %get3A_6 = arith.constant 0 : index
    %get3A_7 = vector.load %arg2[%get3A_4, %get3A_5, %get3A_6] : memref<1x96x1024xf32, #tpu.memory_space<vmem>>, vector<1x96x1024xf32>
    %get3A_8 = vector.shape_cast %get3A_7 : vector<1x96x1024xf32> to vector<96x1024xf32>
    %mul3A = arith.mulf %get3A_3, %get3A_3 : vector<96x1024xf32>
    %reduce_sum3A = arith.constant dense<0.000000e+00> : vector<1024xf32>
    %reduce_sum3A_9 = vector.multi_reduction <add>, %mul3A, %reduce_sum3A [0] : vector<96x1024xf32> to vector<1024xf32>
    %broadcast_in_dim3A = vector.shape_cast %reduce_sum3A_9 : vector<1024xf32> to vector<1x1024xf32>
    %sqrt3A = math.sqrt %broadcast_in_dim3A : vector<1x1024xf32>
    %mul3A_10 = arith.mulf %get3A_8, %get3A_8 : vector<96x1024xf32>
    %reduce_sum3A_11 = arith.constant dense<0.000000e+00> : vector<1024xf32>
    %reduce_sum3A_12 = vector.multi_reduction <add>, %mul3A_10, %reduce_sum3A_11 [0] : vector<96x1024xf32> to vector<1024xf32>
    %broadcast_in_dim3A_13 = vector.shape_cast %reduce_sum3A_12 : vector<1024xf32> to vector<1x1024xf32>
    %sqrt3A_14 = math.sqrt %broadcast_in_dim3A_13 : vector<1x1024xf32>
    %max3A = arith.constant 9.99999996E-13 : f32
    %max3A_15 = vector.broadcast %max3A : f32 to vector<1x1024xf32>
    %max3A_16 = arith.maximumf %sqrt3A, %max3A_15 : vector<1x1024xf32>
    %div3A = vector.broadcast %max3A_16 : vector<1x1024xf32> to vector<96x1024xf32>
    %div3A_17 = arith.divf %get3A_3, %div3A : vector<96x1024xf32>
    %max3A_18 = arith.constant 9.99999996E-13 : f32
    %max3A_19 = vector.broadcast %max3A_18 : f32 to vector<1x1024xf32>
    %max3A_20 = arith.maximumf %sqrt3A_14, %max3A_19 : vector<1x1024xf32>
    %div3A_21 = vector.broadcast %max3A_20 : vector<1x1024xf32> to vector<96x1024xf32>
    %div3A_22 = arith.divf %get3A_8, %div3A_21 : vector<96x1024xf32>
    %dot_general3A = arith.constant dense<0.000000e+00> : vector<1024x1024xf32>
    %dot_general3A_23 = tpu.matmul %div3A_17, %div3A_22, %dot_general3A {dimension_numbers = #tpu.dot_dimension_numbers<[0], [0], [1], [1], [0, 1, 1, 1], [], []>, transpose_lhs_hint = false} : vector<96x1024xf32>, vector<96x1024xf32>, vector<1024x1024xf32> -> vector<1024x1024xf32>
    %dot_general3A_24 = arith.constant dense<0.000000e+00> : vector<1024x1024xf32>
    %dot_general3A_25 = tpu.matmul %div3A_22, %div3A_17, %dot_general3A_24 {dimension_numbers = #tpu.dot_dimension_numbers<[0], [0], [1], [1], [0, 1, 1, 1], [], []>, transpose_lhs_hint = false} : vector<96x1024xf32>, vector<96x1024xf32>, vector<1024x1024xf32> -> vector<1024x1024xf32>
    %reduce_max3A = arith.constant dense<0xFF800000> : vector<1024xf32>
    %reduce_max3A_26 = vector.multi_reduction <maximumf>, %dot_general3A_23, %reduce_max3A [0] : vector<1024x1024xf32> to vector<1024xf32>
    %broadcast_in_dim3A_27 = vector.shape_cast %reduce_max3A_26 : vector<1024xf32> to vector<1x1024xf32>
    %argmax3A = tpu.reduce_index %dot_general3A_23 {axis = 0 : i32, kind = #tpu.reduction_kind<arg_max>} : vector<1024x1024xf32> -> vector<1024xi32>
    %broadcast_in_dim3A_28 = vector.shape_cast %argmax3A : vector<1024xi32> to vector<1x1024xi32>
    %reduce_max3A_29 = arith.constant dense<0xFF800000> : vector<1024xf32>
    %reduce_max3A_30 = vector.multi_reduction <maximumf>, %dot_general3A_25, %reduce_max3A_29 [0] : vector<1024x1024xf32> to vector<1024xf32>
    %broadcast_in_dim3A_31 = vector.shape_cast %reduce_max3A_30 : vector<1024xf32> to vector<1x1024xf32>
    %argmax3A_32 = tpu.reduce_index %dot_general3A_25 {axis = 0 : i32, kind = #tpu.reduction_kind<arg_max>} : vector<1024x1024xf32> -> vector<1024xi32>
    %broadcast_in_dim3A_33 = vector.shape_cast %argmax3A_32 : vector<1024xi32> to vector<1x1024xi32>
    %ge3A = arith.constant 1.000000e-01 : f32
    %ge3A_34 = vector.broadcast %ge3A : f32 to vector<1x1024xf32>
    %ge3A_35 = arith.cmpf oge, %broadcast_in_dim3A_27, %ge3A_34 : vector<1x1024xf32>
    %ge3A_36 = arith.constant 1.000000e-01 : f32
    %ge3A_37 = vector.broadcast %ge3A_36 : f32 to vector<1x1024xf32>
    %ge3A_38 = arith.cmpf oge, %broadcast_in_dim3A_31, %ge3A_37 : vector<1x1024xf32>
    %jit3A = arith.constant 0.000000e+00 : f32
    %broadcast_in_dim3A_39 = vector.broadcast %jit3A : f32 to vector<1x1024xf32>
    %select_n3A = arith.select %ge3A_38, %broadcast_in_dim3A_31, %broadcast_in_dim3A_39 : vector<1x1024xi1>, vector<1x1024xf32>
    %swap3A = arith.constant 0 : index
    %swap3A_40 = arith.constant 0 : index
    %swap3A_41 = arith.constant 0 : index
    %swap3A_42 = vector.load %arg3[%swap3A, %swap3A_40, %swap3A_41] : memref<1x1x1024xf32, #tpu.memory_space<vmem>>, vector<1x1x1024xf32>
    %swap3A_43 = vector.shape_cast %swap3A_42 : vector<1x1x1024xf32> to vector<1x1024xf32>
    %swap3A_44 = vector.shape_cast %select_n3A : vector<1x1024xf32> to vector<1x1x1024xf32>
    tpu.vector_store %arg3[%swap3A, %swap3A_40, %swap3A_41], %swap3A_44 {strides = array<i32>} : memref<1x1x1024xf32, #tpu.memory_space<vmem>>, vector<1x1x1024xf32>,
    %jit3A_45 = arith.constant 0.000000e+00 : f32
    %broadcast_in_dim3A_46 = vector.broadcast %jit3A_45 : f32 to vector<1x1024xf32>
    %select_n3A_47 = arith.select %ge3A_35, %broadcast_in_dim3A_27, %broadcast_in_dim3A_46 : vector<1x1024xi1>, vector<1x1024xf32>
    %swap3A_48 = arith.constant 0 : index
    %swap3A_49 = arith.constant 0 : index
    %swap3A_50 = arith.constant 0 : index
    %swap3A_51 = vector.load %arg4[%swap3A_48, %swap3A_49, %swap3A_50] : memref<1x1x1024xf32, #tpu.memory_space<vmem>>, vector<1x1x1024xf32>
    %swap3A_52 = vector.shape_cast %swap3A_51 : vector<1x1x1024xf32> to vector<1x1024xf32>
    %swap3A_53 = vector.shape_cast %select_n3A_47 : vector<1x1024xf32> to vector<1x1x1024xf32>
    tpu.vector_store %arg4[%swap3A_48, %swap3A_49, %swap3A_50], %swap3A_53 {strides = array<i32>} : memref<1x1x1024xf32, #tpu.memory_space<vmem>>, vector<1x1x1024xf32>,
    %jit3A_54 = arith.constant 0 : i32
    %broadcast_in_dim3A_55 = vector.broadcast %jit3A_54 : i32 to vector<1x1024xi32>
    %select_n3A_56 = arith.select %ge3A_38, %broadcast_in_dim3A_33, %broadcast_in_dim3A_55 : vector<1x1024xi1>, vector<1x1024xi32>
    %swap3A_57 = arith.constant 0 : index
    %swap3A_58 = arith.constant 0 : index
    %swap3A_59 = arith.constant 0 : index
    %swap3A_60 = vector.load %arg5[%swap3A_57, %swap3A_58, %swap3A_59] : memref<1x1x1024xi32, #tpu.memory_space<vmem>>, vector<1x1x1024xi32>
    %swap3A_61 = vector.shape_cast %swap3A_60 : vector<1x1x1024xi32> to vector<1x1024xi32>
    %swap3A_62 = vector.shape_cast %select_n3A_56 : vector<1x1024xi32> to vector<1x1x1024xi32>
    tpu.vector_store %arg5[%swap3A_57, %swap3A_58, %swap3A_59], %swap3A_62 {strides = array<i32>} : memref<1x1x1024xi32, #tpu.memory_space<vmem>>, vector<1x1x1024xi32>,
    %jit3A_63 = arith.constant 0 : i32
    %broadcast_in_dim3A_64 = vector.broadcast %jit3A_63 : i32 to vector<1x1024xi32>
    %select_n3A_65 = arith.select %ge3A_35, %broadcast_in_dim3A_28, %broadcast_in_dim3A_64 : vector<1x1024xi1>, vector<1x1024xi32>
    %swap3A_66 = arith.constant 0 : index
    %swap3A_67 = arith.constant 0 : index
    %swap3A_68 = arith.constant 0 : index
    %swap3A_69 = vector.load %arg6[%swap3A_66, %swap3A_67, %swap3A_68] : memref<1x1x1024xi32, #tpu.memory_space<vmem>>, vector<1x1x1024xi32>
    %swap3A_70 = vector.shape_cast %swap3A_69 : vector<1x1x1024xi32> to vector<1x1024xi32>
    %swap3A_71 = vector.shape_cast %select_n3A_65 : vector<1x1024xi32> to vector<1x1x1024xi32>
    tpu.vector_store %arg6[%swap3A_66, %swap3A_67, %swap3A_68], %swap3A_71 {strides = array<i32>} : memref<1x1x1024xi32, #tpu.memory_space<vmem>>, vector<1x1x1024xi32>,
    return
  }
  func.func @transform_0(%arg0: i32) -> (i32, i32, i32) {
    %c0_i32 = arith.constant 0 : i32
    %c0_i32_0 = arith.constant 0 : i32
    %c0_i32_1 = arith.constant 0 : i32
    return %arg0, %c0_i32, %c0_i32_0 : i32, i32, i32
  }
  func.func @transform_1(%arg0: i32) -> (i32, i32, i32) {
    %c0_i32 = arith.constant 0 : i32
    %c0_i32_0 = arith.constant 0 : i32
    %c0_i32_1 = arith.constant 0 : i32
    return %arg0, %c0_i32, %c0_i32_0 : i32, i32, i32
  }
  func.func @transform_2(%arg0: i32) -> (i32, i32, i32) {
    %c0_i32 = arith.constant 0 : i32
    %c0_i32_0 = arith.constant 0 : i32
    %c0_i32_1 = arith.constant 0 : i32
    return %arg0, %c0_i32, %c0_i32_0 : i32, i32, i32
  }
  func.func @transform_3(%arg0: i32) -> (i32, i32, i32) {
    %c0_i32 = arith.constant 0 : i32
    %c0_i32_0 = arith.constant 0 : i32
    %c0_i32_1 = arith.constant 0 : i32
    return %arg0, %c0_i32, %c0_i32_0 : i32, i32, i32
  }
  func.func @transform_4(%arg0: i32) -> (i32, i32, i32) {
    %c0_i32 = arith.constant 0 : i32
    %c0_i32_0 = arith.constant 0 : i32
    %c0_i32_1 = arith.constant 0 : i32
    return %arg0, %c0_i32, %c0_i32_0 : i32, i32, i32
  }
  func.func @transform_5(%arg0: i32) -> (i32, i32, i32) {
    %c0_i32 = arith.constant 0 : i32
    %c0_i32_0 = arith.constant 0 : i32
    %c0_i32_1 = arith.constant 0 : i32
    return %arg0, %c0_i32, %c0_i32_0 : i32, i32, i32
  }
}

</mosaic_0001>

<sc_bundles>
// kernel: kernel.4.cloned.1.call-start
scs
__scs_entry_jumppad:
0x0: {  	(pc) =	sbr.rel $0x88, $3  }
0x1: {  	(tag) =	ssettag $0x0;
	lr =	simm.s32 $0x1  }
0x2: {  	[smem:$0x3F9F] =	sst lr;
	_ =	strace $0xD0000000  }
0x3: {  	_ = 	snop  }
0x4: {  	_ = 	snop  }
0x5: {  	_ = 	snop  }
0x6: {  	_ = 	snop  }
0x7: {  	_ = 	snop  }
__scs_overlays_trampoline_lowered:
0x8: {  	[smem:$0x3FAE] =	sst s0  }
0x9: {  	[smem:$0x3FAF] =	sst s1  }
0xa: {  	[smem:$0x3FB0] =	sst s2  }
0xb: {  	[smem:$0x3FB1] =	sst s3  }
0xc: {  	[smem:$0x3FB2] =	sst s4  }
0xd: {  	[smem:$0x3FB3] =	sst s5  }
0xe: {  	[smem:$0x3FB4] =	sst s6  }
0xf: {  	[smem:$0x3FB5] =	sst s7  }
0x10: {  	[smem:$0x3FB6] =	sst s8  }
0x11: {  	[smem:$0x3FB7] =	sst s9;
	s0 =	simm.s32 @!p0 $0x0  }
0x12: {  	s1 =	sld [smem:$0x3F9D];
	s0 =	simm.s32 @p0 $0x1  }
0x13: {  	[smem:$0x3FB8] =	sst s0;
	s0 =	simm.s32 @!p1 $0x0  }
0x14: {  	s2 =	sld [smem:$0x3F9C];
	s0 =	simm.s32 @p1 $0x1  }
0x15: {  	[smem:$0x3FB9] =	sst s0;
	s0 =	simm.s32 @!p2 $0x0  }
0x16: {  	s3 =	sld [smem:$0x3FDB];
	s0 =	simm.s32 @p2 $0x1  }
0x17: {  	s4 =	simm.s32 $0x1BF5;
	[smem:$0x3FBB] =	sst s0  }
0x18: {  	s0 =	sld [smem:$0x3F9E];
	_ =	swait.ge [sflag:s4], $0x0  }
0x19: {  	s7 =	sld [smem:$0x3F9F]  }
0x1a: {  	s8 =	sadd.s32 $0xFFFFE003, lr  }
0x1b: {  	s9 =	sadd.s32 $0xFFFFFEF7, lr;
	s5 =	simm.s32 $0xFFFFFFFF;
	p2 =	slt.u32 s8, $0xFFFFF086  }
0x1c: {  	p1 =	slt.u32 s9, $0xF7A;
	s5 =	simm.s32 @!p2 $0x0  }
0x1d: {  	s5 =	simm.s32 @p1 $0x1;
	p0 =	seq.s32 s7, s2  }
0x1e: {  	s7 =	smul.u32 @!p0 $0xF7A, s2;
	p2 =	seq.s32 @!p0 s5, $0x0  }
0x1f: {  	s9 =	smul.u32 $0xF7A, s1;
	s8 =	simm.s32 @!p0 $0x1BF5;
	p2 =	por !p2, p0  }
0x20: {  	[sflag:s8] =	ssyncset.s32 @!p0 $0xFFFFF086;
	s6 =	sadd.s32 @!p0 s3, s7;
	s7 =	simm.s32 @!p0 $0x108  }
0x21: {  	s3 =	sadd.s32 s3, s9;
	s6 =	sadd.s32 @!p0 $0x88, s6;
	s7 =	simm.s32 @p2 $0x1082  }
0x22: {  	[simem:s7], [sflag:s8] =	dma.local @!p0 [hbm:s6], $0xF7A  }
0x23: {  	s9 =	sor.u32 $0xD0000000, s2;
	s6 =	simm.s32 $0x108;
	_ =	swait.ge @!p0 [sflag:s8], $0x0  }
0x24: {  	s3 =	sadd.s32 $0x88, s3;
	s6 =	simm.s32 @!p1 $0x1082;
	[sflag:s4] =	ssyncset.s32 $0xFFFFF086  }
0x25: {  	[simem:s6], [sflag:s4] =	dma.local [hbm:s3], $0xF7A  }
0x26: {  	[smem:$0x3F9F] =	sst s1;
	(tag) =	ssettag s2;
	_ =	strace s9  }
0x27: {  	s1 =	sld [smem:$0x3FAF]  }
0x28: {  	s2 =	sld [smem:$0x3FB0]  }
0x29: {  	s4 =	sld [smem:$0x3FB2]  }
0x2a: {  	p0 =	seq.s32 s5, $0x0;
	s5 =	sld [smem:$0x3FB3]  }
0x2b: {  	s6 =	sld [smem:$0x3FB4]  }
0x2c: {  	s7 =	sld [smem:$0x3FB5]  }
0x2d: {  	s3 =	simm.s32 $0x108;
	s8 =	sld [smem:$0x3FB6]  }
0x2e: {  	s3 =	simm.s32 @!p0 $0x1082;
	s9 =	sld [smem:$0x3FB7]  }
0x2f: {  	lr =	sadd.s32 s0, s3;
	s0 =	sld [smem:$0x3FAE]  }
0x30: {  	s3 =	sld [smem:$0x3FB1]  }
0x31: {  	[smem:$0x3FBA] =	sst s10  }
0x32: {  	s10 =	sld [smem:$0x3FB8];
	_ =	sdelay $0x3  }
0x33: {  	p0 =	seq.s32 s10, $0x1;
	s10 =	sld [smem:$0x3FBA];
	_ =	sdelay $0x3  }
0x34: {  	[smem:$0x3FBA] =	sst s10  }
0x35: {  	s10 =	sld [smem:$0x3FB9];
	_ =	sdelay $0x3  }
0x36: {  	p1 =	seq.s32 s10, $0x1;
	s10 =	sld [smem:$0x3FBA];
	_ =	sdelay $0x3  }
0x37: {  	[smem:$0x3FBA] =	sst s10  }
0x38: {  	s10 =	sld [smem:$0x3FBB]  }
0x39: {  	_ = 	snop;
	(pc) =	sbr.ind lr, $3  }
0x3a: {  	_ = 	snop  }
0x3b: {  	_ = 	snop  }
0x3c: {  	p2 =	seq.s32 s10, $0x1;
	s10 =	sld [smem:$0x3FBA]  }
0x3d: {  	_ =	shalt  }
0x3e: {  	_ =	shalt  }
0x3f: {  	_ =	shalt  }
0x40: {  	_ =	shalt  }
0x41: {  	_ =	shalt  }
0x42: {  	_ =	shalt  }
0x43: {  	_ =	shalt  }
0x44: {  	_ =	shalt  }
0x45: {  	_ =	shalt  }
0x46: {  	_ =	shalt  }
0x47: {  	_ =	shalt  }
0x48: {  	_ =	shalt  }
0x49: {  	_ =	shalt  }
0x4a: {  	_ =	shalt  }
0x4b: {  	_ =	shalt  }
0x4c: {  	_ =	shalt  }
0x4d: {  	_ =	shalt  }
0x4e: {  	_ =	shalt  }
0x4f: {  	_ =	shalt  }
0x50: {  	_ =	shalt  }
0x51: {  	_ =	shalt  }
0x52: {  	_ =	shalt  }
0x53: {  	_ =	shalt  }
0x54: {  	_ =	shalt  }
0x55: {  	_ =	shalt  }
0x56: {  	_ =	shalt  }
0x57: {  	_ =	shalt  }
0x58: {  	_ =	shalt  }
0x59: {  	_ =	shalt  }
0x5a: {  	_ =	shalt  }
0x5b: {  	_ =	shalt  }
0x5c: {  	_ =	shalt  }
0x5d: {  	_ =	shalt  }
0x5e: {  	_ =	shalt  }
0x5f: {  	_ =	shalt  }
0x60: {  	_ =	shalt  }
0x61: {  	_ =	shalt  }
0x62: {  	_ =	shalt  }
0x63: {  	_ =	shalt  }
0x64: {  	_ =	shalt  }
0x65: {  	_ =	shalt  }
0x66: {  	_ =	shalt  }
0x67: {  	_ =	shalt  }
0x68: {  	_ =	shalt  }
0x69: {  	_ =	shalt  }
0x6a: {  	_ =	shalt  }
0x6b: {  	_ =	shalt  }
0x6c: {  	_ =	shalt  }
0x6d: {  	_ =	shalt  }
0x6e: {  	_ =	shalt  }
0x6f: {  	_ =	shalt  }
0x70: {  	_ =	shalt  }
0x71: {  	_ =	shalt  }
0x72: {  	_ =	shalt  }
0x73: {  	_ =	shalt  }
0x74: {  	_ =	shalt  }
0x75: {  	_ =	shalt  }
0x76: {  	_ =	shalt  }
0x77: {  	_ =	shalt  }
0x78: {  	_ =	shalt  }
0x79: {  	_ =	shalt  }
0x7a: {  	_ =	shalt  }
0x7b: {  	_ =	shalt  }
0x7c: {  	_ =	shalt  }
0x7d: {  	_ =	shalt  }
0x7e: {  	_ =	shalt  }
0x7f: {  	_ =	shalt  }
0x80: {  	_ =	shalt  }
0x81: {  	_ =	shalt  }
0x82: {  	_ =	shalt  }
0x83: {  	_ =	shalt  }
0x84: {  	_ =	shalt  }
0x85: {  	_ =	shalt  }
0x86: {  	_ =	shalt  }
0x87: {  	_ =	shalt  }
.Lfunc_end0:
.L_simem_size_0:
called_computation_lowered:
.L_overlay_start_0:
0x88: {  	s2 =	sld [smem:$0x3FD9]  }
0x89: {  	s3 =	sld [smem:$0x3FFE];
	_ =	sdelay $0x1  }
0x8a: {  	s1 =	srdreg.scid  }
0x8b: {  	s0 =	sand.u32 $0x1, s1  }
0x8c: {  	s14 =	sshll.u32 s0, $0xA;
	s2 =	sadd.s32 s3, s2  }
0x8d: {  	s2 =	sadd.s32 s2, s14  }
0x8e: {  	[smem:$0x3FC6] =	sst s2  }
0x8f: {  	_ = 	snop  }
0x90: {  	s2 =	sld [smem:$0x3FD0];
	_ =	sdelay $0x2  }
0x91: {  	s15 =	simm.s32 $0xA;
	s4 =	simm.s32 $0x10  }
0x92: {  	[smem:s4], [sflag:s15] =	dma.local [hbm:s2], $0x1  }
0x93: {  	_ =	swait.eq [sflag:s15], $0x1  }
0x94: {  	s16 =	sld [smem:$0x10];
	[sflag:s15] =	ssyncset.done $0x0  }
0x95: {  	s17 =	sld [smem:$0x11];
	[sflag:s15] =	ssyncadd.s32 $0xFFFFFFFF  }
0x96: {  	s18 =	sld [smem:$0x12];
	(tm) =	ssettm $0x1  }
0x97: {  	s5 =	sld [smem:$0x3FFB];
	_ =	sdelay $0x3  }
0x98: {  	_ =	strace s5  }
0x99: {  	s5 =	sld [smem:$0x3FFC];
	_ =	sdelay $0x3  }
0x9a: {  	_ =	strace s5  }
0x9b: {  	s5 =	sld [smem:$0x3FFD];
	_ =	sdelay $0x3  }
0x9c: {  	_ =	strace s5  }
0x9d: {  	_ =	strace $0x8FFFFFFF  }
0x9e: {  	s19 =	sld [smem:$0x3FDB];
	_ =	sdelay $0x1  }
0x9f: {  	s6 =	simm.s32 $_scs_section_size  }
0xa0: {  	s7 =	simm.s32 $_size__tile_overlayer_lowered;
	s8 =	simm.s32 $_tile_overlayer_lowered  }
0xa1: {  	s22 =	simm.s32 $0x1BFF;
	s21 =	sshll.u32 s8, $0x1;
	s5 =	sadd.s32 s6, s19  }
0xa2: {  	s9 =	simm.s32 $0x0;
	s20 =	sshll.u32 s7, $0x1;
	s7 =	sadd.s32 s21, s5  }
0xa3: {  	[timem:s9], [sflag:s22] =	dma.local [hbm:s7], s20  }
0xa4: {  	_ =	swait.ge [sflag:s22], s20  }
0xa5: {  	s6 =	ssub.s32 $0x0, s20;
	[sflag:s22] =	ssyncset.done $0x0  }
0xa6: {  	[sflag:s22] =	ssyncadd.s32 s6;
	_ =	sdelay $0x1  }
0xa7: {  	s23 =	simm.s32 $0x1B8B  }
0xa8: {  	_ =	swait.ge [sflag:s23], $0x1  }
0xa9: {  	[sflag:s23] =	ssyncset.done $0x0  }
0xaa: {  	s25 =	simm.s32 $0x1B8E;
	s24 =	sld [smem:$0x3FFE];
	[sflag:s23] =	ssyncadd.s32 $0xFFFFFFFF  }
0xab: {  	s26 =	simm.s32 $execute0_lowered;
	[smem:$0x3FD2] =	sst s25  }
0xac: {  	s7 =	sshll.u32 s26, $0x1;
	_ =	strace $0x80000046;
	[dreg:$0x1] =	wrdreg $0xFFFFFFFF  }
0xad: {  	s28 =	simm.s32 $_size_execute0_lowered;
	s5 =	sadd.s32 s5, s7;
	[dreg:$0x0] =	wrdreg $0x0  }
0xae: {  	s7 =	sshll.u32 s28, $0x1;
	[dreg:$0x2] =	wrdreg s5  }
0xaf: {  	[dreg:$0x3] =	wrdreg s7  }
0xb0: {  	[dreg:$0x4] =	wrdreg $0xC0  }
0xb1: {  	_ =	task [dreg:s9], $0x5FFFF  }
0xb2: {  	[dreg:$0x1] =	wrdreg $0xFFFFFFFF  }
0xb3: {  	[dreg:$0x0] =	wrdreg $0x60  }
0xb4: {  	[dreg:$0x2] =	wrdreg s16  }
0xb5: {  	[dreg:$0x3] =	wrdreg s17  }
0xb6: {  	[dreg:$0x4] =	wrdreg s24  }
0xb7: {  	[dreg:$0x5] =	wrdreg s18  }
0xb8: {  	[dreg:$0x6] =	wrdreg $0x9  }
0xb9: {  	_ =	task.clear_ibuf [dreg:s9], $0x7FFFF;
	_ =	strace $0x90000046  }
0xba: {  	s29 =	simm.s32 $0x9;
	_ =	strace $0x80000048  }
0xbb: {  	_ =	swait.ge [sflag:s29], $0x1  }
0xbc: {  	[sflag:s29] =	ssyncadd.s32 $0xFFFFFFFF  }
0xbd: {  	_ =	strace $0x90000048  }
0xbe: {  	_ =	sfence  }
0xbf: {  	s30 =	sld [smem:$0x0];
	_ =	sdelay $0x2  }
0xc0: {  	s31 =	sshll.u32 s1, $0xD;
	s1 =	sshrl.u32 s1, $0x2  }
0xc1: {  	s3 =	sand.u32 $0x4000, s31;
	s1 =	sadd.s32 s1, s30  }
0xc2: {  	s0 =	sor.u32 s3, s0;
	s1 =	sshll.u32 s1, $0x11  }
0xc3: {  	s0 =	sor.u32 s1, s0  }
0xc4: {  	s0 =	sadd.s32 $0x8F2B, s0  }
0xc5: {  	[sflag:s0] =	ssyncadd.remote.s32 $0x1  }
0xc6: {  	_ =	sfence.sel $0xFFFF  }
0xc7: {  	[dreg:$0x0] =	wrdreg $0xFFFFFFFF;
	(pc) =	sbr.abs _section_cstart, $3  }
0xc8: {  	[dreg:$0x1] =	wrdreg $0xFFFFFFFF  }
0xc9: {  	_ =	task.clear_ibuf [dreg:s9], $0x2FFFF;
	_ =	strace $0x9FFFFFFF  }
0xca: {  	(tm) =	ssettm $0x7FFFFFFF  }
0xcb: {  	_ =	shalt  }
tec
execute0_lowered:
.L_overlay_start_1:
0x0: {  	(tag) =	ssettag $0x1  }
0x1: {  	s3 =	rddreg [dreg:$0x0]  }
0x2: {  	s4 =	rddreg [dreg:$0x1]  }
0x3: {  	s5 =	rddreg [dreg:$0x2]  }
0x4: {  	s6 =	rddreg [dreg:$0x3]  }
0x5: {  	s0 =	rddreg [dreg:$0x4];
	s2 =	simm.s32 $0x0  }
0x6: {  	s7 =	srdreg.scid;
	s1 =	stileid.u32;
	s12 =	simm.s32 $0x800  }
0x7: {  	s13 =	simm.s32 $0xC00;
	s14 =	simm.s32 $0x1000;
	[smem:$0x7FF] =	sst s2  }
0x8: {  	s7 =	sand.u32 $0x1, s7;
	s8 =	sshll.u32 s1, $0x8;
	s9 =	sshrl.u32 s1, $0x2  }
0x9: {  	_ =	strace $0x80000047;
	s10 =	sshll.u32 s7, $0x7;
	s8 =	sand.u32 $0x300, s8  }
0xa: {  	s29 =	sshll.u32 s9, $0xD;
	s7 =	ssub.s32 $0x2, s7;
	s8 =	sor.u32 s10, s8  }
0xb: {  	s9 =	sshll.u32 s9, $0xF;
	s31 =	sshrl.u32 s7, $0x1;
	s10 =	sor.u32 s29, s8  }
0xc: {  	s8 =	sor.u32 s9, s8;
	s9 =	simm.s32 $0x80;
	s30 =	sshrl.u32 s10, $0x3  }
0xd: {  	v0 =	vlaneseq.u32;
	s8 =	sshrl.u32 s8, $0x3;
	s10 =	ssub.s32 s7, s31;
	s11 =	sadd.s32 s30, s5  }
0xe: {  	v1 =	vmul.u32 $0xFFFFFFFF, v0;
	s8 =	sadd.s32 s8, s5;
	s3 =	sadd.s32 s3, s30;
	s4 =	sadd.s32 s4, s30  }
0xf: {  	v2 =	vimm.s32 $0x0;
	s6 =	sadd.s32 s6, s30;
	s5 =	sadd.s32 $0xE00, s11;
	s7 =	sadd.s32 $0x1E00, s8  }
0x10: {  	v4 =	vimm.s32 $0xFFFFFFFF;
	v5 =	vor.u32 $0x10, v0;
	v3 =	vadd.s32 $0xFFFFFFF0, v1;
	s8 =	smax.u32 s10, $0x1;
	s10 =	simm.s32 $0x400;
	s11 =	simm.s32 $0x1  }
.LBB2_1:
0x11: {  	[tilespmem:s2], [sflag:$0x1] =	stream.strided.gather [hbm4b:s3+s9], $0x400, s10, s9, $0x38;
	[tilespmem:$0x2000] =	vst v63  }
0x12: {  	_ =	swait.ge [sflag:s11], $0x400  }
0x13: {  	[sflag:s11] =	ssyncset.done $0x0  }
0x14: {  	[sflag:s11] =	ssyncadd.s32 $0xFFFFFC00  }
0x15: {  	[tilespmem:s10], [sflag:$0x1] =	stream.strided.gather [hbm4b:s4+s9], $0x400, s10, s9, $0x38;
	[tilespmem:$0x2000] =	vst v63  }
0x16: {  	_ =	swait.ge [sflag:s11], $0x400  }
0x17: {  	[sflag:s11] =	ssyncset.done $0x0  }
0x18: {  	[sflag:s11] =	ssyncadd.s32 $0xFFFFFC00  }
0x19: {  	[tilespmem:s12], [sflag:$0x1] =	stream.strided.gather [hbm4b:s5+s9], $0x400, s10, s9, $0x38;
	[tilespmem:$0x2000] =	vst v63  }
0x1a: {  	_ =	swait.ge [sflag:s11], $0x400  }
0x1b: {  	[sflag:s11] =	ssyncset.done $0x0  }
0x1c: {  	[sflag:s11] =	ssyncadd.s32 $0xFFFFFC00  }
0x1d: {  	[tilespmem:s13], [sflag:$0x1] =	stream.strided.gather [hbm4b:s6+s9], $0x400, s10, s9, $0x38;
	[tilespmem:$0x2000] =	vst v63  }
0x1e: {  	_ =	swait.ge [sflag:s11], $0x400  }
0x1f: {  	[sflag:s11] =	ssyncset.done $0x0  }
0x20: {  	[sflag:s11] =	ssyncadd.s32 $0xFFFFFC00  }
0x21: {  	v6 =	vld [tilespmem:$0x0];
	_ =	sdelay $0x7  }
0x22: {  	v7 =	vld.idx.msk [tilespmem:v6+s10+$0x0], $0xffff;
	_ =	sdelay $0x1  }
0x23: {  	v10 =	vld [tilespmem:$0xC00]  }
0x24: {  	v11 =	vld [tilespmem:$0x400]  }
0x25: {  	v8 =	vld.idx.msk [tilespmem:v6+s12+$0x0], $0xffff  }
0x26: {  	v9 =	vand.u32 $0x1F, v7  }
0x27: {  	v7 =	vshra.s32 v7, $0x5;
	v9 =	vadd.s32 v1, v9  }
0x28: {  	v7 =	vmul.u32 v7, v7;
	v9 =	vmul.u32 v9, v9  }
0x29: {  	vm2 =	vlt.f32 v10, $0.0e+00;
	vm3 =	vgt.f32 v10, $0.0e+00  }
0x2a: {  	vm7 =	veq.s32 v11, $0x0;
	vm1 =	vge.f32 v8, $1.000000010e-01;
	v7 =	vadd.s32 v7, v9  }
0x2b: {  	vm6 =	vmor vm3, vm2;
	vm1 =	vmneg vm1;
	vm0 =	vgt.s32 v7, $0x9  }
0x2c: {  	vm8 =	veq.s32 v6, $0x0;
	v7 =	vld [tilespmem:$0x10];
	vm0 =	vmor vm1, vm0;
	vm1 =	vmneg vm6  }
0x2d: {  	vm2 =	vmor vm8, vm7;
	vm0 =	vmor vm1, vm0  }
0x2e: {  	vm0 =	vmor vm2, vm0  }
0x2f: {  	v40 =	vsel vm0, $0xFFFFFFFF, v0  }
0x30: {  	v42 =	vand.u32 $0x1F, v6;
	v41 =	vsel vm0, $0xFFFFFFFF, v2;
	[tilespmem:$0x1000] =	vst v40  }
0x31: {  	v6 =	vshra.s32 v6, $0x5;
	v43 =	vsel vm0, $0xFFFFFFFF, v42;
	[tilespmem:$0x1400] =	vst v41  }
0x32: {  	v6 =	vsel vm0, $0xFFFFFFFF, v6;
	[tilespmem:$0x1800] =	vst v43  }
0x33: {  	[tilespmem:$0x1C00] =	vst v6  }
0x34: {  	v6 =	vld.idx.msk [tilespmem:v7+s10+$0x0], $0xffff;
	_ =	sdelay $0x1  }
0x35: {  	v45 =	vld [tilespmem:$0xC10]  }
0x36: {  	v46 =	vld [tilespmem:$0x410]  }
0x37: {  	v8 =	vld.idx.msk [tilespmem:v7+s12+$0x0], $0xffff  }
0x38: {  	v44 =	vand.u32 $0x1F, v6  }
0x39: {  	v6 =	vshra.s32 v6, $0x5;
	v9 =	vadd.s32 v3, v44  }
0x3a: {  	v6 =	vmul.u32 v6, v6;
	v9 =	vmul.u32 v9, v9  }
0x3b: {  	vm11 =	vlt.f32 v45, $0.0e+00;
	vm12 =	vgt.f32 v45, $0.0e+00  }
0x3c: {  	vm14 =	veq.s32 v46, $0x0;
	vm10 =	vge.f32 v8, $1.000000010e-01;
	v6 =	vadd.s32 v6, v9  }
0x3d: {  	vm13 =	vmor vm12, vm11;
	vm1 =	vmneg vm10;
	vm9 =	vgt.s32 v6, $0x9  }
0x3e: {  	vm15 =	veq.s32 v7, $0x0;
	v6 =	vld [tilespmem:$0x20];
	vm0 =	vmor vm1, vm9;
	vm1 =	vmneg vm13  }
0x3f: {  	vm2 =	vmor vm15, vm14;
	vm0 =	vmor vm1, vm0  }
0x40: {  	vm0 =	vmor vm2, vm0  }
0x41: {  	v47 =	vsel vm0, $0xFFFFFFFF, v5  }
0x42: {  	v49 =	vand.u32 $0x1F, v7;
	v48 =	vsel vm0, $0xFFFFFFFF, v2;
	[tilespmem:$0x1010] =	vst v47  }
0x43: {  	v7 =	vshra.s32 v7, $0x5;
	v50 =	vsel vm0, $0xFFFFFFFF, v49;
	[tilespmem:$0x1410] =	vst v48  }
0x44: {  	v7 =	vsel vm0, $0xFFFFFFFF, v7;
	[tilespmem:$0x1810] =	vst v50  }
0x45: {  	[tilespmem:$0x1C10] =	vst v7  }
0x46: {  	v7 =	vld.idx.msk [tilespmem:v6+s10+$0x0], $0xffff;
	_ =	sdelay $0x2  }
0x47: {  	v52 =	vld [tilespmem:$0xC20]  }
0x48: {  	v53 =	vld [tilespmem:$0x420]  }
0x49: {  	v8 =	vld.idx.msk [tilespmem:v6+s12+$0x0], $0xffff;
	v51 =	vand.u32 $0x1F, v7;
	v7 =	vshra.s32 v7, $0x5  }
0x4a: {  	v9 =	vadd.s32 v1, v51;
	v7 =	vadd.s32 $0xFFFFFFFF, v7  }
0x4b: {  	v9 =	vmul.u32 v9, v9;
	v7 =	vmul.u32 v7, v7;
	_ =	sdelay $0x1  }
0x4c: {  	vm7 =	vgt.f32 v52, $0.0e+00;
	vm8 =	vne.s32 v53, $0x0;
	v7 =	vadd.s32 v7, v9  }
0x4d: {  	vm6 =	vlt.f32 v52, $0.0e+00;
	vm5 =	vge.f32 v8, $1.000000010e-01;
	vm4 =	vlt.s32 v7, $0xA  }
0x4e: {  	vm1 =	vmor vm7, vm6;
	vm9 =	vne.s32 v6, $0x0;
	v7 =	vld [tilespmem:$0x30];
	vm0 =	vmand vm5, vm4  }
0x4f: {  	vm2 =	vmand vm9, vm8;
	vm0 =	vmand vm1, vm0  }
0x50: {  	vm0 =	vmand vm2, vm0  }
0x51: {  	v54 =	vnsel vm0, $0xFFFFFFFF, v0  }
0x52: {  	v56 =	vand.u32 $0x1F, v6;
	v55 =	vsel vm0, $0x1, v4;
	[tilespmem:$0x1020] =	vst v54  }
0x53: {  	v6 =	vshra.s32 v6, $0x5;
	v57 =	vnsel vm0, $0xFFFFFFFF, v56;
	[tilespmem:$0x1420] =	vst v55  }
0x54: {  	v6 =	vnsel vm0, $0xFFFFFFFF, v6;
	[tilespmem:$0x1820] =	vst v57  }
0x55: {  	[tilespmem:$0x1C20] =	vst v6  }
0x56: {  	v6 =	vld.idx.msk [tilespmem:v7+s10+$0x0], $0xffff;
	_ =	sdelay $0x2  }
0x57: {  	v59 =	vld [tilespmem:$0xC30]  }
0x58: {  	v60 =	vld [tilespmem:$0x430]  }
0x59: {  	v8 =	vld.idx.msk [tilespmem:v7+s12+$0x0], $0xffff;
	v58 =	vand.u32 $0x1F, v6;
	v6 =	vshra.s32 v6, $0x5  }
0x5a: {  	v9 =	vadd.s32 v3, v58;
	v6 =	vadd.s32 $0xFFFFFFFF, v6  }
0x5b: {  	v9 =	vmul.u32 v9, v9;
	v6 =	vmul.u32 v6, v6;
	_ =	sdelay $0x1  }
0x5c: {  	vm12 =	vlt.f32 v59, $0.0e+00;
	vm14 =	vne.s32 v60, $0x0;
	v6 =	vadd.s32 v6, v9  }
0x5d: {  	vm13 =	vgt.f32 v59, $0.0e+00;
	vm11 =	vge.f32 v8, $1.000000010e-01;
	vm10 =	vlt.s32 v6, $0xA  }
0x5e: {  	vm1 =	vmor vm13, vm12;
	vm15 =	vne.s32 v7, $0x0;
	v6 =	vld [tilespmem:$0x40];
	vm0 =	vmand vm11, vm10  }
0x5f: {  	vm2 =	vmand vm15, vm14;
	vm0 =	vmand vm1, vm0  }
0x60: {  	vm0 =	vmand vm2, vm0  }
0x61: {  	v61 =	vnsel vm0, $0xFFFFFFFF, v5  }
0x62: {  	v63 =	vand.u32 $0x1F, v7;
	v62 =	vsel vm0, $0x1, v4;
	[tilespmem:$0x1030] =	vst v61  }
0x63: {  	v7 =	vshra.s32 v7, $0x5;
	v12 =	vnsel vm0, $0xFFFFFFFF, v63;
	[tilespmem:$0x1430] =	vst v62  }
0x64: {  	v7 =	vnsel vm0, $0xFFFFFFFF, v7;
	[tilespmem:$0x1830] =	vst v12  }
0x65: {  	[tilespmem:$0x1C30] =	vst v7  }
0x66: {  	v7 =	vld.idx.msk [tilespmem:v6+s10+$0x0], $0xffff;
	_ =	sdelay $0x2  }
0x67: {  	v14 =	vld [tilespmem:$0xC40]  }
0x68: {  	v15 =	vld [tilespmem:$0x440]  }
0x69: {  	v8 =	vld.idx.msk [tilespmem:v6+s12+$0x0], $0xffff;
	v13 =	vand.u32 $0x1F, v7;
	v7 =	vshra.s32 v7, $0x5  }
0x6a: {  	v9 =	vadd.s32 v1, v13;
	v7 =	vadd.s32 $0xFFFFFFFE, v7  }
0x6b: {  	v9 =	vmul.u32 v9, v9;
	v7 =	vmul.u32 v7, v7;
	_ =	sdelay $0x1  }
0x6c: {  	vm6 =	vlt.f32 v14, $0.0e+00;
	vm7 =	vgt.f32 v14, $0.0e+00;
	v7 =	vadd.s32 v7, v9  }
0x6d: {  	vm8 =	vne.s32 v15, $0x0;
	vm5 =	vge.f32 v8, $1.000000010e-01;
	vm4 =	vlt.s32 v7, $0xA  }
0x6e: {  	vm1 =	vmor vm7, vm6;
	vm9 =	vne.s32 v6, $0x0;
	v7 =	vld [tilespmem:$0x50];
	vm0 =	vmand vm5, vm4  }
0x6f: {  	vm2 =	vmand vm9, vm8;
	vm0 =	vmand vm1, vm0  }
0x70: {  	vm0 =	vmand vm2, vm0  }
0x71: {  	v16 =	vnsel vm0, $0xFFFFFFFF, v0  }
0x72: {  	v18 =	vand.u32 $0x1F, v6;
	v17 =	vsel vm0, $0x2, v4;
	[tilespmem:$0x1040] =	vst v16  }
0x73: {  	v6 =	vshra.s32 v6, $0x5;
	v19 =	vnsel vm0, $0xFFFFFFFF, v18;
	[tilespmem:$0x1440] =	vst v17  }
0x74: {  	v6 =	vnsel vm0, $0xFFFFFFFF, v6;
	[tilespmem:$0x1840] =	vst v19  }
0x75: {  	[tilespmem:$0x1C40] =	vst v6  }
0x76: {  	v6 =	vld.idx.msk [tilespmem:v7+s10+$0x0], $0xffff;
	_ =	sdelay $0x2  }
0x77: {  	v21 =	vld [tilespmem:$0xC50]  }
0x78: {  	v22 =	vld [tilespmem:$0x450]  }
0x79: {  	v8 =	vld.idx.msk [tilespmem:v7+s12+$0x0], $0xffff;
	v20 =	vand.u32 $0x1F, v6;
	v6 =	vshra.s32 v6, $0x5  }
0x7a: {  	v9 =	vadd.s32 v3, v20;
	v6 =	vadd.s32 $0xFFFFFFFE, v6  }
0x7b: {  	v9 =	vmul.u32 v9, v9;
	v6 =	vmul.u32 v6, v6;
	_ =	sdelay $0x1  }
0x7c: {  	vm12 =	vlt.f32 v21, $0.0e+00;
	vm13 =	vgt.f32 v21, $0.0e+00;
	v6 =	vadd.s32 v6, v9  }
0x7d: {  	vm14 =	vne.s32 v22, $0x0;
	vm11 =	vge.f32 v8, $1.000000010e-01;
	vm10 =	vlt.s32 v6, $0xA  }
0x7e: {  	vm1 =	vmor vm13, vm12;
	vm15 =	vne.s32 v7, $0x0;
	v6 =	vld [tilespmem:$0x60];
	vm0 =	vmand vm11, vm10  }
0x7f: {  	vm2 =	vmand vm15, vm14;
	vm0 =	vmand vm1, vm0  }
0x80: {  	vm0 =	vmand vm2, vm0  }
0x81: {  	v23 =	vnsel vm0, $0xFFFFFFFF, v5  }
0x82: {  	v25 =	vand.u32 $0x1F, v7;
	v24 =	vsel vm0, $0x2, v4;
	[tilespmem:$0x1050] =	vst v23  }
0x83: {  	v7 =	vshra.s32 v7, $0x5;
	v26 =	vnsel vm0, $0xFFFFFFFF, v25;
	[tilespmem:$0x1450] =	vst v24  }
0x84: {  	v7 =	vnsel vm0, $0xFFFFFFFF, v7;
	[tilespmem:$0x1850] =	vst v26  }
0x85: {  	[tilespmem:$0x1C50] =	vst v7  }
0x86: {  	v7 =	vld.idx.msk [tilespmem:v6+s10+$0x0], $0xffff;
	_ =	sdelay $0x2  }
0x87: {  	v28 =	vld [tilespmem:$0xC60]  }
0x88: {  	v29 =	vld [tilespmem:$0x460]  }
0x89: {  	v8 =	vld.idx.msk [tilespmem:v6+s12+$0x0], $0xffff;
	v27 =	vand.u32 $0x1F, v7;
	v7 =	vshra.s32 v7, $0x5  }
0x8a: {  	v9 =	vadd.s32 v1, v27;
	v7 =	vadd.s32 $0xFFFFFFFD, v7  }
0x8b: {  	v9 =	vmul.u32 v9, v9;
	v7 =	vmul.u32 v7, v7;
	_ =	sdelay $0x1  }
0x8c: {  	vm6 =	vlt.f32 v28, $0.0e+00;
	vm7 =	vgt.f32 v28, $0.0e+00;
	v7 =	vadd.s32 v7, v9  }
0x8d: {  	vm8 =	vne.s32 v29, $0x0;
	vm5 =	vge.f32 v8, $1.000000010e-01;
	vm4 =	vlt.s32 v7, $0xA  }
0x8e: {  	vm1 =	vmor vm7, vm6;
	vm9 =	vne.s32 v6, $0x0;
	v7 =	vld [tilespmem:$0x70];
	vm0 =	vmand vm5, vm4  }
0x8f: {  	vm2 =	vmand vm9, vm8;
	vm0 =	vmand vm1, vm0  }
0x90: {  	vm0 =	vmand vm2, vm0  }
0x91: {  	v30 =	vnsel vm0, $0xFFFFFFFF, v0  }
0x92: {  	v32 =	vand.u32 $0x1F, v6;
	v31 =	vsel vm0, $0x3, v4;
	[tilespmem:$0x1060] =	vst v30  }
0x93: {  	v6 =	vshra.s32 v6, $0x5;
	v33 =	vnsel vm0, $0xFFFFFFFF, v32;
	[tilespmem:$0x1460] =	vst v31  }
0x94: {  	v6 =	vnsel vm0, $0xFFFFFFFF, v6;
	[tilespmem:$0x1860] =	vst v33  }
0x95: {  	[tilespmem:$0x1C60] =	vst v6  }
0x96: {  	v6 =	vld.idx.msk [tilespmem:v7+s10+$0x0], $0xffff;
	_ =	sdelay $0x2  }
0x97: {  	v35 =	vld [tilespmem:$0xC70]  }
0x98: {  	v36 =	vld [tilespmem:$0x470]  }
0x99: {  	v8 =	vld.idx.msk [tilespmem:v7+s12+$0x0], $0xffff;
	v34 =	vand.u32 $0x1F, v6;
	v6 =	vshra.s32 v6, $0x5  }
0x9a: {  	v9 =	vadd.s32 v3, v34;
	v6 =	vadd.s32 $0xFFFFFFFD, v6  }
0x9b: {  	v9 =	vmul.u32 v9, v9;
	v6 =	vmul.u32 v6, v6;
	_ =	sdelay $0x1  }
0x9c: {  	vm12 =	vlt.f32 v35, $0.0e+00;
	vm13 =	vgt.f32 v35, $0.0e+00;
	v6 =	vadd.s32 v6, v9  }
0x9d: {  	vm14 =	vne.s32 v36, $0x0;
	vm11 =	vge.f32 v8, $1.000000010e-01;
	vm10 =	vlt.s32 v6, $0xA  }
0x9e: {  	vm1 =	vmor vm13, vm12;
	vm15 =	vne.s32 v7, $0x0;
	v6 =	vld [tilespmem:$0x80];
	vm0 =	vmand vm11, vm10  }
0x9f: {  	vm2 =	vmand vm15, vm14;
	vm0 =	vmand vm1, vm0  }
0xa0: {  	vm0 =	vmand vm2, vm0  }
0xa1: {  	v37 =	vnsel vm0, $0xFFFFFFFF, v5  }
0xa2: {  	v39 =	vand.u32 $0x1F, v7;
	v38 =	vsel vm0, $0x3, v4;
	[tilespmem:$0x1070] =	vst v37  }
0xa3: {  	v7 =	vshra.s32 v7, $0x5;
	v40 =	vnsel vm0, $0xFFFFFFFF, v39;
	[tilespmem:$0x1470] =	vst v38  }
0xa4: {  	v7 =	vnsel vm0, $0xFFFFFFFF, v7;
	[tilespmem:$0x1870] =	vst v40  }
0xa5: {  	[tilespmem:$0x1C70] =	vst v7  }
0xa6: {  	v7 =	vld.idx.msk [tilespmem:v6+s10+$0x0], $0xffff;
	_ =	sdelay $0x2  }
0xa7: {  	v42 =	vld [tilespmem:$0xC80]  }
0xa8: {  	v43 =	vld [tilespmem:$0x480]  }
0xa9: {  	v8 =	vld.idx.msk [tilespmem:v6+s12+$0x0], $0xffff;
	v41 =	vand.u32 $0x1F, v7;
	v7 =	vshra.s32 v7, $0x5  }
0xaa: {  	v9 =	vadd.s32 v1, v41;
	v7 =	vadd.s32 $0xFFFFFFFC, v7  }
0xab: {  	v9 =	vmul.u32 v9, v9;
	v7 =	vmul.u32 v7, v7;
	_ =	sdelay $0x1  }
0xac: {  	vm6 =	vlt.f32 v42, $0.0e+00;
	vm7 =	vgt.f32 v42, $0.0e+00;
	v7 =	vadd.s32 v7, v9  }
0xad: {  	vm8 =	vne.s32 v43, $0x0;
	vm5 =	vge.f32 v8, $1.000000010e-01;
	vm4 =	vlt.s32 v7, $0xA  }
0xae: {  	vm1 =	vmor vm7, vm6;
	vm9 =	vne.s32 v6, $0x0;
	vm0 =	vmand vm5, vm4  }
0xaf: {  	vm2 =	vmand vm9, vm8;
	vm0 =	vmand vm1, vm0  }
0xb0: {  	vm0 =	vmand vm2, vm0  }
0xb1: {  	v7 =	vnsel vm0, $0xFFFFFFFF, v0  }
0xb2: {  	v44 =	vand.u32 $0x1F, v6;
	[tilespmem:$0x1080] =	vst v7;
	v7 =	vsel vm0, $0x4, v4  }
0xb3: {  	[tilespmem:$0x1480] =	vst v7;
	v7 =	vnsel vm0, $0xFFFFFFFF, v44  }
0xb4: {  	[tilespmem:$0x1880] =	vst v7  }
0xb5: {  	v7 =	vld [tilespmem:$0x90];
	_ =	sdelay $0x4  }
0xb6: {  	v6 =	vshra.s32 v6, $0x5  }
0xb7: {  	v6 =	vnsel vm0, $0xFFFFFFFF, v6  }
0xb8: {  	[tilespmem:$0x1C80] =	vst v6  }
0xb9: {  	v6 =	vld.idx.msk [tilespmem:v7+s10+$0x0], $0xffff;
	_ =	sdelay $0x2  }
0xba: {  	v47 =	vld [tilespmem:$0xC90]  }
0xbb: {  	v48 =	vld [tilespmem:$0x490]  }
0xbc: {  	v45 =	vld.idx.msk [tilespmem:v7+s12+$0x0], $0xffff;
	v46 =	vand.u32 $0x1F, v6;
	v6 =	vshra.s32 v6, $0x5  }
0xbd: {  	v9 =	vadd.s32 v3, v46;
	v6 =	vadd.s32 $0xFFFFFFFC, v6  }
0xbe: {  	v9 =	vmul.u32 v9, v9;
	v6 =	vmul.u32 v6, v6;
	_ =	sdelay $0x1  }
0xbf: {  	vm12 =	vlt.f32 v47, $0.0e+00;
	vm13 =	vgt.f32 v47, $0.0e+00;
	v6 =	vadd.s32 v6, v9  }
0xc0: {  	vm14 =	vne.s32 v48, $0x0;
	vm11 =	vge.f32 v45, $1.000000010e-01;
	vm10 =	vlt.s32 v6, $0xA  }
0xc1: {  	vm15 =	vne.s32 v7, $0x0;
	vm1 =	vmor vm13, vm12;
	v6 =	vld [tilespmem:$0xA0];
	vm0 =	vmand vm11, vm10  }
0xc2: {  	vm2 =	vmand vm15, vm14;
	vm0 =	vmand vm1, vm0  }
0xc3: {  	vm0 =	vmand vm2, vm0  }
0xc4: {  	v49 =	vnsel vm0, $0xFFFFFFFF, v5  }
0xc5: {  	v51 =	vand.u32 $0x1F, v7;
	v50 =	vsel vm0, $0x4, v4;
	[tilespmem:$0x1090] =	vst v49  }
0xc6: {  	v7 =	vshra.s32 v7, $0x5;
	v52 =	vnsel vm0, $0xFFFFFFFF, v51;
	[tilespmem:$0x1490] =	vst v50  }
0xc7: {  	v7 =	vnsel vm0, $0xFFFFFFFF, v7;
	[tilespmem:$0x1890] =	vst v52  }
0xc8: {  	[tilespmem:$0x1C90] =	vst v7  }
0xc9: {  	v7 =	vld.idx.msk [tilespmem:v6+s10+$0x0], $0xffff;
	_ =	sdelay $0x2  }
0xca: {  	v54 =	vld [tilespmem:$0xCA0]  }
0xcb: {  	v55 =	vld [tilespmem:$0x4A0]  }
0xcc: {  	v8 =	vld.idx.msk [tilespmem:v6+s12+$0x0], $0xffff;
	v53 =	vand.u32 $0x1F, v7;
	v7 =	vshra.s32 v7, $0x5  }
0xcd: {  	v9 =	vadd.s32 v1, v53;
	v7 =	vadd.s32 $0xFFFFFFFB, v7  }
0xce: {  	v9 =	vmul.u32 v9, v9;
	v7 =	vmul.u32 v7, v7;
	_ =	sdelay $0x1  }
0xcf: {  	vm6 =	vlt.f32 v54, $0.0e+00;
	vm7 =	vgt.f32 v54, $0.0e+00;
	v7 =	vadd.s32 v7, v9  }
0xd0: {  	vm8 =	vne.s32 v55, $0x0;
	vm5 =	vge.f32 v8, $1.000000010e-01;
	vm4 =	vlt.s32 v7, $0xA  }
0xd1: {  	vm1 =	vmor vm7, vm6;
	vm9 =	vne.s32 v6, $0x0;
	v7 =	vld [tilespmem:$0xB0];
	vm0 =	vmand vm5, vm4  }
0xd2: {  	vm2 =	vmand vm9, vm8;
	vm0 =	vmand vm1, vm0  }
0xd3: {  	vm0 =	vmand vm2, vm0  }
0xd4: {  	v56 =	vnsel vm0, $0xFFFFFFFF, v0  }
0xd5: {  	v58 =	vand.u32 $0x1F, v6;
	v57 =	vsel vm0, $0x5, v4;
	[tilespmem:$0x10A0] =	vst v56  }
0xd6: {  	v6 =	vshra.s32 v6, $0x5;
	v59 =	vnsel vm0, $0xFFFFFFFF, v58;
	[tilespmem:$0x14A0] =	vst v57  }
0xd7: {  	v6 =	vnsel vm0, $0xFFFFFFFF, v6;
	[tilespmem:$0x18A0] =	vst v59  }
0xd8: {  	[tilespmem:$0x1CA0] =	vst v6  }
0xd9: {  	v6 =	vld.idx.msk [tilespmem:v7+s10+$0x0], $0xffff;
	_ =	sdelay $0x2  }
0xda: {  	v61 =	vld [tilespmem:$0xCB0]  }
0xdb: {  	v62 =	vld [tilespmem:$0x4B0]  }
0xdc: {  	v8 =	vld.idx.msk [tilespmem:v7+s12+$0x0], $0xffff;
	v60 =	vand.u32 $0x1F, v6;
	v6 =	vshra.s32 v6, $0x5  }
0xdd: {  	v9 =	vadd.s32 v3, v60;
	v6 =	vadd.s32 $0xFFFFFFFB, v6  }
0xde: {  	v9 =	vmul.u32 v9, v9;
	v6 =	vmul.u32 v6, v6;
	_ =	sdelay $0x1  }
0xdf: {  	vm12 =	vlt.f32 v61, $0.0e+00;
	vm13 =	vgt.f32 v61, $0.0e+00;
	v6 =	vadd.s32 v6, v9  }
0xe0: {  	vm14 =	vne.s32 v62, $0x0;
	vm11 =	vge.f32 v8, $1.000000010e-01;
	vm10 =	vlt.s32 v6, $0xA  }
0xe1: {  	vm1 =	vmor vm13, vm12;
	vm15 =	vne.s32 v7, $0x0;
	v6 =	vld [tilespmem:$0xC0];
	vm0 =	vmand vm11, vm10  }
0xe2: {  	vm2 =	vmand vm15, vm14;
	vm0 =	vmand vm1, vm0  }
0xe3: {  	vm0 =	vmand vm2, vm0  }
0xe4: {  	v63 =	vnsel vm0, $0xFFFFFFFF, v5  }
0xe5: {  	v13 =	vand.u32 $0x1F, v7;
	v12 =	vsel vm0, $0x5, v4;
	[tilespmem:$0x10B0] =	vst v63  }
0xe6: {  	v7 =	vshra.s32 v7, $0x5;
	v14 =	vnsel vm0, $0xFFFFFFFF, v13;
	[tilespmem:$0x14B0] =	vst v12  }
0xe7: {  	v7 =	vnsel vm0, $0xFFFFFFFF, v7;
	[tilespmem:$0x18B0] =	vst v14  }
0xe8: {  	[tilespmem:$0x1CB0] =	vst v7  }
0xe9: {  	v7 =	vld.idx.msk [tilespmem:v6+s10+$0x0], $0xffff;
	_ =	sdelay $0x2  }
0xea: {  	v16 =	vld [tilespmem:$0xCC0]  }
0xeb: {  	v17 =	vld [tilespmem:$0x4C0]  }
0xec: {  	v8 =	vld.idx.msk [tilespmem:v6+s12+$0x0], $0xffff;
	v15 =	vand.u32 $0x1F, v7;
	v7 =	vshra.s32 v7, $0x5  }
0xed: {  	v9 =	vadd.s32 v1, v15;
	v7 =	vadd.s32 $0xFFFFFFFA, v7  }
0xee: {  	v9 =	vmul.u32 v9, v9;
	v7 =	vmul.u32 v7, v7;
	_ =	sdelay $0x1  }
0xef: {  	vm6 =	vlt.f32 v16, $0.0e+00;
	vm7 =	vgt.f32 v16, $0.0e+00;
	v7 =	vadd.s32 v7, v9  }
0xf0: {  	vm8 =	vne.s32 v17, $0x0;
	vm5 =	vge.f32 v8, $1.000000010e-01;
	vm4 =	vlt.s32 v7, $0xA  }
0xf1: {  	vm1 =	vmor vm7, vm6;
	vm9 =	vne.s32 v6, $0x0;
	v7 =	vld [tilespmem:$0xD0];
	vm0 =	vmand vm5, vm4  }
0xf2: {  	vm2 =	vmand vm9, vm8;
	vm0 =	vmand vm1, vm0  }
0xf3: {  	vm0 =	vmand vm2, vm0  }
0xf4: {  	v18 =	vnsel vm0, $0xFFFFFFFF, v0  }
0xf5: {  	v20 =	vand.u32 $0x1F, v6;
	v19 =	vsel vm0, $0x6, v4;
	[tilespmem:$0x10C0] =	vst v18  }
0xf6: {  	v6 =	vshra.s32 v6, $0x5;
	v21 =	vnsel vm0, $0xFFFFFFFF, v20;
	[tilespmem:$0x14C0] =	vst v19  }
0xf7: {  	v6 =	vnsel vm0, $0xFFFFFFFF, v6;
	[tilespmem:$0x18C0] =	vst v21  }
0xf8: {  	[tilespmem:$0x1CC0] =	vst v6  }
0xf9: {  	v6 =	vld.idx.msk [tilespmem:v7+s10+$0x0], $0xffff;
	_ =	sdelay $0x2  }
0xfa: {  	v23 =	vld [tilespmem:$0xCD0]  }
0xfb: {  	v24 =	vld [tilespmem:$0x4D0]  }
0xfc: {  	v8 =	vld.idx.msk [tilespmem:v7+s12+$0x0], $0xffff;
	v22 =	vand.u32 $0x1F, v6;
	v6 =	vshra.s32 v6, $0x5  }
0xfd: {  	v9 =	vadd.s32 v3, v22;
	v6 =	vadd.s32 $0xFFFFFFFA, v6  }
0xfe: {  	v9 =	vmul.u32 v9, v9;
	v6 =	vmul.u32 v6, v6;
	_ =	sdelay $0x1  }
0xff: {  	vm12 =	vlt.f32 v23, $0.0e+00;
	vm13 =	vgt.f32 v23, $0.0e+00;
	v6 =	vadd.s32 v6, v9  }
0x100: {  	vm14 =	vne.s32 v24, $0x0;
	vm11 =	vge.f32 v8, $1.000000010e-01;
	vm10 =	vlt.s32 v6, $0xA  }
0x101: {  	vm1 =	vmor vm13, vm12;
	vm15 =	vne.s32 v7, $0x0;
	v6 =	vld [tilespmem:$0xE0];
	vm0 =	vmand vm11, vm10  }
0x102: {  	vm2 =	vmand vm15, vm14;
	vm0 =	vmand vm1, vm0  }
0x103: {  	vm0 =	vmand vm2, vm0  }
0x104: {  	v25 =	vnsel vm0, $0xFFFFFFFF, v5  }
0x105: {  	v27 =	vand.u32 $0x1F, v7;
	v26 =	vsel vm0, $0x6, v4;
	[tilespmem:$0x10D0] =	vst v25  }
0x106: {  	v7 =	vshra.s32 v7, $0x5;
	v28 =	vnsel vm0, $0xFFFFFFFF, v27;
	[tilespmem:$0x14D0] =	vst v26  }
0x107: {  	v7 =	vnsel vm0, $0xFFFFFFFF, v7;
	[tilespmem:$0x18D0] =	vst v28  }
0x108: {  	[tilespmem:$0x1CD0] =	vst v7  }
0x109: {  	v7 =	vld.idx.msk [tilespmem:v6+s10+$0x0], $0xffff;
	_ =	sdelay $0x2  }
0x10a: {  	v30 =	vld [tilespmem:$0xCE0]  }
0x10b: {  	v31 =	vld [tilespmem:$0x4E0]  }
0x10c: {  	v8 =	vld.idx.msk [tilespmem:v6+s12+$0x0], $0xffff;
	v29 =	vand.u32 $0x1F, v7;
	v7 =	vshra.s32 v7, $0x5  }
0x10d: {  	v9 =	vadd.s32 v1, v29;
	v7 =	vadd.s32 $0xFFFFFFF9, v7  }
0x10e: {  	v9 =	vmul.u32 v9, v9;
	v7 =	vmul.u32 v7, v7;
	_ =	sdelay $0x1  }
0x10f: {  	vm6 =	vlt.f32 v30, $0.0e+00;
	vm7 =	vgt.f32 v30, $0.0e+00;
	v7 =	vadd.s32 v7, v9  }
0x110: {  	vm8 =	vne.s32 v31, $0x0;
	vm5 =	vge.f32 v8, $1.000000010e-01;
	vm4 =	vlt.s32 v7, $0xA  }
0x111: {  	vm1 =	vmor vm7, vm6;
	vm9 =	vne.s32 v6, $0x0;
	v7 =	vld [tilespmem:$0xF0];
	vm0 =	vmand vm5, vm4  }
0x112: {  	vm2 =	vmand vm9, vm8;
	vm0 =	vmand vm1, vm0  }
0x113: {  	vm0 =	vmand vm2, vm0  }
0x114: {  	v32 =	vnsel vm0, $0xFFFFFFFF, v0  }
0x115: {  	v34 =	vand.u32 $0x1F, v6;
	v33 =	vsel vm0, $0x7, v4;
	[tilespmem:$0x10E0] =	vst v32  }
0x116: {  	v6 =	vshra.s32 v6, $0x5;
	v35 =	vnsel vm0, $0xFFFFFFFF, v34;
	[tilespmem:$0x14E0] =	vst v33  }
0x117: {  	v6 =	vnsel vm0, $0xFFFFFFFF, v6;
	[tilespmem:$0x18E0] =	vst v35  }
0x118: {  	[tilespmem:$0x1CE0] =	vst v6  }
0x119: {  	v6 =	vld.idx.msk [tilespmem:v7+s10+$0x0], $0xffff;
	_ =	sdelay $0x2  }
0x11a: {  	v37 =	vld [tilespmem:$0xCF0]  }
0x11b: {  	v38 =	vld [tilespmem:$0x4F0]  }
0x11c: {  	v8 =	vld.idx.msk [tilespmem:v7+s12+$0x0], $0xffff;
	v36 =	vand.u32 $0x1F, v6;
	v6 =	vshra.s32 v6, $0x5  }
0x11d: {  	v9 =	vadd.s32 v3, v36;
	v6 =	vadd.s32 $0xFFFFFFF9, v6  }
0x11e: {  	v9 =	vmul.u32 v9, v9;
	v6 =	vmul.u32 v6, v6;
	_ =	sdelay $0x1  }
0x11f: {  	vm12 =	vlt.f32 v37, $0.0e+00;
	vm13 =	vgt.f32 v37, $0.0e+00;
	v6 =	vadd.s32 v6, v9  }
0x120: {  	vm14 =	vne.s32 v38, $0x0;
	vm11 =	vge.f32 v8, $1.000000010e-01;
	vm10 =	vlt.s32 v6, $0xA  }
0x121: {  	vm1 =	vmor vm13, vm12;
	vm15 =	vne.s32 v7, $0x0;
	v6 =	vld [tilespmem:$0x100];
	vm0 =	vmand vm11, vm10  }
0x122: {  	vm2 =	vmand vm15, vm14;
	vm0 =	vmand vm1, vm0  }
0x123: {  	vm0 =	vmand vm2, vm0  }
0x124: {  	v39 =	vnsel vm0, $0xFFFFFFFF, v5  }
0x125: {  	v41 =	vand.u32 $0x1F, v7;
	v40 =	vsel vm0, $0x7, v4;
	[tilespmem:$0x10F0] =	vst v39  }
0x126: {  	v7 =	vshra.s32 v7, $0x5;
	v42 =	vnsel vm0, $0xFFFFFFFF, v41;
	[tilespmem:$0x14F0] =	vst v40  }
0x127: {  	v7 =	vnsel vm0, $0xFFFFFFFF, v7;
	[tilespmem:$0x18F0] =	vst v42  }
0x128: {  	[tilespmem:$0x1CF0] =	vst v7  }
0x129: {  	v7 =	vld.idx.msk [tilespmem:v6+s10+$0x0], $0xffff;
	_ =	sdelay $0x2  }
0x12a: {  	v44 =	vld [tilespmem:$0xD00]  }
0x12b: {  	v45 =	vld [tilespmem:$0x500]  }
0x12c: {  	v8 =	vld.idx.msk [tilespmem:v6+s12+$0x0], $0xffff;
	v43 =	vand.u32 $0x1F, v7;
	v7 =	vshra.s32 v7, $0x5  }
0x12d: {  	v9 =	vadd.s32 v1, v43;
	v7 =	vadd.s32 $0xFFFFFFF8, v7  }
0x12e: {  	v9 =	vmul.u32 v9, v9;
	v7 =	vmul.u32 v7, v7;
	_ =	sdelay $0x1  }
0x12f: {  	vm6 =	vlt.f32 v44, $0.0e+00;
	vm7 =	vgt.f32 v44, $0.0e+00;
	v7 =	vadd.s32 v7, v9  }
0x130: {  	vm8 =	vne.s32 v45, $0x0;
	vm5 =	vge.f32 v8, $1.000000010e-01;
	vm4 =	vlt.s32 v7, $0xA  }
0x131: {  	vm1 =	vmor vm7, vm6;
	vm9 =	vne.s32 v6, $0x0;
	v7 =	vld [tilespmem:$0x110];
	vm0 =	vmand vm5, vm4  }
0x132: {  	vm2 =	vmand vm9, vm8;
	vm0 =	vmand vm1, vm0  }
0x133: {  	vm0 =	vmand vm2, vm0  }
0x134: {  	v46 =	vnsel vm0, $0xFFFFFFFF, v0  }
0x135: {  	v48 =	vand.u32 $0x1F, v6;
	v47 =	vsel vm0, $0x8, v4;
	[tilespmem:$0x1100] =	vst v46  }
0x136: {  	v6 =	vshra.s32 v6, $0x5;
	v49 =	vnsel vm0, $0xFFFFFFFF, v48;
	[tilespmem:$0x1500] =	vst v47  }
0x137: {  	v6 =	vnsel vm0, $0xFFFFFFFF, v6;
	[tilespmem:$0x1900] =	vst v49  }
0x138: {  	[tilespmem:$0x1D00] =	vst v6  }
0x139: {  	v6 =	vld.idx.msk [tilespmem:v7+s10+$0x0], $0xffff;
	_ =	sdelay $0x2  }
0x13a: {  	v51 =	vld [tilespmem:$0xD10]  }
0x13b: {  	v52 =	vld [tilespmem:$0x510]  }
0x13c: {  	v8 =	vld.idx.msk [tilespmem:v7+s12+$0x0], $0xffff;
	v50 =	vand.u32 $0x1F, v6;
	v6 =	vshra.s32 v6, $0x5  }
0x13d: {  	v9 =	vadd.s32 v3, v50;
	v6 =	vadd.s32 $0xFFFFFFF8, v6  }
0x13e: {  	v9 =	vmul.u32 v9, v9;
	v6 =	vmul.u32 v6, v6;
	_ =	sdelay $0x1  }
0x13f: {  	vm12 =	vlt.f32 v51, $0.0e+00;
	vm13 =	vgt.f32 v51, $0.0e+00;
	v6 =	vadd.s32 v6, v9  }
0x140: {  	vm14 =	vne.s32 v52, $0x0;
	vm11 =	vge.f32 v8, $1.000000010e-01;
	vm10 =	vlt.s32 v6, $0xA  }
0x141: {  	vm1 =	vmor vm13, vm12;
	vm15 =	vne.s32 v7, $0x0;
	v6 =	vld [tilespmem:$0x120];
	vm0 =	vmand vm11, vm10  }
0x142: {  	vm2 =	vmand vm15, vm14;
	vm0 =	vmand vm1, vm0  }
0x143: {  	vm0 =	vmand vm2, vm0  }
0x144: {  	v53 =	vnsel vm0, $0xFFFFFFFF, v5  }
0x145: {  	v55 =	vand.u32 $0x1F, v7;
	v54 =	vsel vm0, $0x8, v4;
	[tilespmem:$0x1110] =	vst v53  }
0x146: {  	v7 =	vshra.s32 v7, $0x5;
	v56 =	vnsel vm0, $0xFFFFFFFF, v55;
	[tilespmem:$0x1510] =	vst v54  }
0x147: {  	v7 =	vnsel vm0, $0xFFFFFFFF, v7;
	[tilespmem:$0x1910] =	vst v56  }
0x148: {  	[tilespmem:$0x1D10] =	vst v7  }
0x149: {  	v7 =	vld.idx.msk [tilespmem:v6+s10+$0x0], $0xffff;
	_ =	sdelay $0x2  }
0x14a: {  	v58 =	vld [tilespmem:$0xD20]  }
0x14b: {  	v59 =	vld [tilespmem:$0x520]  }
0x14c: {  	v8 =	vld.idx.msk [tilespmem:v6+s12+$0x0], $0xffff;
	v57 =	vand.u32 $0x1F, v7;
	v7 =	vshra.s32 v7, $0x5  }
0x14d: {  	v9 =	vadd.s32 v1, v57;
	v7 =	vadd.s32 $0xFFFFFFF7, v7  }
0x14e: {  	v9 =	vmul.u32 v9, v9;
	v7 =	vmul.u32 v7, v7;
	_ =	sdelay $0x1  }
0x14f: {  	vm6 =	vlt.f32 v58, $0.0e+00;
	vm7 =	vgt.f32 v58, $0.0e+00;
	v7 =	vadd.s32 v7, v9  }
0x150: {  	vm8 =	vne.s32 v59, $0x0;
	vm5 =	vge.f32 v8, $1.000000010e-01;
	vm4 =	vlt.s32 v7, $0xA  }
0x151: {  	vm1 =	vmor vm7, vm6;
	vm9 =	vne.s32 v6, $0x0;
	v7 =	vld [tilespmem:$0x130];
	vm0 =	vmand vm5, vm4  }
0x152: {  	vm2 =	vmand vm9, vm8;
	vm0 =	vmand vm1, vm0  }
0x153: {  	vm0 =	vmand vm2, vm0  }
0x154: {  	v60 =	vnsel vm0, $0xFFFFFFFF, v0  }
0x155: {  	v62 =	vand.u32 $0x1F, v6;
	v61 =	vsel vm0, $0x9, v4;
	[tilespmem:$0x1120] =	vst v60  }
0x156: {  	v6 =	vshra.s32 v6, $0x5;
	v63 =	vnsel vm0, $0xFFFFFFFF, v62;
	[tilespmem:$0x1520] =	vst v61  }
0x157: {  	v6 =	vnsel vm0, $0xFFFFFFFF, v6;
	[tilespmem:$0x1920] =	vst v63  }
0x158: {  	[tilespmem:$0x1D20] =	vst v6  }
0x159: {  	v6 =	vld.idx.msk [tilespmem:v7+s10+$0x0], $0xffff;
	_ =	sdelay $0x2  }
0x15a: {  	v13 =	vld [tilespmem:$0xD30]  }
0x15b: {  	v14 =	vld [tilespmem:$0x530]  }
0x15c: {  	v8 =	vld.idx.msk [tilespmem:v7+s12+$0x0], $0xffff;
	v12 =	vand.u32 $0x1F, v6;
	v6 =	vshra.s32 v6, $0x5  }
0x15d: {  	v9 =	vadd.s32 v3, v12;
	v6 =	vadd.s32 $0xFFFFFFF7, v6  }
0x15e: {  	v9 =	vmul.u32 v9, v9;
	v6 =	vmul.u32 v6, v6;
	_ =	sdelay $0x1  }
0x15f: {  	vm12 =	vlt.f32 v13, $0.0e+00;
	vm13 =	vgt.f32 v13, $0.0e+00;
	v6 =	vadd.s32 v6, v9  }
0x160: {  	vm14 =	vne.s32 v14, $0x0;
	vm11 =	vge.f32 v8, $1.000000010e-01;
	vm10 =	vlt.s32 v6, $0xA  }
0x161: {  	vm1 =	vmor vm13, vm12;
	vm15 =	vne.s32 v7, $0x0;
	v6 =	vld [tilespmem:$0x140];
	vm0 =	vmand vm11, vm10  }
0x162: {  	vm2 =	vmand vm15, vm14;
	vm0 =	vmand vm1, vm0  }
0x163: {  	vm0 =	vmand vm2, vm0  }
0x164: {  	v15 =	vnsel vm0, $0xFFFFFFFF, v5  }
0x165: {  	v17 =	vand.u32 $0x1F, v7;
	v16 =	vsel vm0, $0x9, v4;
	[tilespmem:$0x1130] =	vst v15  }
0x166: {  	v7 =	vshra.s32 v7, $0x5;
	v18 =	vnsel vm0, $0xFFFFFFFF, v17;
	[tilespmem:$0x1530] =	vst v16  }
0x167: {  	v7 =	vnsel vm0, $0xFFFFFFFF, v7;
	[tilespmem:$0x1930] =	vst v18  }
0x168: {  	[tilespmem:$0x1D30] =	vst v7  }
0x169: {  	v7 =	vld.idx.msk [tilespmem:v6+s10+$0x0], $0xffff;
	_ =	sdelay $0x2  }
0x16a: {  	v20 =	vld [tilespmem:$0xD40]  }
0x16b: {  	v21 =	vld [tilespmem:$0x540]  }
0x16c: {  	v8 =	vld.idx.msk [tilespmem:v6+s12+$0x0], $0xffff;
	v19 =	vand.u32 $0x1F, v7;
	v7 =	vshra.s32 v7, $0x5  }
0x16d: {  	v9 =	vadd.s32 v1, v19;
	v7 =	vadd.s32 $0xFFFFFFF6, v7  }
0x16e: {  	v9 =	vmul.u32 v9, v9;
	v7 =	vmul.u32 v7, v7;
	_ =	sdelay $0x1  }
0x16f: {  	vm6 =	vlt.f32 v20, $0.0e+00;
	vm7 =	vgt.f32 v20, $0.0e+00;
	v7 =	vadd.s32 v7, v9  }
0x170: {  	vm8 =	vne.s32 v21, $0x0;
	vm5 =	vge.f32 v8, $1.000000010e-01;
	vm4 =	vlt.s32 v7, $0xA  }
0x171: {  	vm1 =	vmor vm7, vm6;
	vm9 =	vne.s32 v6, $0x0;
	v7 =	vld [tilespmem:$0x150];
	vm0 =	vmand vm5, vm4  }
0x172: {  	vm2 =	vmand vm9, vm8;
	vm0 =	vmand vm1, vm0  }
0x173: {  	vm0 =	vmand vm2, vm0  }
0x174: {  	v22 =	vnsel vm0, $0xFFFFFFFF, v0  }
0x175: {  	v24 =	vand.u32 $0x1F, v6;
	v23 =	vsel vm0, $0xA, v4;
	[tilespmem:$0x1140] =	vst v22  }
0x176: {  	v6 =	vshra.s32 v6, $0x5;
	v25 =	vnsel vm0, $0xFFFFFFFF, v24;
	[tilespmem:$0x1540] =	vst v23  }
0x177: {  	v6 =	vnsel vm0, $0xFFFFFFFF, v6;
	[tilespmem:$0x1940] =	vst v25  }
0x178: {  	[tilespmem:$0x1D40] =	vst v6  }
0x179: {  	v6 =	vld.idx.msk [tilespmem:v7+s10+$0x0], $0xffff;
	_ =	sdelay $0x2  }
0x17a: {  	v27 =	vld [tilespmem:$0xD50]  }
0x17b: {  	v28 =	vld [tilespmem:$0x550]  }
0x17c: {  	v8 =	vld.idx.msk [tilespmem:v7+s12+$0x0], $0xffff;
	v26 =	vand.u32 $0x1F, v6;
	v6 =	vshra.s32 v6, $0x5  }
0x17d: {  	v9 =	vadd.s32 v3, v26;
	v6 =	vadd.s32 $0xFFFFFFF6, v6  }
0x17e: {  	v9 =	vmul.u32 v9, v9;
	v6 =	vmul.u32 v6, v6;
	_ =	sdelay $0x1  }
0x17f: {  	vm12 =	vlt.f32 v27, $0.0e+00;
	vm13 =	vgt.f32 v27, $0.0e+00;
	v6 =	vadd.s32 v6, v9  }
0x180: {  	vm14 =	vne.s32 v28, $0x0;
	vm11 =	vge.f32 v8, $1.000000010e-01;
	vm10 =	vlt.s32 v6, $0xA  }
0x181: {  	vm1 =	vmor vm13, vm12;
	vm15 =	vne.s32 v7, $0x0;
	v6 =	vld [tilespmem:$0x160];
	vm0 =	vmand vm11, vm10  }
0x182: {  	vm2 =	vmand vm15, vm14;
	vm0 =	vmand vm1, vm0  }
0x183: {  	vm0 =	vmand vm2, vm0  }
0x184: {  	v29 =	vnsel vm0, $0xFFFFFFFF, v5  }
0x185: {  	v31 =	vand.u32 $0x1F, v7;
	v30 =	vsel vm0, $0xA, v4;
	[tilespmem:$0x1150] =	vst v29  }
0x186: {  	v7 =	vshra.s32 v7, $0x5;
	v32 =	vnsel vm0, $0xFFFFFFFF, v31;
	[tilespmem:$0x1550] =	vst v30  }
0x187: {  	v7 =	vnsel vm0, $0xFFFFFFFF, v7;
	[tilespmem:$0x1950] =	vst v32  }
0x188: {  	[tilespmem:$0x1D50] =	vst v7  }
0x189: {  	v7 =	vld.idx.msk [tilespmem:v6+s10+$0x0], $0xffff;
	_ =	sdelay $0x2  }
0x18a: {  	v34 =	vld [tilespmem:$0xD60]  }
0x18b: {  	v35 =	vld [tilespmem:$0x560]  }
0x18c: {  	v8 =	vld.idx.msk [tilespmem:v6+s12+$0x0], $0xffff;
	v33 =	vand.u32 $0x1F, v7;
	v7 =	vshra.s32 v7, $0x5  }
0x18d: {  	v9 =	vadd.s32 v1, v33;
	v7 =	vadd.s32 $0xFFFFFFF5, v7  }
0x18e: {  	v9 =	vmul.u32 v9, v9;
	v7 =	vmul.u32 v7, v7;
	_ =	sdelay $0x1  }
0x18f: {  	vm6 =	vlt.f32 v34, $0.0e+00;
	vm7 =	vgt.f32 v34, $0.0e+00;
	v7 =	vadd.s32 v7, v9  }
0x190: {  	vm8 =	vne.s32 v35, $0x0;
	vm5 =	vge.f32 v8, $1.000000010e-01;
	vm4 =	vlt.s32 v7, $0xA  }
0x191: {  	vm1 =	vmor vm7, vm6;
	vm9 =	vne.s32 v6, $0x0;
	v7 =	vld [tilespmem:$0x170];
	vm0 =	vmand vm5, vm4  }
0x192: {  	vm2 =	vmand vm9, vm8;
	vm0 =	vmand vm1, vm0  }
0x193: {  	vm0 =	vmand vm2, vm0  }
0x194: {  	v36 =	vnsel vm0, $0xFFFFFFFF, v0  }
0x195: {  	v38 =	vand.u32 $0x1F, v6;
	v37 =	vsel vm0, $0xB, v4;
	[tilespmem:$0x1160] =	vst v36  }
0x196: {  	v6 =	vshra.s32 v6, $0x5;
	v39 =	vnsel vm0, $0xFFFFFFFF, v38;
	[tilespmem:$0x1560] =	vst v37  }
0x197: {  	v6 =	vnsel vm0, $0xFFFFFFFF, v6;
	[tilespmem:$0x1960] =	vst v39  }
0x198: {  	[tilespmem:$0x1D60] =	vst v6  }
0x199: {  	v6 =	vld.idx.msk [tilespmem:v7+s10+$0x0], $0xffff;
	_ =	sdelay $0x2  }
0x19a: {  	v41 =	vld [tilespmem:$0xD70]  }
0x19b: {  	v42 =	vld [tilespmem:$0x570]  }
0x19c: {  	v8 =	vld.idx.msk [tilespmem:v7+s12+$0x0], $0xffff;
	v40 =	vand.u32 $0x1F, v6;
	v6 =	vshra.s32 v6, $0x5  }
0x19d: {  	v9 =	vadd.s32 v3, v40;
	v6 =	vadd.s32 $0xFFFFFFF5, v6  }
0x19e: {  	v9 =	vmul.u32 v9, v9;
	v6 =	vmul.u32 v6, v6;
	_ =	sdelay $0x1  }
0x19f: {  	vm12 =	vlt.f32 v41, $0.0e+00;
	vm13 =	vgt.f32 v41, $0.0e+00;
	v6 =	vadd.s32 v6, v9  }
0x1a0: {  	vm14 =	vne.s32 v42, $0x0;
	vm11 =	vge.f32 v8, $1.000000010e-01;
	vm10 =	vlt.s32 v6, $0xA  }
0x1a1: {  	vm1 =	vmor vm13, vm12;
	vm15 =	vne.s32 v7, $0x0;
	v6 =	vld [tilespmem:$0x180];
	vm0 =	vmand vm11, vm10  }
0x1a2: {  	vm2 =	vmand vm15, vm14;
	vm0 =	vmand vm1, vm0  }
0x1a3: {  	vm0 =	vmand vm2, vm0  }
0x1a4: {  	v43 =	vnsel vm0, $0xFFFFFFFF, v5  }
0x1a5: {  	v45 =	vand.u32 $0x1F, v7;
	v44 =	vsel vm0, $0xB, v4;
	[tilespmem:$0x1170] =	vst v43  }
0x1a6: {  	v7 =	vshra.s32 v7, $0x5;
	v46 =	vnsel vm0, $0xFFFFFFFF, v45;
	[tilespmem:$0x1570] =	vst v44  }
0x1a7: {  	v7 =	vnsel vm0, $0xFFFFFFFF, v7;
	[tilespmem:$0x1970] =	vst v46  }
0x1a8: {  	[tilespmem:$0x1D70] =	vst v7  }
0x1a9: {  	v7 =	vld.idx.msk [tilespmem:v6+s10+$0x0], $0xffff;
	_ =	sdelay $0x2  }
0x1aa: {  	v48 =	vld [tilespmem:$0xD80]  }
0x1ab: {  	v49 =	vld [tilespmem:$0x580]  }
0x1ac: {  	v8 =	vld.idx.msk [tilespmem:v6+s12+$0x0], $0xffff;
	v47 =	vand.u32 $0x1F, v7;
	v7 =	vshra.s32 v7, $0x5  }
0x1ad: {  	v9 =	vadd.s32 v1, v47;
	v7 =	vadd.s32 $0xFFFFFFF4, v7  }
0x1ae: {  	v9 =	vmul.u32 v9, v9;
	v7 =	vmul.u32 v7, v7;
	_ =	sdelay $0x1  }
0x1af: {  	vm6 =	vlt.f32 v48, $0.0e+00;
	vm7 =	vgt.f32 v48, $0.0e+00;
	v7 =	vadd.s32 v7, v9  }
0x1b0: {  	vm8 =	vne.s32 v49, $0x0;
	vm5 =	vge.f32 v8, $1.000000010e-01;
	vm4 =	vlt.s32 v7, $0xA  }
0x1b1: {  	vm1 =	vmor vm7, vm6;
	vm9 =	vne.s32 v6, $0x0;
	v7 =	vld [tilespmem:$0x190];
	vm0 =	vmand vm5, vm4  }
0x1b2: {  	vm2 =	vmand vm9, vm8;
	vm0 =	vmand vm1, vm0  }
0x1b3: {  	vm0 =	vmand vm2, vm0  }
0x1b4: {  	v50 =	vnsel vm0, $0xFFFFFFFF, v0  }
0x1b5: {  	v52 =	vand.u32 $0x1F, v6;
	v51 =	vsel vm0, $0xC, v4;
	[tilespmem:$0x1180] =	vst v50  }
0x1b6: {  	v6 =	vshra.s32 v6, $0x5;
	v53 =	vnsel vm0, $0xFFFFFFFF, v52;
	[tilespmem:$0x1580] =	vst v51  }
0x1b7: {  	v6 =	vnsel vm0, $0xFFFFFFFF, v6;
	[tilespmem:$0x1980] =	vst v53  }
0x1b8: {  	[tilespmem:$0x1D80] =	vst v6  }
0x1b9: {  	v6 =	vld.idx.msk [tilespmem:v7+s10+$0x0], $0xffff;
	_ =	sdelay $0x2  }
0x1ba: {  	v55 =	vld [tilespmem:$0xD90]  }
0x1bb: {  	v56 =	vld [tilespmem:$0x590]  }
0x1bc: {  	v8 =	vld.idx.msk [tilespmem:v7+s12+$0x0], $0xffff;
	v54 =	vand.u32 $0x1F, v6;
	v6 =	vshra.s32 v6, $0x5  }
0x1bd: {  	v9 =	vadd.s32 v3, v54;
	v6 =	vadd.s32 $0xFFFFFFF4, v6  }
0x1be: {  	v9 =	vmul.u32 v9, v9;
	v6 =	vmul.u32 v6, v6;
	_ =	sdelay $0x1  }
0x1bf: {  	vm12 =	vlt.f32 v55, $0.0e+00;
	vm13 =	vgt.f32 v55, $0.0e+00;
	v6 =	vadd.s32 v6, v9  }
0x1c0: {  	vm14 =	vne.s32 v56, $0x0;
	vm11 =	vge.f32 v8, $1.000000010e-01;
	vm10 =	vlt.s32 v6, $0xA  }
0x1c1: {  	vm1 =	vmor vm13, vm12;
	vm15 =	vne.s32 v7, $0x0;
	v6 =	vld [tilespmem:$0x1A0];
	vm0 =	vmand vm11, vm10  }
0x1c2: {  	vm2 =	vmand vm15, vm14;
	vm0 =	vmand vm1, vm0  }
0x1c3: {  	vm0 =	vmand vm2, vm0  }
0x1c4: {  	v57 =	vnsel vm0, $0xFFFFFFFF, v5  }
0x1c5: {  	v59 =	vand.u32 $0x1F, v7;
	v58 =	vsel vm0, $0xC, v4;
	[tilespmem:$0x1190] =	vst v57  }
0x1c6: {  	v7 =	vshra.s32 v7, $0x5;
	v60 =	vnsel vm0, $0xFFFFFFFF, v59;
	[tilespmem:$0x1590] =	vst v58  }
0x1c7: {  	v7 =	vnsel vm0, $0xFFFFFFFF, v7;
	[tilespmem:$0x1990] =	vst v60  }
0x1c8: {  	[tilespmem:$0x1D90] =	vst v7  }
0x1c9: {  	v7 =	vld.idx.msk [tilespmem:v6+s10+$0x0], $0xffff;
	_ =	sdelay $0x2  }
0x1ca: {  	v62 =	vld [tilespmem:$0xDA0]  }
0x1cb: {  	v63 =	vld [tilespmem:$0x5A0]  }
0x1cc: {  	v8 =	vld.idx.msk [tilespmem:v6+s12+$0x0], $0xffff;
	v61 =	vand.u32 $0x1F, v7;
	v7 =	vshra.s32 v7, $0x5  }
0x1cd: {  	v9 =	vadd.s32 v1, v61;
	v7 =	vadd.s32 $0xFFFFFFF3, v7  }
0x1ce: {  	v9 =	vmul.u32 v9, v9;
	v7 =	vmul.u32 v7, v7;
	_ =	sdelay $0x1  }
0x1cf: {  	vm6 =	vlt.f32 v62, $0.0e+00;
	vm7 =	vgt.f32 v62, $0.0e+00;
	v7 =	vadd.s32 v7, v9  }
0x1d0: {  	vm8 =	vne.s32 v63, $0x0;
	vm5 =	vge.f32 v8, $1.000000010e-01;
	vm4 =	vlt.s32 v7, $0xA  }
0x1d1: {  	vm1 =	vmor vm7, vm6;
	vm9 =	vne.s32 v6, $0x0;
	v7 =	vld [tilespmem:$0x1B0];
	vm0 =	vmand vm5, vm4  }
0x1d2: {  	vm2 =	vmand vm9, vm8;
	vm0 =	vmand vm1, vm0  }
0x1d3: {  	vm0 =	vmand vm2, vm0  }
0x1d4: {  	v12 =	vnsel vm0, $0xFFFFFFFF, v0  }
0x1d5: {  	v14 =	vand.u32 $0x1F, v6;
	v13 =	vsel vm0, $0xD, v4;
	[tilespmem:$0x11A0] =	vst v12  }
0x1d6: {  	v6 =	vshra.s32 v6, $0x5;
	v15 =	vnsel vm0, $0xFFFFFFFF, v14;
	[tilespmem:$0x15A0] =	vst v13  }
0x1d7: {  	v6 =	vnsel vm0, $0xFFFFFFFF, v6;
	[tilespmem:$0x19A0] =	vst v15  }
0x1d8: {  	[tilespmem:$0x1DA0] =	vst v6  }
0x1d9: {  	v6 =	vld.idx.msk [tilespmem:v7+s10+$0x0], $0xffff;
	_ =	sdelay $0x2  }
0x1da: {  	v17 =	vld [tilespmem:$0xDB0]  }
0x1db: {  	v18 =	vld [tilespmem:$0x5B0]  }
0x1dc: {  	v8 =	vld.idx.msk [tilespmem:v7+s12+$0x0], $0xffff;
	v16 =	vand.u32 $0x1F, v6;
	v6 =	vshra.s32 v6, $0x5  }
0x1dd: {  	v9 =	vadd.s32 v3, v16;
	v6 =	vadd.s32 $0xFFFFFFF3, v6  }
0x1de: {  	v9 =	vmul.u32 v9, v9;
	v6 =	vmul.u32 v6, v6;
	_ =	sdelay $0x1  }
0x1df: {  	vm12 =	vlt.f32 v17, $0.0e+00;
	vm13 =	vgt.f32 v17, $0.0e+00;
	v6 =	vadd.s32 v6, v9  }
0x1e0: {  	vm14 =	vne.s32 v18, $0x0;
	vm11 =	vge.f32 v8, $1.000000010e-01;
	vm10 =	vlt.s32 v6, $0xA  }
0x1e1: {  	vm1 =	vmor vm13, vm12;
	vm15 =	vne.s32 v7, $0x0;
	v6 =	vld [tilespmem:$0x1C0];
	vm0 =	vmand vm11, vm10  }
0x1e2: {  	vm2 =	vmand vm15, vm14;
	vm0 =	vmand vm1, vm0  }
0x1e3: {  	vm0 =	vmand vm2, vm0  }
0x1e4: {  	v19 =	vnsel vm0, $0xFFFFFFFF, v5  }
0x1e5: {  	v21 =	vand.u32 $0x1F, v7;
	v20 =	vsel vm0, $0xD, v4;
	[tilespmem:$0x11B0] =	vst v19  }
0x1e6: {  	v7 =	vshra.s32 v7, $0x5;
	v22 =	vnsel vm0, $0xFFFFFFFF, v21;
	[tilespmem:$0x15B0] =	vst v20  }
0x1e7: {  	v7 =	vnsel vm0, $0xFFFFFFFF, v7;
	[tilespmem:$0x19B0] =	vst v22  }
0x1e8: {  	[tilespmem:$0x1DB0] =	vst v7  }
0x1e9: {  	v7 =	vld.idx.msk [tilespmem:v6+s10+$0x0], $0xffff;
	_ =	sdelay $0x2  }
0x1ea: {  	v24 =	vld [tilespmem:$0xDC0]  }
0x1eb: {  	v25 =	vld [tilespmem:$0x5C0]  }
0x1ec: {  	v8 =	vld.idx.msk [tilespmem:v6+s12+$0x0], $0xffff;
	v23 =	vand.u32 $0x1F, v7;
	v7 =	vshra.s32 v7, $0x5  }
0x1ed: {  	v9 =	vadd.s32 v1, v23;
	v7 =	vadd.s32 $0xFFFFFFF2, v7  }
0x1ee: {  	v9 =	vmul.u32 v9, v9;
	v7 =	vmul.u32 v7, v7;
	_ =	sdelay $0x1  }
0x1ef: {  	vm6 =	vlt.f32 v24, $0.0e+00;
	vm7 =	vgt.f32 v24, $0.0e+00;
	v7 =	vadd.s32 v7, v9  }
0x1f0: {  	vm8 =	vne.s32 v25, $0x0;
	vm5 =	vge.f32 v8, $1.000000010e-01;
	vm4 =	vlt.s32 v7, $0xA  }
0x1f1: {  	vm1 =	vmor vm7, vm6;
	vm9 =	vne.s32 v6, $0x0;
	v7 =	vld [tilespmem:$0x1D0];
	vm0 =	vmand vm5, vm4  }
0x1f2: {  	vm2 =	vmand vm9, vm8;
	vm0 =	vmand vm1, vm0  }
0x1f3: {  	vm0 =	vmand vm2, vm0  }
0x1f4: {  	v26 =	vnsel vm0, $0xFFFFFFFF, v0  }
0x1f5: {  	v28 =	vand.u32 $0x1F, v6;
	v27 =	vsel vm0, $0xE, v4;
	[tilespmem:$0x11C0] =	vst v26  }
0x1f6: {  	v6 =	vshra.s32 v6, $0x5;
	v29 =	vnsel vm0, $0xFFFFFFFF, v28;
	[tilespmem:$0x15C0] =	vst v27  }
0x1f7: {  	v6 =	vnsel vm0, $0xFFFFFFFF, v6;
	[tilespmem:$0x19C0] =	vst v29  }
0x1f8: {  	[tilespmem:$0x1DC0] =	vst v6  }
0x1f9: {  	v6 =	vld.idx.msk [tilespmem:v7+s10+$0x0], $0xffff;
	_ =	sdelay $0x2  }
0x1fa: {  	v31 =	vld [tilespmem:$0xDD0]  }
0x1fb: {  	v32 =	vld [tilespmem:$0x5D0]  }
0x1fc: {  	v8 =	vld.idx.msk [tilespmem:v7+s12+$0x0], $0xffff;
	v30 =	vand.u32 $0x1F, v6;
	v6 =	vshra.s32 v6, $0x5  }
0x1fd: {  	v9 =	vadd.s32 v3, v30;
	v6 =	vadd.s32 $0xFFFFFFF2, v6  }
0x1fe: {  	v9 =	vmul.u32 v9, v9;
	v6 =	vmul.u32 v6, v6;
	_ =	sdelay $0x1  }
0x1ff: {  	vm12 =	vlt.f32 v31, $0.0e+00;
	vm13 =	vgt.f32 v31, $0.0e+00;
	v6 =	vadd.s32 v6, v9  }
0x200: {  	vm14 =	vne.s32 v32, $0x0;
	vm11 =	vge.f32 v8, $1.000000010e-01;
	vm10 =	vlt.s32 v6, $0xA  }
0x201: {  	vm1 =	vmor vm13, vm12;
	vm15 =	vne.s32 v7, $0x0;
	v6 =	vld [tilespmem:$0x1E0];
	vm0 =	vmand vm11, vm10  }
0x202: {  	vm2 =	vmand vm15, vm14;
	vm0 =	vmand vm1, vm0  }
0x203: {  	vm0 =	vmand vm2, vm0  }
0x204: {  	v33 =	vnsel vm0, $0xFFFFFFFF, v5  }
0x205: {  	v35 =	vand.u32 $0x1F, v7;
	v34 =	vsel vm0, $0xE, v4;
	[tilespmem:$0x11D0] =	vst v33  }
0x206: {  	v7 =	vshra.s32 v7, $0x5;
	v36 =	vnsel vm0, $0xFFFFFFFF, v35;
	[tilespmem:$0x15D0] =	vst v34  }
0x207: {  	v7 =	vnsel vm0, $0xFFFFFFFF, v7;
	[tilespmem:$0x19D0] =	vst v36  }
0x208: {  	[tilespmem:$0x1DD0] =	vst v7  }
0x209: {  	v7 =	vld.idx.msk [tilespmem:v6+s10+$0x0], $0xffff;
	_ =	sdelay $0x2  }
0x20a: {  	v38 =	vld [tilespmem:$0xDE0]  }
0x20b: {  	v39 =	vld [tilespmem:$0x5E0]  }
0x20c: {  	v8 =	vld.idx.msk [tilespmem:v6+s12+$0x0], $0xffff;
	v37 =	vand.u32 $0x1F, v7;
	v7 =	vshra.s32 v7, $0x5  }
0x20d: {  	v9 =	vadd.s32 v1, v37;
	v7 =	vadd.s32 $0xFFFFFFF1, v7  }
0x20e: {  	v9 =	vmul.u32 v9, v9;
	v7 =	vmul.u32 v7, v7;
	_ =	sdelay $0x1  }
0x20f: {  	vm6 =	vlt.f32 v38, $0.0e+00;
	vm7 =	vgt.f32 v38, $0.0e+00;
	v7 =	vadd.s32 v7, v9  }
0x210: {  	vm8 =	vne.s32 v39, $0x0;
	vm5 =	vge.f32 v8, $1.000000010e-01;
	vm4 =	vlt.s32 v7, $0xA  }
0x211: {  	vm1 =	vmor vm7, vm6;
	vm9 =	vne.s32 v6, $0x0;
	v7 =	vld [tilespmem:$0x1F0];
	vm0 =	vmand vm5, vm4  }
0x212: {  	vm2 =	vmand vm9, vm8;
	vm0 =	vmand vm1, vm0  }
0x213: {  	vm0 =	vmand vm2, vm0  }
0x214: {  	v40 =	vnsel vm0, $0xFFFFFFFF, v0  }
0x215: {  	v42 =	vand.u32 $0x1F, v6;
	v41 =	vsel vm0, $0xF, v4;
	[tilespmem:$0x11E0] =	vst v40  }
0x216: {  	v6 =	vshra.s32 v6, $0x5;
	v43 =	vnsel vm0, $0xFFFFFFFF, v42;
	[tilespmem:$0x15E0] =	vst v41  }
0x217: {  	v6 =	vnsel vm0, $0xFFFFFFFF, v6;
	[tilespmem:$0x19E0] =	vst v43  }
0x218: {  	[tilespmem:$0x1DE0] =	vst v6  }
0x219: {  	v6 =	vld.idx.msk [tilespmem:v7+s10+$0x0], $0xffff;
	_ =	sdelay $0x2  }
0x21a: {  	v45 =	vld [tilespmem:$0xDF0]  }
0x21b: {  	v46 =	vld [tilespmem:$0x5F0]  }
0x21c: {  	v8 =	vld.idx.msk [tilespmem:v7+s12+$0x0], $0xffff;
	v44 =	vand.u32 $0x1F, v6;
	v6 =	vshra.s32 v6, $0x5  }
0x21d: {  	v9 =	vadd.s32 v3, v44;
	v6 =	vadd.s32 $0xFFFFFFF1, v6  }
0x21e: {  	v9 =	vmul.u32 v9, v9;
	v6 =	vmul.u32 v6, v6;
	_ =	sdelay $0x1  }
0x21f: {  	vm12 =	vlt.f32 v45, $0.0e+00;
	vm13 =	vgt.f32 v45, $0.0e+00;
	v6 =	vadd.s32 v6, v9  }
0x220: {  	vm14 =	vne.s32 v46, $0x0;
	vm11 =	vge.f32 v8, $1.000000010e-01;
	vm10 =	vlt.s32 v6, $0xA  }
0x221: {  	vm1 =	vmor vm13, vm12;
	vm15 =	vne.s32 v7, $0x0;
	v6 =	vld [tilespmem:$0x200];
	vm0 =	vmand vm11, vm10  }
0x222: {  	vm2 =	vmand vm15, vm14;
	vm0 =	vmand vm1, vm0  }
0x223: {  	vm0 =	vmand vm2, vm0  }
0x224: {  	v47 =	vnsel vm0, $0xFFFFFFFF, v5  }
0x225: {  	v49 =	vand.u32 $0x1F, v7;
	v48 =	vsel vm0, $0xF, v4;
	[tilespmem:$0x11F0] =	vst v47  }
0x226: {  	v7 =	vshra.s32 v7, $0x5;
	v50 =	vnsel vm0, $0xFFFFFFFF, v49;
	[tilespmem:$0x15F0] =	vst v48  }
0x227: {  	v7 =	vnsel vm0, $0xFFFFFFFF, v7;
	[tilespmem:$0x19F0] =	vst v50  }
0x228: {  	[tilespmem:$0x1DF0] =	vst v7  }
0x229: {  	v7 =	vld.idx.msk [tilespmem:v6+s10+$0x0], $0xffff;
	_ =	sdelay $0x2  }
0x22a: {  	v52 =	vld [tilespmem:$0xE00]  }
0x22b: {  	v53 =	vld [tilespmem:$0x600]  }
0x22c: {  	v8 =	vld.idx.msk [tilespmem:v6+s12+$0x0], $0xffff;
	v51 =	vand.u32 $0x1F, v7;
	v7 =	vshra.s32 v7, $0x5  }
0x22d: {  	v9 =	vadd.s32 v1, v51;
	v7 =	vadd.s32 $0xFFFFFFF0, v7  }
0x22e: {  	v9 =	vmul.u32 v9, v9;
	v7 =	vmul.u32 v7, v7;
	_ =	sdelay $0x1  }
0x22f: {  	vm6 =	vlt.f32 v52, $0.0e+00;
	vm7 =	vgt.f32 v52, $0.0e+00;
	v7 =	vadd.s32 v7, v9  }
0x230: {  	vm8 =	vne.s32 v53, $0x0;
	vm5 =	vge.f32 v8, $1.000000010e-01;
	vm4 =	vlt.s32 v7, $0xA  }
0x231: {  	vm1 =	vmor vm7, vm6;
	vm9 =	vne.s32 v6, $0x0;
	v7 =	vld [tilespmem:$0x210];
	vm0 =	vmand vm5, vm4  }
0x232: {  	vm2 =	vmand vm9, vm8;
	vm0 =	vmand vm1, vm0  }
0x233: {  	vm0 =	vmand vm2, vm0  }
0x234: {  	v54 =	vnsel vm0, $0xFFFFFFFF, v0  }
0x235: {  	v56 =	vand.u32 $0x1F, v6;
	v55 =	vsel vm0, $0x10, v4;
	[tilespmem:$0x1200] =	vst v54  }
0x236: {  	v6 =	vshra.s32 v6, $0x5;
	v57 =	vnsel vm0, $0xFFFFFFFF, v56;
	[tilespmem:$0x1600] =	vst v55  }
0x237: {  	v6 =	vnsel vm0, $0xFFFFFFFF, v6;
	[tilespmem:$0x1A00] =	vst v57  }
0x238: {  	[tilespmem:$0x1E00] =	vst v6  }
0x239: {  	v6 =	vld.idx.msk [tilespmem:v7+s10+$0x0], $0xffff;
	_ =	sdelay $0x2  }
0x23a: {  	v59 =	vld [tilespmem:$0xE10]  }
0x23b: {  	v60 =	vld [tilespmem:$0x610]  }
0x23c: {  	v8 =	vld.idx.msk [tilespmem:v7+s12+$0x0], $0xffff;
	v58 =	vand.u32 $0x1F, v6;
	v6 =	vshra.s32 v6, $0x5  }
0x23d: {  	v9 =	vadd.s32 v3, v58;
	v6 =	vadd.s32 $0xFFFFFFF0, v6  }
0x23e: {  	v9 =	vmul.u32 v9, v9;
	v6 =	vmul.u32 v6, v6;
	_ =	sdelay $0x1  }
0x23f: {  	vm12 =	vlt.f32 v59, $0.0e+00;
	vm13 =	vgt.f32 v59, $0.0e+00;
	v6 =	vadd.s32 v6, v9  }
0x240: {  	vm14 =	vne.s32 v60, $0x0;
	vm11 =	vge.f32 v8, $1.000000010e-01;
	vm10 =	vlt.s32 v6, $0xA  }
0x241: {  	vm1 =	vmor vm13, vm12;
	vm15 =	vne.s32 v7, $0x0;
	v6 =	vld [tilespmem:$0x220];
	vm0 =	vmand vm11, vm10  }
0x242: {  	vm2 =	vmand vm15, vm14;
	vm0 =	vmand vm1, vm0  }
0x243: {  	vm0 =	vmand vm2, vm0  }
0x244: {  	v61 =	vnsel vm0, $0xFFFFFFFF, v5  }
0x245: {  	v63 =	vand.u32 $0x1F, v7;
	v62 =	vsel vm0, $0x10, v4;
	[tilespmem:$0x1210] =	vst v61  }
0x246: {  	v7 =	vshra.s32 v7, $0x5;
	v12 =	vnsel vm0, $0xFFFFFFFF, v63;
	[tilespmem:$0x1610] =	vst v62  }
0x247: {  	v7 =	vnsel vm0, $0xFFFFFFFF, v7;
	[tilespmem:$0x1A10] =	vst v12  }
0x248: {  	[tilespmem:$0x1E10] =	vst v7  }
0x249: {  	v7 =	vld.idx.msk [tilespmem:v6+s10+$0x0], $0xffff;
	_ =	sdelay $0x2  }
0x24a: {  	v14 =	vld [tilespmem:$0xE20]  }
0x24b: {  	v15 =	vld [tilespmem:$0x620]  }
0x24c: {  	v8 =	vld.idx.msk [tilespmem:v6+s12+$0x0], $0xffff;
	v13 =	vand.u32 $0x1F, v7;
	v7 =	vshra.s32 v7, $0x5  }
0x24d: {  	v9 =	vadd.s32 v1, v13;
	v7 =	vadd.s32 $0xFFFFFFEF, v7  }
0x24e: {  	v9 =	vmul.u32 v9, v9;
	v7 =	vmul.u32 v7, v7;
	_ =	sdelay $0x1  }
0x24f: {  	vm6 =	vlt.f32 v14, $0.0e+00;
	vm7 =	vgt.f32 v14, $0.0e+00;
	v7 =	vadd.s32 v7, v9  }
0x250: {  	vm8 =	vne.s32 v15, $0x0;
	vm5 =	vge.f32 v8, $1.000000010e-01;
	vm4 =	vlt.s32 v7, $0xA  }
0x251: {  	vm1 =	vmor vm7, vm6;
	vm9 =	vne.s32 v6, $0x0;
	v7 =	vld [tilespmem:$0x230];
	vm0 =	vmand vm5, vm4  }
0x252: {  	vm2 =	vmand vm9, vm8;
	vm0 =	vmand vm1, vm0  }
0x253: {  	vm0 =	vmand vm2, vm0  }
0x254: {  	v16 =	vnsel vm0, $0xFFFFFFFF, v0  }
0x255: {  	v18 =	vand.u32 $0x1F, v6;
	v17 =	vsel vm0, $0x11, v4;
	[tilespmem:$0x1220] =	vst v16  }
0x256: {  	v6 =	vshra.s32 v6, $0x5;
	v19 =	vnsel vm0, $0xFFFFFFFF, v18;
	[tilespmem:$0x1620] =	vst v17  }
0x257: {  	v6 =	vnsel vm0, $0xFFFFFFFF, v6;
	[tilespmem:$0x1A20] =	vst v19  }
0x258: {  	[tilespmem:$0x1E20] =	vst v6  }
0x259: {  	v6 =	vld.idx.msk [tilespmem:v7+s10+$0x0], $0xffff;
	_ =	sdelay $0x2  }
0x25a: {  	v21 =	vld [tilespmem:$0xE30]  }
0x25b: {  	v22 =	vld [tilespmem:$0x630]  }
0x25c: {  	v8 =	vld.idx.msk [tilespmem:v7+s12+$0x0], $0xffff;
	v20 =	vand.u32 $0x1F, v6;
	v6 =	vshra.s32 v6, $0x5  }
0x25d: {  	v9 =	vadd.s32 v3, v20;
	v6 =	vadd.s32 $0xFFFFFFEF, v6  }
0x25e: {  	v9 =	vmul.u32 v9, v9;
	v6 =	vmul.u32 v6, v6;
	_ =	sdelay $0x1  }
0x25f: {  	vm12 =	vlt.f32 v21, $0.0e+00;
	vm13 =	vgt.f32 v21, $0.0e+00;
	v6 =	vadd.s32 v6, v9  }
0x260: {  	vm14 =	vne.s32 v22, $0x0;
	vm11 =	vge.f32 v8, $1.000000010e-01;
	vm10 =	vlt.s32 v6, $0xA  }
0x261: {  	vm1 =	vmor vm13, vm12;
	vm15 =	vne.s32 v7, $0x0;
	v6 =	vld [tilespmem:$0x240];
	vm0 =	vmand vm11, vm10  }
0x262: {  	vm2 =	vmand vm15, vm14;
	vm0 =	vmand vm1, vm0  }
0x263: {  	vm0 =	vmand vm2, vm0  }
0x264: {  	v23 =	vnsel vm0, $0xFFFFFFFF, v5  }
0x265: {  	v25 =	vand.u32 $0x1F, v7;
	v24 =	vsel vm0, $0x11, v4;
	[tilespmem:$0x1230] =	vst v23  }
0x266: {  	v7 =	vshra.s32 v7, $0x5;
	v26 =	vnsel vm0, $0xFFFFFFFF, v25;
	[tilespmem:$0x1630] =	vst v24  }
0x267: {  	v7 =	vnsel vm0, $0xFFFFFFFF, v7;
	[tilespmem:$0x1A30] =	vst v26  }
0x268: {  	[tilespmem:$0x1E30] =	vst v7  }
0x269: {  	v7 =	vld.idx.msk [tilespmem:v6+s10+$0x0], $0xffff;
	_ =	sdelay $0x2  }
0x26a: {  	v28 =	vld [tilespmem:$0xE40]  }
0x26b: {  	v29 =	vld [tilespmem:$0x640]  }
0x26c: {  	v8 =	vld.idx.msk [tilespmem:v6+s12+$0x0], $0xffff;
	v27 =	vand.u32 $0x1F, v7;
	v7 =	vshra.s32 v7, $0x5  }
0x26d: {  	v9 =	vadd.s32 v1, v27;
	v7 =	vadd.s32 $0xFFFFFFEE, v7  }
0x26e: {  	v9 =	vmul.u32 v9, v9;
	v7 =	vmul.u32 v7, v7;
	_ =	sdelay $0x1  }
0x26f: {  	vm6 =	vlt.f32 v28, $0.0e+00;
	vm7 =	vgt.f32 v28, $0.0e+00;
	v7 =	vadd.s32 v7, v9  }
0x270: {  	vm8 =	vne.s32 v29, $0x0;
	vm5 =	vge.f32 v8, $1.000000010e-01;
	vm4 =	vlt.s32 v7, $0xA  }
0x271: {  	vm1 =	vmor vm7, vm6;
	vm9 =	vne.s32 v6, $0x0;
	v7 =	vld [tilespmem:$0x250];
	vm0 =	vmand vm5, vm4  }
0x272: {  	vm2 =	vmand vm9, vm8;
	vm0 =	vmand vm1, vm0  }
0x273: {  	vm0 =	vmand vm2, vm0  }
0x274: {  	v30 =	vnsel vm0, $0xFFFFFFFF, v0  }
0x275: {  	v32 =	vand.u32 $0x1F, v6;
	v31 =	vsel vm0, $0x12, v4;
	[tilespmem:$0x1240] =	vst v30  }
0x276: {  	v6 =	vshra.s32 v6, $0x5;
	v33 =	vnsel vm0, $0xFFFFFFFF, v32;
	[tilespmem:$0x1640] =	vst v31  }
0x277: {  	v6 =	vnsel vm0, $0xFFFFFFFF, v6;
	[tilespmem:$0x1A40] =	vst v33  }
0x278: {  	[tilespmem:$0x1E40] =	vst v6  }
0x279: {  	v6 =	vld.idx.msk [tilespmem:v7+s10+$0x0], $0xffff;
	_ =	sdelay $0x2  }
0x27a: {  	v35 =	vld [tilespmem:$0xE50]  }
0x27b: {  	v36 =	vld [tilespmem:$0x650]  }
0x27c: {  	v8 =	vld.idx.msk [tilespmem:v7+s12+$0x0], $0xffff;
	v34 =	vand.u32 $0x1F, v6;
	v6 =	vshra.s32 v6, $0x5  }
0x27d: {  	v9 =	vadd.s32 v3, v34;
	v6 =	vadd.s32 $0xFFFFFFEE, v6  }
0x27e: {  	v9 =	vmul.u32 v9, v9;
	v6 =	vmul.u32 v6, v6;
	_ =	sdelay $0x1  }
0x27f: {  	vm12 =	vlt.f32 v35, $0.0e+00;
	vm13 =	vgt.f32 v35, $0.0e+00;
	v6 =	vadd.s32 v6, v9  }
0x280: {  	vm14 =	vne.s32 v36, $0x0;
	vm11 =	vge.f32 v8, $1.000000010e-01;
	vm10 =	vlt.s32 v6, $0xA  }
0x281: {  	vm1 =	vmor vm13, vm12;
	vm15 =	vne.s32 v7, $0x0;
	v6 =	vld [tilespmem:$0x260];
	vm0 =	vmand vm11, vm10  }
0x282: {  	vm2 =	vmand vm15, vm14;
	vm0 =	vmand vm1, vm0  }
0x283: {  	vm0 =	vmand vm2, vm0  }
0x284: {  	v37 =	vnsel vm0, $0xFFFFFFFF, v5  }
0x285: {  	v39 =	vand.u32 $0x1F, v7;
	v38 =	vsel vm0, $0x12, v4;
	[tilespmem:$0x1250] =	vst v37  }
0x286: {  	v7 =	vshra.s32 v7, $0x5;
	v40 =	vnsel vm0, $0xFFFFFFFF, v39;
	[tilespmem:$0x1650] =	vst v38  }
0x287: {  	v7 =	vnsel vm0, $0xFFFFFFFF, v7;
	[tilespmem:$0x1A50] =	vst v40  }
0x288: {  	[tilespmem:$0x1E50] =	vst v7  }
0x289: {  	v7 =	vld.idx.msk [tilespmem:v6+s10+$0x0], $0xffff;
	_ =	sdelay $0x2  }
0x28a: {  	v42 =	vld [tilespmem:$0xE60]  }
0x28b: {  	v43 =	vld [tilespmem:$0x660]  }
0x28c: {  	v8 =	vld.idx.msk [tilespmem:v6+s12+$0x0], $0xffff;
	v41 =	vand.u32 $0x1F, v7;
	v7 =	vshra.s32 v7, $0x5  }
0x28d: {  	v9 =	vadd.s32 v1, v41;
	v7 =	vadd.s32 $0xFFFFFFED, v7  }
0x28e: {  	v9 =	vmul.u32 v9, v9;
	v7 =	vmul.u32 v7, v7;
	_ =	sdelay $0x1  }
0x28f: {  	vm6 =	vlt.f32 v42, $0.0e+00;
	vm7 =	vgt.f32 v42, $0.0e+00;
	v7 =	vadd.s32 v7, v9  }
0x290: {  	vm8 =	vne.s32 v43, $0x0;
	vm5 =	vge.f32 v8, $1.000000010e-01;
	vm4 =	vlt.s32 v7, $0xA  }
0x291: {  	vm1 =	vmor vm7, vm6;
	vm9 =	vne.s32 v6, $0x0;
	v7 =	vld [tilespmem:$0x270];
	vm0 =	vmand vm5, vm4  }
0x292: {  	vm2 =	vmand vm9, vm8;
	vm0 =	vmand vm1, vm0  }
0x293: {  	vm0 =	vmand vm2, vm0  }
0x294: {  	v44 =	vnsel vm0, $0xFFFFFFFF, v0  }
0x295: {  	v46 =	vand.u32 $0x1F, v6;
	v45 =	vsel vm0, $0x13, v4;
	[tilespmem:$0x1260] =	vst v44  }
0x296: {  	v6 =	vshra.s32 v6, $0x5;
	v47 =	vnsel vm0, $0xFFFFFFFF, v46;
	[tilespmem:$0x1660] =	vst v45  }
0x297: {  	v6 =	vnsel vm0, $0xFFFFFFFF, v6;
	[tilespmem:$0x1A60] =	vst v47  }
0x298: {  	[tilespmem:$0x1E60] =	vst v6  }
0x299: {  	v6 =	vld.idx.msk [tilespmem:v7+s10+$0x0], $0xffff;
	_ =	sdelay $0x2  }
0x29a: {  	v49 =	vld [tilespmem:$0xE70]  }
0x29b: {  	v50 =	vld [tilespmem:$0x670]  }
0x29c: {  	v8 =	vld.idx.msk [tilespmem:v7+s12+$0x0], $0xffff;
	v48 =	vand.u32 $0x1F, v6;
	v6 =	vshra.s32 v6, $0x5  }
0x29d: {  	v9 =	vadd.s32 v3, v48;
	v6 =	vadd.s32 $0xFFFFFFED, v6  }
0x29e: {  	v9 =	vmul.u32 v9, v9;
	v6 =	vmul.u32 v6, v6;
	_ =	sdelay $0x1  }
0x29f: {  	vm12 =	vlt.f32 v49, $0.0e+00;
	vm13 =	vgt.f32 v49, $0.0e+00;
	v6 =	vadd.s32 v6, v9  }
0x2a0: {  	vm14 =	vne.s32 v50, $0x0;
	vm11 =	vge.f32 v8, $1.000000010e-01;
	vm10 =	vlt.s32 v6, $0xA  }
0x2a1: {  	vm1 =	vmor vm13, vm12;
	vm15 =	vne.s32 v7, $0x0;
	v6 =	vld [tilespmem:$0x280];
	vm0 =	vmand vm11, vm10  }
0x2a2: {  	vm2 =	vmand vm15, vm14;
	vm0 =	vmand vm1, vm0  }
0x2a3: {  	vm0 =	vmand vm2, vm0  }
0x2a4: {  	v51 =	vnsel vm0, $0xFFFFFFFF, v5  }
0x2a5: {  	v53 =	vand.u32 $0x1F, v7;
	v52 =	vsel vm0, $0x13, v4;
	[tilespmem:$0x1270] =	vst v51  }
0x2a6: {  	v7 =	vshra.s32 v7, $0x5;
	v54 =	vnsel vm0, $0xFFFFFFFF, v53;
	[tilespmem:$0x1670] =	vst v52  }
0x2a7: {  	v7 =	vnsel vm0, $0xFFFFFFFF, v7;
	[tilespmem:$0x1A70] =	vst v54  }
0x2a8: {  	[tilespmem:$0x1E70] =	vst v7  }
0x2a9: {  	v7 =	vld.idx.msk [tilespmem:v6+s10+$0x0], $0xffff;
	_ =	sdelay $0x2  }
0x2aa: {  	v56 =	vld [tilespmem:$0xE80]  }
0x2ab: {  	v57 =	vld [tilespmem:$0x680]  }
0x2ac: {  	v8 =	vld.idx.msk [tilespmem:v6+s12+$0x0], $0xffff;
	v55 =	vand.u32 $0x1F, v7;
	v7 =	vshra.s32 v7, $0x5  }
0x2ad: {  	v9 =	vadd.s32 v1, v55;
	v7 =	vadd.s32 $0xFFFFFFEC, v7  }
0x2ae: {  	v9 =	vmul.u32 v9, v9;
	v7 =	vmul.u32 v7, v7;
	_ =	sdelay $0x1  }
0x2af: {  	vm6 =	vlt.f32 v56, $0.0e+00;
	vm7 =	vgt.f32 v56, $0.0e+00;
	v7 =	vadd.s32 v7, v9  }
0x2b0: {  	vm8 =	vne.s32 v57, $0x0;
	vm5 =	vge.f32 v8, $1.000000010e-01;
	vm4 =	vlt.s32 v7, $0xA  }
0x2b1: {  	vm1 =	vmor vm7, vm6;
	vm9 =	vne.s32 v6, $0x0;
	v7 =	vld [tilespmem:$0x290];
	vm0 =	vmand vm5, vm4  }
0x2b2: {  	vm2 =	vmand vm9, vm8;
	vm0 =	vmand vm1, vm0  }
0x2b3: {  	vm0 =	vmand vm2, vm0  }
0x2b4: {  	v58 =	vnsel vm0, $0xFFFFFFFF, v0  }
0x2b5: {  	v60 =	vand.u32 $0x1F, v6;
	v59 =	vsel vm0, $0x14, v4;
	[tilespmem:$0x1280] =	vst v58  }
0x2b6: {  	v6 =	vshra.s32 v6, $0x5;
	v61 =	vnsel vm0, $0xFFFFFFFF, v60;
	[tilespmem:$0x1680] =	vst v59  }
0x2b7: {  	v6 =	vnsel vm0, $0xFFFFFFFF, v6;
	[tilespmem:$0x1A80] =	vst v61  }
0x2b8: {  	[tilespmem:$0x1E80] =	vst v6  }
0x2b9: {  	v6 =	vld.idx.msk [tilespmem:v7+s10+$0x0], $0xffff;
	_ =	sdelay $0x2  }
0x2ba: {  	v63 =	vld [tilespmem:$0xE90]  }
0x2bb: {  	v12 =	vld [tilespmem:$0x690]  }
0x2bc: {  	v8 =	vld.idx.msk [tilespmem:v7+s12+$0x0], $0xffff;
	v62 =	vand.u32 $0x1F, v6;
	v6 =	vshra.s32 v6, $0x5  }
0x2bd: {  	v9 =	vadd.s32 v3, v62;
	v6 =	vadd.s32 $0xFFFFFFEC, v6  }
0x2be: {  	v9 =	vmul.u32 v9, v9;
	v6 =	vmul.u32 v6, v6;
	_ =	sdelay $0x1  }
0x2bf: {  	vm12 =	vlt.f32 v63, $0.0e+00;
	vm13 =	vgt.f32 v63, $0.0e+00;
	v6 =	vadd.s32 v6, v9  }
0x2c0: {  	vm14 =	vne.s32 v12, $0x0;
	vm11 =	vge.f32 v8, $1.000000010e-01;
	vm10 =	vlt.s32 v6, $0xA  }
0x2c1: {  	vm1 =	vmor vm13, vm12;
	vm15 =	vne.s32 v7, $0x0;
	v6 =	vld [tilespmem:$0x2A0];
	vm0 =	vmand vm11, vm10  }
0x2c2: {  	vm2 =	vmand vm15, vm14;
	vm0 =	vmand vm1, vm0  }
0x2c3: {  	vm0 =	vmand vm2, vm0  }
0x2c4: {  	v13 =	vnsel vm0, $0xFFFFFFFF, v5  }
0x2c5: {  	v15 =	vand.u32 $0x1F, v7;
	v14 =	vsel vm0, $0x14, v4;
	[tilespmem:$0x1290] =	vst v13  }
0x2c6: {  	v7 =	vshra.s32 v7, $0x5;
	v16 =	vnsel vm0, $0xFFFFFFFF, v15;
	[tilespmem:$0x1690] =	vst v14  }
0x2c7: {  	v7 =	vnsel vm0, $0xFFFFFFFF, v7;
	[tilespmem:$0x1A90] =	vst v16  }
0x2c8: {  	[tilespmem:$0x1E90] =	vst v7  }
0x2c9: {  	v7 =	vld.idx.msk [tilespmem:v6+s10+$0x0], $0xffff;
	_ =	sdelay $0x2  }
0x2ca: {  	v18 =	vld [tilespmem:$0xEA0]  }
0x2cb: {  	v19 =	vld [tilespmem:$0x6A0]  }
0x2cc: {  	v8 =	vld.idx.msk [tilespmem:v6+s12+$0x0], $0xffff;
	v17 =	vand.u32 $0x1F, v7;
	v7 =	vshra.s32 v7, $0x5  }
0x2cd: {  	v9 =	vadd.s32 v1, v17;
	v7 =	vadd.s32 $0xFFFFFFEB, v7  }
0x2ce: {  	v9 =	vmul.u32 v9, v9;
	v7 =	vmul.u32 v7, v7;
	_ =	sdelay $0x1  }
0x2cf: {  	vm6 =	vlt.f32 v18, $0.0e+00;
	vm7 =	vgt.f32 v18, $0.0e+00;
	v7 =	vadd.s32 v7, v9  }
0x2d0: {  	vm8 =	vne.s32 v19, $0x0;
	vm5 =	vge.f32 v8, $1.000000010e-01;
	vm4 =	vlt.s32 v7, $0xA  }
0x2d1: {  	vm1 =	vmor vm7, vm6;
	vm9 =	vne.s32 v6, $0x0;
	v7 =	vld [tilespmem:$0x2B0];
	vm0 =	vmand vm5, vm4  }
0x2d2: {  	vm2 =	vmand vm9, vm8;
	vm0 =	vmand vm1, vm0  }
0x2d3: {  	vm0 =	vmand vm2, vm0  }
0x2d4: {  	v20 =	vnsel vm0, $0xFFFFFFFF, v0  }
0x2d5: {  	v22 =	vand.u32 $0x1F, v6;
	v21 =	vsel vm0, $0x15, v4;
	[tilespmem:$0x12A0] =	vst v20  }
0x2d6: {  	v6 =	vshra.s32 v6, $0x5;
	v23 =	vnsel vm0, $0xFFFFFFFF, v22;
	[tilespmem:$0x16A0] =	vst v21  }
0x2d7: {  	v6 =	vnsel vm0, $0xFFFFFFFF, v6;
	[tilespmem:$0x1AA0] =	vst v23  }
0x2d8: {  	[tilespmem:$0x1EA0] =	vst v6  }
0x2d9: {  	v6 =	vld.idx.msk [tilespmem:v7+s10+$0x0], $0xffff;
	_ =	sdelay $0x2  }
0x2da: {  	v25 =	vld [tilespmem:$0xEB0]  }
0x2db: {  	v26 =	vld [tilespmem:$0x6B0]  }
0x2dc: {  	v8 =	vld.idx.msk [tilespmem:v7+s12+$0x0], $0xffff;
	v24 =	vand.u32 $0x1F, v6;
	v6 =	vshra.s32 v6, $0x5  }
0x2dd: {  	v9 =	vadd.s32 v3, v24;
	v6 =	vadd.s32 $0xFFFFFFEB, v6  }
0x2de: {  	v9 =	vmul.u32 v9, v9;
	v6 =	vmul.u32 v6, v6;
	_ =	sdelay $0x1  }
0x2df: {  	vm12 =	vlt.f32 v25, $0.0e+00;
	vm13 =	vgt.f32 v25, $0.0e+00;
	v6 =	vadd.s32 v6, v9  }
0x2e0: {  	vm14 =	vne.s32 v26, $0x0;
	vm11 =	vge.f32 v8, $1.000000010e-01;
	vm10 =	vlt.s32 v6, $0xA  }
0x2e1: {  	vm1 =	vmor vm13, vm12;
	vm15 =	vne.s32 v7, $0x0;
	v6 =	vld [tilespmem:$0x2C0];
	vm0 =	vmand vm11, vm10  }
0x2e2: {  	vm2 =	vmand vm15, vm14;
	vm0 =	vmand vm1, vm0  }
0x2e3: {  	vm0 =	vmand vm2, vm0  }
0x2e4: {  	v27 =	vnsel vm0, $0xFFFFFFFF, v5  }
0x2e5: {  	v29 =	vand.u32 $0x1F, v7;
	v28 =	vsel vm0, $0x15, v4;
	[tilespmem:$0x12B0] =	vst v27  }
0x2e6: {  	v7 =	vshra.s32 v7, $0x5;
	v30 =	vnsel vm0, $0xFFFFFFFF, v29;
	[tilespmem:$0x16B0] =	vst v28  }
0x2e7: {  	v7 =	vnsel vm0, $0xFFFFFFFF, v7;
	[tilespmem:$0x1AB0] =	vst v30  }
0x2e8: {  	[tilespmem:$0x1EB0] =	vst v7  }
0x2e9: {  	v7 =	vld.idx.msk [tilespmem:v6+s10+$0x0], $0xffff;
	_ =	sdelay $0x2  }
0x2ea: {  	v32 =	vld [tilespmem:$0xEC0]  }
0x2eb: {  	v33 =	vld [tilespmem:$0x6C0]  }
0x2ec: {  	v8 =	vld.idx.msk [tilespmem:v6+s12+$0x0], $0xffff;
	v31 =	vand.u32 $0x1F, v7;
	v7 =	vshra.s32 v7, $0x5  }
0x2ed: {  	v9 =	vadd.s32 v1, v31;
	v7 =	vadd.s32 $0xFFFFFFEA, v7  }
0x2ee: {  	v9 =	vmul.u32 v9, v9;
	v7 =	vmul.u32 v7, v7;
	_ =	sdelay $0x1  }
0x2ef: {  	vm6 =	vlt.f32 v32, $0.0e+00;
	vm7 =	vgt.f32 v32, $0.0e+00;
	v7 =	vadd.s32 v7, v9  }
0x2f0: {  	vm8 =	vne.s32 v33, $0x0;
	vm5 =	vge.f32 v8, $1.000000010e-01;
	vm4 =	vlt.s32 v7, $0xA  }
0x2f1: {  	vm1 =	vmor vm7, vm6;
	vm9 =	vne.s32 v6, $0x0;
	v7 =	vld [tilespmem:$0x2D0];
	vm0 =	vmand vm5, vm4  }
0x2f2: {  	vm2 =	vmand vm9, vm8;
	vm0 =	vmand vm1, vm0  }
0x2f3: {  	vm0 =	vmand vm2, vm0  }
0x2f4: {  	v34 =	vnsel vm0, $0xFFFFFFFF, v0  }
0x2f5: {  	v36 =	vand.u32 $0x1F, v6;
	v35 =	vsel vm0, $0x16, v4;
	[tilespmem:$0x12C0] =	vst v34  }
0x2f6: {  	v6 =	vshra.s32 v6, $0x5;
	v37 =	vnsel vm0, $0xFFFFFFFF, v36;
	[tilespmem:$0x16C0] =	vst v35  }
0x2f7: {  	v6 =	vnsel vm0, $0xFFFFFFFF, v6;
	[tilespmem:$0x1AC0] =	vst v37  }
0x2f8: {  	[tilespmem:$0x1EC0] =	vst v6  }
0x2f9: {  	v6 =	vld.idx.msk [tilespmem:v7+s10+$0x0], $0xffff;
	_ =	sdelay $0x2  }
0x2fa: {  	v39 =	vld [tilespmem:$0xED0]  }
0x2fb: {  	v40 =	vld [tilespmem:$0x6D0]  }
0x2fc: {  	v8 =	vld.idx.msk [tilespmem:v7+s12+$0x0], $0xffff;
	v38 =	vand.u32 $0x1F, v6;
	v6 =	vshra.s32 v6, $0x5  }
0x2fd: {  	v9 =	vadd.s32 v3, v38;
	v6 =	vadd.s32 $0xFFFFFFEA, v6  }
0x2fe: {  	v9 =	vmul.u32 v9, v9;
	v6 =	vmul.u32 v6, v6;
	_ =	sdelay $0x1  }
0x2ff: {  	vm12 =	vlt.f32 v39, $0.0e+00;
	vm13 =	vgt.f32 v39, $0.0e+00;
	v6 =	vadd.s32 v6, v9  }
0x300: {  	vm14 =	vne.s32 v40, $0x0;
	vm11 =	vge.f32 v8, $1.000000010e-01;
	vm10 =	vlt.s32 v6, $0xA  }
0x301: {  	vm1 =	vmor vm13, vm12;
	vm15 =	vne.s32 v7, $0x0;
	v6 =	vld [tilespmem:$0x2E0];
	vm0 =	vmand vm11, vm10  }
0x302: {  	vm2 =	vmand vm15, vm14;
	vm0 =	vmand vm1, vm0  }
0x303: {  	vm0 =	vmand vm2, vm0  }
0x304: {  	v41 =	vnsel vm0, $0xFFFFFFFF, v5  }
0x305: {  	v43 =	vand.u32 $0x1F, v7;
	v42 =	vsel vm0, $0x16, v4;
	[tilespmem:$0x12D0] =	vst v41  }
0x306: {  	v7 =	vshra.s32 v7, $0x5;
	v44 =	vnsel vm0, $0xFFFFFFFF, v43;
	[tilespmem:$0x16D0] =	vst v42  }
0x307: {  	v7 =	vnsel vm0, $0xFFFFFFFF, v7;
	[tilespmem:$0x1AD0] =	vst v44  }
0x308: {  	[tilespmem:$0x1ED0] =	vst v7  }
0x309: {  	v7 =	vld.idx.msk [tilespmem:v6+s10+$0x0], $0xffff;
	_ =	sdelay $0x2  }
0x30a: {  	v46 =	vld [tilespmem:$0xEE0]  }
0x30b: {  	v47 =	vld [tilespmem:$0x6E0]  }
0x30c: {  	v8 =	vld.idx.msk [tilespmem:v6+s12+$0x0], $0xffff;
	v45 =	vand.u32 $0x1F, v7;
	v7 =	vshra.s32 v7, $0x5  }
0x30d: {  	v9 =	vadd.s32 v1, v45;
	v7 =	vadd.s32 $0xFFFFFFE9, v7  }
0x30e: {  	v9 =	vmul.u32 v9, v9;
	v7 =	vmul.u32 v7, v7;
	_ =	sdelay $0x1  }
0x30f: {  	vm6 =	vlt.f32 v46, $0.0e+00;
	vm7 =	vgt.f32 v46, $0.0e+00;
	v7 =	vadd.s32 v7, v9  }
0x310: {  	vm8 =	vne.s32 v47, $0x0;
	vm5 =	vge.f32 v8, $1.000000010e-01;
	vm4 =	vlt.s32 v7, $0xA  }
0x311: {  	vm1 =	vmor vm7, vm6;
	vm9 =	vne.s32 v6, $0x0;
	v7 =	vld [tilespmem:$0x2F0];
	vm0 =	vmand vm5, vm4  }
0x312: {  	vm2 =	vmand vm9, vm8;
	vm0 =	vmand vm1, vm0  }
0x313: {  	vm0 =	vmand vm2, vm0  }
0x314: {  	v48 =	vnsel vm0, $0xFFFFFFFF, v0  }
0x315: {  	v50 =	vand.u32 $0x1F, v6;
	v49 =	vsel vm0, $0x17, v4;
	[tilespmem:$0x12E0] =	vst v48  }
0x316: {  	v6 =	vshra.s32 v6, $0x5;
	v51 =	vnsel vm0, $0xFFFFFFFF, v50;
	[tilespmem:$0x16E0] =	vst v49  }
0x317: {  	v6 =	vnsel vm0, $0xFFFFFFFF, v6;
	[tilespmem:$0x1AE0] =	vst v51  }
0x318: {  	[tilespmem:$0x1EE0] =	vst v6  }
0x319: {  	v6 =	vld.idx.msk [tilespmem:v7+s10+$0x0], $0xffff;
	_ =	sdelay $0x2  }
0x31a: {  	v53 =	vld [tilespmem:$0xEF0]  }
0x31b: {  	v54 =	vld [tilespmem:$0x6F0]  }
0x31c: {  	v8 =	vld.idx.msk [tilespmem:v7+s12+$0x0], $0xffff;
	v52 =	vand.u32 $0x1F, v6;
	v6 =	vshra.s32 v6, $0x5  }
0x31d: {  	v9 =	vadd.s32 v3, v52;
	v6 =	vadd.s32 $0xFFFFFFE9, v6  }
0x31e: {  	v9 =	vmul.u32 v9, v9;
	v6 =	vmul.u32 v6, v6;
	_ =	sdelay $0x1  }
0x31f: {  	vm12 =	vlt.f32 v53, $0.0e+00;
	vm13 =	vgt.f32 v53, $0.0e+00;
	v6 =	vadd.s32 v6, v9  }
0x320: {  	vm14 =	vne.s32 v54, $0x0;
	vm11 =	vge.f32 v8, $1.000000010e-01;
	vm10 =	vlt.s32 v6, $0xA  }
0x321: {  	vm1 =	vmor vm13, vm12;
	vm15 =	vne.s32 v7, $0x0;
	v6 =	vld [tilespmem:$0x300];
	vm0 =	vmand vm11, vm10  }
0x322: {  	vm2 =	vmand vm15, vm14;
	vm0 =	vmand vm1, vm0  }
0x323: {  	vm0 =	vmand vm2, vm0  }
0x324: {  	v55 =	vnsel vm0, $0xFFFFFFFF, v5  }
0x325: {  	v57 =	vand.u32 $0x1F, v7;
	v56 =	vsel vm0, $0x17, v4;
	[tilespmem:$0x12F0] =	vst v55  }
0x326: {  	v7 =	vshra.s32 v7, $0x5;
	v58 =	vnsel vm0, $0xFFFFFFFF, v57;
	[tilespmem:$0x16F0] =	vst v56  }
0x327: {  	v7 =	vnsel vm0, $0xFFFFFFFF, v7;
	[tilespmem:$0x1AF0] =	vst v58  }
0x328: {  	[tilespmem:$0x1EF0] =	vst v7  }
0x329: {  	v7 =	vld.idx.msk [tilespmem:v6+s10+$0x0], $0xffff;
	_ =	sdelay $0x2  }
0x32a: {  	v60 =	vld [tilespmem:$0xF00]  }
0x32b: {  	v61 =	vld [tilespmem:$0x700]  }
0x32c: {  	v8 =	vld.idx.msk [tilespmem:v6+s12+$0x0], $0xffff;
	v59 =	vand.u32 $0x1F, v7;
	v7 =	vshra.s32 v7, $0x5  }
0x32d: {  	v9 =	vadd.s32 v1, v59;
	v7 =	vadd.s32 $0xFFFFFFE8, v7  }
0x32e: {  	v9 =	vmul.u32 v9, v9;
	v7 =	vmul.u32 v7, v7;
	_ =	sdelay $0x1  }
0x32f: {  	vm6 =	vlt.f32 v60, $0.0e+00;
	vm7 =	vgt.f32 v60, $0.0e+00;
	v7 =	vadd.s32 v7, v9  }
0x330: {  	vm8 =	vne.s32 v61, $0x0;
	vm5 =	vge.f32 v8, $1.000000010e-01;
	vm4 =	vlt.s32 v7, $0xA  }
0x331: {  	vm1 =	vmor vm7, vm6;
	vm9 =	vne.s32 v6, $0x0;
	v7 =	vld [tilespmem:$0x310];
	vm0 =	vmand vm5, vm4  }
0x332: {  	vm2 =	vmand vm9, vm8;
	vm0 =	vmand vm1, vm0  }
0x333: {  	vm0 =	vmand vm2, vm0  }
0x334: {  	v62 =	vnsel vm0, $0xFFFFFFFF, v0  }
0x335: {  	v12 =	vand.u32 $0x1F, v6;
	v63 =	vsel vm0, $0x18, v4;
	[tilespmem:$0x1300] =	vst v62  }
0x336: {  	v6 =	vshra.s32 v6, $0x5;
	v13 =	vnsel vm0, $0xFFFFFFFF, v12;
	[tilespmem:$0x1700] =	vst v63  }
0x337: {  	v6 =	vnsel vm0, $0xFFFFFFFF, v6;
	[tilespmem:$0x1B00] =	vst v13  }
0x338: {  	[tilespmem:$0x1F00] =	vst v6  }
0x339: {  	v6 =	vld.idx.msk [tilespmem:v7+s10+$0x0], $0xffff;
	_ =	sdelay $0x2  }
0x33a: {  	v15 =	vld [tilespmem:$0xF10]  }
0x33b: {  	v16 =	vld [tilespmem:$0x710]  }
0x33c: {  	v8 =	vld.idx.msk [tilespmem:v7+s12+$0x0], $0xffff;
	v14 =	vand.u32 $0x1F, v6;
	v6 =	vshra.s32 v6, $0x5  }
0x33d: {  	v9 =	vadd.s32 v3, v14;
	v6 =	vadd.s32 $0xFFFFFFE8, v6  }
0x33e: {  	v9 =	vmul.u32 v9, v9;
	v6 =	vmul.u32 v6, v6;
	_ =	sdelay $0x1  }
0x33f: {  	vm12 =	vlt.f32 v15, $0.0e+00;
	vm13 =	vgt.f32 v15, $0.0e+00;
	v6 =	vadd.s32 v6, v9  }
0x340: {  	vm14 =	vne.s32 v16, $0x0;
	vm11 =	vge.f32 v8, $1.000000010e-01;
	vm10 =	vlt.s32 v6, $0xA  }
0x341: {  	vm1 =	vmor vm13, vm12;
	vm15 =	vne.s32 v7, $0x0;
	v6 =	vld [tilespmem:$0x320];
	vm0 =	vmand vm11, vm10  }
0x342: {  	vm2 =	vmand vm15, vm14;
	vm0 =	vmand vm1, vm0  }
0x343: {  	vm0 =	vmand vm2, vm0  }
0x344: {  	v17 =	vnsel vm0, $0xFFFFFFFF, v5  }
0x345: {  	v19 =	vand.u32 $0x1F, v7;
	v18 =	vsel vm0, $0x18, v4;
	[tilespmem:$0x1310] =	vst v17  }
0x346: {  	v7 =	vshra.s32 v7, $0x5;
	v20 =	vnsel vm0, $0xFFFFFFFF, v19;
	[tilespmem:$0x1710] =	vst v18  }
0x347: {  	v7 =	vnsel vm0, $0xFFFFFFFF, v7;
	[tilespmem:$0x1B10] =	vst v20  }
0x348: {  	[tilespmem:$0x1F10] =	vst v7  }
0x349: {  	v7 =	vld.idx.msk [tilespmem:v6+s10+$0x0], $0xffff;
	_ =	sdelay $0x2  }
0x34a: {  	v22 =	vld [tilespmem:$0xF20]  }
0x34b: {  	v23 =	vld [tilespmem:$0x720]  }
0x34c: {  	v8 =	vld.idx.msk [tilespmem:v6+s12+$0x0], $0xffff;
	v21 =	vand.u32 $0x1F, v7;
	v7 =	vshra.s32 v7, $0x5  }
0x34d: {  	v9 =	vadd.s32 v1, v21;
	v7 =	vadd.s32 $0xFFFFFFE7, v7  }
0x34e: {  	v9 =	vmul.u32 v9, v9;
	v7 =	vmul.u32 v7, v7;
	_ =	sdelay $0x1  }
0x34f: {  	vm6 =	vlt.f32 v22, $0.0e+00;
	vm7 =	vgt.f32 v22, $0.0e+00;
	v7 =	vadd.s32 v7, v9  }
0x350: {  	vm8 =	vne.s32 v23, $0x0;
	vm5 =	vge.f32 v8, $1.000000010e-01;
	vm4 =	vlt.s32 v7, $0xA  }
0x351: {  	vm1 =	vmor vm7, vm6;
	vm9 =	vne.s32 v6, $0x0;
	v7 =	vld [tilespmem:$0x330];
	vm0 =	vmand vm5, vm4  }
0x352: {  	vm2 =	vmand vm9, vm8;
	vm0 =	vmand vm1, vm0  }
0x353: {  	vm0 =	vmand vm2, vm0  }
0x354: {  	v24 =	vnsel vm0, $0xFFFFFFFF, v0  }
0x355: {  	v26 =	vand.u32 $0x1F, v6;
	v25 =	vsel vm0, $0x19, v4;
	[tilespmem:$0x1320] =	vst v24  }
0x356: {  	v6 =	vshra.s32 v6, $0x5;
	v27 =	vnsel vm0, $0xFFFFFFFF, v26;
	[tilespmem:$0x1720] =	vst v25  }
0x357: {  	v6 =	vnsel vm0, $0xFFFFFFFF, v6;
	[tilespmem:$0x1B20] =	vst v27  }
0x358: {  	[tilespmem:$0x1F20] =	vst v6  }
0x359: {  	v6 =	vld.idx.msk [tilespmem:v7+s10+$0x0], $0xffff;
	_ =	sdelay $0x2  }
0x35a: {  	v29 =	vld [tilespmem:$0xF30]  }
0x35b: {  	v30 =	vld [tilespmem:$0x730]  }
0x35c: {  	v8 =	vld.idx.msk [tilespmem:v7+s12+$0x0], $0xffff;
	v28 =	vand.u32 $0x1F, v6;
	v6 =	vshra.s32 v6, $0x5  }
0x35d: {  	v9 =	vadd.s32 v3, v28;
	v6 =	vadd.s32 $0xFFFFFFE7, v6  }
0x35e: {  	v9 =	vmul.u32 v9, v9;
	v6 =	vmul.u32 v6, v6;
	_ =	sdelay $0x1  }
0x35f: {  	vm12 =	vlt.f32 v29, $0.0e+00;
	vm13 =	vgt.f32 v29, $0.0e+00;
	v6 =	vadd.s32 v6, v9  }
0x360: {  	vm14 =	vne.s32 v30, $0x0;
	vm11 =	vge.f32 v8, $1.000000010e-01;
	vm10 =	vlt.s32 v6, $0xA  }
0x361: {  	vm1 =	vmor vm13, vm12;
	vm15 =	vne.s32 v7, $0x0;
	v6 =	vld [tilespmem:$0x340];
	vm0 =	vmand vm11, vm10  }
0x362: {  	vm2 =	vmand vm15, vm14;
	vm0 =	vmand vm1, vm0  }
0x363: {  	vm0 =	vmand vm2, vm0  }
0x364: {  	v31 =	vnsel vm0, $0xFFFFFFFF, v5  }
0x365: {  	v33 =	vand.u32 $0x1F, v7;
	v32 =	vsel vm0, $0x19, v4;
	[tilespmem:$0x1330] =	vst v31  }
0x366: {  	v7 =	vshra.s32 v7, $0x5;
	v34 =	vnsel vm0, $0xFFFFFFFF, v33;
	[tilespmem:$0x1730] =	vst v32  }
0x367: {  	v7 =	vnsel vm0, $0xFFFFFFFF, v7;
	[tilespmem:$0x1B30] =	vst v34  }
0x368: {  	[tilespmem:$0x1F30] =	vst v7  }
0x369: {  	v7 =	vld.idx.msk [tilespmem:v6+s10+$0x0], $0xffff;
	_ =	sdelay $0x2  }
0x36a: {  	v36 =	vld [tilespmem:$0xF40]  }
0x36b: {  	v37 =	vld [tilespmem:$0x740]  }
0x36c: {  	v8 =	vld.idx.msk [tilespmem:v6+s12+$0x0], $0xffff;
	v35 =	vand.u32 $0x1F, v7;
	v7 =	vshra.s32 v7, $0x5  }
0x36d: {  	v9 =	vadd.s32 v1, v35;
	v7 =	vadd.s32 $0xFFFFFFE6, v7  }
0x36e: {  	v9 =	vmul.u32 v9, v9;
	v7 =	vmul.u32 v7, v7;
	_ =	sdelay $0x1  }
0x36f: {  	vm6 =	vlt.f32 v36, $0.0e+00;
	vm7 =	vgt.f32 v36, $0.0e+00;
	v7 =	vadd.s32 v7, v9  }
0x370: {  	vm8 =	vne.s32 v37, $0x0;
	vm5 =	vge.f32 v8, $1.000000010e-01;
	vm4 =	vlt.s32 v7, $0xA  }
0x371: {  	vm1 =	vmor vm7, vm6;
	vm9 =	vne.s32 v6, $0x0;
	v7 =	vld [tilespmem:$0x350];
	vm0 =	vmand vm5, vm4  }
0x372: {  	vm2 =	vmand vm9, vm8;
	vm0 =	vmand vm1, vm0  }
0x373: {  	vm0 =	vmand vm2, vm0  }
0x374: {  	v38 =	vnsel vm0, $0xFFFFFFFF, v0  }
0x375: {  	v40 =	vand.u32 $0x1F, v6;
	v39 =	vsel vm0, $0x1A, v4;
	[tilespmem:$0x1340] =	vst v38  }
0x376: {  	v6 =	vshra.s32 v6, $0x5;
	v41 =	vnsel vm0, $0xFFFFFFFF, v40;
	[tilespmem:$0x1740] =	vst v39  }
0x377: {  	v6 =	vnsel vm0, $0xFFFFFFFF, v6;
	[tilespmem:$0x1B40] =	vst v41  }
0x378: {  	[tilespmem:$0x1F40] =	vst v6  }
0x379: {  	v6 =	vld.idx.msk [tilespmem:v7+s10+$0x0], $0xffff;
	_ =	sdelay $0x2  }
0x37a: {  	v43 =	vld [tilespmem:$0xF50]  }
0x37b: {  	v44 =	vld [tilespmem:$0x750]  }
0x37c: {  	v8 =	vld.idx.msk [tilespmem:v7+s12+$0x0], $0xffff;
	v42 =	vand.u32 $0x1F, v6;
	v6 =	vshra.s32 v6, $0x5  }
0x37d: {  	v9 =	vadd.s32 v3, v42;
	v6 =	vadd.s32 $0xFFFFFFE6, v6  }
0x37e: {  	v9 =	vmul.u32 v9, v9;
	v6 =	vmul.u32 v6, v6;
	_ =	sdelay $0x1  }
0x37f: {  	vm12 =	vlt.f32 v43, $0.0e+00;
	vm13 =	vgt.f32 v43, $0.0e+00;
	v6 =	vadd.s32 v6, v9  }
0x380: {  	vm14 =	vne.s32 v44, $0x0;
	vm11 =	vge.f32 v8, $1.000000010e-01;
	vm10 =	vlt.s32 v6, $0xA  }
0x381: {  	vm1 =	vmor vm13, vm12;
	vm15 =	vne.s32 v7, $0x0;
	v6 =	vld [tilespmem:$0x360];
	vm0 =	vmand vm11, vm10  }
0x382: {  	vm2 =	vmand vm15, vm14;
	vm0 =	vmand vm1, vm0  }
0x383: {  	vm0 =	vmand vm2, vm0  }
0x384: {  	v45 =	vnsel vm0, $0xFFFFFFFF, v5  }
0x385: {  	v47 =	vand.u32 $0x1F, v7;
	v46 =	vsel vm0, $0x1A, v4;
	[tilespmem:$0x1350] =	vst v45  }
0x386: {  	v7 =	vshra.s32 v7, $0x5;
	v48 =	vnsel vm0, $0xFFFFFFFF, v47;
	[tilespmem:$0x1750] =	vst v46  }
0x387: {  	v7 =	vnsel vm0, $0xFFFFFFFF, v7;
	[tilespmem:$0x1B50] =	vst v48  }
0x388: {  	[tilespmem:$0x1F50] =	vst v7  }
0x389: {  	v7 =	vld.idx.msk [tilespmem:v6+s10+$0x0], $0xffff;
	_ =	sdelay $0x2  }
0x38a: {  	v50 =	vld [tilespmem:$0xF60]  }
0x38b: {  	v51 =	vld [tilespmem:$0x760]  }
0x38c: {  	v8 =	vld.idx.msk [tilespmem:v6+s12+$0x0], $0xffff;
	v49 =	vand.u32 $0x1F, v7;
	v7 =	vshra.s32 v7, $0x5  }
0x38d: {  	v9 =	vadd.s32 v1, v49;
	v7 =	vadd.s32 $0xFFFFFFE5, v7  }
0x38e: {  	v9 =	vmul.u32 v9, v9;
	v7 =	vmul.u32 v7, v7;
	_ =	sdelay $0x1  }
0x38f: {  	vm6 =	vlt.f32 v50, $0.0e+00;
	vm7 =	vgt.f32 v50, $0.0e+00;
	v7 =	vadd.s32 v7, v9  }
0x390: {  	vm8 =	vne.s32 v51, $0x0;
	vm5 =	vge.f32 v8, $1.000000010e-01;
	vm4 =	vlt.s32 v7, $0xA  }
0x391: {  	vm1 =	vmor vm7, vm6;
	vm9 =	vne.s32 v6, $0x0;
	v7 =	vld [tilespmem:$0x370];
	vm0 =	vmand vm5, vm4  }
0x392: {  	vm2 =	vmand vm9, vm8;
	vm0 =	vmand vm1, vm0  }
0x393: {  	vm0 =	vmand vm2, vm0  }
0x394: {  	v52 =	vnsel vm0, $0xFFFFFFFF, v0  }
0x395: {  	v54 =	vand.u32 $0x1F, v6;
	v53 =	vsel vm0, $0x1B, v4;
	[tilespmem:$0x1360] =	vst v52  }
0x396: {  	v6 =	vshra.s32 v6, $0x5;
	v55 =	vnsel vm0, $0xFFFFFFFF, v54;
	[tilespmem:$0x1760] =	vst v53  }
0x397: {  	v6 =	vnsel vm0, $0xFFFFFFFF, v6;
	[tilespmem:$0x1B60] =	vst v55  }
0x398: {  	[tilespmem:$0x1F60] =	vst v6  }
0x399: {  	v6 =	vld.idx.msk [tilespmem:v7+s10+$0x0], $0xffff;
	_ =	sdelay $0x2  }
0x39a: {  	v57 =	vld [tilespmem:$0xF70]  }
0x39b: {  	v58 =	vld [tilespmem:$0x770]  }
0x39c: {  	v8 =	vld.idx.msk [tilespmem:v7+s12+$0x0], $0xffff;
	v56 =	vand.u32 $0x1F, v6;
	v6 =	vshra.s32 v6, $0x5  }
0x39d: {  	v9 =	vadd.s32 v3, v56;
	v6 =	vadd.s32 $0xFFFFFFE5, v6  }
0x39e: {  	v9 =	vmul.u32 v9, v9;
	v6 =	vmul.u32 v6, v6;
	_ =	sdelay $0x1  }
0x39f: {  	vm12 =	vlt.f32 v57, $0.0e+00;
	vm13 =	vgt.f32 v57, $0.0e+00;
	v6 =	vadd.s32 v6, v9  }
0x3a0: {  	vm14 =	vne.s32 v58, $0x0;
	vm11 =	vge.f32 v8, $1.000000010e-01;
	vm10 =	vlt.s32 v6, $0xA  }
0x3a1: {  	vm1 =	vmor vm13, vm12;
	vm15 =	vne.s32 v7, $0x0;
	v6 =	vld [tilespmem:$0x380];
	vm0 =	vmand vm11, vm10  }
0x3a2: {  	vm2 =	vmand vm15, vm14;
	vm0 =	vmand vm1, vm0  }
0x3a3: {  	vm0 =	vmand vm2, vm0  }
0x3a4: {  	v59 =	vnsel vm0, $0xFFFFFFFF, v5  }
0x3a5: {  	v61 =	vand.u32 $0x1F, v7;
	v60 =	vsel vm0, $0x1B, v4;
	[tilespmem:$0x1370] =	vst v59  }
0x3a6: {  	v7 =	vshra.s32 v7, $0x5;
	v62 =	vnsel vm0, $0xFFFFFFFF, v61;
	[tilespmem:$0x1770] =	vst v60  }
0x3a7: {  	v7 =	vnsel vm0, $0xFFFFFFFF, v7;
	[tilespmem:$0x1B70] =	vst v62  }
0x3a8: {  	[tilespmem:$0x1F70] =	vst v7  }
0x3a9: {  	v7 =	vld.idx.msk [tilespmem:v6+s10+$0x0], $0xffff;
	_ =	sdelay $0x2  }
0x3aa: {  	v12 =	vld [tilespmem:$0xF80]  }
0x3ab: {  	v13 =	vld [tilespmem:$0x780]  }
0x3ac: {  	v8 =	vld.idx.msk [tilespmem:v6+s12+$0x0], $0xffff;
	v63 =	vand.u32 $0x1F, v7;
	v7 =	vshra.s32 v7, $0x5  }
0x3ad: {  	v9 =	vadd.s32 v1, v63;
	v7 =	vadd.s32 $0xFFFFFFE4, v7  }
0x3ae: {  	v9 =	vmul.u32 v9, v9;
	v7 =	vmul.u32 v7, v7;
	_ =	sdelay $0x1  }
0x3af: {  	vm6 =	vlt.f32 v12, $0.0e+00;
	vm7 =	vgt.f32 v12, $0.0e+00;
	v7 =	vadd.s32 v7, v9  }
0x3b0: {  	vm8 =	vne.s32 v13, $0x0;
	vm5 =	vge.f32 v8, $1.000000010e-01;
	vm4 =	vlt.s32 v7, $0xA  }
0x3b1: {  	vm1 =	vmor vm7, vm6;
	vm9 =	vne.s32 v6, $0x0;
	v7 =	vld [tilespmem:$0x390];
	vm0 =	vmand vm5, vm4  }
0x3b2: {  	vm2 =	vmand vm9, vm8;
	vm0 =	vmand vm1, vm0  }
0x3b3: {  	vm0 =	vmand vm2, vm0  }
0x3b4: {  	v14 =	vnsel vm0, $0xFFFFFFFF, v0  }
0x3b5: {  	v16 =	vand.u32 $0x1F, v6;
	v15 =	vsel vm0, $0x1C, v4;
	[tilespmem:$0x1380] =	vst v14  }
0x3b6: {  	v6 =	vshra.s32 v6, $0x5;
	v17 =	vnsel vm0, $0xFFFFFFFF, v16;
	[tilespmem:$0x1780] =	vst v15  }
0x3b7: {  	v6 =	vnsel vm0, $0xFFFFFFFF, v6;
	[tilespmem:$0x1B80] =	vst v17  }
0x3b8: {  	[tilespmem:$0x1F80] =	vst v6  }
0x3b9: {  	v6 =	vld.idx.msk [tilespmem:v7+s10+$0x0], $0xffff;
	_ =	sdelay $0x2  }
0x3ba: {  	v19 =	vld [tilespmem:$0xF90]  }
0x3bb: {  	v20 =	vld [tilespmem:$0x790]  }
0x3bc: {  	v8 =	vld.idx.msk [tilespmem:v7+s12+$0x0], $0xffff;
	v18 =	vand.u32 $0x1F, v6;
	v6 =	vshra.s32 v6, $0x5  }
0x3bd: {  	v9 =	vadd.s32 v3, v18;
	v6 =	vadd.s32 $0xFFFFFFE4, v6  }
0x3be: {  	v9 =	vmul.u32 v9, v9;
	v6 =	vmul.u32 v6, v6;
	_ =	sdelay $0x1  }
0x3bf: {  	vm12 =	vlt.f32 v19, $0.0e+00;
	vm13 =	vgt.f32 v19, $0.0e+00;
	v6 =	vadd.s32 v6, v9  }
0x3c0: {  	vm14 =	vne.s32 v20, $0x0;
	vm11 =	vge.f32 v8, $1.000000010e-01;
	vm10 =	vlt.s32 v6, $0xA  }
0x3c1: {  	vm1 =	vmor vm13, vm12;
	vm15 =	vne.s32 v7, $0x0;
	v6 =	vld [tilespmem:$0x3A0];
	vm0 =	vmand vm11, vm10  }
0x3c2: {  	vm2 =	vmand vm15, vm14;
	vm0 =	vmand vm1, vm0  }
0x3c3: {  	vm0 =	vmand vm2, vm0  }
0x3c4: {  	v21 =	vnsel vm0, $0xFFFFFFFF, v5  }
0x3c5: {  	v23 =	vand.u32 $0x1F, v7;
	v22 =	vsel vm0, $0x1C, v4;
	[tilespmem:$0x1390] =	vst v21  }
0x3c6: {  	v7 =	vshra.s32 v7, $0x5;
	v24 =	vnsel vm0, $0xFFFFFFFF, v23;
	[tilespmem:$0x1790] =	vst v22  }
0x3c7: {  	v7 =	vnsel vm0, $0xFFFFFFFF, v7;
	[tilespmem:$0x1B90] =	vst v24  }
0x3c8: {  	[tilespmem:$0x1F90] =	vst v7  }
0x3c9: {  	v7 =	vld.idx.msk [tilespmem:v6+s10+$0x0], $0xffff;
	_ =	sdelay $0x2  }
0x3ca: {  	v26 =	vld [tilespmem:$0xFA0]  }
0x3cb: {  	v27 =	vld [tilespmem:$0x7A0]  }
0x3cc: {  	v8 =	vld.idx.msk [tilespmem:v6+s12+$0x0], $0xffff;
	v25 =	vand.u32 $0x1F, v7;
	v7 =	vshra.s32 v7, $0x5  }
0x3cd: {  	v9 =	vadd.s32 v1, v25;
	v7 =	vadd.s32 $0xFFFFFFE3, v7  }
0x3ce: {  	v9 =	vmul.u32 v9, v9;
	v7 =	vmul.u32 v7, v7;
	_ =	sdelay $0x1  }
0x3cf: {  	vm6 =	vlt.f32 v26, $0.0e+00;
	vm7 =	vgt.f32 v26, $0.0e+00;
	v7 =	vadd.s32 v7, v9  }
0x3d0: {  	vm8 =	vne.s32 v27, $0x0;
	vm5 =	vge.f32 v8, $1.000000010e-01;
	vm4 =	vlt.s32 v7, $0xA  }
0x3d1: {  	vm1 =	vmor vm7, vm6;
	vm9 =	vne.s32 v6, $0x0;
	v7 =	vld [tilespmem:$0x3B0];
	vm0 =	vmand vm5, vm4  }
0x3d2: {  	vm2 =	vmand vm9, vm8;
	vm0 =	vmand vm1, vm0  }
0x3d3: {  	vm0 =	vmand vm2, vm0  }
0x3d4: {  	v28 =	vnsel vm0, $0xFFFFFFFF, v0  }
0x3d5: {  	v30 =	vand.u32 $0x1F, v6;
	v29 =	vsel vm0, $0x1D, v4;
	[tilespmem:$0x13A0] =	vst v28  }
0x3d6: {  	v6 =	vshra.s32 v6, $0x5;
	v31 =	vnsel vm0, $0xFFFFFFFF, v30;
	[tilespmem:$0x17A0] =	vst v29  }
0x3d7: {  	v6 =	vnsel vm0, $0xFFFFFFFF, v6;
	[tilespmem:$0x1BA0] =	vst v31  }
0x3d8: {  	[tilespmem:$0x1FA0] =	vst v6  }
0x3d9: {  	v6 =	vld.idx.msk [tilespmem:v7+s10+$0x0], $0xffff;
	_ =	sdelay $0x2  }
0x3da: {  	v33 =	vld [tilespmem:$0xFB0]  }
0x3db: {  	v34 =	vld [tilespmem:$0x7B0]  }
0x3dc: {  	v8 =	vld.idx.msk [tilespmem:v7+s12+$0x0], $0xffff;
	v32 =	vand.u32 $0x1F, v6;
	v6 =	vshra.s32 v6, $0x5  }
0x3dd: {  	v9 =	vadd.s32 v3, v32;
	v6 =	vadd.s32 $0xFFFFFFE3, v6  }
0x3de: {  	v9 =	vmul.u32 v9, v9;
	v6 =	vmul.u32 v6, v6;
	_ =	sdelay $0x1  }
0x3df: {  	vm12 =	vlt.f32 v33, $0.0e+00;
	vm13 =	vgt.f32 v33, $0.0e+00;
	v6 =	vadd.s32 v6, v9  }
0x3e0: {  	vm14 =	vne.s32 v34, $0x0;
	vm11 =	vge.f32 v8, $1.000000010e-01;
	vm10 =	vlt.s32 v6, $0xA  }
0x3e1: {  	vm1 =	vmor vm13, vm12;
	vm15 =	vne.s32 v7, $0x0;
	v6 =	vld [tilespmem:$0x3C0];
	vm0 =	vmand vm11, vm10  }
0x3e2: {  	vm2 =	vmand vm15, vm14;
	vm0 =	vmand vm1, vm0  }
0x3e3: {  	vm0 =	vmand vm2, vm0  }
0x3e4: {  	v35 =	vnsel vm0, $0xFFFFFFFF, v5  }
0x3e5: {  	v37 =	vand.u32 $0x1F, v7;
	v36 =	vsel vm0, $0x1D, v4;
	[tilespmem:$0x13B0] =	vst v35  }
0x3e6: {  	v7 =	vshra.s32 v7, $0x5;
	v38 =	vnsel vm0, $0xFFFFFFFF, v37;
	[tilespmem:$0x17B0] =	vst v36  }
0x3e7: {  	v7 =	vnsel vm0, $0xFFFFFFFF, v7;
	[tilespmem:$0x1BB0] =	vst v38  }
0x3e8: {  	[tilespmem:$0x1FB0] =	vst v7  }
0x3e9: {  	v7 =	vld.idx.msk [tilespmem:v6+s10+$0x0], $0xffff;
	_ =	sdelay $0x2  }
0x3ea: {  	v40 =	vld [tilespmem:$0xFC0]  }
0x3eb: {  	v41 =	vld [tilespmem:$0x7C0]  }
0x3ec: {  	v8 =	vld.idx.msk [tilespmem:v6+s12+$0x0], $0xffff;
	v39 =	vand.u32 $0x1F, v7;
	v7 =	vshra.s32 v7, $0x5  }
0x3ed: {  	v9 =	vadd.s32 v1, v39;
	v7 =	vadd.s32 $0xFFFFFFE2, v7  }
0x3ee: {  	v9 =	vmul.u32 v9, v9;
	v7 =	vmul.u32 v7, v7;
	_ =	sdelay $0x1  }
0x3ef: {  	vm6 =	vlt.f32 v40, $0.0e+00;
	vm7 =	vgt.f32 v40, $0.0e+00;
	v7 =	vadd.s32 v7, v9  }
0x3f0: {  	vm8 =	vne.s32 v41, $0x0;
	vm5 =	vge.f32 v8, $1.000000010e-01;
	vm4 =	vlt.s32 v7, $0xA  }
0x3f1: {  	vm1 =	vmor vm7, vm6;
	vm9 =	vne.s32 v6, $0x0;
	v7 =	vld [tilespmem:$0x3D0];
	vm0 =	vmand vm5, vm4  }
0x3f2: {  	vm2 =	vmand vm9, vm8;
	vm0 =	vmand vm1, vm0  }
0x3f3: {  	vm0 =	vmand vm2, vm0  }
0x3f4: {  	v42 =	vnsel vm0, $0xFFFFFFFF, v0  }
0x3f5: {  	v44 =	vand.u32 $0x1F, v6;
	v43 =	vsel vm0, $0x1E, v4;
	[tilespmem:$0x13C0] =	vst v42  }
0x3f6: {  	v6 =	vshra.s32 v6, $0x5;
	v45 =	vnsel vm0, $0xFFFFFFFF, v44;
	[tilespmem:$0x17C0] =	vst v43  }
0x3f7: {  	v6 =	vnsel vm0, $0xFFFFFFFF, v6;
	[tilespmem:$0x1BC0] =	vst v45  }
0x3f8: {  	[tilespmem:$0x1FC0] =	vst v6  }
0x3f9: {  	v6 =	vld.idx.msk [tilespmem:v7+s10+$0x0], $0xffff;
	_ =	sdelay $0x2  }
0x3fa: {  	v47 =	vld [tilespmem:$0xFD0]  }
0x3fb: {  	v48 =	vld [tilespmem:$0x7D0]  }
0x3fc: {  	v8 =	vld.idx.msk [tilespmem:v7+s12+$0x0], $0xffff;
	v46 =	vand.u32 $0x1F, v6;
	v6 =	vshra.s32 v6, $0x5  }
0x3fd: {  	v9 =	vadd.s32 v3, v46;
	v6 =	vadd.s32 $0xFFFFFFE2, v6  }
0x3fe: {  	v9 =	vmul.u32 v9, v9;
	v6 =	vmul.u32 v6, v6;
	_ =	sdelay $0x1  }
0x3ff: {  	vm12 =	vlt.f32 v47, $0.0e+00;
	vm13 =	vgt.f32 v47, $0.0e+00;
	v6 =	vadd.s32 v6, v9  }
0x400: {  	vm14 =	vne.s32 v48, $0x0;
	vm11 =	vge.f32 v8, $1.000000010e-01;
	vm10 =	vlt.s32 v6, $0xA  }
0x401: {  	vm1 =	vmor vm13, vm12;
	vm15 =	vne.s32 v7, $0x0;
	v6 =	vld [tilespmem:$0x3E0];
	vm0 =	vmand vm11, vm10  }
0x402: {  	vm2 =	vmand vm15, vm14;
	vm0 =	vmand vm1, vm0  }
0x403: {  	vm0 =	vmand vm2, vm0  }
0x404: {  	v49 =	vnsel vm0, $0xFFFFFFFF, v5  }
0x405: {  	v51 =	vand.u32 $0x1F, v7;
	v50 =	vsel vm0, $0x1E, v4;
	[tilespmem:$0x13D0] =	vst v49  }
0x406: {  	v7 =	vshra.s32 v7, $0x5;
	v52 =	vnsel vm0, $0xFFFFFFFF, v51;
	[tilespmem:$0x17D0] =	vst v50  }
0x407: {  	v7 =	vnsel vm0, $0xFFFFFFFF, v7;
	[tilespmem:$0x1BD0] =	vst v52  }
0x408: {  	[tilespmem:$0x1FD0] =	vst v7  }
0x409: {  	v7 =	vld.idx.msk [tilespmem:v6+s10+$0x0], $0xffff;
	_ =	sdelay $0x2  }
0x40a: {  	v54 =	vld [tilespmem:$0xFE0]  }
0x40b: {  	v55 =	vld [tilespmem:$0x7E0]  }
0x40c: {  	v8 =	vld.idx.msk [tilespmem:v6+s12+$0x0], $0xffff;
	v53 =	vand.u32 $0x1F, v7;
	v7 =	vshra.s32 v7, $0x5  }
0x40d: {  	v9 =	vadd.s32 v1, v53;
	v7 =	vadd.s32 $0xFFFFFFE1, v7  }
0x40e: {  	v9 =	vmul.u32 v9, v9;
	v7 =	vmul.u32 v7, v7;
	_ =	sdelay $0x1  }
0x40f: {  	vm6 =	vlt.f32 v54, $0.0e+00;
	vm7 =	vgt.f32 v54, $0.0e+00;
	v7 =	vadd.s32 v7, v9  }
0x410: {  	vm8 =	vne.s32 v55, $0x0;
	vm5 =	vge.f32 v8, $1.000000010e-01;
	vm4 =	vlt.s32 v7, $0xA  }
0x411: {  	vm1 =	vmor vm7, vm6;
	vm9 =	vne.s32 v6, $0x0;
	v7 =	vld [tilespmem:$0x3F0];
	vm0 =	vmand vm5, vm4  }
0x412: {  	vm2 =	vmand vm9, vm8;
	vm0 =	vmand vm1, vm0  }
0x413: {  	vm0 =	vmand vm2, vm0  }
0x414: {  	v56 =	vnsel vm0, $0xFFFFFFFF, v0  }
0x415: {  	v58 =	vand.u32 $0x1F, v6;
	v57 =	vsel vm0, $0x1F, v4;
	[tilespmem:$0x13E0] =	vst v56  }
0x416: {  	v6 =	vshra.s32 v6, $0x5;
	v59 =	vnsel vm0, $0xFFFFFFFF, v58;
	[tilespmem:$0x17E0] =	vst v57  }
0x417: {  	v6 =	vnsel vm0, $0xFFFFFFFF, v6;
	[tilespmem:$0x1BE0] =	vst v59  }
0x418: {  	[tilespmem:$0x1FE0] =	vst v6  }
0x419: {  	v6 =	vld.idx.msk [tilespmem:v7+s10+$0x0], $0xffff;
	_ =	sdelay $0x2  }
0x41a: {  	v61 =	vld [tilespmem:$0xFF0]  }
0x41b: {  	v62 =	vld [tilespmem:$0x7F0]  }
0x41c: {  	v8 =	vld.idx.msk [tilespmem:v7+s12+$0x0], $0xffff;
	v60 =	vand.u32 $0x1F, v6;
	v6 =	vshra.s32 v6, $0x5  }
0x41d: {  	v9 =	vadd.s32 v3, v60;
	v6 =	vadd.s32 $0xFFFFFFE1, v6  }
0x41e: {  	v9 =	vmul.u32 v9, v9;
	v6 =	vmul.u32 v6, v6;
	_ =	sdelay $0x1  }
0x41f: {  	vm12 =	vlt.f32 v61, $0.0e+00;
	vm13 =	vgt.f32 v61, $0.0e+00;
	v6 =	vadd.s32 v6, v9  }
0x420: {  	vm14 =	vne.s32 v62, $0x0;
	vm11 =	vge.f32 v8, $1.000000010e-01;
	vm10 =	vlt.s32 v6, $0xA  }
0x421: {  	vm1 =	vmor vm13, vm12;
	vm15 =	vne.s32 v7, $0x0;
	vm0 =	vmand vm11, vm10  }
0x422: {  	vm2 =	vmand vm15, vm14;
	vm0 =	vmand vm1, vm0  }
0x423: {  	vm0 =	vmand vm2, vm0  }
0x424: {  	v6 =	vnsel vm0, $0xFFFFFFFF, v5  }
0x425: {  	v63 =	vand.u32 $0x1F, v7;
	[tilespmem:$0x13F0] =	vst v6;
	v6 =	vsel vm0, $0x1F, v4  }
0x426: {  	v7 =	vshra.s32 v7, $0x5;
	[tilespmem:$0x17F0] =	vst v6;
	v6 =	vnsel vm0, $0xFFFFFFFF, v63  }
0x427: {  	p0 =	sne.s32 s8, $0x1;
	[tilespmem:$0x1BF0] =	vst v6;
	v6 =	vnsel vm0, $0xFFFFFFFF, v7  }
.Ltmp0:
0x428: {  	[tilespmem:$0x1FF0] =	vst v6;
	(pc) =	sbr.rel @p0 .LBB2_1-.Ltmp0, $4  }
0x429: {  	[hbm4b:s7+s9] =	stream.strided.scatter [tilespmem:s14], [sflag:$0x1], $0x1000, s10, s9, $0x38;
	[tilespmem:$0x2000] =	vst v63  }
0x42a: {  	_ =	swait.ge [sflag:s11], $0x1000  }
0x42b: {  	[sflag:s11] =	ssyncset.done $0x0  }
0x42c: {  	s8 =	sadd.s32 $0xFFFFFFFF, s8;
	[sflag:s11] =	ssyncadd.s32 $0xFFFFF000  }
0x42d: {  	_ =	sfence.sel $0x180000  }
0x42e: {  	[bflag:$0x0] =	sbarrier.arrive $0xFFFF  }
0x42f: {  	p0 =	sne.s32 s1, $0x0;
	_ =	strace $0x90000047  }
0x430: {  	s0 =	sadd.s32 @!p0 $0x100000, s0;
	[bflag:$0x2] =	sbarrier.arrive $0xFFFF  }
0x431: {  	[sflag:s0] =	ssyncadd.tile.s32 @!p0 $0x1;
	_ =	shalt  }
.Lfunc_end2:
_tile_overlayer_lowered:
.L_overlay_start_2:
0x432: {  	(tag) =	ssettag $0x2  }
0x433: {  	s0 =	rddreg [dreg:$0x0];
	s2 =	stileid.u32  }
0x434: {  	s1 =	rddreg [dreg:$0x1];
	p0 =	sne.s32 s2, $0x0  }
0x435: {  	s3 =	rddreg [dreg:$0x2];
	[bflag:$0x3] =	sbarrier.arrive $0xFFFF;
	s2 =	simm.s32 @!p0 $0x1C01  }
0x436: {  	[timem:s3], [sflag:s2] =	dma.local @!p0 [hbm:s0], s1  }
0x437: {  	s0 =	simm.s32 @!p0 $0x1  }
0x438: {  	_ =	swait.ge @!p0 [sflag:s0], s1  }
0x439: {  	s1 =	ssub.s32 @!p0 $0x0, s1;
	[sflag:s0] =	ssyncset.done @!p0 $0x0  }
0x43a: {  	[sflag:s0] =	ssyncadd.s32 @!p0 s1  }
0x43b: {  	[bflag:$0x3] =	sbarrier.arrive $0xFFFF  }
0x43c: {  	_ =	shalt  }

</sc_bundles>
